<compile_context>
chip_gen: v7x
topology: tpu7x:2x2x1
jax: 0.10.2.dev20260603
libtpu: 0.0.44.dev20260713+nightly
codegen_flags: <defaults>
</compile_context>

<pallas_src>
import functools

import jax
import jax.numpy as jnp
import numpy as np
from jax import lax
from jax.experimental import pallas as pl
from jax.experimental.pallas import tpu as pltpu
from jax.experimental.pallas import tpu_sc as plsc

N = 50000
E = 800000
EMB = 32
NUM_RADIAL = 6
NUM_BILINEAR = 8
NUM_TARGETS = 12
CUTOFF = 5.0

NC = 2
NS = 16
NW = NC * NS
CHUNK = 128

NP = 50048
N_CHUNKS_NODE = NP // CHUNK
N_CHUNKS_EDGE = E // CHUNK
ROWS_PER_SUB = N // NS
ZCHUNK = 625
F32 = jnp.float32

EP = E // 4
NPAD = 50176
NPK = NPAD // 4
BEP = 2000
BNP = 1568


def _swish(x):
    return x * jax.nn.sigmoid(x)


def _mesh():
    return plsc.VectorSubcoreMesh(
        core_axis_name="c", subcore_axis_name="s", num_cores=NC, num_subcores=NS
    )


def _worker_id():
    return lax.axis_index("s") * NC + lax.axis_index("c")


def _sc_node_prep(z, ta, tb):
    @functools.partial(
        pl.kernel,
        out_type=(
            jax.ShapeDtypeStruct((NP, EMB), F32),
            jax.ShapeDtypeStruct((NP, EMB), F32),
        ),
        mesh=_mesh(),
        compiler_params=pltpu.CompilerParams(use_tc_tiling_on_sc=False),
        scratch_types=[
            pltpu.VMEM((CHUNK,), jnp.int32),
            pltpu.VMEM((CHUNK, EMB), F32),
            pltpu.VMEM((CHUNK, EMB), F32),
            pltpu.SemaphoreType.DMA,
        ],
    )
    def k(z_hbm, ta_hbm, tb_hbm, tan_hbm, tbn_hbm, ibuf, abuf, bbuf, sem):
        w = _worker_id()

        def body(j, carry):
            cid = j * NW + w

            @pl.when(cid < N_CHUNKS_NODE)
            def _():
                base = cid * CHUNK
                pltpu.sync_copy(z_hbm.at[pl.ds(base, CHUNK)], ibuf)
                pltpu.async_copy(ta_hbm.at[ibuf], abuf, sem).wait()
                pltpu.async_copy(tb_hbm.at[ibuf], bbuf, sem).wait()
                pltpu.sync_copy(abuf, tan_hbm.at[pl.ds(base, CHUNK)])
                pltpu.sync_copy(bbuf, tbn_hbm.at[pl.ds(base, CHUNK)])

            return carry

        lax.fori_loop(0, (N_CHUNKS_NODE + NW - 1) // NW, body, 0)

    return k(z, ta, tb)


CPW_LO = N_CHUNKS_EDGE // NW
CPW_EXTRA = N_CHUNKS_EDGE - CPW_LO * NW
MAXC = CPW_LO + 1
NCH_PAD = MAXC * NW


def _worker_range():
    w = _worker_id()
    cnt = CPW_LO + (w < CPW_EXTRA).astype(jnp.int32)
    start = w * CPW_LO + jnp.minimum(w, CPW_EXTRA)
    return w, cnt, start


def _multi_gather(specs, tables, idx2ds, fuse_add=False):
    G = len(specs)
    GO = G - 1 if fuse_add else G
    num_idx = len(idx2ds)
    scratch = [pltpu.VMEM((MAXC, CHUNK), jnp.int32) for _ in range(num_idx)]
    scratch += [pltpu.VMEM((CHUNK, EMB), F32) for _ in range(2 * G)]
    scratch += [pltpu.SemaphoreType.DMA for _ in range(4)]

    @functools.partial(
        pl.kernel,
        out_type=tuple(jax.ShapeDtypeStruct((E, EMB), F32) for _ in range(GO)),
        mesh=_mesh(),
        compiler_params=pltpu.CompilerParams(use_tc_tiling_on_sc=False),
        scratch_types=scratch,
    )
    def k(*refs):
        if True:
            tabs = refs[:G]
            idxs = refs[G:G + num_idx]
            outs = refs[G + num_idx:G + GO + num_idx]
            sc = refs[G + GO + num_idx:]
            idxv = sc[:num_idx]
            bufs = [[sc[num_idx + 2 * g + s] for s in range(2)] for g in range(G)]
            semg = [sc[num_idx + 2 * G], sc[num_idx + 2 * G + 1]]
            semw = [sc[num_idx + 2 * G + 2], sc[num_idx + 2 * G + 3]]

            w, cnt, start = _worker_range()
            for t in range(num_idx):
                pltpu.sync_copy(idxs[t].at[pl.ds(start, MAXC)], idxv[t])

            def wait_writes(j, slot):
                @pl.when((j >= 0) & (j < cnt))
                def _():
                    for g in range(GO):
                        pltpu.make_async_copy(
                            bufs[g][slot], outs[g].at[pl.ds(0, CHUNK)],
                            semw[slot]).wait()

            def issue_gathers(j, slot):
                @pl.when(j < cnt)
                def _():
                    for g in range(G):
                        pltpu.async_copy(tabs[g].at[idxv[specs[g]].at[j]],
                                         bufs[g][slot], semg[slot])

            def finish_chunk(j, slot):
                @pl.when((j >= 0) & (j < cnt))
                def _():
                    for g in range(G):
                        pltpu.make_async_copy(
                            outs[0].at[pl.ds(0, CHUNK)],
                            bufs[g][slot], semg[slot]).wait()
                    if fuse_add:
                        a = bufs[0][slot]
                        b = bufs[1][slot]

                        def add_body(i, c2):
                            r = i * 4
                            for rr in range(4):
                                for h in range(0, EMB, 16):
                                    sl = pl.ds(h, 16)
                                    a[r + rr, sl] = a[r + rr, sl] + b[r + rr, sl]
                            return c2

                        lax.fori_loop(0, CHUNK // 4, add_body, 0)
                    base = (start + j) * CHUNK
                    wbufs = ([bufs[0]] + bufs[2:]) if fuse_add else bufs
                    for g in range(GO):
                        pltpu.async_copy(wbufs[g][slot],
                                         outs[g].at[pl.ds(base, CHUNK)],
                                         semw[slot])

            def body(i, carry):
                j0 = 2 * i
                j1 = 2 * i + 1
                wait_writes(j0 - 2, 0)
                issue_gathers(j0, 0)
                finish_chunk(j0 - 1, 1)
                wait_writes(j1 - 2, 1)
                issue_gathers(j1, 1)
                finish_chunk(j0, 0)
                return carry

            lax.fori_loop(0, (MAXC + 2 + 1) // 2, body, 0)

    return k(*tables, *idx2ds)


def _sc_edge_gather(tan, tbn, r32, src2d, dst2d):
    return _multi_gather((0, 1, 0, 1), (tan, tbn, r32, r32), (src2d, dst2d),
                         fuse_add=True)


def _sc_gather_pair(tlo, thi, src2d):
    return _multi_gather((0, 0), (tlo, thi), (src2d,))


def _sc_scatter_add(upd, idx):
    @functools.partial(
        pl.kernel,
        out_type=jax.ShapeDtypeStruct((NC, NPAD, EMB), F32),
        mesh=_mesh(),
        compiler_params=pltpu.CompilerParams(use_tc_tiling_on_sc=False),
        scratch_types=[
            pltpu.VMEM_SHARED((N, EMB), F32),
            pltpu.VMEM((ZCHUNK, EMB), F32),
            pltpu.VMEM((CHUNK,), jnp.int32),
            pltpu.VMEM((CHUNK,), jnp.int32),
            pltpu.VMEM((CHUNK, EMB), F32),
            pltpu.VMEM((CHUNK, EMB), F32),
            pltpu.SemaphoreType.DMA,
            pltpu.SemaphoreType.DMA,
        ],
    )
    def k(upd_hbm, idx_hbm, out_hbm, table, zbuf, ib0, ib1, ub0, ub1,
          sem0, sem1):
        c = lax.axis_index("c")
        s = lax.axis_index("s")
        w, cnt, start = _worker_range()
        ibufs = [ib0, ib1]
        ubufs = [ub0, ub1]
        sems = [sem0, sem1]
        zero16 = jnp.zeros((16,), F32)

        def zrow(i, carry):
            for h in range(0, EMB, 16):
                zbuf[i, pl.ds(h, 16)] = zero16
            return carry

        lax.fori_loop(0, ZCHUNK, zrow, 0)

        def zcopy(kk, carry):
            pltpu.sync_copy(
                zbuf, table.at[pl.ds(s * ROWS_PER_SUB + kk * ZCHUNK, ZCHUNK)]
            )
            return carry

        lax.fori_loop(0, ROWS_PER_SUB // ZCHUNK, zcopy, 0)
        plsc.subcore_barrier()

        def issue(j, slot):
            @pl.when(j < cnt)
            def _():
                base = (start + j) * CHUNK
                pltpu.async_copy(idx_hbm.at[pl.ds(base, CHUNK)], ibufs[slot],
                                 sems[slot])
                pltpu.async_copy(upd_hbm.at[pl.ds(base, CHUNK)], ubufs[slot],
                                 sems[slot])

        def process(j, slot):
            @pl.when((j >= 0) & (j < cnt))
            def _():
                pltpu.make_async_copy(idx_hbm.at[pl.ds(0, CHUNK)],
                                      ibufs[slot], sems[slot]).wait()
                pltpu.make_async_copy(upd_hbm.at[pl.ds(0, CHUNK)],
                                      ubufs[slot], sems[slot]).wait()
                pltpu.sync_copy(ubufs[slot], table.at[ibufs[slot]], add=True)

        def body(i, carry):
            j0 = 2 * i
            j1 = 2 * i + 1
            issue(j0, 0)
            process(j0 - 1, 1)
            issue(j1, 1)
            process(j0, 0)
            return carry

        lax.fori_loop(0, (MAXC + 2) // 2, body, 0)
        plsc.subcore_barrier()

        def dump(kk, carry):
            r0 = s * ROWS_PER_SUB + kk * ZCHUNK
            pltpu.sync_copy(table.at[pl.ds(r0, ZCHUNK)], zbuf)
            pltpu.sync_copy(zbuf, out_hbm.at[c, pl.ds(r0, ZCHUNK)])
            return carry

        lax.fori_loop(0, ROWS_PER_SUB // ZCHUNK, dump, 0)

    return k(upd, idx)



_SIN_C = (3.1415926519453423, -5.167712606945147, 2.550161086578639,
          -0.5992457304355527, 0.08208905894537229, -0.007282179552874866,
          0.00039772714469602703)
_COS_C = (0.9999999999193145, -4.934802189550594, 4.05871188207033,
          -1.3352607090020963, 0.2353221275422643, -0.025787852309282922,
          0.0019059100562267845, -8.916912868632863e-05)


def _horner(t, coefs):
    r = jnp.full_like(t, coefs[-1])
    for c in coefs[-2::-1]:
        r = r * t + np.float32(c)
    return r


def _bd(w32):
    return jnp.kron(jnp.eye(4, dtype=F32), w32.astype(F32))


def _pad32(w, rows=None):
    w = jnp.asarray(w, F32)
    r = 32 if rows is None else rows
    out = jnp.zeros((32, 32), F32)
    return out.at[: w.shape[0], : w.shape[1]].set(w)


def _ucoef_table():
    u = np.zeros((8, 32), np.float32)
    rows = [[1], [0, 2], [-1, 0, 4], [0, -4, 0, 8], [1, 0, -12, 0, 16],
            [0, 6, 0, -32, 0, 32]]
    for k, cs in enumerate(rows):
        for j, c in enumerate(cs):
            u[j, k] = c
    return jnp.asarray(np.tile(u, (1, 4)))


def _lane_mask():
    lane = np.arange(128) % 32
    return jnp.asarray((lane < NUM_RADIAL).astype(np.float32)[None, :])


def _tile4(b):
    return jnp.tile(jnp.asarray(b, F32).reshape(1, -1), (1, 4))


def _tc_edge1(ab, rs, rd, bdj, pwre, pwo0r, bemb, ucoef, lmask):
    p = 5.0
    ca = -(p + 1.0) * (p + 2.0) / 2.0
    cb = p * (p + 2.0)
    cc = -p * (p + 1.0) / 2.0

    def body(ab_ref, rs_ref, rd_ref, bdj_ref, pwre_ref, pwo0r_ref,
             bemb_ref, u_ref, lm_ref, m_ref, g0_ref, rbf_ref):
        diff = rs_ref[...] - rd_ref[...]
        d2 = jnp.dot(diff * diff, bdj_ref[...], preferred_element_type=F32,
                     precision=lax.Precision.HIGHEST)
        d2c = jnp.maximum(d2, 1e-24)
        r0 = lax.rsqrt(d2c)
        r1 = r0 * (1.5 - 0.5 * d2c * r0 * r0)
        d = d2c * r1 + 1e-6
        x = d * (1.0 / CUTOFF)
        x2 = x * x
        x4 = x2 * x2
        v0 = 1.0 / x
        v1 = v0 * (2.0 - x * v0)
        env = v1 + ca * x4 + cb * x4 * x + cc * x4 * x2
        env = jnp.where(x < 1.0, env, 0.0)
        xc = jnp.minimum(x, 1.0)
        tt = xc * xc
        s1 = xc * _horner(tt, _SIN_C)
        c1 = _horner(tt, _COS_C)
        u = u_ref[...]
        U = jnp.broadcast_to(u[5:6, :], (BEP, 128))
        for j in range(4, -1, -1):
            U = U * c1 + u[j:j + 1, :]
        es = env * s1
        rbf = lm_ref[...] * (es * U)
        pw = pwre_ref[...]
        h = jnp.broadcast_to(pw[5:6, :], (BEP, 128))
        for j in range(4, -1, -1):
            h = h * c1 + pw[j:j + 1, :]
        pre = ab_ref[...] + es * h + bemb_ref[...]
        m = _swish(pre)
        pw = pwo0r_ref[...]
        h = jnp.broadcast_to(pw[5:6, :], (BEP, 128))
        for j in range(4, -1, -1):
            h = h * c1 + pw[j:j + 1, :]
        g0 = es * h * m
        m_ref[...] = m
        g0_ref[...] = g0
        rbf_ref[...] = rbf

    grid = EP // BEP
    eblk = pl.BlockSpec((BEP, 128), lambda i: (i, 0))
    wblk = pl.BlockSpec((128, 128), lambda i: (0, 0))
    pblk = pl.BlockSpec((8, 128), lambda i: (0, 0))
    rblk = pl.BlockSpec((1, 128), lambda i: (0, 0))
    return pl.pallas_call(
        body,
        grid=(grid,),
        in_specs=[eblk, eblk, eblk, wblk, pblk, pblk, rblk,
                  pl.BlockSpec((8, 128), lambda i: (0, 0)), rblk],
        out_specs=[eblk, eblk, eblk],
        out_shape=[
            jax.ShapeDtypeStruct((EP, 128), F32),
            jax.ShapeDtypeStruct((EP, 128), F32),
            jax.ShapeDtypeStruct((EP, 128), F32),
        ],
    )(ab, rs, rd, bdj, pwre, pwo0r, bemb, ucoef, lmask)


def _tc_node_mid(nap, t0p, bdw2, b2t, bdwblo, bdwbhi, bdwd, bdt, wtpk):
    def body(nap_ref, t0p_ref, bdw2_ref, b2_ref, wblo_ref, wbhi_ref,
             wd0_ref, bd0_ref, wd1_ref, bd1_ref, wd2_ref, bd2_ref, wt_ref,
             dlo_ref, dhi_ref, p0_ref):
        na = nap_ref[0] + nap_ref[1]
        c2 = _swish(jnp.dot(na, bdw2_ref[...], preferred_element_type=F32, precision=lax.Precision.HIGHEST)
                    + b2_ref[...])
        dlo_ref[...] = jnp.dot(c2, wblo_ref[...], preferred_element_type=F32, precision=lax.Precision.HIGHEST)
        dhi_ref[...] = jnp.dot(c2, wbhi_ref[...], preferred_element_type=F32, precision=lax.Precision.HIGHEST)
        t = t0p_ref[0] + t0p_ref[1]
        t = _swish(jnp.dot(t, wd0_ref[...], preferred_element_type=F32, precision=lax.Precision.HIGHEST) + bd0_ref[...])
        t = _swish(jnp.dot(t, wd1_ref[...], preferred_element_type=F32, precision=lax.Precision.HIGHEST) + bd1_ref[...])
        t = _swish(jnp.dot(t, wd2_ref[...], preferred_element_type=F32, precision=lax.Precision.HIGHEST) + bd2_ref[...])
        p0_ref[...] = jnp.dot(t, wt_ref[...], preferred_element_type=F32, precision=lax.Precision.HIGHEST)

    grid = NPK // BNP
    nblk = pl.BlockSpec((BNP, 128), lambda i: (i, 0))
    pblk = pl.BlockSpec((NC, BNP, 128), lambda i: (0, i, 0))
    wblk = pl.BlockSpec((128, 128), lambda i: (0, 0))
    rblk = pl.BlockSpec((1, 128), lambda i: (0, 0))
    return pl.pallas_call(
        body,
        grid=(grid,),
        in_specs=[pblk, pblk, wblk, rblk, wblk, wblk,
                  wblk, rblk, wblk, rblk, wblk, rblk, wblk],
        out_specs=[nblk, nblk, nblk],
        out_shape=[
            jax.ShapeDtypeStruct((NPK, 128), F32),
            jax.ShapeDtypeStruct((NPK, 128), F32),
            jax.ShapeDtypeStruct((NPK, 128), F32),
        ],
    )(nap, t0p, bdw2, b2t, bdwblo, bdwbhi,
      bdwd[0], bdt[0], bdwd[1], bdt[1], bdwd[2], bdt[2], wtpk)


def _tc_edge2(m, rbf, dslo, dshi, bdw1, b1t, bdreplo, bdrephi, bdwplo,
              bdwphi, bdwskip, bskipt, bdwo1r):
    def body(m_ref, rbf_ref, dlo_ref, dhi_ref, w1_ref, b1_ref, rlo_ref,
             rhi_ref, plo_ref, phi_ref, wsk_ref, bsk_ref, wo1_ref, g1_ref):
        m = m_ref[...]
        rbf = rbf_ref[...]
        m_ji = _swish(jnp.dot(m, w1_ref[...], preferred_element_type=F32, precision=lax.Precision.HIGHEST)
                      + b1_ref[...])
        xp = jnp.dot(jnp.dot(rbf, rlo_ref[...], preferred_element_type=F32, precision=lax.Precision.HIGHEST)
                     * dlo_ref[...], plo_ref[...], preferred_element_type=F32, precision=lax.Precision.HIGHEST)
        xp = xp + jnp.dot(jnp.dot(rbf, rhi_ref[...], preferred_element_type=F32, precision=lax.Precision.HIGHEST)
                          * dhi_ref[...], phi_ref[...],
                          preferred_element_type=F32, precision=lax.Precision.HIGHEST)
        m_new = _swish(jnp.dot(m_ji + xp, wsk_ref[...],
                               preferred_element_type=F32, precision=lax.Precision.HIGHEST) + bsk_ref[...]) + m
        g1_ref[...] = jnp.dot(rbf, wo1_ref[...],
                              preferred_element_type=F32, precision=lax.Precision.HIGHEST) * m_new

    grid = EP // BEP
    eblk = pl.BlockSpec((BEP, 128), lambda i: (i, 0))
    wblk = pl.BlockSpec((128, 128), lambda i: (0, 0))
    rblk = pl.BlockSpec((1, 128), lambda i: (0, 0))
    return pl.pallas_call(
        body,
        grid=(grid,),
        in_specs=[eblk, eblk, eblk, eblk, wblk, rblk, wblk, wblk, wblk,
                  wblk, wblk, rblk, wblk],
        out_specs=[eblk],
        out_shape=[jax.ShapeDtypeStruct((EP, 128), F32)],
    )(m, rbf, dslo, dshi, bdw1, b1t, bdreplo, bdrephi, bdwplo, bdwphi,
      bdwskip, bskipt, bdwo1r)[0]


def _tc_node_out(t1p, p0, bdwd, bdt, wtpk):
    def body(t1p_ref, p0_ref, wd0_ref, bd0_ref, wd1_ref, bd1_ref,
             wd2_ref, bd2_ref, wt_ref, p_ref):
        t = t1p_ref[0] + t1p_ref[1]
        t = _swish(jnp.dot(t, wd0_ref[...], preferred_element_type=F32, precision=lax.Precision.HIGHEST) + bd0_ref[...])
        t = _swish(jnp.dot(t, wd1_ref[...], preferred_element_type=F32, precision=lax.Precision.HIGHEST) + bd1_ref[...])
        t = _swish(jnp.dot(t, wd2_ref[...], preferred_element_type=F32, precision=lax.Precision.HIGHEST) + bd2_ref[...])
        p_ref[...] = p0_ref[...] + jnp.dot(t, wt_ref[...],
                                           preferred_element_type=F32, precision=lax.Precision.HIGHEST)

    grid = NPK // BNP
    nblk = pl.BlockSpec((BNP, 128), lambda i: (i, 0))
    pblk = pl.BlockSpec((NC, BNP, 128), lambda i: (0, i, 0))
    wblk = pl.BlockSpec((128, 128), lambda i: (0, 0))
    rblk = pl.BlockSpec((1, 128), lambda i: (0, 0))
    return pl.pallas_call(
        body,
        grid=(grid,),
        in_specs=[pblk, nblk, wblk, rblk, wblk, rblk, wblk, rblk, wblk],
        out_specs=[nblk],
        out_shape=[jax.ShapeDtypeStruct((NPK, 128), F32)],
    )(t1p, p0, bdwd[0], bdt[0], bdwd[1], bdt[1], bdwd[2], bdt[2], wtpk)[0]


def kernel(Z, R, edge_index, data, atom_emb, W_rbf_emb, W_emb, b_emb,
           Wo0_rbf, Wo0_d0, bo0_d0, Wo0_d1, bo0_d1, Wo0_d2, bo0_d2, Wo0_t,
           W1, b1, W2, b2, Wb, Wproj, Wskip, bskip,
           Wo1_rbf, Wo1_d0, bo1_d0, Wo1_d1, bo1_d1, Wo1_d2, bo1_d2, Wo1_t):
    src = edge_index[0].astype(jnp.int32)
    dst = edge_index[1].astype(jnp.int32)
    z32 = Z.astype(jnp.int32)

    ta = atom_emb @ W_emb[0:EMB]
    tb = atom_emb @ W_emb[EMB:2 * EMB]
    wre = W_rbf_emb @ W_emb[2 * EMB:3 * EMB]
    wbrs = jnp.transpose(Wb, (1, 0, 2)).reshape(EMB, NUM_RADIAL * NUM_BILINEAR)

    bdj = jnp.kron(jnp.eye(4, dtype=F32), jnp.ones((32, 32), F32))
    u6 = np.zeros((6, 6), np.float32)
    for k, cs in enumerate([[1], [0, 2], [-1, 0, 4], [0, -4, 0, 8],
                            [1, 0, -12, 0, 16], [0, 6, 0, -32, 0, 32]]):
        for j, c in enumerate(cs):
            u6[j, k] = c

    def _prows(w6):
        pw = jnp.asarray(u6) @ jnp.asarray(w6, F32)
        pw = jnp.concatenate([pw, jnp.zeros((2, EMB), F32)], axis=0)
        return jnp.tile(pw, (1, 4))

    pwre = _prows(wre)
    pwo0r = _prows(Wo0_rbf)
    bdwo1r = _bd(_pad32(Wo1_rbf))
    bdw1 = _bd(W1)
    bdw2 = _bd(W2)
    bdwskip = _bd(Wskip)
    bdwblo = _bd(wbrs[:, 0:32])
    bdwbhi = _bd(_pad32(wbrs[:, 32:48]))

    replo = np.zeros((32, 32), np.float32)
    rephi = np.zeros((32, 32), np.float32)
    for r in range(4):
        for b in range(NUM_BILINEAR):
            replo[r, r * NUM_BILINEAR + b] = 1.0
    for r in range(4, 6):
        for b in range(NUM_BILINEAR):
            rephi[r, (r - 4) * NUM_BILINEAR + b] = 1.0
    bdreplo = _bd(jnp.asarray(replo))
    bdrephi = _bd(jnp.asarray(rephi))
    bdwplo = _bd(jnp.tile(Wproj, (4, 1)))
    bdwphi = _bd(_pad32(jnp.tile(Wproj, (2, 1))))

    bdwd0 = [_bd(Wo0_d0), _bd(Wo0_d1), _bd(Wo0_d2)]
    bdt0 = [_tile4(bo0_d0), _tile4(bo0_d1), _tile4(bo0_d2)]
    bdwd1 = [_bd(Wo1_d0), _bd(Wo1_d1), _bd(Wo1_d2)]
    bdt1 = [_tile4(bo1_d0), _tile4(bo1_d1), _tile4(bo1_d2)]
    wt0pk = _bd(_pad32(Wo0_t))
    wt1pk = _bd(_pad32(Wo1_t))

    zp = jnp.pad(z32, (0, NP - N))
    r32 = jnp.pad(R.astype(F32), ((0, NP - N), (0, EMB - 3)))

    src2d = jnp.pad(src.reshape(N_CHUNKS_EDGE, CHUNK),
                    ((0, NCH_PAD - N_CHUNKS_EDGE), (0, 0)))
    dst2d = jnp.pad(dst.reshape(N_CHUNKS_EDGE, CHUNK),
                    ((0, NCH_PAD - N_CHUNKS_EDGE), (0, 0)))

    tan, tbn = _sc_node_prep(zp, ta, tb)
    ab, rs, rd = _sc_edge_gather(tan, tbn, r32, src2d, dst2d)

    m, g0, rbf = _tc_edge1(ab.reshape(EP, 128), rs.reshape(EP, 128),
                           rd.reshape(EP, 128),
                           bdj, pwre, pwo0r,
                           _tile4(b_emb), _ucoef_table(), _lane_mask())

    nap = _sc_scatter_add(m.reshape(E, EMB), dst)
    t0p = _sc_scatter_add(g0.reshape(E, EMB), dst)

    dlo, dhi, p0 = _tc_node_mid(nap.reshape(NC, NPK, 128),
                                t0p.reshape(NC, NPK, 128),
                                bdw2, _tile4(b2), bdwblo, bdwbhi,
                                bdwd0, bdt0, wt0pk)

    dslo, dshi = _sc_gather_pair(dlo.reshape(NPAD, EMB), dhi.reshape(NPAD, EMB),
                                 src2d)

    g1 = _tc_edge2(m, rbf, dslo.reshape(EP, 128), dshi.reshape(EP, 128),
                   bdw1, _tile4(b1), bdreplo, bdrephi, bdwplo, bdwphi,
                   bdwskip, _tile4(bskip), bdwo1r)

    t1p = _sc_scatter_add(g1.reshape(E, EMB), dst)

    ppk = _tc_node_out(t1p.reshape(NC, NPK, 128), p0, bdwd1, bdt1, wt1pk)
    return ppk.reshape(NPAD, EMB)[:N, :NUM_TARGETS]

# --- scband reference (transcript-rebuilt; emitter-appended) ---
"""Pipeline reference for scband-dime-net-41523743818101 (READ-ONLY COPY).

The authoritative reference and input builder live on the scoring server;
editing this copy changes nothing except your own understanding.
"""

import jax, jax.numpy as jnp
import numpy as np

N = 50000
E = 800000
EMB = 32
NUM_RADIAL = 6
NUM_BILINEAR = 8
NUM_TARGETS = 12
CUTOFF = 5.0
P_ENV = 5


def swish(x):
    return x * jax.nn.sigmoid(x)


def setup_inputs(seed: int = 0) -> dict:
    key = jax.random.key(seed)
    ks = jax.random.split(key, 32)

    def nrm(k, shape, scale=0.1):
        return jax.random.normal(k, shape, dtype=jnp.float32) * scale

    inp = {}
    inp['Z'] = jax.random.randint(ks[0], (N,), 0, 95)
    inp['R'] = jax.random.normal(ks[1], (N, 3), dtype=jnp.float32) * 3.0
    inp['edge_index'] = jax.random.randint(ks[2], (2, E), 0, N)
    inp['data'] = jnp.zeros((1,), jnp.float32)
    inp['atom_emb'] = nrm(ks[3], (95, EMB))
    inp['W_rbf_emb'] = nrm(ks[4], (NUM_RADIAL, EMB))
    inp['W_emb'] = nrm(ks[5], (3 * EMB, EMB))
    inp['b_emb'] = jnp.zeros((EMB,), jnp.float32)
    inp['Wo0_rbf'] = nrm(ks[6], (NUM_RADIAL, EMB))
    inp['Wo0_d0'] = nrm(ks[7], (EMB, EMB)); inp['bo0_d0'] = jnp.zeros((EMB,), jnp.float32)
    inp['Wo0_d1'] = nrm(ks[8], (EMB, EMB)); inp['bo0_d1'] = jnp.zeros((EMB,), jnp.float32)
    inp['Wo0_d2'] = nrm(ks[9], (EMB, EMB)); inp['bo0_d2'] = jnp.zeros((EMB,), jnp.float32)
    inp['Wo0_t'] = nrm(ks[10], (EMB, NUM_TARGETS))
    inp['W1'] = nrm(ks[11], (EMB, EMB)); inp['b1'] = jnp.zeros((EMB,), jnp.float32)
    inp['W2'] = nrm(ks[12], (EMB, EMB)); inp['b2'] = jnp.zeros((EMB,), jnp.float32)
    inp['Wb'] = nrm(ks[13], (NUM_RADIAL, EMB, NUM_BILINEAR))
    inp['Wproj'] = nrm(ks[14], (NUM_BILINEAR, EMB))
    inp['Wskip'] = nrm(ks[15], (EMB, EMB)); inp['bskip'] = jnp.zeros((EMB,), jnp.float32)
    inp['Wo1_rbf'] = nrm(ks[16], (NUM_RADIAL, EMB))
    inp['Wo1_d0'] = nrm(ks[17], (EMB, EMB)); inp['bo1_d0'] = jnp.zeros((EMB,), jnp.float32)
    inp['Wo1_d1'] = nrm(ks[18], (EMB, EMB)); inp['bo1_d1'] = jnp.zeros((EMB,), jnp.float32)
    inp['Wo1_d2'] = nrm(ks[19], (EMB, EMB)); inp['bo1_d2'] = jnp.zeros((EMB,), jnp.float32)
    inp['Wo1_t'] = nrm(ks[20], (EMB, NUM_TARGETS))
    return inp


def _bessel_rbf(R, src, dst):
    d = jnp.linalg.norm(R[src] - R[dst], axis=-1) + 1e-6
    x = d / CUTOFF
    p = float(P_ENV)
    a = -(p + 1.0) * (p + 2.0) / 2.0
    b = p * (p + 2.0)
    c = -p * (p + 1.0) / 2.0
    env = 1.0 / x + a * x ** (p - 1.0) + b * x ** p + c * x ** (p + 1.0)
    env = jnp.where(x < 1.0, env, 0.0)
    freq = jnp.arange(1, NUM_RADIAL + 1, dtype=jnp.float32) * np.pi
    return env[:, None] * jnp.sin(freq[None, :] * x[:, None])


def _output_block(m, rbf, dst, W_rbf, Wd, bd, Wt):
    g = (rbf @ W_rbf) * m
    t = jax.ops.segment_sum(g, dst, num_segments=N)
    for W, b in zip(Wd, bd):
        t = swish(t @ W + b)
    return t @ Wt


def reference(Z, R, edge_index, data, atom_emb, W_rbf_emb, W_emb, b_emb,
              Wo0_rbf, Wo0_d0, bo0_d0, Wo0_d1, bo0_d1, Wo0_d2, bo0_d2, Wo0_t,
              W1, b1, W2, b2, Wb, Wproj, Wskip, bskip,
              Wo1_rbf, Wo1_d0, bo1_d0, Wo1_d1, bo1_d1, Wo1_d2, bo1_d2, Wo1_t):
    src, dst = edge_index[0], edge_index[1]
    # BesselBasisLayer
    rbf = _bessel_rbf(R, src, dst)
    # EmbeddingBlock: per-edge message from atom embeddings + rbf projection
    rbf_h = rbf @ W_rbf_emb
    h_src = atom_emb[Z[src]]
    h_dst = atom_emb[Z[dst]]
    m = swish(jnp.concatenate([h_src, h_dst, rbf_h], axis=-1) @ W_emb + b_emb)
    # OutputBlock 0
    P = _output_block(m, rbf, dst, Wo0_rbf, [Wo0_d0, Wo0_d1, Wo0_d2], [bo0_d0, bo0_d1, bo0_d2], Wo0_t)
    # InteractionBlock (one block, as executed before the break in the original forward)
    m_ji = swish(m @ W1 + b1)
    node_agg = jax.ops.segment_sum(m, dst, num_segments=N)
    x_kj = swish(node_agg[src] @ W2 + b2)
    x_bil = jnp.einsum('er,ec,rcb->eb', rbf, x_kj, Wb)
    m_new = swish((m_ji + x_bil @ Wproj) @ Wskip + bskip) + m
    # OutputBlock 1
    P = P + _output_block(m_new, rbf, dst, Wo1_rbf, [Wo1_d0, Wo1_d1, Wo1_d2], [bo1_d0, bo1_d1, bo1_d2], Wo1_t)
    return P

if __name__ == "__main__":
    import jax
    _d = setup_inputs()
    print(jax.jit(kernel)(*tuple(_d.values())))

</pallas_src>

<mosaic_0001>
#map = affine_map<(d0, d1) -> (0, 0)>
#map1 = affine_map<(d0, d1) -> (0)>
#map2 = affine_map<(d0, d1) -> (0, 0, 0)>
module attributes {stable_mosaic.version = 14 : i64} {
  func.func @k(%arg0: i32, %arg1: i32, %arg2: memref<800000x32xf32, #tpu.memory_space<hbm>>, %arg3: memref<800000xi32, #tpu.memory_space<hbm>>, %arg4: memref<2x50176x32xf32, #tpu.memory_space<hbm>>, %arg5: memref<50000x32xf32, #tpu.memory_space<vmem_shared>>, %arg6: memref<625x32xf32, #tpu.memory_space<vmem>>, %arg7: memref<128xi32, #tpu.memory_space<vmem>>, %arg8: memref<128xi32, #tpu.memory_space<vmem>>, %arg9: memref<128x32xf32, #tpu.memory_space<vmem>>, %arg10: memref<128x32xf32, #tpu.memory_space<vmem>>, %arg11: memref<!tpu.dma_semaphore, #tpu.memory_space<semaphore_mem>>, %arg12: memref<!tpu.dma_semaphore, #tpu.memory_space<semaphore_mem>>) attributes {dimension_semantics = [#tpu.dimension_semantics<core_parallel>, #tpu.dimension_semantics<subcore_parallel>], iteration_bounds = array<i64: 2, 16>, scalar_prefetch = 0 : i64, scratch_operands = 8 : i64, tpu.core_type = #tpu.core_type<sc_vector_subcore>, window_params = [{transform_indices = #map}, {transform_indices = #map1}, {transform_indices = #map2}]} {
    %mul3A = arith.constant 2 : i32
    %mul3A_0 = arith.muli %arg1, %mul3A : i32
    %add3A = arith.addi %mul3A_0, %arg0 : i32
    %lt3A = arith.constant 10 : i32
    %lt3A_1 = arith.cmpi slt, %add3A, %lt3A : i32
    %convert_element_type3A = arith.extui %lt3A_1 : i1 to i32
    %add3A_2 = arith.constant 195 : i32
    %add3A_3 = arith.addi %add3A_2, %convert_element_type3A : i32
    %mul3A_4 = arith.constant 195 : i32
    %mul3A_5 = arith.muli %add3A, %mul3A_4 : i32
    %min3A = arith.constant 10 : i32
    %min3A_6 = arith.minsi %add3A, %min3A : i32
    %add3A_7 = arith.addi %mul3A_5, %min3A_6 : i32
    %broadcast_in_dim3A = arith.constant 0.000000e+00 : f32
    %broadcast_in_dim3A_8 = vector.broadcast %broadcast_in_dim3A : f32 to vector<16xf32>
    %scan3A = arith.constant 0 : i32
    %scan3A_9 = arith.constant 0 : i32
    %scan3A_10 = arith.constant 625 : i32
    %scan3A_11 = arith.addi %scan3A_9, %scan3A_10 : i32
    %scan3A_12 = arith.constant 1 : i32
    scf.for %scan3A_33 = %scan3A_9 to %scan3A_11 step %scan3A_12  : i32 {
      %swap3A = arith.index_cast %scan3A_33 : i32 to index
      %swap3A_34 = arith.constant 0 : index
      %swap3A_35 = tpu.vector_load %arg6[%swap3A, %swap3A_34] {strides = array<i32>} : memref<625x32xf32, #tpu.memory_space<vmem>>, vector<1x16xf32>,
      %swap3A_36 = vector.shape_cast %swap3A_35 : vector<1x16xf32> to vector<16xf32>
      %swap3A_37 = vector.shape_cast %broadcast_in_dim3A_8 : vector<16xf32> to vector<1x16xf32>
      tpu.vector_store %arg6[%swap3A, %swap3A_34], %swap3A_37 {strides = array<i32>} : memref<625x32xf32, #tpu.memory_space<vmem>>, vector<1x16xf32>,
      %swap3A_38 = arith.index_cast %scan3A_33 : i32 to index
      %swap3A_39 = arith.constant 16 : index
      %swap3A_40 = tpu.vector_load %arg6[%swap3A_38, %swap3A_39] {strides = array<i32>} : memref<625x32xf32, #tpu.memory_space<vmem>>, vector<1x16xf32>,
      %swap3A_41 = vector.shape_cast %swap3A_40 : vector<1x16xf32> to vector<16xf32>
      %swap3A_42 = vector.shape_cast %broadcast_in_dim3A_8 : vector<16xf32> to vector<1x16xf32>
      tpu.vector_store %arg6[%swap3A_38, %swap3A_39], %swap3A_42 {strides = array<i32>} : memref<625x32xf32, #tpu.memory_space<vmem>>, vector<1x16xf32>,
    }
    %scan3A_13 = arith.constant 625 : i32
    %scan3A_14 = arith.constant 0 : i32
    %scan3A_15 = arith.constant 0 : i32
    %scan3A_16 = arith.constant 5 : i32
    %scan3A_17 = arith.addi %scan3A_15, %scan3A_16 : i32
    %scan3A_18 = arith.constant 1 : i32
    scf.for %scan3A_33 = %scan3A_15 to %scan3A_17 step %scan3A_18  : i32 {
      %mul3A_34 = arith.constant 3125 : i32
      %mul3A_35 = arith.muli %arg1, %mul3A_34 : i32
      %mul3A_36 = arith.constant 625 : i32
      %mul3A_37 = arith.muli %scan3A_33, %mul3A_36 : i32
      %add3A_38 = arith.addi %mul3A_35, %mul3A_37 : i32
      "tpu.region"() ({
        %run_scoped3A = tpu.sem_alloc : memref<!tpu.dma_semaphore, #tpu.memory_space<semaphore_mem>>
        %dma_start3A = arith.constant 0 : i32
        %dma_start3A_39 = tpu.memref_slice %arg5[%add3A_38, %dma_start3A] : memref<50000x32xf32, #tpu.memory_space<vmem_shared>> -> memref<625x32xf32, #tpu.memory_space<vmem_shared>>
        %dma_start3A_40 = arith.constant 0 : i32
        %dma_start3A_41 = tpu.memref_slice %arg5[%add3A_38, %dma_start3A_40] : memref<50000x32xf32, #tpu.memory_space<vmem_shared>> -> memref<625x32xf32, #tpu.memory_space<vmem_shared>>
        tpu.enqueue_dma source(%arg6 : memref<625x32xf32, #tpu.memory_space<vmem>>) target(%dma_start3A_41 : memref<625x32xf32, #tpu.memory_space<vmem_shared>>) target_semaphore(%run_scoped3A : memref<!tpu.dma_semaphore, #tpu.memory_space<semaphore_mem>>)
        %dma_wait3A = arith.constant 0 : i32
        %dma_wait3A_42 = tpu.memref_slice %arg5[%add3A_38, %dma_wait3A] : memref<50000x32xf32, #tpu.memory_space<vmem_shared>> -> memref<625x32xf32, #tpu.memory_space<vmem_shared>>
        %dma_wait3A_43 = arith.constant 0 : i32
        %dma_wait3A_44 = tpu.memref_slice %arg5[%add3A_38, %dma_wait3A_43] : memref<50000x32xf32, #tpu.memory_space<vmem_shared>> -> memref<625x32xf32, #tpu.memory_space<vmem_shared>>
        tpu.wait_dma2 semaphore(%run_scoped3A : memref<!tpu.dma_semaphore, #tpu.memory_space<semaphore_mem>>) src(%arg6 : memref<625x32xf32, #tpu.memory_space<vmem>>) dst(%dma_wait3A_44 : memref<625x32xf32, #tpu.memory_space<vmem_shared>>)
        tpu.yield
      }) : () -> ()
    }
    %scan3A_19 = arith.constant 5 : i32
    %barrier3A = arith.constant 0 : index
    tpu.barrier barrier_id(%barrier3A)
    %scan3A_20 = arith.constant 0 : i32
    %scan3A_21 = arith.constant 0 : i32
    %scan3A_22 = arith.constant 99 : i32
    %scan3A_23 = arith.addi %scan3A_21, %scan3A_22 : i32
    %scan3A_24 = arith.constant 1 : i32
    scf.for %scan3A_33 = %scan3A_21 to %scan3A_23 step %scan3A_24  : i32 {
      %mul3A_34 = arith.constant 2 : i32
      %mul3A_35 = arith.muli %mul3A_34, %scan3A_33 : i32
      %mul3A_36 = arith.constant 2 : i32
      %mul3A_37 = arith.muli %mul3A_36, %scan3A_33 : i32
      %add3A_38 = arith.constant 1 : i32
      %add3A_39 = arith.addi %mul3A_37, %add3A_38 : i32
      %lt3A_40 = arith.cmpi slt, %mul3A_35, %add3A_3 : i32
      %convert_element_type3A_41 = arith.extui %lt3A_40 : i1 to i32
      %cond3A = arith.constant 0 : i32
      %cond3A_42 = arith.cmpi ne, %convert_element_type3A_41, %cond3A : i32
      scf.if %cond3A_42 {
        %add3A_60 = arith.addi %add3A_7, %mul3A_35 : i32
        %mul3A_61 = arith.constant 128 : i32
        %mul3A_62 = arith.muli %add3A_60, %mul3A_61 : i32
        %dma_start3A = tpu.memref_slice %arg3[%mul3A_62] : memref<800000xi32, #tpu.memory_space<hbm>> -> memref<128xi32, #tpu.memory_space<hbm>>
        %dma_start3A_63 = tpu.memref_slice %arg3[%mul3A_62] : memref<800000xi32, #tpu.memory_space<hbm>> -> memref<128xi32, #tpu.memory_space<hbm>>
        tpu.enqueue_dma source(%dma_start3A_63 : memref<128xi32, #tpu.memory_space<hbm>>) target(%arg7 : memref<128xi32, #tpu.memory_space<vmem>>) target_semaphore(%arg11 : memref<!tpu.dma_semaphore, #tpu.memory_space<semaphore_mem>>)
        %dma_start3A_64 = arith.constant 0 : i32
        %dma_start3A_65 = tpu.memref_slice %arg2[%mul3A_62, %dma_start3A_64] : memref<800000x32xf32, #tpu.memory_space<hbm>> -> memref<128x32xf32, #tpu.memory_space<hbm>>
        %dma_start3A_66 = arith.constant 0 : i32
        %dma_start3A_67 = tpu.memref_slice %arg2[%mul3A_62, %dma_start3A_66] : memref<800000x32xf32, #tpu.memory_space<hbm>> -> memref<128x32xf32, #tpu.memory_space<hbm>>
        tpu.enqueue_dma source(%dma_start3A_67 : memref<128x32xf32, #tpu.memory_space<hbm>>) target(%arg9 : memref<128x32xf32, #tpu.memory_space<vmem>>) target_semaphore(%arg11 : memref<!tpu.dma_semaphore, #tpu.memory_space<semaphore_mem>>)
      } else {
      }
      %sub3A = arith.constant 1 : i32
      %sub3A_43 = arith.subi %mul3A_35, %sub3A : i32
      %ge3A = arith.constant 0 : i32
      %ge3A_44 = arith.cmpi sge, %sub3A_43, %ge3A : i32
      %lt3A_45 = arith.cmpi slt, %sub3A_43, %add3A_3 : i32
      %and3A = arith.andi %ge3A_44, %lt3A_45 : i1
      %convert_element_type3A_46 = arith.extui %and3A : i1 to i32
      %cond3A_47 = arith.constant 0 : i32
      %cond3A_48 = arith.cmpi ne, %convert_element_type3A_46, %cond3A_47 : i32
      scf.if %cond3A_48 {
        %dma_wait3A = arith.constant 0 : i32
        %dma_wait3A_60 = tpu.memref_slice %arg3[%dma_wait3A] : memref<800000xi32, #tpu.memory_space<hbm>> -> memref<128xi32, #tpu.memory_space<hbm>>
        %dma_wait3A_61 = arith.constant 0 : i32
        %dma_wait3A_62 = tpu.memref_slice %arg3[%dma_wait3A_61] : memref<800000xi32, #tpu.memory_space<hbm>> -> memref<128xi32, #tpu.memory_space<hbm>>
        tpu.wait_dma2 semaphore(%arg12 : memref<!tpu.dma_semaphore, #tpu.memory_space<semaphore_mem>>) src(%dma_wait3A_62 : memref<128xi32, #tpu.memory_space<hbm>>) dst(%arg8 : memref<128xi32, #tpu.memory_space<vmem>>)
        %dma_wait3A_63 = arith.constant 0 : i32
        %dma_wait3A_64 = arith.constant 0 : i32
        %dma_wait3A_65 = tpu.memref_slice %arg2[%dma_wait3A_63, %dma_wait3A_64] : memref<800000x32xf32, #tpu.memory_space<hbm>> -> memref<128x32xf32, #tpu.memory_space<hbm>>
        %dma_wait3A_66 = arith.constant 0 : i32
        %dma_wait3A_67 = arith.constant 0 : i32
        %dma_wait3A_68 = tpu.memref_slice %arg2[%dma_wait3A_66, %dma_wait3A_67] : memref<800000x32xf32, #tpu.memory_space<hbm>> -> memref<128x32xf32, #tpu.memory_space<hbm>>
        tpu.wait_dma2 semaphore(%arg12 : memref<!tpu.dma_semaphore, #tpu.memory_space<semaphore_mem>>) src(%dma_wait3A_68 : memref<128x32xf32, #tpu.memory_space<hbm>>) dst(%arg10 : memref<128x32xf32, #tpu.memory_space<vmem>>)
        "tpu.region"() ({
          %run_scoped3A = tpu.sem_alloc : memref<!tpu.dma_semaphore, #tpu.memory_space<semaphore_mem>>
          %dma_start3A = arith.constant 0 : i32
          %dma_start3A_69 = arith.constant 0 : i32
          %dma_start3A_70 = tpu.memref_slice %arg5[%dma_start3A, %dma_start3A_69] : memref<50000x32xf32, #tpu.memory_space<vmem_shared>> -> memref<50000x32xf32, #tpu.memory_space<vmem_shared>>
          tpu.enqueue_indirect_dma source(%arg10 : memref<128x32xf32, #tpu.memory_space<vmem>>) target(%dma_start3A_70 : memref<50000x32xf32, #tpu.memory_space<vmem_shared>>) offsets(%arg8 : memref<128xi32, #tpu.memory_space<vmem>>) semaphore(%run_scoped3A : memref<!tpu.dma_semaphore, #tpu.memory_space<semaphore_mem>>) {add = true}
          %dma_wait3A_71 = arith.constant 0 : i32
          %dma_wait3A_72 = arith.constant 0 : i32
          %dma_wait3A_73 = tpu.memref_slice %arg5[%dma_wait3A_71, %dma_wait3A_72] : memref<50000x32xf32, #tpu.memory_space<vmem_shared>> -> memref<50000x32xf32, #tpu.memory_space<vmem_shared>>
          tpu.wait_indirect_dma semaphore(%run_scoped3A : memref<!tpu.dma_semaphore, #tpu.memory_space<semaphore_mem>>) src(%arg10 : memref<128x32xf32, #tpu.memory_space<vmem>>) dst(%dma_wait3A_73 : memref<50000x32xf32, #tpu.memory_space<vmem_shared>>)
          tpu.yield
        }) : () -> ()
      } else {
      }
      %lt3A_49 = arith.cmpi slt, %add3A_39, %add3A_3 : i32
      %convert_element_type3A_50 = arith.extui %lt3A_49 : i1 to i32
      %cond3A_51 = arith.constant 0 : i32
      %cond3A_52 = arith.cmpi ne, %convert_element_type3A_50, %cond3A_51 : i32
      scf.if %cond3A_52 {
        %add3A_60 = arith.addi %add3A_7, %add3A_39 : i32
        %mul3A_61 = arith.constant 128 : i32
        %mul3A_62 = arith.muli %add3A_60, %mul3A_61 : i32
        %dma_start3A = tpu.memref_slice %arg3[%mul3A_62] : memref<800000xi32, #tpu.memory_space<hbm>> -> memref<128xi32, #tpu.memory_space<hbm>>
        %dma_start3A_63 = tpu.memref_slice %arg3[%mul3A_62] : memref<800000xi32, #tpu.memory_space<hbm>> -> memref<128xi32, #tpu.memory_space<hbm>>
        tpu.enqueue_dma source(%dma_start3A_63 : memref<128xi32, #tpu.memory_space<hbm>>) target(%arg8 : memref<128xi32, #tpu.memory_space<vmem>>) target_semaphore(%arg12 : memref<!tpu.dma_semaphore, #tpu.memory_space<semaphore_mem>>)
        %dma_start3A_64 = arith.constant 0 : i32
        %dma_start3A_65 = tpu.memref_slice %arg2[%mul3A_62, %dma_start3A_64] : memref<800000x32xf32, #tpu.memory_space<hbm>> -> memref<128x32xf32, #tpu.memory_space<hbm>>
        %dma_start3A_66 = arith.constant 0 : i32
        %dma_start3A_67 = tpu.memref_slice %arg2[%mul3A_62, %dma_start3A_66] : memref<800000x32xf32, #tpu.memory_space<hbm>> -> memref<128x32xf32, #tpu.memory_space<hbm>>
        tpu.enqueue_dma source(%dma_start3A_67 : memref<128x32xf32, #tpu.memory_space<hbm>>) target(%arg10 : memref<128x32xf32, #tpu.memory_space<vmem>>) target_semaphore(%arg12 : memref<!tpu.dma_semaphore, #tpu.memory_space<semaphore_mem>>)
      } else {
      }
      %ge3A_53 = arith.constant 0 : i32
      %ge3A_54 = arith.cmpi sge, %mul3A_35, %ge3A_53 : i32
      %lt3A_55 = arith.cmpi slt, %mul3A_35, %add3A_3 : i32
      %and3A_56 = arith.andi %ge3A_54, %lt3A_55 : i1
      %convert_element_type3A_57 = arith.extui %and3A_56 : i1 to i32
      %cond3A_58 = arith.constant 0 : i32
      %cond3A_59 = arith.cmpi ne, %convert_element_type3A_57, %cond3A_58 : i32
      scf.if %cond3A_59 {
        %dma_wait3A = arith.constant 0 : i32
        %dma_wait3A_60 = tpu.memref_slice %arg3[%dma_wait3A] : memref<800000xi32, #tpu.memory_space<hbm>> -> memref<128xi32, #tpu.memory_space<hbm>>
        %dma_wait3A_61 = arith.constant 0 : i32
        %dma_wait3A_62 = tpu.memref_slice %arg3[%dma_wait3A_61] : memref<800000xi32, #tpu.memory_space<hbm>> -> memref<128xi32, #tpu.memory_space<hbm>>
        tpu.wait_dma2 semaphore(%arg11 : memref<!tpu.dma_semaphore, #tpu.memory_space<semaphore_mem>>) src(%dma_wait3A_62 : memref<128xi32, #tpu.memory_space<hbm>>) dst(%arg7 : memref<128xi32, #tpu.memory_space<vmem>>)
        %dma_wait3A_63 = arith.constant 0 : i32
        %dma_wait3A_64 = arith.constant 0 : i32
        %dma_wait3A_65 = tpu.memref_slice %arg2[%dma_wait3A_63, %dma_wait3A_64] : memref<800000x32xf32, #tpu.memory_space<hbm>> -> memref<128x32xf32, #tpu.memory_space<hbm>>
        %dma_wait3A_66 = arith.constant 0 : i32
        %dma_wait3A_67 = arith.constant 0 : i32
        %dma_wait3A_68 = tpu.memref_slice %arg2[%dma_wait3A_66, %dma_wait3A_67] : memref<800000x32xf32, #tpu.memory_space<hbm>> -> memref<128x32xf32, #tpu.memory_space<hbm>>
        tpu.wait_dma2 semaphore(%arg11 : memref<!tpu.dma_semaphore, #tpu.memory_space<semaphore_mem>>) src(%dma_wait3A_68 : memref<128x32xf32, #tpu.memory_space<hbm>>) dst(%arg9 : memref<128x32xf32, #tpu.memory_space<vmem>>)
        "tpu.region"() ({
          %run_scoped3A = tpu.sem_alloc : memref<!tpu.dma_semaphore, #tpu.memory_space<semaphore_mem>>
          %dma_start3A = arith.constant 0 : i32
          %dma_start3A_69 = arith.constant 0 : i32
          %dma_start3A_70 = tpu.memref_slice %arg5[%dma_start3A, %dma_start3A_69] : memref<50000x32xf32, #tpu.memory_space<vmem_shared>> -> memref<50000x32xf32, #tpu.memory_space<vmem_shared>>
          tpu.enqueue_indirect_dma source(%arg9 : memref<128x32xf32, #tpu.memory_space<vmem>>) target(%dma_start3A_70 : memref<50000x32xf32, #tpu.memory_space<vmem_shared>>) offsets(%arg7 : memref<128xi32, #tpu.memory_space<vmem>>) semaphore(%run_scoped3A : memref<!tpu.dma_semaphore, #tpu.memory_space<semaphore_mem>>) {add = true}
          %dma_wait3A_71 = arith.constant 0 : i32
          %dma_wait3A_72 = arith.constant 0 : i32
          %dma_wait3A_73 = tpu.memref_slice %arg5[%dma_wait3A_71, %dma_wait3A_72] : memref<50000x32xf32, #tpu.memory_space<vmem_shared>> -> memref<50000x32xf32, #tpu.memory_space<vmem_shared>>
          tpu.wait_indirect_dma semaphore(%run_scoped3A : memref<!tpu.dma_semaphore, #tpu.memory_space<semaphore_mem>>) src(%arg9 : memref<128x32xf32, #tpu.memory_space<vmem>>) dst(%dma_wait3A_73 : memref<50000x32xf32, #tpu.memory_space<vmem_shared>>)
          tpu.yield
        }) : () -> ()
      } else {
      }
    }
    %scan3A_25 = arith.constant 99 : i32
    %barrier3A_26 = arith.constant 0 : index
    tpu.barrier barrier_id(%barrier3A_26)
    %scan3A_27 = arith.constant 0 : i32
    %scan3A_28 = arith.constant 0 : i32
    %scan3A_29 = arith.constant 5 : i32
    %scan3A_30 = arith.addi %scan3A_28, %scan3A_29 : i32
    %scan3A_31 = arith.constant 1 : i32
    scf.for %scan3A_33 = %scan3A_28 to %scan3A_30 step %scan3A_31  : i32 {
      %mul3A_34 = arith.constant 3125 : i32
      %mul3A_35 = arith.muli %arg1, %mul3A_34 : i32
      %mul3A_36 = arith.constant 625 : i32
      %mul3A_37 = arith.muli %scan3A_33, %mul3A_36 : i32
      %add3A_38 = arith.addi %mul3A_35, %mul3A_37 : i32
      "tpu.region"() ({
        %run_scoped3A = tpu.sem_alloc : memref<!tpu.dma_semaphore, #tpu.memory_space<semaphore_mem>>
        %dma_start3A = arith.constant 0 : i32
        %dma_start3A_39 = tpu.memref_slice %arg5[%add3A_38, %dma_start3A] : memref<50000x32xf32, #tpu.memory_space<vmem_shared>> -> memref<625x32xf32, #tpu.memory_space<vmem_shared>>
        %dma_start3A_40 = arith.constant 0 : i32
        %dma_start3A_41 = tpu.memref_slice %arg5[%add3A_38, %dma_start3A_40] : memref<50000x32xf32, #tpu.memory_space<vmem_shared>> -> memref<625x32xf32, #tpu.memory_space<vmem_shared>>
        tpu.enqueue_dma source(%dma_start3A_41 : memref<625x32xf32, #tpu.memory_space<vmem_shared>>) target(%arg6 : memref<625x32xf32, #tpu.memory_space<vmem>>) target_semaphore(%run_scoped3A : memref<!tpu.dma_semaphore, #tpu.memory_space<semaphore_mem>>)
        %dma_wait3A = arith.constant 0 : i32
        %dma_wait3A_42 = tpu.memref_slice %arg5[%add3A_38, %dma_wait3A] : memref<50000x32xf32, #tpu.memory_space<vmem_shared>> -> memref<625x32xf32, #tpu.memory_space<vmem_shared>>
        %dma_wait3A_43 = arith.constant 0 : i32
        %dma_wait3A_44 = tpu.memref_slice %arg5[%add3A_38, %dma_wait3A_43] : memref<50000x32xf32, #tpu.memory_space<vmem_shared>> -> memref<625x32xf32, #tpu.memory_space<vmem_shared>>
        tpu.wait_dma2 semaphore(%run_scoped3A : memref<!tpu.dma_semaphore, #tpu.memory_space<semaphore_mem>>) src(%dma_wait3A_44 : memref<625x32xf32, #tpu.memory_space<vmem_shared>>) dst(%arg6 : memref<625x32xf32, #tpu.memory_space<vmem>>)
        tpu.yield
      }) : () -> ()
      "tpu.region"() ({
        %run_scoped3A = tpu.sem_alloc : memref<!tpu.dma_semaphore, #tpu.memory_space<semaphore_mem>>
        %dma_start3A = arith.constant 0 : i32
        %dma_start3A_39 = tpu.memref_slice %arg4[%arg0, %add3A_38, %dma_start3A] : memref<2x50176x32xf32, #tpu.memory_space<hbm>> -> memref<1x625x32xf32, #tpu.memory_space<hbm>>
        %dma_start3A_40 = tpu.memref_squeeze %dma_start3A_39 : memref<1x625x32xf32, #tpu.memory_space<hbm>> -> memref<625x32xf32, #tpu.memory_space<hbm>>
        %dma_start3A_41 = arith.constant 0 : i32
        %dma_start3A_42 = tpu.memref_slice %arg4[%arg0, %add3A_38, %dma_start3A_41] : memref<2x50176x32xf32, #tpu.memory_space<hbm>> -> memref<1x625x32xf32, #tpu.memory_space<hbm>>
        %dma_start3A_43 = tpu.memref_squeeze %dma_start3A_42 : memref<1x625x32xf32, #tpu.memory_space<hbm>> -> memref<625x32xf32, #tpu.memory_space<hbm>>
        tpu.enqueue_dma source(%arg6 : memref<625x32xf32, #tpu.memory_space<vmem>>) target(%dma_start3A_43 : memref<625x32xf32, #tpu.memory_space<hbm>>) target_semaphore(%run_scoped3A : memref<!tpu.dma_semaphore, #tpu.memory_space<semaphore_mem>>)
        %dma_wait3A = arith.constant 0 : i32
        %dma_wait3A_44 = tpu.memref_slice %arg4[%arg0, %add3A_38, %dma_wait3A] : memref<2x50176x32xf32, #tpu.memory_space<hbm>> -> memref<1x625x32xf32, #tpu.memory_space<hbm>>
        %dma_wait3A_45 = tpu.memref_squeeze %dma_wait3A_44 : memref<1x625x32xf32, #tpu.memory_space<hbm>> -> memref<625x32xf32, #tpu.memory_space<hbm>>
        %dma_wait3A_46 = arith.constant 0 : i32
        %dma_wait3A_47 = tpu.memref_slice %arg4[%arg0, %add3A_38, %dma_wait3A_46] : memref<2x50176x32xf32, #tpu.memory_space<hbm>> -> memref<1x625x32xf32, #tpu.memory_space<hbm>>
        %dma_wait3A_48 = tpu.memref_squeeze %dma_wait3A_47 : memref<1x625x32xf32, #tpu.memory_space<hbm>> -> memref<625x32xf32, #tpu.memory_space<hbm>>
        tpu.wait_dma2 semaphore(%run_scoped3A : memref<!tpu.dma_semaphore, #tpu.memory_space<semaphore_mem>>) src(%arg6 : memref<625x32xf32, #tpu.memory_space<vmem>>) dst(%dma_wait3A_48 : memref<625x32xf32, #tpu.memory_space<hbm>>)
        tpu.yield
      }) : () -> ()
    }
    %scan3A_32 = arith.constant 5 : i32
    return
  }
}

#map = affine_map<(d0, d1) -> (0)>
#map1 = affine_map<(d0, d1) -> (0, 0)>
module attributes {stable_mosaic.version = 14 : i64} {
  func.func @k(%arg0: i32, %arg1: i32, %arg2: memref<50048xi32, #tpu.memory_space<hbm>>, %arg3: memref<95x32xf32, #tpu.memory_space<hbm>>, %arg4: memref<95x32xf32, #tpu.memory_space<hbm>>, %arg5: memref<50048x32xf32, #tpu.memory_space<hbm>>, %arg6: memref<50048x32xf32, #tpu.memory_space<hbm>>, %arg7: memref<128xi32, #tpu.memory_space<vmem>>, %arg8: memref<128x32xf32, #tpu.memory_space<vmem>>, %arg9: memref<128x32xf32, #tpu.memory_space<vmem>>, %arg10: memref<!tpu.dma_semaphore, #tpu.memory_space<semaphore_mem>>) attributes {dimension_semantics = [#tpu.dimension_semantics<core_parallel>, #tpu.dimension_semantics<subcore_parallel>], iteration_bounds = array<i64: 2, 16>, scalar_prefetch = 0 : i64, scratch_operands = 4 : i64, tpu.core_type = #tpu.core_type<sc_vector_subcore>, window_params = [{transform_indices = #map}, {transform_indices = #map1}, {transform_indices = #map1}, {transform_indices = #map1}, {transform_indices = #map1}]} {
    %mul3A = arith.constant 2 : i32
    %mul3A_0 = arith.muli %arg1, %mul3A : i32
    %add3A = arith.addi %mul3A_0, %arg0 : i32
    %scan3A = arith.constant 0 : i32
    %scan3A_1 = arith.constant 0 : i32
    %scan3A_2 = arith.constant 13 : i32
    %scan3A_3 = arith.addi %scan3A_1, %scan3A_2 : i32
    %scan3A_4 = arith.constant 1 : i32
    scf.for %scan3A_6 = %scan3A_1 to %scan3A_3 step %scan3A_4  : i32 {
      %mul3A_7 = arith.constant 32 : i32
      %mul3A_8 = arith.muli %scan3A_6, %mul3A_7 : i32
      %add3A_9 = arith.addi %mul3A_8, %add3A : i32
      %lt3A = arith.constant 391 : i32
      %lt3A_10 = arith.cmpi slt, %add3A_9, %lt3A : i32
      %convert_element_type3A = arith.extui %lt3A_10 : i1 to i32
      %cond3A = arith.constant 0 : i32
      %cond3A_11 = arith.cmpi ne, %convert_element_type3A, %cond3A : i32
      scf.if %cond3A_11 {
        %mul3A_12 = arith.constant 128 : i32
        %mul3A_13 = arith.muli %add3A_9, %mul3A_12 : i32
        "tpu.region"() ({
          %run_scoped3A = tpu.sem_alloc : memref<!tpu.dma_semaphore, #tpu.memory_space<semaphore_mem>>
          %dma_start3A_24 = tpu.memref_slice %arg2[%mul3A_13] : memref<50048xi32, #tpu.memory_space<hbm>> -> memref<128xi32, #tpu.memory_space<hbm>>
          %dma_start3A_25 = tpu.memref_slice %arg2[%mul3A_13] : memref<50048xi32, #tpu.memory_space<hbm>> -> memref<128xi32, #tpu.memory_space<hbm>>
          tpu.enqueue_dma source(%dma_start3A_25 : memref<128xi32, #tpu.memory_space<hbm>>) target(%arg7 : memref<128xi32, #tpu.memory_space<vmem>>) target_semaphore(%run_scoped3A : memref<!tpu.dma_semaphore, #tpu.memory_space<semaphore_mem>>)
          %dma_wait3A_26 = tpu.memref_slice %arg2[%mul3A_13] : memref<50048xi32, #tpu.memory_space<hbm>> -> memref<128xi32, #tpu.memory_space<hbm>>
          %dma_wait3A_27 = tpu.memref_slice %arg2[%mul3A_13] : memref<50048xi32, #tpu.memory_space<hbm>> -> memref<128xi32, #tpu.memory_space<hbm>>
          tpu.wait_dma2 semaphore(%run_scoped3A : memref<!tpu.dma_semaphore, #tpu.memory_space<semaphore_mem>>) src(%dma_wait3A_27 : memref<128xi32, #tpu.memory_space<hbm>>) dst(%arg7 : memref<128xi32, #tpu.memory_space<vmem>>)
          tpu.yield
        }) : () -> ()
        %dma_start3A = arith.constant 0 : i32
        %dma_start3A_14 = arith.constant 0 : i32
        %dma_start3A_15 = tpu.memref_slice %arg3[%dma_start3A, %dma_start3A_14] : memref<95x32xf32, #tpu.memory_space<hbm>> -> memref<95x32xf32, #tpu.memory_space<hbm>>
        tpu.enqueue_indirect_dma source(%dma_start3A_15 : memref<95x32xf32, #tpu.memory_space<hbm>>) target(%arg8 : memref<128x32xf32, #tpu.memory_space<vmem>>) offsets(%arg7 : memref<128xi32, #tpu.memory_space<vmem>>) semaphore(%arg10 : memref<!tpu.dma_semaphore, #tpu.memory_space<semaphore_mem>>)
        %dma_wait3A = arith.constant 0 : i32
        %dma_wait3A_16 = arith.constant 0 : i32
        %dma_wait3A_17 = tpu.memref_slice %arg3[%dma_wait3A, %dma_wait3A_16] : memref<95x32xf32, #tpu.memory_space<hbm>> -> memref<95x32xf32, #tpu.memory_space<hbm>>
        tpu.wait_indirect_dma semaphore(%arg10 : memref<!tpu.dma_semaphore, #tpu.memory_space<semaphore_mem>>) src(%dma_wait3A_17 : memref<95x32xf32, #tpu.memory_space<hbm>>) dst(%arg8 : memref<128x32xf32, #tpu.memory_space<vmem>>)
        %dma_start3A_18 = arith.constant 0 : i32
        %dma_start3A_19 = arith.constant 0 : i32
        %dma_start3A_20 = tpu.memref_slice %arg4[%dma_start3A_18, %dma_start3A_19] : memref<95x32xf32, #tpu.memory_space<hbm>> -> memref<95x32xf32, #tpu.memory_space<hbm>>
        tpu.enqueue_indirect_dma source(%dma_start3A_20 : memref<95x32xf32, #tpu.memory_space<hbm>>) target(%arg9 : memref<128x32xf32, #tpu.memory_space<vmem>>) offsets(%arg7 : memref<128xi32, #tpu.memory_space<vmem>>) semaphore(%arg10 : memref<!tpu.dma_semaphore, #tpu.memory_space<semaphore_mem>>)
        %dma_wait3A_21 = arith.constant 0 : i32
        %dma_wait3A_22 = arith.constant 0 : i32
        %dma_wait3A_23 = tpu.memref_slice %arg4[%dma_wait3A_21, %dma_wait3A_22] : memref<95x32xf32, #tpu.memory_space<hbm>> -> memref<95x32xf32, #tpu.memory_space<hbm>>
        tpu.wait_indirect_dma semaphore(%arg10 : memref<!tpu.dma_semaphore, #tpu.memory_space<semaphore_mem>>) src(%dma_wait3A_23 : memref<95x32xf32, #tpu.memory_space<hbm>>) dst(%arg9 : memref<128x32xf32, #tpu.memory_space<vmem>>)
        "tpu.region"() ({
          %run_scoped3A = tpu.sem_alloc : memref<!tpu.dma_semaphore, #tpu.memory_space<semaphore_mem>>
          %dma_start3A_24 = arith.constant 0 : i32
          %dma_start3A_25 = tpu.memref_slice %arg5[%mul3A_13, %dma_start3A_24] : memref<50048x32xf32, #tpu.memory_space<hbm>> -> memref<128x32xf32, #tpu.memory_space<hbm>>
          %dma_start3A_26 = arith.constant 0 : i32
          %dma_start3A_27 = tpu.memref_slice %arg5[%mul3A_13, %dma_start3A_26] : memref<50048x32xf32, #tpu.memory_space<hbm>> -> memref<128x32xf32, #tpu.memory_space<hbm>>
          tpu.enqueue_dma source(%arg8 : memref<128x32xf32, #tpu.memory_space<vmem>>) target(%dma_start3A_27 : memref<128x32xf32, #tpu.memory_space<hbm>>) target_semaphore(%run_scoped3A : memref<!tpu.dma_semaphore, #tpu.memory_space<semaphore_mem>>)
          %dma_wait3A_28 = arith.constant 0 : i32
          %dma_wait3A_29 = tpu.memref_slice %arg5[%mul3A_13, %dma_wait3A_28] : memref<50048x32xf32, #tpu.memory_space<hbm>> -> memref<128x32xf32, #tpu.memory_space<hbm>>
          %dma_wait3A_30 = arith.constant 0 : i32
          %dma_wait3A_31 = tpu.memref_slice %arg5[%mul3A_13, %dma_wait3A_30] : memref<50048x32xf32, #tpu.memory_space<hbm>> -> memref<128x32xf32, #tpu.memory_space<hbm>>
          tpu.wait_dma2 semaphore(%run_scoped3A : memref<!tpu.dma_semaphore, #tpu.memory_space<semaphore_mem>>) src(%arg8 : memref<128x32xf32, #tpu.memory_space<vmem>>) dst(%dma_wait3A_31 : memref<128x32xf32, #tpu.memory_space<hbm>>)
          tpu.yield
        }) : () -> ()
        "tpu.region"() ({
          %run_scoped3A = tpu.sem_alloc : memref<!tpu.dma_semaphore, #tpu.memory_space<semaphore_mem>>
          %dma_start3A_24 = arith.constant 0 : i32
          %dma_start3A_25 = tpu.memref_slice %arg6[%mul3A_13, %dma_start3A_24] : memref<50048x32xf32, #tpu.memory_space<hbm>> -> memref<128x32xf32, #tpu.memory_space<hbm>>
          %dma_start3A_26 = arith.constant 0 : i32
          %dma_start3A_27 = tpu.memref_slice %arg6[%mul3A_13, %dma_start3A_26] : memref<50048x32xf32, #tpu.memory_space<hbm>> -> memref<128x32xf32, #tpu.memory_space<hbm>>
          tpu.enqueue_dma source(%arg9 : memref<128x32xf32, #tpu.memory_space<vmem>>) target(%dma_start3A_27 : memref<128x32xf32, #tpu.memory_space<hbm>>) target_semaphore(%run_scoped3A : memref<!tpu.dma_semaphore, #tpu.memory_space<semaphore_mem>>)
          %dma_wait3A_28 = arith.constant 0 : i32
          %dma_wait3A_29 = tpu.memref_slice %arg6[%mul3A_13, %dma_wait3A_28] : memref<50048x32xf32, #tpu.memory_space<hbm>> -> memref<128x32xf32, #tpu.memory_space<hbm>>
          %dma_wait3A_30 = arith.constant 0 : i32
          %dma_wait3A_31 = tpu.memref_slice %arg6[%mul3A_13, %dma_wait3A_30] : memref<50048x32xf32, #tpu.memory_space<hbm>> -> memref<128x32xf32, #tpu.memory_space<hbm>>
          tpu.wait_dma2 semaphore(%run_scoped3A : memref<!tpu.dma_semaphore, #tpu.memory_space<semaphore_mem>>) src(%arg9 : memref<128x32xf32, #tpu.memory_space<vmem>>) dst(%dma_wait3A_31 : memref<128x32xf32, #tpu.memory_space<hbm>>)
          tpu.yield
        }) : () -> ()
      } else {
      }
    }
    %scan3A_5 = arith.constant 13 : i32
    return
  }
}

#map = affine_map<(d0, d1) -> (0, 0)>
module attributes {stable_mosaic.version = 14 : i64} {
  func.func @k(%arg0: i32, %arg1: i32, %arg2: memref<50048x32xf32, #tpu.memory_space<hbm>>, %arg3: memref<50048x32xf32, #tpu.memory_space<hbm>>, %arg4: memref<50048x32xf32, #tpu.memory_space<hbm>>, %arg5: memref<50048x32xf32, #tpu.memory_space<hbm>>, %arg6: memref<6272x128xi32, #tpu.memory_space<hbm>>, %arg7: memref<6272x128xi32, #tpu.memory_space<hbm>>, %arg8: memref<800000x32xf32, #tpu.memory_space<hbm>>, %arg9: memref<800000x32xf32, #tpu.memory_space<hbm>>, %arg10: memref<800000x32xf32, #tpu.memory_space<hbm>>, %arg11: memref<196x128xi32, #tpu.memory_space<vmem>>, %arg12: memref<196x128xi32, #tpu.memory_space<vmem>>, %arg13: memref<128x32xf32, #tpu.memory_space<vmem>>, %arg14: memref<128x32xf32, #tpu.memory_space<vmem>>, %arg15: memref<128x32xf32, #tpu.memory_space<vmem>>, %arg16: memref<128x32xf32, #tpu.memory_space<vmem>>, %arg17: memref<128x32xf32, #tpu.memory_space<vmem>>, %arg18: memref<128x32xf32, #tpu.memory_space<vmem>>, %arg19: memref<128x32xf32, #tpu.memory_space<vmem>>, %arg20: memref<128x32xf32, #tpu.memory_space<vmem>>, %arg21: memref<!tpu.dma_semaphore, #tpu.memory_space<semaphore_mem>>, %arg22: memref<!tpu.dma_semaphore, #tpu.memory_space<semaphore_mem>>, %arg23: memref<!tpu.dma_semaphore, #tpu.memory_space<semaphore_mem>>, %arg24: memref<!tpu.dma_semaphore, #tpu.memory_space<semaphore_mem>>) attributes {dimension_semantics = [#tpu.dimension_semantics<core_parallel>, #tpu.dimension_semantics<subcore_parallel>], iteration_bounds = array<i64: 2, 16>, scalar_prefetch = 0 : i64, scratch_operands = 14 : i64, tpu.core_type = #tpu.core_type<sc_vector_subcore>, window_params = [{transform_indices = #map}, {transform_indices = #map}, {transform_indices = #map}, {transform_indices = #map}, {transform_indices = #map}, {transform_indices = #map}, {transform_indices = #map}, {transform_indices = #map}, {transform_indices = #map}]} {
    %mul3A = arith.constant 2 : i32
    %mul3A_0 = arith.muli %arg1, %mul3A : i32
    %add3A = arith.addi %mul3A_0, %arg0 : i32
    %lt3A = arith.constant 10 : i32
    %lt3A_1 = arith.cmpi slt, %add3A, %lt3A : i32
    %convert_element_type3A = arith.extui %lt3A_1 : i1 to i32
    %add3A_2 = arith.constant 195 : i32
    %add3A_3 = arith.addi %add3A_2, %convert_element_type3A : i32
    %mul3A_4 = arith.constant 195 : i32
    %mul3A_5 = arith.muli %add3A, %mul3A_4 : i32
    %min3A = arith.constant 10 : i32
    %min3A_6 = arith.minsi %add3A, %min3A : i32
    %add3A_7 = arith.addi %mul3A_5, %min3A_6 : i32
    "tpu.region"() ({
      %run_scoped3A = tpu.sem_alloc : memref<!tpu.dma_semaphore, #tpu.memory_space<semaphore_mem>>
      %dma_start3A = arith.constant 0 : i32
      %dma_start3A_13 = tpu.memref_slice %arg6[%add3A_7, %dma_start3A] : memref<6272x128xi32, #tpu.memory_space<hbm>> -> memref<196x128xi32, #tpu.memory_space<hbm>>
      %dma_start3A_14 = arith.constant 0 : i32
      %dma_start3A_15 = tpu.memref_slice %arg6[%add3A_7, %dma_start3A_14] : memref<6272x128xi32, #tpu.memory_space<hbm>> -> memref<196x128xi32, #tpu.memory_space<hbm>>
      tpu.enqueue_dma source(%dma_start3A_15 : memref<196x128xi32, #tpu.memory_space<hbm>>) target(%arg11 : memref<196x128xi32, #tpu.memory_space<vmem>>) target_semaphore(%run_scoped3A : memref<!tpu.dma_semaphore, #tpu.memory_space<semaphore_mem>>)
      %dma_wait3A = arith.constant 0 : i32
      %dma_wait3A_16 = tpu.memref_slice %arg6[%add3A_7, %dma_wait3A] : memref<6272x128xi32, #tpu.memory_space<hbm>> -> memref<196x128xi32, #tpu.memory_space<hbm>>
      %dma_wait3A_17 = arith.constant 0 : i32
      %dma_wait3A_18 = tpu.memref_slice %arg6[%add3A_7, %dma_wait3A_17] : memref<6272x128xi32, #tpu.memory_space<hbm>> -> memref<196x128xi32, #tpu.memory_space<hbm>>
      tpu.wait_dma2 semaphore(%run_scoped3A : memref<!tpu.dma_semaphore, #tpu.memory_space<semaphore_mem>>) src(%dma_wait3A_18 : memref<196x128xi32, #tpu.memory_space<hbm>>) dst(%arg11 : memref<196x128xi32, #tpu.memory_space<vmem>>)
      tpu.yield
    }) : () -> ()
    "tpu.region"() ({
      %run_scoped3A = tpu.sem_alloc : memref<!tpu.dma_semaphore, #tpu.memory_space<semaphore_mem>>
      %dma_start3A = arith.constant 0 : i32
      %dma_start3A_13 = tpu.memref_slice %arg7[%add3A_7, %dma_start3A] : memref<6272x128xi32, #tpu.memory_space<hbm>> -> memref<196x128xi32, #tpu.memory_space<hbm>>
      %dma_start3A_14 = arith.constant 0 : i32
      %dma_start3A_15 = tpu.memref_slice %arg7[%add3A_7, %dma_start3A_14] : memref<6272x128xi32, #tpu.memory_space<hbm>> -> memref<196x128xi32, #tpu.memory_space<hbm>>
      tpu.enqueue_dma source(%dma_start3A_15 : memref<196x128xi32, #tpu.memory_space<hbm>>) target(%arg12 : memref<196x128xi32, #tpu.memory_space<vmem>>) target_semaphore(%run_scoped3A : memref<!tpu.dma_semaphore, #tpu.memory_space<semaphore_mem>>)
      %dma_wait3A = arith.constant 0 : i32
      %dma_wait3A_16 = tpu.memref_slice %arg7[%add3A_7, %dma_wait3A] : memref<6272x128xi32, #tpu.memory_space<hbm>> -> memref<196x128xi32, #tpu.memory_space<hbm>>
      %dma_wait3A_17 = arith.constant 0 : i32
      %dma_wait3A_18 = tpu.memref_slice %arg7[%add3A_7, %dma_wait3A_17] : memref<6272x128xi32, #tpu.memory_space<hbm>> -> memref<196x128xi32, #tpu.memory_space<hbm>>
      tpu.wait_dma2 semaphore(%run_scoped3A : memref<!tpu.dma_semaphore, #tpu.memory_space<semaphore_mem>>) src(%dma_wait3A_18 : memref<196x128xi32, #tpu.memory_space<hbm>>) dst(%arg12 : memref<196x128xi32, #tpu.memory_space<vmem>>)
      tpu.yield
    }) : () -> ()
    %scan3A = arith.constant 0 : i32
    %scan3A_8 = arith.constant 0 : i32
    %scan3A_9 = arith.constant 99 : i32
    %scan3A_10 = arith.addi %scan3A_8, %scan3A_9 : i32
    %scan3A_11 = arith.constant 1 : i32
    scf.for %scan3A_13 = %scan3A_8 to %scan3A_10 step %scan3A_11  : i32 {
      %mul3A_14 = arith.constant 2 : i32
      %mul3A_15 = arith.muli %mul3A_14, %scan3A_13 : i32
      %mul3A_16 = arith.constant 2 : i32
      %mul3A_17 = arith.muli %mul3A_16, %scan3A_13 : i32
      %add3A_18 = arith.constant 1 : i32
      %add3A_19 = arith.addi %mul3A_17, %add3A_18 : i32
      %sub3A = arith.constant 2 : i32
      %sub3A_20 = arith.subi %mul3A_15, %sub3A : i32
      %ge3A = arith.constant 0 : i32
      %ge3A_21 = arith.cmpi sge, %sub3A_20, %ge3A : i32
      %lt3A_22 = arith.cmpi slt, %sub3A_20, %add3A_3 : i32
      %and3A = arith.andi %ge3A_21, %lt3A_22 : i1
      %convert_element_type3A_23 = arith.extui %and3A : i1 to i32
      %cond3A = arith.constant 0 : i32
      %cond3A_24 = arith.cmpi ne, %convert_element_type3A_23, %cond3A : i32
      scf.if %cond3A_24 {
        %dma_wait3A = arith.constant 0 : i32
        %dma_wait3A_58 = arith.constant 0 : i32
        %dma_wait3A_59 = tpu.memref_slice %arg8[%dma_wait3A, %dma_wait3A_58] : memref<800000x32xf32, #tpu.memory_space<hbm>> -> memref<128x32xf32, #tpu.memory_space<hbm>>
        %dma_wait3A_60 = arith.constant 0 : i32
        %dma_wait3A_61 = arith.constant 0 : i32
        %dma_wait3A_62 = tpu.memref_slice %arg8[%dma_wait3A_60, %dma_wait3A_61] : memref<800000x32xf32, #tpu.memory_space<hbm>> -> memref<128x32xf32, #tpu.memory_space<hbm>>
        tpu.wait_dma2 semaphore(%arg23 : memref<!tpu.dma_semaphore, #tpu.memory_space<semaphore_mem>>) src(%arg13 : memref<128x32xf32, #tpu.memory_space<vmem>>) dst(%dma_wait3A_62 : memref<128x32xf32, #tpu.memory_space<hbm>>)
        %dma_wait3A_63 = arith.constant 0 : i32
        %dma_wait3A_64 = arith.constant 0 : i32
        %dma_wait3A_65 = tpu.memref_slice %arg9[%dma_wait3A_63, %dma_wait3A_64] : memref<800000x32xf32, #tpu.memory_space<hbm>> -> memref<128x32xf32, #tpu.memory_space<hbm>>
        %dma_wait3A_66 = arith.constant 0 : i32
        %dma_wait3A_67 = arith.constant 0 : i32
        %dma_wait3A_68 = tpu.memref_slice %arg9[%dma_wait3A_66, %dma_wait3A_67] : memref<800000x32xf32, #tpu.memory_space<hbm>> -> memref<128x32xf32, #tpu.memory_space<hbm>>
        tpu.wait_dma2 semaphore(%arg23 : memref<!tpu.dma_semaphore, #tpu.memory_space<semaphore_mem>>) src(%arg15 : memref<128x32xf32, #tpu.memory_space<vmem>>) dst(%dma_wait3A_68 : memref<128x32xf32, #tpu.memory_space<hbm>>)
        %dma_wait3A_69 = arith.constant 0 : i32
        %dma_wait3A_70 = arith.constant 0 : i32
        %dma_wait3A_71 = tpu.memref_slice %arg10[%dma_wait3A_69, %dma_wait3A_70] : memref<800000x32xf32, #tpu.memory_space<hbm>> -> memref<128x32xf32, #tpu.memory_space<hbm>>
        %dma_wait3A_72 = arith.constant 0 : i32
        %dma_wait3A_73 = arith.constant 0 : i32
        %dma_wait3A_74 = tpu.memref_slice %arg10[%dma_wait3A_72, %dma_wait3A_73] : memref<800000x32xf32, #tpu.memory_space<hbm>> -> memref<128x32xf32, #tpu.memory_space<hbm>>
        tpu.wait_dma2 semaphore(%arg23 : memref<!tpu.dma_semaphore, #tpu.memory_space<semaphore_mem>>) src(%arg17 : memref<128x32xf32, #tpu.memory_space<vmem>>) dst(%dma_wait3A_74 : memref<128x32xf32, #tpu.memory_space<hbm>>)
      } else {
      }
      %lt3A_25 = arith.cmpi slt, %mul3A_15, %add3A_3 : i32
      %convert_element_type3A_26 = arith.extui %lt3A_25 : i1 to i32
      %cond3A_27 = arith.constant 0 : i32
      %cond3A_28 = arith.cmpi ne, %convert_element_type3A_26, %cond3A_27 : i32
      scf.if %cond3A_28 {
        %dma_start3A = arith.constant 0 : i32
        %dma_start3A_58 = tpu.memref_slice %arg11[%mul3A_15, %dma_start3A] : memref<196x128xi32, #tpu.memory_space<vmem>> -> memref<1x128xi32, #tpu.memory_space<vmem>>
        %dma_start3A_59 = tpu.memref_squeeze %dma_start3A_58 : memref<1x128xi32, #tpu.memory_space<vmem>> -> memref<128xi32, #tpu.memory_space<vmem>>
        %dma_start3A_60 = arith.constant 0 : i32
        %dma_start3A_61 = arith.constant 0 : i32
        %dma_start3A_62 = tpu.memref_slice %arg2[%dma_start3A_60, %dma_start3A_61] : memref<50048x32xf32, #tpu.memory_space<hbm>> -> memref<50048x32xf32, #tpu.memory_space<hbm>>
        tpu.enqueue_indirect_dma source(%dma_start3A_62 : memref<50048x32xf32, #tpu.memory_space<hbm>>) target(%arg13 : memref<128x32xf32, #tpu.memory_space<vmem>>) offsets(%dma_start3A_59 : memref<128xi32, #tpu.memory_space<vmem>>) semaphore(%arg21 : memref<!tpu.dma_semaphore, #tpu.memory_space<semaphore_mem>>)
        %dma_start3A_63 = arith.constant 0 : i32
        %dma_start3A_64 = tpu.memref_slice %arg12[%mul3A_15, %dma_start3A_63] : memref<196x128xi32, #tpu.memory_space<vmem>> -> memref<1x128xi32, #tpu.memory_space<vmem>>
        %dma_start3A_65 = tpu.memref_squeeze %dma_start3A_64 : memref<1x128xi32, #tpu.memory_space<vmem>> -> memref<128xi32, #tpu.memory_space<vmem>>
        %dma_start3A_66 = arith.constant 0 : i32
        %dma_start3A_67 = arith.constant 0 : i32
        %dma_start3A_68 = tpu.memref_slice %arg3[%dma_start3A_66, %dma_start3A_67] : memref<50048x32xf32, #tpu.memory_space<hbm>> -> memref<50048x32xf32, #tpu.memory_space<hbm>>
        tpu.enqueue_indirect_dma source(%dma_start3A_68 : memref<50048x32xf32, #tpu.memory_space<hbm>>) target(%arg15 : memref<128x32xf32, #tpu.memory_space<vmem>>) offsets(%dma_start3A_65 : memref<128xi32, #tpu.memory_space<vmem>>) semaphore(%arg21 : memref<!tpu.dma_semaphore, #tpu.memory_space<semaphore_mem>>)
        %dma_start3A_69 = arith.constant 0 : i32
        %dma_start3A_70 = tpu.memref_slice %arg11[%mul3A_15, %dma_start3A_69] : memref<196x128xi32, #tpu.memory_space<vmem>> -> memref<1x128xi32, #tpu.memory_space<vmem>>
        %dma_start3A_71 = tpu.memref_squeeze %dma_start3A_70 : memref<1x128xi32, #tpu.memory_space<vmem>> -> memref<128xi32, #tpu.memory_space<vmem>>
        %dma_start3A_72 = arith.constant 0 : i32
        %dma_start3A_73 = arith.constant 0 : i32
        %dma_start3A_74 = tpu.memref_slice %arg4[%dma_start3A_72, %dma_start3A_73] : memref<50048x32xf32, #tpu.memory_space<hbm>> -> memref<50048x32xf32, #tpu.memory_space<hbm>>
        tpu.enqueue_indirect_dma source(%dma_start3A_74 : memref<50048x32xf32, #tpu.memory_space<hbm>>) target(%arg17 : memref<128x32xf32, #tpu.memory_space<vmem>>) offsets(%dma_start3A_71 : memref<128xi32, #tpu.memory_space<vmem>>) semaphore(%arg21 : memref<!tpu.dma_semaphore, #tpu.memory_space<semaphore_mem>>)
        %dma_start3A_75 = arith.constant 0 : i32
        %dma_start3A_76 = tpu.memref_slice %arg12[%mul3A_15, %dma_start3A_75] : memref<196x128xi32, #tpu.memory_space<vmem>> -> memref<1x128xi32, #tpu.memory_space<vmem>>
        %dma_start3A_77 = tpu.memref_squeeze %dma_start3A_76 : memref<1x128xi32, #tpu.memory_space<vmem>> -> memref<128xi32, #tpu.memory_space<vmem>>
        %dma_start3A_78 = arith.constant 0 : i32
        %dma_start3A_79 = arith.constant 0 : i32
        %dma_start3A_80 = tpu.memref_slice %arg5[%dma_start3A_78, %dma_start3A_79] : memref<50048x32xf32, #tpu.memory_space<hbm>> -> memref<50048x32xf32, #tpu.memory_space<hbm>>
        tpu.enqueue_indirect_dma source(%dma_start3A_80 : memref<50048x32xf32, #tpu.memory_space<hbm>>) target(%arg19 : memref<128x32xf32, #tpu.memory_space<vmem>>) offsets(%dma_start3A_77 : memref<128xi32, #tpu.memory_space<vmem>>) semaphore(%arg21 : memref<!tpu.dma_semaphore, #tpu.memory_space<semaphore_mem>>)
      } else {
      }
      %sub3A_29 = arith.constant 1 : i32
      %sub3A_30 = arith.subi %mul3A_15, %sub3A_29 : i32
      %ge3A_31 = arith.constant 0 : i32
      %ge3A_32 = arith.cmpi sge, %sub3A_30, %ge3A_31 : i32
      %lt3A_33 = arith.cmpi slt, %sub3A_30, %add3A_3 : i32
      %and3A_34 = arith.andi %ge3A_32, %lt3A_33 : i1
      %convert_element_type3A_35 = arith.extui %and3A_34 : i1 to i32
      %cond3A_36 = arith.constant 0 : i32
      %cond3A_37 = arith.cmpi ne, %convert_element_type3A_35, %cond3A_36 : i32
      scf.if %cond3A_37 {
        %dma_wait3A = arith.constant 0 : i32
        %dma_wait3A_58 = arith.constant 0 : i32
        %dma_wait3A_59 = tpu.memref_slice %arg8[%dma_wait3A, %dma_wait3A_58] : memref<800000x32xf32, #tpu.memory_space<hbm>> -> memref<128x32xf32, #tpu.memory_space<hbm>>
        %dma_wait3A_60 = arith.constant 0 : i32
        %dma_wait3A_61 = arith.constant 0 : i32
        %dma_wait3A_62 = tpu.memref_slice %arg8[%dma_wait3A_60, %dma_wait3A_61] : memref<800000x32xf32, #tpu.memory_space<hbm>> -> memref<128x32xf32, #tpu.memory_space<hbm>>
        tpu.wait_dma2 semaphore(%arg22 : memref<!tpu.dma_semaphore, #tpu.memory_space<semaphore_mem>>) src(%dma_wait3A_62 : memref<128x32xf32, #tpu.memory_space<hbm>>) dst(%arg14 : memref<128x32xf32, #tpu.memory_space<vmem>>)
        %dma_wait3A_63 = arith.constant 0 : i32
        %dma_wait3A_64 = arith.constant 0 : i32
        %dma_wait3A_65 = tpu.memref_slice %arg8[%dma_wait3A_63, %dma_wait3A_64] : memref<800000x32xf32, #tpu.memory_space<hbm>> -> memref<128x32xf32, #tpu.memory_space<hbm>>
        %dma_wait3A_66 = arith.constant 0 : i32
        %dma_wait3A_67 = arith.constant 0 : i32
        %dma_wait3A_68 = tpu.memref_slice %arg8[%dma_wait3A_66, %dma_wait3A_67] : memref<800000x32xf32, #tpu.memory_space<hbm>> -> memref<128x32xf32, #tpu.memory_space<hbm>>
        tpu.wait_dma2 semaphore(%arg22 : memref<!tpu.dma_semaphore, #tpu.memory_space<semaphore_mem>>) src(%dma_wait3A_68 : memref<128x32xf32, #tpu.memory_space<hbm>>) dst(%arg16 : memref<128x32xf32, #tpu.memory_space<vmem>>)
        %dma_wait3A_69 = arith.constant 0 : i32
        %dma_wait3A_70 = arith.constant 0 : i32
        %dma_wait3A_71 = tpu.memref_slice %arg8[%dma_wait3A_69, %dma_wait3A_70] : memref<800000x32xf32, #tpu.memory_space<hbm>> -> memref<128x32xf32, #tpu.memory_space<hbm>>
        %dma_wait3A_72 = arith.constant 0 : i32
        %dma_wait3A_73 = arith.constant 0 : i32
        %dma_wait3A_74 = tpu.memref_slice %arg8[%dma_wait3A_72, %dma_wait3A_73] : memref<800000x32xf32, #tpu.memory_space<hbm>> -> memref<128x32xf32, #tpu.memory_space<hbm>>
        tpu.wait_dma2 semaphore(%arg22 : memref<!tpu.dma_semaphore, #tpu.memory_space<semaphore_mem>>) src(%dma_wait3A_74 : memref<128x32xf32, #tpu.memory_space<hbm>>) dst(%arg18 : memref<128x32xf32, #tpu.memory_space<vmem>>)
        %dma_wait3A_75 = arith.constant 0 : i32
        %dma_wait3A_76 = arith.constant 0 : i32
        %dma_wait3A_77 = tpu.memref_slice %arg8[%dma_wait3A_75, %dma_wait3A_76] : memref<800000x32xf32, #tpu.memory_space<hbm>> -> memref<128x32xf32, #tpu.memory_space<hbm>>
        %dma_wait3A_78 = arith.constant 0 : i32
        %dma_wait3A_79 = arith.constant 0 : i32
        %dma_wait3A_80 = tpu.memref_slice %arg8[%dma_wait3A_78, %dma_wait3A_79] : memref<800000x32xf32, #tpu.memory_space<hbm>> -> memref<128x32xf32, #tpu.memory_space<hbm>>
        tpu.wait_dma2 semaphore(%arg22 : memref<!tpu.dma_semaphore, #tpu.memory_space<semaphore_mem>>) src(%dma_wait3A_80 : memref<128x32xf32, #tpu.memory_space<hbm>>) dst(%arg20 : memref<128x32xf32, #tpu.memory_space<vmem>>)
        %scan3A_81 = arith.constant 0 : i32
        %scan3A_82 = arith.constant 0 : i32
        %scan3A_83 = arith.constant 32 : i32
        %scan3A_84 = arith.addi %scan3A_82, %scan3A_83 : i32
        %scan3A_85 = arith.constant 1 : i32
        scf.for %scan3A_101 = %scan3A_82 to %scan3A_84 step %scan3A_85  : i32 {
          %mul3A_102 = arith.constant 4 : i32
          %mul3A_103 = arith.muli %scan3A_101, %mul3A_102 : i32
          %add3A_104 = arith.constant 0 : i32
          %add3A_105 = arith.addi %mul3A_103, %add3A_104 : i32
          %get3A = arith.index_cast %add3A_105 : i32 to index
          %get3A_106 = arith.constant 0 : index
          %get3A_107 = tpu.vector_load %arg14[%get3A, %get3A_106] {strides = array<i32>} : memref<128x32xf32, #tpu.memory_space<vmem>>, vector<1x16xf32>,
          %get3A_108 = vector.shape_cast %get3A_107 : vector<1x16xf32> to vector<16xf32>
          %add3A_109 = arith.constant 0 : i32
          %add3A_110 = arith.addi %mul3A_103, %add3A_109 : i32
          %get3A_111 = arith.index_cast %add3A_110 : i32 to index
          %get3A_112 = arith.constant 0 : index
          %get3A_113 = tpu.vector_load %arg16[%get3A_111, %get3A_112] {strides = array<i32>} : memref<128x32xf32, #tpu.memory_space<vmem>>, vector<1x16xf32>,
          %get3A_114 = vector.shape_cast %get3A_113 : vector<1x16xf32> to vector<16xf32>
          %add3A_115 = arith.addf %get3A_108, %get3A_114 : vector<16xf32>
          %add3A_116 = arith.constant 0 : i32
          %add3A_117 = arith.addi %mul3A_103, %add3A_116 : i32
          %swap3A = arith.index_cast %add3A_117 : i32 to index
          %swap3A_118 = arith.constant 0 : index
          %swap3A_119 = tpu.vector_load %arg14[%swap3A, %swap3A_118] {strides = array<i32>} : memref<128x32xf32, #tpu.memory_space<vmem>>, vector<1x16xf32>,
          %swap3A_120 = vector.shape_cast %swap3A_119 : vector<1x16xf32> to vector<16xf32>
          %swap3A_121 = vector.shape_cast %add3A_115 : vector<16xf32> to vector<1x16xf32>
          tpu.vector_store %arg14[%swap3A, %swap3A_118], %swap3A_121 {strides = array<i32>} : memref<128x32xf32, #tpu.memory_space<vmem>>, vector<1x16xf32>,
          %add3A_122 = arith.constant 0 : i32
          %add3A_123 = arith.addi %mul3A_103, %add3A_122 : i32
          %get3A_124 = arith.index_cast %add3A_123 : i32 to index
          %get3A_125 = arith.constant 16 : index
          %get3A_126 = tpu.vector_load %arg14[%get3A_124, %get3A_125] {strides = array<i32>} : memref<128x32xf32, #tpu.memory_space<vmem>>, vector<1x16xf32>,
          %get3A_127 = vector.shape_cast %get3A_126 : vector<1x16xf32> to vector<16xf32>
          %add3A_128 = arith.constant 0 : i32
          %add3A_129 = arith.addi %mul3A_103, %add3A_128 : i32
          %get3A_130 = arith.index_cast %add3A_129 : i32 to index
          %get3A_131 = arith.constant 16 : index
          %get3A_132 = tpu.vector_load %arg16[%get3A_130, %get3A_131] {strides = array<i32>} : memref<128x32xf32, #tpu.memory_space<vmem>>, vector<1x16xf32>,
          %get3A_133 = vector.shape_cast %get3A_132 : vector<1x16xf32> to vector<16xf32>
          %add3A_134 = arith.addf %get3A_127, %get3A_133 : vector<16xf32>
          %add3A_135 = arith.constant 0 : i32
          %add3A_136 = arith.addi %mul3A_103, %add3A_135 : i32
          %swap3A_137 = arith.index_cast %add3A_136 : i32 to index
          %swap3A_138 = arith.constant 16 : index
          %swap3A_139 = tpu.vector_load %arg14[%swap3A_137, %swap3A_138] {strides = array<i32>} : memref<128x32xf32, #tpu.memory_space<vmem>>, vector<1x16xf32>,
          %swap3A_140 = vector.shape_cast %swap3A_139 : vector<1x16xf32> to vector<16xf32>
          %swap3A_141 = vector.shape_cast %add3A_134 : vector<16xf32> to vector<1x16xf32>
          tpu.vector_store %arg14[%swap3A_137, %swap3A_138], %swap3A_141 {strides = array<i32>} : memref<128x32xf32, #tpu.memory_space<vmem>>, vector<1x16xf32>,
          %add3A_142 = arith.constant 1 : i32
          %add3A_143 = arith.addi %mul3A_103, %add3A_142 : i32
          %get3A_144 = arith.index_cast %add3A_143 : i32 to index
          %get3A_145 = arith.constant 0 : index
          %get3A_146 = tpu.vector_load %arg14[%get3A_144, %get3A_145] {strides = array<i32>} : memref<128x32xf32, #tpu.memory_space<vmem>>, vector<1x16xf32>,
          %get3A_147 = vector.shape_cast %get3A_146 : vector<1x16xf32> to vector<16xf32>
          %add3A_148 = arith.constant 1 : i32
          %add3A_149 = arith.addi %mul3A_103, %add3A_148 : i32
          %get3A_150 = arith.index_cast %add3A_149 : i32 to index
          %get3A_151 = arith.constant 0 : index
          %get3A_152 = tpu.vector_load %arg16[%get3A_150, %get3A_151] {strides = array<i32>} : memref<128x32xf32, #tpu.memory_space<vmem>>, vector<1x16xf32>,
          %get3A_153 = vector.shape_cast %get3A_152 : vector<1x16xf32> to vector<16xf32>
          %add3A_154 = arith.addf %get3A_147, %get3A_153 : vector<16xf32>
          %add3A_155 = arith.constant 1 : i32
          %add3A_156 = arith.addi %mul3A_103, %add3A_155 : i32
          %swap3A_157 = arith.index_cast %add3A_156 : i32 to index
          %swap3A_158 = arith.constant 0 : index
          %swap3A_159 = tpu.vector_load %arg14[%swap3A_157, %swap3A_158] {strides = array<i32>} : memref<128x32xf32, #tpu.memory_space<vmem>>, vector<1x16xf32>,
          %swap3A_160 = vector.shape_cast %swap3A_159 : vector<1x16xf32> to vector<16xf32>
          %swap3A_161 = vector.shape_cast %add3A_154 : vector<16xf32> to vector<1x16xf32>
          tpu.vector_store %arg14[%swap3A_157, %swap3A_158], %swap3A_161 {strides = array<i32>} : memref<128x32xf32, #tpu.memory_space<vmem>>, vector<1x16xf32>,
          %add3A_162 = arith.constant 1 : i32
          %add3A_163 = arith.addi %mul3A_103, %add3A_162 : i32
          %get3A_164 = arith.index_cast %add3A_163 : i32 to index
          %get3A_165 = arith.constant 16 : index
          %get3A_166 = tpu.vector_load %arg14[%get3A_164, %get3A_165] {strides = array<i32>} : memref<128x32xf32, #tpu.memory_space<vmem>>, vector<1x16xf32>,
          %get3A_167 = vector.shape_cast %get3A_166 : vector<1x16xf32> to vector<16xf32>
          %add3A_168 = arith.constant 1 : i32
          %add3A_169 = arith.addi %mul3A_103, %add3A_168 : i32
          %get3A_170 = arith.index_cast %add3A_169 : i32 to index
          %get3A_171 = arith.constant 16 : index
          %get3A_172 = tpu.vector_load %arg16[%get3A_170, %get3A_171] {strides = array<i32>} : memref<128x32xf32, #tpu.memory_space<vmem>>, vector<1x16xf32>,
          %get3A_173 = vector.shape_cast %get3A_172 : vector<1x16xf32> to vector<16xf32>
          %add3A_174 = arith.addf %get3A_167, %get3A_173 : vector<16xf32>
          %add3A_175 = arith.constant 1 : i32
          %add3A_176 = arith.addi %mul3A_103, %add3A_175 : i32
          %swap3A_177 = arith.index_cast %add3A_176 : i32 to index
          %swap3A_178 = arith.constant 16 : index
          %swap3A_179 = tpu.vector_load %arg14[%swap3A_177, %swap3A_178] {strides = array<i32>} : memref<128x32xf32, #tpu.memory_space<vmem>>, vector<1x16xf32>,
          %swap3A_180 = vector.shape_cast %swap3A_179 : vector<1x16xf32> to vector<16xf32>
          %swap3A_181 = vector.shape_cast %add3A_174 : vector<16xf32> to vector<1x16xf32>
          tpu.vector_store %arg14[%swap3A_177, %swap3A_178], %swap3A_181 {strides = array<i32>} : memref<128x32xf32, #tpu.memory_space<vmem>>, vector<1x16xf32>,
          %add3A_182 = arith.constant 2 : i32
          %add3A_183 = arith.addi %mul3A_103, %add3A_182 : i32
          %get3A_184 = arith.index_cast %add3A_183 : i32 to index
          %get3A_185 = arith.constant 0 : index
          %get3A_186 = tpu.vector_load %arg14[%get3A_184, %get3A_185] {strides = array<i32>} : memref<128x32xf32, #tpu.memory_space<vmem>>, vector<1x16xf32>,
          %get3A_187 = vector.shape_cast %get3A_186 : vector<1x16xf32> to vector<16xf32>
          %add3A_188 = arith.constant 2 : i32
          %add3A_189 = arith.addi %mul3A_103, %add3A_188 : i32
          %get3A_190 = arith.index_cast %add3A_189 : i32 to index
          %get3A_191 = arith.constant 0 : index
          %get3A_192 = tpu.vector_load %arg16[%get3A_190, %get3A_191] {strides = array<i32>} : memref<128x32xf32, #tpu.memory_space<vmem>>, vector<1x16xf32>,
          %get3A_193 = vector.shape_cast %get3A_192 : vector<1x16xf32> to vector<16xf32>
          %add3A_194 = arith.addf %get3A_187, %get3A_193 : vector<16xf32>
          %add3A_195 = arith.constant 2 : i32
          %add3A_196 = arith.addi %mul3A_103, %add3A_195 : i32
          %swap3A_197 = arith.index_cast %add3A_196 : i32 to index
          %swap3A_198 = arith.constant 0 : index
          %swap3A_199 = tpu.vector_load %arg14[%swap3A_197, %swap3A_198] {strides = array<i32>} : memref<128x32xf32, #tpu.memory_space<vmem>>, vector<1x16xf32>,
          %swap3A_200 = vector.shape_cast %swap3A_199 : vector<1x16xf32> to vector<16xf32>
          %swap3A_201 = vector.shape_cast %add3A_194 : vector<16xf32> to vector<1x16xf32>
          tpu.vector_store %arg14[%swap3A_197, %swap3A_198], %swap3A_201 {strides = array<i32>} : memref<128x32xf32, #tpu.memory_space<vmem>>, vector<1x16xf32>,
          %add3A_202 = arith.constant 2 : i32
          %add3A_203 = arith.addi %mul3A_103, %add3A_202 : i32
          %get3A_204 = arith.index_cast %add3A_203 : i32 to index
          %get3A_205 = arith.constant 16 : index
          %get3A_206 = tpu.vector_load %arg14[%get3A_204, %get3A_205] {strides = array<i32>} : memref<128x32xf32, #tpu.memory_space<vmem>>, vector<1x16xf32>,
          %get3A_207 = vector.shape_cast %get3A_206 : vector<1x16xf32> to vector<16xf32>
          %add3A_208 = arith.constant 2 : i32
          %add3A_209 = arith.addi %mul3A_103, %add3A_208 : i32
          %get3A_210 = arith.index_cast %add3A_209 : i32 to index
          %get3A_211 = arith.constant 16 : index
          %get3A_212 = tpu.vector_load %arg16[%get3A_210, %get3A_211] {strides = array<i32>} : memref<128x32xf32, #tpu.memory_space<vmem>>, vector<1x16xf32>,
          %get3A_213 = vector.shape_cast %get3A_212 : vector<1x16xf32> to vector<16xf32>
          %add3A_214 = arith.addf %get3A_207, %get3A_213 : vector<16xf32>
          %add3A_215 = arith.constant 2 : i32
          %add3A_216 = arith.addi %mul3A_103, %add3A_215 : i32
          %swap3A_217 = arith.index_cast %add3A_216 : i32 to index
          %swap3A_218 = arith.constant 16 : index
          %swap3A_219 = tpu.vector_load %arg14[%swap3A_217, %swap3A_218] {strides = array<i32>} : memref<128x32xf32, #tpu.memory_space<vmem>>, vector<1x16xf32>,
          %swap3A_220 = vector.shape_cast %swap3A_219 : vector<1x16xf32> to vector<16xf32>
          %swap3A_221 = vector.shape_cast %add3A_214 : vector<16xf32> to vector<1x16xf32>
          tpu.vector_store %arg14[%swap3A_217, %swap3A_218], %swap3A_221 {strides = array<i32>} : memref<128x32xf32, #tpu.memory_space<vmem>>, vector<1x16xf32>,
          %add3A_222 = arith.constant 3 : i32
          %add3A_223 = arith.addi %mul3A_103, %add3A_222 : i32
          %get3A_224 = arith.index_cast %add3A_223 : i32 to index
          %get3A_225 = arith.constant 0 : index
          %get3A_226 = tpu.vector_load %arg14[%get3A_224, %get3A_225] {strides = array<i32>} : memref<128x32xf32, #tpu.memory_space<vmem>>, vector<1x16xf32>,
          %get3A_227 = vector.shape_cast %get3A_226 : vector<1x16xf32> to vector<16xf32>
          %add3A_228 = arith.constant 3 : i32
          %add3A_229 = arith.addi %mul3A_103, %add3A_228 : i32
          %get3A_230 = arith.index_cast %add3A_229 : i32 to index
          %get3A_231 = arith.constant 0 : index
          %get3A_232 = tpu.vector_load %arg16[%get3A_230, %get3A_231] {strides = array<i32>} : memref<128x32xf32, #tpu.memory_space<vmem>>, vector<1x16xf32>,
          %get3A_233 = vector.shape_cast %get3A_232 : vector<1x16xf32> to vector<16xf32>
          %add3A_234 = arith.addf %get3A_227, %get3A_233 : vector<16xf32>
          %add3A_235 = arith.constant 3 : i32
          %add3A_236 = arith.addi %mul3A_103, %add3A_235 : i32
          %swap3A_237 = arith.index_cast %add3A_236 : i32 to index
          %swap3A_238 = arith.constant 0 : index
          %swap3A_239 = tpu.vector_load %arg14[%swap3A_237, %swap3A_238] {strides = array<i32>} : memref<128x32xf32, #tpu.memory_space<vmem>>, vector<1x16xf32>,
          %swap3A_240 = vector.shape_cast %swap3A_239 : vector<1x16xf32> to vector<16xf32>
          %swap3A_241 = vector.shape_cast %add3A_234 : vector<16xf32> to vector<1x16xf32>
          tpu.vector_store %arg14[%swap3A_237, %swap3A_238], %swap3A_241 {strides = array<i32>} : memref<128x32xf32, #tpu.memory_space<vmem>>, vector<1x16xf32>,
          %add3A_242 = arith.constant 3 : i32
          %add3A_243 = arith.addi %mul3A_103, %add3A_242 : i32
          %get3A_244 = arith.index_cast %add3A_243 : i32 to index
          %get3A_245 = arith.constant 16 : index
          %get3A_246 = tpu.vector_load %arg14[%get3A_244, %get3A_245] {strides = array<i32>} : memref<128x32xf32, #tpu.memory_space<vmem>>, vector<1x16xf32>,
          %get3A_247 = vector.shape_cast %get3A_246 : vector<1x16xf32> to vector<16xf32>
          %add3A_248 = arith.constant 3 : i32
          %add3A_249 = arith.addi %mul3A_103, %add3A_248 : i32
          %get3A_250 = arith.index_cast %add3A_249 : i32 to index
          %get3A_251 = arith.constant 16 : index
          %get3A_252 = tpu.vector_load %arg16[%get3A_250, %get3A_251] {strides = array<i32>} : memref<128x32xf32, #tpu.memory_space<vmem>>, vector<1x16xf32>,
          %get3A_253 = vector.shape_cast %get3A_252 : vector<1x16xf32> to vector<16xf32>
          %add3A_254 = arith.addf %get3A_247, %get3A_253 : vector<16xf32>
          %add3A_255 = arith.constant 3 : i32
          %add3A_256 = arith.addi %mul3A_103, %add3A_255 : i32
          %swap3A_257 = arith.index_cast %add3A_256 : i32 to index
          %swap3A_258 = arith.constant 16 : index
          %swap3A_259 = tpu.vector_load %arg14[%swap3A_257, %swap3A_258] {strides = array<i32>} : memref<128x32xf32, #tpu.memory_space<vmem>>, vector<1x16xf32>,
          %swap3A_260 = vector.shape_cast %swap3A_259 : vector<1x16xf32> to vector<16xf32>
          %swap3A_261 = vector.shape_cast %add3A_254 : vector<16xf32> to vector<1x16xf32>
          tpu.vector_store %arg14[%swap3A_257, %swap3A_258], %swap3A_261 {strides = array<i32>} : memref<128x32xf32, #tpu.memory_space<vmem>>, vector<1x16xf32>,
        }
        %scan3A_86 = arith.constant 32 : i32
        %add3A_87 = arith.addi %add3A_7, %sub3A_30 : i32
        %mul3A_88 = arith.constant 128 : i32
        %mul3A_89 = arith.muli %add3A_87, %mul3A_88 : i32
        %dma_start3A = arith.constant 0 : i32
        %dma_start3A_90 = tpu.memref_slice %arg8[%mul3A_89, %dma_start3A] : memref<800000x32xf32, #tpu.memory_space<hbm>> -> memref<128x32xf32, #tpu.memory_space<hbm>>
        %dma_start3A_91 = arith.constant 0 : i32
        %dma_start3A_92 = tpu.memref_slice %arg8[%mul3A_89, %dma_start3A_91] : memref<800000x32xf32, #tpu.memory_space<hbm>> -> memref<128x32xf32, #tpu.memory_space<hbm>>
        tpu.enqueue_dma source(%arg14 : memref<128x32xf32, #tpu.memory_space<vmem>>) target(%dma_start3A_92 : memref<128x32xf32, #tpu.memory_space<hbm>>) target_semaphore(%arg24 : memref<!tpu.dma_semaphore, #tpu.memory_space<semaphore_mem>>)
        %dma_start3A_93 = arith.constant 0 : i32
        %dma_start3A_94 = tpu.memref_slice %arg9[%mul3A_89, %dma_start3A_93] : memref<800000x32xf32, #tpu.memory_space<hbm>> -> memref<128x32xf32, #tpu.memory_space<hbm>>
        %dma_start3A_95 = arith.constant 0 : i32
        %dma_start3A_96 = tpu.memref_slice %arg9[%mul3A_89, %dma_start3A_95] : memref<800000x32xf32, #tpu.memory_space<hbm>> -> memref<128x32xf32, #tpu.memory_space<hbm>>
        tpu.enqueue_dma source(%arg18 : memref<128x32xf32, #tpu.memory_space<vmem>>) target(%dma_start3A_96 : memref<128x32xf32, #tpu.memory_space<hbm>>) target_semaphore(%arg24 : memref<!tpu.dma_semaphore, #tpu.memory_space<semaphore_mem>>)
        %dma_start3A_97 = arith.constant 0 : i32
        %dma_start3A_98 = tpu.memref_slice %arg10[%mul3A_89, %dma_start3A_97] : memref<800000x32xf32, #tpu.memory_space<hbm>> -> memref<128x32xf32, #tpu.memory_space<hbm>>
        %dma_start3A_99 = arith.constant 0 : i32
        %dma_start3A_100 = tpu.memref_slice %arg10[%mul3A_89, %dma_start3A_99] : memref<800000x32xf32, #tpu.memory_space<hbm>> -> memref<128x32xf32, #tpu.memory_space<hbm>>
        tpu.enqueue_dma source(%arg20 : memref<128x32xf32, #tpu.memory_space<vmem>>) target(%dma_start3A_100 : memref<128x32xf32, #tpu.memory_space<hbm>>) target_semaphore(%arg24 : memref<!tpu.dma_semaphore, #tpu.memory_space<semaphore_mem>>)
      } else {
      }
      %sub3A_38 = arith.constant 2 : i32
      %sub3A_39 = arith.subi %add3A_19, %sub3A_38 : i32
      %ge3A_40 = arith.constant 0 : i32
      %ge3A_41 = arith.cmpi sge, %sub3A_39, %ge3A_40 : i32
      %lt3A_42 = arith.cmpi slt, %sub3A_39, %add3A_3 : i32
      %and3A_43 = arith.andi %ge3A_41, %lt3A_42 : i1
      %convert_element_type3A_44 = arith.extui %and3A_43 : i1 to i32
      %cond3A_45 = arith.constant 0 : i32
      %cond3A_46 = arith.cmpi ne, %convert_element_type3A_44, %cond3A_45 : i32
      scf.if %cond3A_46 {
        %dma_wait3A = arith.constant 0 : i32
        %dma_wait3A_58 = arith.constant 0 : i32
        %dma_wait3A_59 = tpu.memref_slice %arg8[%dma_wait3A, %dma_wait3A_58] : memref<800000x32xf32, #tpu.memory_space<hbm>> -> memref<128x32xf32, #tpu.memory_space<hbm>>
        %dma_wait3A_60 = arith.constant 0 : i32
        %dma_wait3A_61 = arith.constant 0 : i32
        %dma_wait3A_62 = tpu.memref_slice %arg8[%dma_wait3A_60, %dma_wait3A_61] : memref<800000x32xf32, #tpu.memory_space<hbm>> -> memref<128x32xf32, #tpu.memory_space<hbm>>
        tpu.wait_dma2 semaphore(%arg24 : memref<!tpu.dma_semaphore, #tpu.memory_space<semaphore_mem>>) src(%arg14 : memref<128x32xf32, #tpu.memory_space<vmem>>) dst(%dma_wait3A_62 : memref<128x32xf32, #tpu.memory_space<hbm>>)
        %dma_wait3A_63 = arith.constant 0 : i32
        %dma_wait3A_64 = arith.constant 0 : i32
        %dma_wait3A_65 = tpu.memref_slice %arg9[%dma_wait3A_63, %dma_wait3A_64] : memref<800000x32xf32, #tpu.memory_space<hbm>> -> memref<128x32xf32, #tpu.memory_space<hbm>>
        %dma_wait3A_66 = arith.constant 0 : i32
        %dma_wait3A_67 = arith.constant 0 : i32
        %dma_wait3A_68 = tpu.memref_slice %arg9[%dma_wait3A_66, %dma_wait3A_67] : memref<800000x32xf32, #tpu.memory_space<hbm>> -> memref<128x32xf32, #tpu.memory_space<hbm>>
        tpu.wait_dma2 semaphore(%arg24 : memref<!tpu.dma_semaphore, #tpu.memory_space<semaphore_mem>>) src(%arg16 : memref<128x32xf32, #tpu.memory_space<vmem>>) dst(%dma_wait3A_68 : memref<128x32xf32, #tpu.memory_space<hbm>>)
        %dma_wait3A_69 = arith.constant 0 : i32
        %dma_wait3A_70 = arith.constant 0 : i32
        %dma_wait3A_71 = tpu.memref_slice %arg10[%dma_wait3A_69, %dma_wait3A_70] : memref<800000x32xf32, #tpu.memory_space<hbm>> -> memref<128x32xf32, #tpu.memory_space<hbm>>
        %dma_wait3A_72 = arith.constant 0 : i32
        %dma_wait3A_73 = arith.constant 0 : i32
        %dma_wait3A_74 = tpu.memref_slice %arg10[%dma_wait3A_72, %dma_wait3A_73] : memref<800000x32xf32, #tpu.memory_space<hbm>> -> memref<128x32xf32, #tpu.memory_space<hbm>>
        tpu.wait_dma2 semaphore(%arg24 : memref<!tpu.dma_semaphore, #tpu.memory_space<semaphore_mem>>) src(%arg18 : memref<128x32xf32, #tpu.memory_space<vmem>>) dst(%dma_wait3A_74 : memref<128x32xf32, #tpu.memory_space<hbm>>)
      } else {
      }
      %lt3A_47 = arith.cmpi slt, %add3A_19, %add3A_3 : i32
      %convert_element_type3A_48 = arith.extui %lt3A_47 : i1 to i32
      %cond3A_49 = arith.constant 0 : i32
      %cond3A_50 = arith.cmpi ne, %convert_element_type3A_48, %cond3A_49 : i32
      scf.if %cond3A_50 {
        %dma_start3A = arith.constant 0 : i32
        %dma_start3A_58 = tpu.memref_slice %arg11[%add3A_19, %dma_start3A] : memref<196x128xi32, #tpu.memory_space<vmem>> -> memref<1x128xi32, #tpu.memory_space<vmem>>
        %dma_start3A_59 = tpu.memref_squeeze %dma_start3A_58 : memref<1x128xi32, #tpu.memory_space<vmem>> -> memref<128xi32, #tpu.memory_space<vmem>>
        %dma_start3A_60 = arith.constant 0 : i32
        %dma_start3A_61 = arith.constant 0 : i32
        %dma_start3A_62 = tpu.memref_slice %arg2[%dma_start3A_60, %dma_start3A_61] : memref<50048x32xf32, #tpu.memory_space<hbm>> -> memref<50048x32xf32, #tpu.memory_space<hbm>>
        tpu.enqueue_indirect_dma source(%dma_start3A_62 : memref<50048x32xf32, #tpu.memory_space<hbm>>) target(%arg14 : memref<128x32xf32, #tpu.memory_space<vmem>>) offsets(%dma_start3A_59 : memref<128xi32, #tpu.memory_space<vmem>>) semaphore(%arg22 : memref<!tpu.dma_semaphore, #tpu.memory_space<semaphore_mem>>)
        %dma_start3A_63 = arith.constant 0 : i32
        %dma_start3A_64 = tpu.memref_slice %arg12[%add3A_19, %dma_start3A_63] : memref<196x128xi32, #tpu.memory_space<vmem>> -> memref<1x128xi32, #tpu.memory_space<vmem>>
        %dma_start3A_65 = tpu.memref_squeeze %dma_start3A_64 : memref<1x128xi32, #tpu.memory_space<vmem>> -> memref<128xi32, #tpu.memory_space<vmem>>
        %dma_start3A_66 = arith.constant 0 : i32
        %dma_start3A_67 = arith.constant 0 : i32
        %dma_start3A_68 = tpu.memref_slice %arg3[%dma_start3A_66, %dma_start3A_67] : memref<50048x32xf32, #tpu.memory_space<hbm>> -> memref<50048x32xf32, #tpu.memory_space<hbm>>
        tpu.enqueue_indirect_dma source(%dma_start3A_68 : memref<50048x32xf32, #tpu.memory_space<hbm>>) target(%arg16 : memref<128x32xf32, #tpu.memory_space<vmem>>) offsets(%dma_start3A_65 : memref<128xi32, #tpu.memory_space<vmem>>) semaphore(%arg22 : memref<!tpu.dma_semaphore, #tpu.memory_space<semaphore_mem>>)
        %dma_start3A_69 = arith.constant 0 : i32
        %dma_start3A_70 = tpu.memref_slice %arg11[%add3A_19, %dma_start3A_69] : memref<196x128xi32, #tpu.memory_space<vmem>> -> memref<1x128xi32, #tpu.memory_space<vmem>>
        %dma_start3A_71 = tpu.memref_squeeze %dma_start3A_70 : memref<1x128xi32, #tpu.memory_space<vmem>> -> memref<128xi32, #tpu.memory_space<vmem>>
        %dma_start3A_72 = arith.constant 0 : i32
        %dma_start3A_73 = arith.constant 0 : i32
        %dma_start3A_74 = tpu.memref_slice %arg4[%dma_start3A_72, %dma_start3A_73] : memref<50048x32xf32, #tpu.memory_space<hbm>> -> memref<50048x32xf32, #tpu.memory_space<hbm>>
        tpu.enqueue_indirect_dma source(%dma_start3A_74 : memref<50048x32xf32, #tpu.memory_space<hbm>>) target(%arg18 : memref<128x32xf32, #tpu.memory_space<vmem>>) offsets(%dma_start3A_71 : memref<128xi32, #tpu.memory_space<vmem>>) semaphore(%arg22 : memref<!tpu.dma_semaphore, #tpu.memory_space<semaphore_mem>>)
        %dma_start3A_75 = arith.constant 0 : i32
        %dma_start3A_76 = tpu.memref_slice %arg12[%add3A_19, %dma_start3A_75] : memref<196x128xi32, #tpu.memory_space<vmem>> -> memref<1x128xi32, #tpu.memory_space<vmem>>
        %dma_start3A_77 = tpu.memref_squeeze %dma_start3A_76 : memref<1x128xi32, #tpu.memory_space<vmem>> -> memref<128xi32, #tpu.memory_space<vmem>>
        %dma_start3A_78 = arith.constant 0 : i32
        %dma_start3A_79 = arith.constant 0 : i32
        %dma_start3A_80 = tpu.memref_slice %arg5[%dma_start3A_78, %dma_start3A_79] : memref<50048x32xf32, #tpu.memory_space<hbm>> -> memref<50048x32xf32, #tpu.memory_space<hbm>>
        tpu.enqueue_indirect_dma source(%dma_start3A_80 : memref<50048x32xf32, #tpu.memory_space<hbm>>) target(%arg20 : memref<128x32xf32, #tpu.memory_space<vmem>>) offsets(%dma_start3A_77 : memref<128xi32, #tpu.memory_space<vmem>>) semaphore(%arg22 : memref<!tpu.dma_semaphore, #tpu.memory_space<semaphore_mem>>)
      } else {
      }
      %ge3A_51 = arith.constant 0 : i32
      %ge3A_52 = arith.cmpi sge, %mul3A_15, %ge3A_51 : i32
      %lt3A_53 = arith.cmpi slt, %mul3A_15, %add3A_3 : i32
      %and3A_54 = arith.andi %ge3A_52, %lt3A_53 : i1
      %convert_element_type3A_55 = arith.extui %and3A_54 : i1 to i32
      %cond3A_56 = arith.constant 0 : i32
      %cond3A_57 = arith.cmpi ne, %convert_element_type3A_55, %cond3A_56 : i32
      scf.if %cond3A_57 {
        %dma_wait3A = arith.constant 0 : i32
        %dma_wait3A_58 = arith.constant 0 : i32
        %dma_wait3A_59 = tpu.memref_slice %arg8[%dma_wait3A, %dma_wait3A_58] : memref<800000x32xf32, #tpu.memory_space<hbm>> -> memref<128x32xf32, #tpu.memory_space<hbm>>
        %dma_wait3A_60 = arith.constant 0 : i32
        %dma_wait3A_61 = arith.constant 0 : i32
        %dma_wait3A_62 = tpu.memref_slice %arg8[%dma_wait3A_60, %dma_wait3A_61] : memref<800000x32xf32, #tpu.memory_space<hbm>> -> memref<128x32xf32, #tpu.memory_space<hbm>>
        tpu.wait_dma2 semaphore(%arg21 : memref<!tpu.dma_semaphore, #tpu.memory_space<semaphore_mem>>) src(%dma_wait3A_62 : memref<128x32xf32, #tpu.memory_space<hbm>>) dst(%arg13 : memref<128x32xf32, #tpu.memory_space<vmem>>)
        %dma_wait3A_63 = arith.constant 0 : i32
        %dma_wait3A_64 = arith.constant 0 : i32
        %dma_wait3A_65 = tpu.memref_slice %arg8[%dma_wait3A_63, %dma_wait3A_64] : memref<800000x32xf32, #tpu.memory_space<hbm>> -> memref<128x32xf32, #tpu.memory_space<hbm>>
        %dma_wait3A_66 = arith.constant 0 : i32
        %dma_wait3A_67 = arith.constant 0 : i32
        %dma_wait3A_68 = tpu.memref_slice %arg8[%dma_wait3A_66, %dma_wait3A_67] : memref<800000x32xf32, #tpu.memory_space<hbm>> -> memref<128x32xf32, #tpu.memory_space<hbm>>
        tpu.wait_dma2 semaphore(%arg21 : memref<!tpu.dma_semaphore, #tpu.memory_space<semaphore_mem>>) src(%dma_wait3A_68 : memref<128x32xf32, #tpu.memory_space<hbm>>) dst(%arg15 : memref<128x32xf32, #tpu.memory_space<vmem>>)
        %dma_wait3A_69 = arith.constant 0 : i32
        %dma_wait3A_70 = arith.constant 0 : i32
        %dma_wait3A_71 = tpu.memref_slice %arg8[%dma_wait3A_69, %dma_wait3A_70] : memref<800000x32xf32, #tpu.memory_space<hbm>> -> memref<128x32xf32, #tpu.memory_space<hbm>>
        %dma_wait3A_72 = arith.constant 0 : i32
        %dma_wait3A_73 = arith.constant 0 : i32
        %dma_wait3A_74 = tpu.memref_slice %arg8[%dma_wait3A_72, %dma_wait3A_73] : memref<800000x32xf32, #tpu.memory_space<hbm>> -> memref<128x32xf32, #tpu.memory_space<hbm>>
        tpu.wait_dma2 semaphore(%arg21 : memref<!tpu.dma_semaphore, #tpu.memory_space<semaphore_mem>>) src(%dma_wait3A_74 : memref<128x32xf32, #tpu.memory_space<hbm>>) dst(%arg17 : memref<128x32xf32, #tpu.memory_space<vmem>>)
        %dma_wait3A_75 = arith.constant 0 : i32
        %dma_wait3A_76 = arith.constant 0 : i32
        %dma_wait3A_77 = tpu.memref_slice %arg8[%dma_wait3A_75, %dma_wait3A_76] : memref<800000x32xf32, #tpu.memory_space<hbm>> -> memref<128x32xf32, #tpu.memory_space<hbm>>
        %dma_wait3A_78 = arith.constant 0 : i32
        %dma_wait3A_79 = arith.constant 0 : i32
        %dma_wait3A_80 = tpu.memref_slice %arg8[%dma_wait3A_78, %dma_wait3A_79] : memref<800000x32xf32, #tpu.memory_space<hbm>> -> memref<128x32xf32, #tpu.memory_space<hbm>>
        tpu.wait_dma2 semaphore(%arg21 : memref<!tpu.dma_semaphore, #tpu.memory_space<semaphore_mem>>) src(%dma_wait3A_80 : memref<128x32xf32, #tpu.memory_space<hbm>>) dst(%arg19 : memref<128x32xf32, #tpu.memory_space<vmem>>)
        %scan3A_81 = arith.constant 0 : i32
        %scan3A_82 = arith.constant 0 : i32
        %scan3A_83 = arith.constant 32 : i32
        %scan3A_84 = arith.addi %scan3A_82, %scan3A_83 : i32
        %scan3A_85 = arith.constant 1 : i32
        scf.for %scan3A_101 = %scan3A_82 to %scan3A_84 step %scan3A_85  : i32 {
          %mul3A_102 = arith.constant 4 : i32
          %mul3A_103 = arith.muli %scan3A_101, %mul3A_102 : i32
          %add3A_104 = arith.constant 0 : i32
          %add3A_105 = arith.addi %mul3A_103, %add3A_104 : i32
          %get3A = arith.index_cast %add3A_105 : i32 to index
          %get3A_106 = arith.constant 0 : index
          %get3A_107 = tpu.vector_load %arg13[%get3A, %get3A_106] {strides = array<i32>} : memref<128x32xf32, #tpu.memory_space<vmem>>, vector<1x16xf32>,
          %get3A_108 = vector.shape_cast %get3A_107 : vector<1x16xf32> to vector<16xf32>
          %add3A_109 = arith.constant 0 : i32
          %add3A_110 = arith.addi %mul3A_103, %add3A_109 : i32
          %get3A_111 = arith.index_cast %add3A_110 : i32 to index
          %get3A_112 = arith.constant 0 : index
          %get3A_113 = tpu.vector_load %arg15[%get3A_111, %get3A_112] {strides = array<i32>} : memref<128x32xf32, #tpu.memory_space<vmem>>, vector<1x16xf32>,
          %get3A_114 = vector.shape_cast %get3A_113 : vector<1x16xf32> to vector<16xf32>
          %add3A_115 = arith.addf %get3A_108, %get3A_114 : vector<16xf32>
          %add3A_116 = arith.constant 0 : i32
          %add3A_117 = arith.addi %mul3A_103, %add3A_116 : i32
          %swap3A = arith.index_cast %add3A_117 : i32 to index
          %swap3A_118 = arith.constant 0 : index
          %swap3A_119 = tpu.vector_load %arg13[%swap3A, %swap3A_118] {strides = array<i32>} : memref<128x32xf32, #tpu.memory_space<vmem>>, vector<1x16xf32>,
          %swap3A_120 = vector.shape_cast %swap3A_119 : vector<1x16xf32> to vector<16xf32>
          %swap3A_121 = vector.shape_cast %add3A_115 : vector<16xf32> to vector<1x16xf32>
          tpu.vector_store %arg13[%swap3A, %swap3A_118], %swap3A_121 {strides = array<i32>} : memref<128x32xf32, #tpu.memory_space<vmem>>, vector<1x16xf32>,
          %add3A_122 = arith.constant 0 : i32
          %add3A_123 = arith.addi %mul3A_103, %add3A_122 : i32
          %get3A_124 = arith.index_cast %add3A_123 : i32 to index
          %get3A_125 = arith.constant 16 : index
          %get3A_126 = tpu.vector_load %arg13[%get3A_124, %get3A_125] {strides = array<i32>} : memref<128x32xf32, #tpu.memory_space<vmem>>, vector<1x16xf32>,
          %get3A_127 = vector.shape_cast %get3A_126 : vector<1x16xf32> to vector<16xf32>
          %add3A_128 = arith.constant 0 : i32
          %add3A_129 = arith.addi %mul3A_103, %add3A_128 : i32
          %get3A_130 = arith.index_cast %add3A_129 : i32 to index
          %get3A_131 = arith.constant 16 : index
          %get3A_132 = tpu.vector_load %arg15[%get3A_130, %get3A_131] {strides = array<i32>} : memref<128x32xf32, #tpu.memory_space<vmem>>, vector<1x16xf32>,
          %get3A_133 = vector.shape_cast %get3A_132 : vector<1x16xf32> to vector<16xf32>
          %add3A_134 = arith.addf %get3A_127, %get3A_133 : vector<16xf32>
          %add3A_135 = arith.constant 0 : i32
          %add3A_136 = arith.addi %mul3A_103, %add3A_135 : i32
          %swap3A_137 = arith.index_cast %add3A_136 : i32 to index
          %swap3A_138 = arith.constant 16 : index
          %swap3A_139 = tpu.vector_load %arg13[%swap3A_137, %swap3A_138] {strides = array<i32>} : memref<128x32xf32, #tpu.memory_space<vmem>>, vector<1x16xf32>,
          %swap3A_140 = vector.shape_cast %swap3A_139 : vector<1x16xf32> to vector<16xf32>
          %swap3A_141 = vector.shape_cast %add3A_134 : vector<16xf32> to vector<1x16xf32>
          tpu.vector_store %arg13[%swap3A_137, %swap3A_138], %swap3A_141 {strides = array<i32>} : memref<128x32xf32, #tpu.memory_space<vmem>>, vector<1x16xf32>,
          %add3A_142 = arith.constant 1 : i32
          %add3A_143 = arith.addi %mul3A_103, %add3A_142 : i32
          %get3A_144 = arith.index_cast %add3A_143 : i32 to index
          %get3A_145 = arith.constant 0 : index
          %get3A_146 = tpu.vector_load %arg13[%get3A_144, %get3A_145] {strides = array<i32>} : memref<128x32xf32, #tpu.memory_space<vmem>>, vector<1x16xf32>,
          %get3A_147 = vector.shape_cast %get3A_146 : vector<1x16xf32> to vector<16xf32>
          %add3A_148 = arith.constant 1 : i32
          %add3A_149 = arith.addi %mul3A_103, %add3A_148 : i32
          %get3A_150 = arith.index_cast %add3A_149 : i32 to index
          %get3A_151 = arith.constant 0 : index
          %get3A_152 = tpu.vector_load %arg15[%get3A_150, %get3A_151] {strides = array<i32>} : memref<128x32xf32, #tpu.memory_space<vmem>>, vector<1x16xf32>,
          %get3A_153 = vector.shape_cast %get3A_152 : vector<1x16xf32> to vector<16xf32>
          %add3A_154 = arith.addf %get3A_147, %get3A_153 : vector<16xf32>
          %add3A_155 = arith.constant 1 : i32
          %add3A_156 = arith.addi %mul3A_103, %add3A_155 : i32
          %swap3A_157 = arith.index_cast %add3A_156 : i32 to index
          %swap3A_158 = arith.constant 0 : index
          %swap3A_159 = tpu.vector_load %arg13[%swap3A_157, %swap3A_158] {strides = array<i32>} : memref<128x32xf32, #tpu.memory_space<vmem>>, vector<1x16xf32>,
          %swap3A_160 = vector.shape_cast %swap3A_159 : vector<1x16xf32> to vector<16xf32>
          %swap3A_161 = vector.shape_cast %add3A_154 : vector<16xf32> to vector<1x16xf32>
          tpu.vector_store %arg13[%swap3A_157, %swap3A_158], %swap3A_161 {strides = array<i32>} : memref<128x32xf32, #tpu.memory_space<vmem>>, vector<1x16xf32>,
          %add3A_162 = arith.constant 1 : i32
          %add3A_163 = arith.addi %mul3A_103, %add3A_162 : i32
          %get3A_164 = arith.index_cast %add3A_163 : i32 to index
          %get3A_165 = arith.constant 16 : index
          %get3A_166 = tpu.vector_load %arg13[%get3A_164, %get3A_165] {strides = array<i32>} : memref<128x32xf32, #tpu.memory_space<vmem>>, vector<1x16xf32>,
          %get3A_167 = vector.shape_cast %get3A_166 : vector<1x16xf32> to vector<16xf32>
          %add3A_168 = arith.constant 1 : i32
          %add3A_169 = arith.addi %mul3A_103, %add3A_168 : i32
          %get3A_170 = arith.index_cast %add3A_169 : i32 to index
          %get3A_171 = arith.constant 16 : index
          %get3A_172 = tpu.vector_load %arg15[%get3A_170, %get3A_171] {strides = array<i32>} : memref<128x32xf32, #tpu.memory_space<vmem>>, vector<1x16xf32>,
          %get3A_173 = vector.shape_cast %get3A_172 : vector<1x16xf32> to vector<16xf32>
          %add3A_174 = arith.addf %get3A_167, %get3A_173 : vector<16xf32>
          %add3A_175 = arith.constant 1 : i32
          %add3A_176 = arith.addi %mul3A_103, %add3A_175 : i32
          %swap3A_177 = arith.index_cast %add3A_176 : i32 to index
          %swap3A_178 = arith.constant 16 : index
          %swap3A_179 = tpu.vector_load %arg13[%swap3A_177, %swap3A_178] {strides = array<i32>} : memref<128x32xf32, #tpu.memory_space<vmem>>, vector<1x16xf32>,
          %swap3A_180 = vector.shape_cast %swap3A_179 : vector<1x16xf32> to vector<16xf32>
          %swap3A_181 = vector.shape_cast %add3A_174 : vector<16xf32> to vector<1x16xf32>
          tpu.vector_store %arg13[%swap3A_177, %swap3A_178], %swap3A_181 {strides = array<i32>} : memref<128x32xf32, #tpu.memory_space<vmem>>, vector<1x16xf32>,
          %add3A_182 = arith.constant 2 : i32
          %add3A_183 = arith.addi %mul3A_103, %add3A_182 : i32
          %get3A_184 = arith.index_cast %add3A_183 : i32 to index
          %get3A_185 = arith.constant 0 : index
          %get3A_186 = tpu.vector_load %arg13[%get3A_184, %get3A_185] {strides = array<i32>} : memref<128x32xf32, #tpu.memory_space<vmem>>, vector<1x16xf32>,
          %get3A_187 = vector.shape_cast %get3A_186 : vector<1x16xf32> to vector<16xf32>
          %add3A_188 = arith.constant 2 : i32
          %add3A_189 = arith.addi %mul3A_103, %add3A_188 : i32
          %get3A_190 = arith.index_cast %add3A_189 : i32 to index
          %get3A_191 = arith.constant 0 : index
          %get3A_192 = tpu.vector_load %arg15[%get3A_190, %get3A_191] {strides = array<i32>} : memref<128x32xf32, #tpu.memory_space<vmem>>, vector<1x16xf32>,
          %get3A_193 = vector.shape_cast %get3A_192 : vector<1x16xf32> to vector<16xf32>
          %add3A_194 = arith.addf %get3A_187, %get3A_193 : vector<16xf32>
          %add3A_195 = arith.constant 2 : i32
          %add3A_196 = arith.addi %mul3A_103, %add3A_195 : i32
          %swap3A_197 = arith.index_cast %add3A_196 : i32 to index
          %swap3A_198 = arith.constant 0 : index
          %swap3A_199 = tpu.vector_load %arg13[%swap3A_197, %swap3A_198] {strides = array<i32>} : memref<128x32xf32, #tpu.memory_space<vmem>>, vector<1x16xf32>,
          %swap3A_200 = vector.shape_cast %swap3A_199 : vector<1x16xf32> to vector<16xf32>
          %swap3A_201 = vector.shape_cast %add3A_194 : vector<16xf32> to vector<1x16xf32>
          tpu.vector_store %arg13[%swap3A_197, %swap3A_198], %swap3A_201 {strides = array<i32>} : memref<128x32xf32, #tpu.memory_space<vmem>>, vector<1x16xf32>,
          %add3A_202 = arith.constant 2 : i32
          %add3A_203 = arith.addi %mul3A_103, %add3A_202 : i32
          %get3A_204 = arith.index_cast %add3A_203 : i32 to index
          %get3A_205 = arith.constant 16 : index
          %get3A_206 = tpu.vector_load %arg13[%get3A_204, %get3A_205] {strides = array<i32>} : memref<128x32xf32, #tpu.memory_space<vmem>>, vector<1x16xf32>,
          %get3A_207 = vector.shape_cast %get3A_206 : vector<1x16xf32> to vector<16xf32>
          %add3A_208 = arith.constant 2 : i32
          %add3A_209 = arith.addi %mul3A_103, %add3A_208 : i32
          %get3A_210 = arith.index_cast %add3A_209 : i32 to index
          %get3A_211 = arith.constant 16 : index
          %get3A_212 = tpu.vector_load %arg15[%get3A_210, %get3A_211] {strides = array<i32>} : memref<128x32xf32, #tpu.memory_space<vmem>>, vector<1x16xf32>,
          %get3A_213 = vector.shape_cast %get3A_212 : vector<1x16xf32> to vector<16xf32>
          %add3A_214 = arith.addf %get3A_207, %get3A_213 : vector<16xf32>
          %add3A_215 = arith.constant 2 : i32
          %add3A_216 = arith.addi %mul3A_103, %add3A_215 : i32
          %swap3A_217 = arith.index_cast %add3A_216 : i32 to index
          %swap3A_218 = arith.constant 16 : index
          %swap3A_219 = tpu.vector_load %arg13[%swap3A_217, %swap3A_218] {strides = array<i32>} : memref<128x32xf32, #tpu.memory_space<vmem>>, vector<1x16xf32>,
          %swap3A_220 = vector.shape_cast %swap3A_219 : vector<1x16xf32> to vector<16xf32>
          %swap3A_221 = vector.shape_cast %add3A_214 : vector<16xf32> to vector<1x16xf32>
          tpu.vector_store %arg13[%swap3A_217, %swap3A_218], %swap3A_221 {strides = array<i32>} : memref<128x32xf32, #tpu.memory_space<vmem>>, vector<1x16xf32>,
          %add3A_222 = arith.constant 3 : i32
          %add3A_223 = arith.addi %mul3A_103, %add3A_222 : i32
          %get3A_224 = arith.index_cast %add3A_223 : i32 to index
          %get3A_225 = arith.constant 0 : index
          %get3A_226 = tpu.vector_load %arg13[%get3A_224, %get3A_225] {strides = array<i32>} : memref<128x32xf32, #tpu.memory_space<vmem>>, vector<1x16xf32>,
          %get3A_227 = vector.shape_cast %get3A_226 : vector<1x16xf32> to vector<16xf32>
          %add3A_228 = arith.constant 3 : i32
          %add3A_229 = arith.addi %mul3A_103, %add3A_228 : i32
          %get3A_230 = arith.index_cast %add3A_229 : i32 to index
          %get3A_231 = arith.constant 0 : index
          %get3A_232 = tpu.vector_load %arg15[%get3A_230, %get3A_231] {strides = array<i32>} : memref<128x32xf32, #tpu.memory_space<vmem>>, vector<1x16xf32>,
          %get3A_233 = vector.shape_cast %get3A_232 : vector<1x16xf32> to vector<16xf32>
          %add3A_234 = arith.addf %get3A_227, %get3A_233 : vector<16xf32>
          %add3A_235 = arith.constant 3 : i32
          %add3A_236 = arith.addi %mul3A_103, %add3A_235 : i32
          %swap3A_237 = arith.index_cast %add3A_236 : i32 to index
          %swap3A_238 = arith.constant 0 : index
          %swap3A_239 = tpu.vector_load %arg13[%swap3A_237, %swap3A_238] {strides = array<i32>} : memref<128x32xf32, #tpu.memory_space<vmem>>, vector<1x16xf32>,
          %swap3A_240 = vector.shape_cast %swap3A_239 : vector<1x16xf32> to vector<16xf32>
          %swap3A_241 = vector.shape_cast %add3A_234 : vector<16xf32> to vector<1x16xf32>
          tpu.vector_store %arg13[%swap3A_237, %swap3A_238], %swap3A_241 {strides = array<i32>} : memref<128x32xf32, #tpu.memory_space<vmem>>, vector<1x16xf32>,
          %add3A_242 = arith.constant 3 : i32
          %add3A_243 = arith.addi %mul3A_103, %add3A_242 : i32
          %get3A_244 = arith.index_cast %add3A_243 : i32 to index
          %get3A_245 = arith.constant 16 : index
          %get3A_246 = tpu.vector_load %arg13[%get3A_244, %get3A_245] {strides = array<i32>} : memref<128x32xf32, #tpu.memory_space<vmem>>, vector<1x16xf32>,
          %get3A_247 = vector.shape_cast %get3A_246 : vector<1x16xf32> to vector<16xf32>
          %add3A_248 = arith.constant 3 : i32
          %add3A_249 = arith.addi %mul3A_103, %add3A_248 : i32
          %get3A_250 = arith.index_cast %add3A_249 : i32 to index
          %get3A_251 = arith.constant 16 : index
          %get3A_252 = tpu.vector_load %arg15[%get3A_250, %get3A_251] {strides = array<i32>} : memref<128x32xf32, #tpu.memory_space<vmem>>, vector<1x16xf32>,
          %get3A_253 = vector.shape_cast %get3A_252 : vector<1x16xf32> to vector<16xf32>
          %add3A_254 = arith.addf %get3A_247, %get3A_253 : vector<16xf32>
          %add3A_255 = arith.constant 3 : i32
          %add3A_256 = arith.addi %mul3A_103, %add3A_255 : i32
          %swap3A_257 = arith.index_cast %add3A_256 : i32 to index
          %swap3A_258 = arith.constant 16 : index
          %swap3A_259 = tpu.vector_load %arg13[%swap3A_257, %swap3A_258] {strides = array<i32>} : memref<128x32xf32, #tpu.memory_space<vmem>>, vector<1x16xf32>,
          %swap3A_260 = vector.shape_cast %swap3A_259 : vector<1x16xf32> to vector<16xf32>
          %swap3A_261 = vector.shape_cast %add3A_254 : vector<16xf32> to vector<1x16xf32>
          tpu.vector_store %arg13[%swap3A_257, %swap3A_258], %swap3A_261 {strides = array<i32>} : memref<128x32xf32, #tpu.memory_space<vmem>>, vector<1x16xf32>,
        }
        %scan3A_86 = arith.constant 32 : i32
        %add3A_87 = arith.addi %add3A_7, %mul3A_15 : i32
        %mul3A_88 = arith.constant 128 : i32
        %mul3A_89 = arith.muli %add3A_87, %mul3A_88 : i32
        %dma_start3A = arith.constant 0 : i32
        %dma_start3A_90 = tpu.memref_slice %arg8[%mul3A_89, %dma_start3A] : memref<800000x32xf32, #tpu.memory_space<hbm>> -> memref<128x32xf32, #tpu.memory_space<hbm>>
        %dma_start3A_91 = arith.constant 0 : i32
        %dma_start3A_92 = tpu.memref_slice %arg8[%mul3A_89, %dma_start3A_91] : memref<800000x32xf32, #tpu.memory_space<hbm>> -> memref<128x32xf32, #tpu.memory_space<hbm>>
        tpu.enqueue_dma source(%arg13 : memref<128x32xf32, #tpu.memory_space<vmem>>) target(%dma_start3A_92 : memref<128x32xf32, #tpu.memory_space<hbm>>) target_semaphore(%arg23 : memref<!tpu.dma_semaphore, #tpu.memory_space<semaphore_mem>>)
        %dma_start3A_93 = arith.constant 0 : i32
        %dma_start3A_94 = tpu.memref_slice %arg9[%mul3A_89, %dma_start3A_93] : memref<800000x32xf32, #tpu.memory_space<hbm>> -> memref<128x32xf32, #tpu.memory_space<hbm>>
        %dma_start3A_95 = arith.constant 0 : i32
        %dma_start3A_96 = tpu.memref_slice %arg9[%mul3A_89, %dma_start3A_95] : memref<800000x32xf32, #tpu.memory_space<hbm>> -> memref<128x32xf32, #tpu.memory_space<hbm>>
        tpu.enqueue_dma source(%arg17 : memref<128x32xf32, #tpu.memory_space<vmem>>) target(%dma_start3A_96 : memref<128x32xf32, #tpu.memory_space<hbm>>) target_semaphore(%arg23 : memref<!tpu.dma_semaphore, #tpu.memory_space<semaphore_mem>>)
        %dma_start3A_97 = arith.constant 0 : i32
        %dma_start3A_98 = tpu.memref_slice %arg10[%mul3A_89, %dma_start3A_97] : memref<800000x32xf32, #tpu.memory_space<hbm>> -> memref<128x32xf32, #tpu.memory_space<hbm>>
        %dma_start3A_99 = arith.constant 0 : i32
        %dma_start3A_100 = tpu.memref_slice %arg10[%mul3A_89, %dma_start3A_99] : memref<800000x32xf32, #tpu.memory_space<hbm>> -> memref<128x32xf32, #tpu.memory_space<hbm>>
        tpu.enqueue_dma source(%arg19 : memref<128x32xf32, #tpu.memory_space<vmem>>) target(%dma_start3A_100 : memref<128x32xf32, #tpu.memory_space<hbm>>) target_semaphore(%arg23 : memref<!tpu.dma_semaphore, #tpu.memory_space<semaphore_mem>>)
      } else {
      }
    }
    %scan3A_12 = arith.constant 99 : i32
    return
  }
}

#map = affine_map<(d0, d1) -> (0, 0)>
#map1 = affine_map<(d0, d1) -> (0)>
#map2 = affine_map<(d0, d1) -> (0, 0, 0)>
module attributes {stable_mosaic.version = 14 : i64} {
  func.func @k(%arg0: i32, %arg1: i32, %arg2: memref<800000x32xf32, #tpu.memory_space<hbm>>, %arg3: memref<800000xi32, #tpu.memory_space<hbm>>, %arg4: memref<2x50176x32xf32, #tpu.memory_space<hbm>>, %arg5: memref<50000x32xf32, #tpu.memory_space<vmem_shared>>, %arg6: memref<625x32xf32, #tpu.memory_space<vmem>>, %arg7: memref<128xi32, #tpu.memory_space<vmem>>, %arg8: memref<128xi32, #tpu.memory_space<vmem>>, %arg9: memref<128x32xf32, #tpu.memory_space<vmem>>, %arg10: memref<128x32xf32, #tpu.memory_space<vmem>>, %arg11: memref<!tpu.dma_semaphore, #tpu.memory_space<semaphore_mem>>, %arg12: memref<!tpu.dma_semaphore, #tpu.memory_space<semaphore_mem>>) attributes {dimension_semantics = [#tpu.dimension_semantics<core_parallel>, #tpu.dimension_semantics<subcore_parallel>], iteration_bounds = array<i64: 2, 16>, scalar_prefetch = 0 : i64, scratch_operands = 8 : i64, tpu.core_type = #tpu.core_type<sc_vector_subcore>, window_params = [{transform_indices = #map}, {transform_indices = #map1}, {transform_indices = #map2}]} {
    %mul3A = arith.constant 2 : i32
    %mul3A_0 = arith.muli %arg1, %mul3A : i32
    %add3A = arith.addi %mul3A_0, %arg0 : i32
    %lt3A = arith.constant 10 : i32
    %lt3A_1 = arith.cmpi slt, %add3A, %lt3A : i32
    %convert_element_type3A = arith.extui %lt3A_1 : i1 to i32
    %add3A_2 = arith.constant 195 : i32
    %add3A_3 = arith.addi %add3A_2, %convert_element_type3A : i32
    %mul3A_4 = arith.constant 195 : i32
    %mul3A_5 = arith.muli %add3A, %mul3A_4 : i32
    %min3A = arith.constant 10 : i32
    %min3A_6 = arith.minsi %add3A, %min3A : i32
    %add3A_7 = arith.addi %mul3A_5, %min3A_6 : i32
    %broadcast_in_dim3A = arith.constant 0.000000e+00 : f32
    %broadcast_in_dim3A_8 = vector.broadcast %broadcast_in_dim3A : f32 to vector<16xf32>
    %scan3A = arith.constant 0 : i32
    %scan3A_9 = arith.constant 0 : i32
    %scan3A_10 = arith.constant 625 : i32
    %scan3A_11 = arith.addi %scan3A_9, %scan3A_10 : i32
    %scan3A_12 = arith.constant 1 : i32
    scf.for %scan3A_33 = %scan3A_9 to %scan3A_11 step %scan3A_12  : i32 {
      %swap3A = arith.index_cast %scan3A_33 : i32 to index
      %swap3A_34 = arith.constant 0 : index
      %swap3A_35 = tpu.vector_load %arg6[%swap3A, %swap3A_34] {strides = array<i32>} : memref<625x32xf32, #tpu.memory_space<vmem>>, vector<1x16xf32>,
      %swap3A_36 = vector.shape_cast %swap3A_35 : vector<1x16xf32> to vector<16xf32>
      %swap3A_37 = vector.shape_cast %broadcast_in_dim3A_8 : vector<16xf32> to vector<1x16xf32>
      tpu.vector_store %arg6[%swap3A, %swap3A_34], %swap3A_37 {strides = array<i32>} : memref<625x32xf32, #tpu.memory_space<vmem>>, vector<1x16xf32>,
      %swap3A_38 = arith.index_cast %scan3A_33 : i32 to index
      %swap3A_39 = arith.constant 16 : index
      %swap3A_40 = tpu.vector_load %arg6[%swap3A_38, %swap3A_39] {strides = array<i32>} : memref<625x32xf32, #tpu.memory_space<vmem>>, vector<1x16xf32>,
      %swap3A_41 = vector.shape_cast %swap3A_40 : vector<1x16xf32> to vector<16xf32>
      %swap3A_42 = vector.shape_cast %broadcast_in_dim3A_8 : vector<16xf32> to vector<1x16xf32>
      tpu.vector_store %arg6[%swap3A_38, %swap3A_39], %swap3A_42 {strides = array<i32>} : memref<625x32xf32, #tpu.memory_space<vmem>>, vector<1x16xf32>,
    }
    %scan3A_13 = arith.constant 625 : i32
    %scan3A_14 = arith.constant 0 : i32
    %scan3A_15 = arith.constant 0 : i32
    %scan3A_16 = arith.constant 5 : i32
    %scan3A_17 = arith.addi %scan3A_15, %scan3A_16 : i32
    %scan3A_18 = arith.constant 1 : i32
    scf.for %scan3A_33 = %scan3A_15 to %scan3A_17 step %scan3A_18  : i32 {
      %mul3A_34 = arith.constant 3125 : i32
      %mul3A_35 = arith.muli %arg1, %mul3A_34 : i32
      %mul3A_36 = arith.constant 625 : i32
      %mul3A_37 = arith.muli %scan3A_33, %mul3A_36 : i32
      %add3A_38 = arith.addi %mul3A_35, %mul3A_37 : i32
      "tpu.region"() ({
        %run_scoped3A = tpu.sem_alloc : memref<!tpu.dma_semaphore, #tpu.memory_space<semaphore_mem>>
        %dma_start3A = arith.constant 0 : i32
        %dma_start3A_39 = tpu.memref_slice %arg5[%add3A_38, %dma_start3A] : memref<50000x32xf32, #tpu.memory_space<vmem_shared>> -> memref<625x32xf32, #tpu.memory_space<vmem_shared>>
        %dma_start3A_40 = arith.constant 0 : i32
        %dma_start3A_41 = tpu.memref_slice %arg5[%add3A_38, %dma_start3A_40] : memref<50000x32xf32, #tpu.memory_space<vmem_shared>> -> memref<625x32xf32, #tpu.memory_space<vmem_shared>>
        tpu.enqueue_dma source(%arg6 : memref<625x32xf32, #tpu.memory_space<vmem>>) target(%dma_start3A_41 : memref<625x32xf32, #tpu.memory_space<vmem_shared>>) target_semaphore(%run_scoped3A : memref<!tpu.dma_semaphore, #tpu.memory_space<semaphore_mem>>)
        %dma_wait3A = arith.constant 0 : i32
        %dma_wait3A_42 = tpu.memref_slice %arg5[%add3A_38, %dma_wait3A] : memref<50000x32xf32, #tpu.memory_space<vmem_shared>> -> memref<625x32xf32, #tpu.memory_space<vmem_shared>>
        %dma_wait3A_43 = arith.constant 0 : i32
        %dma_wait3A_44 = tpu.memref_slice %arg5[%add3A_38, %dma_wait3A_43] : memref<50000x32xf32, #tpu.memory_space<vmem_shared>> -> memref<625x32xf32, #tpu.memory_space<vmem_shared>>
        tpu.wait_dma2 semaphore(%run_scoped3A : memref<!tpu.dma_semaphore, #tpu.memory_space<semaphore_mem>>) src(%arg6 : memref<625x32xf32, #tpu.memory_space<vmem>>) dst(%dma_wait3A_44 : memref<625x32xf32, #tpu.memory_space<vmem_shared>>)
        tpu.yield
      }) : () -> ()
    }
    %scan3A_19 = arith.constant 5 : i32
    %barrier3A = arith.constant 0 : index
    tpu.barrier barrier_id(%barrier3A)
    %scan3A_20 = arith.constant 0 : i32
    %scan3A_21 = arith.constant 0 : i32
    %scan3A_22 = arith.constant 99 : i32
    %scan3A_23 = arith.addi %scan3A_21, %scan3A_22 : i32
    %scan3A_24 = arith.constant 1 : i32
    scf.for %scan3A_33 = %scan3A_21 to %scan3A_23 step %scan3A_24  : i32 {
      %mul3A_34 = arith.constant 2 : i32
      %mul3A_35 = arith.muli %mul3A_34, %scan3A_33 : i32
      %mul3A_36 = arith.constant 2 : i32
      %mul3A_37 = arith.muli %mul3A_36, %scan3A_33 : i32
      %add3A_38 = arith.constant 1 : i32
      %add3A_39 = arith.addi %mul3A_37, %add3A_38 : i32
      %lt3A_40 = arith.cmpi slt, %mul3A_35, %add3A_3 : i32
      %convert_element_type3A_41 = arith.extui %lt3A_40 : i1 to i32
      %cond3A = arith.constant 0 : i32
      %cond3A_42 = arith.cmpi ne, %convert_element_type3A_41, %cond3A : i32
      scf.if %cond3A_42 {
        %add3A_60 = arith.addi %add3A_7, %mul3A_35 : i32
        %mul3A_61 = arith.constant 128 : i32
        %mul3A_62 = arith.muli %add3A_60, %mul3A_61 : i32
        %dma_start3A = tpu.memref_slice %arg3[%mul3A_62] : memref<800000xi32, #tpu.memory_space<hbm>> -> memref<128xi32, #tpu.memory_space<hbm>>
        %dma_start3A_63 = tpu.memref_slice %arg3[%mul3A_62] : memref<800000xi32, #tpu.memory_space<hbm>> -> memref<128xi32, #tpu.memory_space<hbm>>
        tpu.enqueue_dma source(%dma_start3A_63 : memref<128xi32, #tpu.memory_space<hbm>>) target(%arg7 : memref<128xi32, #tpu.memory_space<vmem>>) target_semaphore(%arg11 : memref<!tpu.dma_semaphore, #tpu.memory_space<semaphore_mem>>)
        %dma_start3A_64 = arith.constant 0 : i32
        %dma_start3A_65 = tpu.memref_slice %arg2[%mul3A_62, %dma_start3A_64] : memref<800000x32xf32, #tpu.memory_space<hbm>> -> memref<128x32xf32, #tpu.memory_space<hbm>>
        %dma_start3A_66 = arith.constant 0 : i32
        %dma_start3A_67 = tpu.memref_slice %arg2[%mul3A_62, %dma_start3A_66] : memref<800000x32xf32, #tpu.memory_space<hbm>> -> memref<128x32xf32, #tpu.memory_space<hbm>>
        tpu.enqueue_dma source(%dma_start3A_67 : memref<128x32xf32, #tpu.memory_space<hbm>>) target(%arg9 : memref<128x32xf32, #tpu.memory_space<vmem>>) target_semaphore(%arg11 : memref<!tpu.dma_semaphore, #tpu.memory_space<semaphore_mem>>)
      } else {
      }
      %sub3A = arith.constant 1 : i32
      %sub3A_43 = arith.subi %mul3A_35, %sub3A : i32
      %ge3A = arith.constant 0 : i32
      %ge3A_44 = arith.cmpi sge, %sub3A_43, %ge3A : i32
      %lt3A_45 = arith.cmpi slt, %sub3A_43, %add3A_3 : i32
      %and3A = arith.andi %ge3A_44, %lt3A_45 : i1
      %convert_element_type3A_46 = arith.extui %and3A : i1 to i32
      %cond3A_47 = arith.constant 0 : i32
      %cond3A_48 = arith.cmpi ne, %convert_element_type3A_46, %cond3A_47 : i32
      scf.if %cond3A_48 {
        %dma_wait3A = arith.constant 0 : i32
        %dma_wait3A_60 = tpu.memref_slice %arg3[%dma_wait3A] : memref<800000xi32, #tpu.memory_space<hbm>> -> memref<128xi32, #tpu.memory_space<hbm>>
        %dma_wait3A_61 = arith.constant 0 : i32
        %dma_wait3A_62 = tpu.memref_slice %arg3[%dma_wait3A_61] : memref<800000xi32, #tpu.memory_space<hbm>> -> memref<128xi32, #tpu.memory_space<hbm>>
        tpu.wait_dma2 semaphore(%arg12 : memref<!tpu.dma_semaphore, #tpu.memory_space<semaphore_mem>>) src(%dma_wait3A_62 : memref<128xi32, #tpu.memory_space<hbm>>) dst(%arg8 : memref<128xi32, #tpu.memory_space<vmem>>)
        %dma_wait3A_63 = arith.constant 0 : i32
        %dma_wait3A_64 = arith.constant 0 : i32
        %dma_wait3A_65 = tpu.memref_slice %arg2[%dma_wait3A_63, %dma_wait3A_64] : memref<800000x32xf32, #tpu.memory_space<hbm>> -> memref<128x32xf32, #tpu.memory_space<hbm>>
        %dma_wait3A_66 = arith.constant 0 : i32
        %dma_wait3A_67 = arith.constant 0 : i32
        %dma_wait3A_68 = tpu.memref_slice %arg2[%dma_wait3A_66, %dma_wait3A_67] : memref<800000x32xf32, #tpu.memory_space<hbm>> -> memref<128x32xf32, #tpu.memory_space<hbm>>
        tpu.wait_dma2 semaphore(%arg12 : memref<!tpu.dma_semaphore, #tpu.memory_space<semaphore_mem>>) src(%dma_wait3A_68 : memref<128x32xf32, #tpu.memory_space<hbm>>) dst(%arg10 : memref<128x32xf32, #tpu.memory_space<vmem>>)
        "tpu.region"() ({
          %run_scoped3A = tpu.sem_alloc : memref<!tpu.dma_semaphore, #tpu.memory_space<semaphore_mem>>
          %dma_start3A = arith.constant 0 : i32
          %dma_start3A_69 = arith.constant 0 : i32
          %dma_start3A_70 = tpu.memref_slice %arg5[%dma_start3A, %dma_start3A_69] : memref<50000x32xf32, #tpu.memory_space<vmem_shared>> -> memref<50000x32xf32, #tpu.memory_space<vmem_shared>>
          tpu.enqueue_indirect_dma source(%arg10 : memref<128x32xf32, #tpu.memory_space<vmem>>) target(%dma_start3A_70 : memref<50000x32xf32, #tpu.memory_space<vmem_shared>>) offsets(%arg8 : memref<128xi32, #tpu.memory_space<vmem>>) semaphore(%run_scoped3A : memref<!tpu.dma_semaphore, #tpu.memory_space<semaphore_mem>>) {add = true}
          %dma_wait3A_71 = arith.constant 0 : i32
          %dma_wait3A_72 = arith.constant 0 : i32
          %dma_wait3A_73 = tpu.memref_slice %arg5[%dma_wait3A_71, %dma_wait3A_72] : memref<50000x32xf32, #tpu.memory_space<vmem_shared>> -> memref<50000x32xf32, #tpu.memory_space<vmem_shared>>
          tpu.wait_indirect_dma semaphore(%run_scoped3A : memref<!tpu.dma_semaphore, #tpu.memory_space<semaphore_mem>>) src(%arg10 : memref<128x32xf32, #tpu.memory_space<vmem>>) dst(%dma_wait3A_73 : memref<50000x32xf32, #tpu.memory_space<vmem_shared>>)
          tpu.yield
        }) : () -> ()
      } else {
      }
      %lt3A_49 = arith.cmpi slt, %add3A_39, %add3A_3 : i32
      %convert_element_type3A_50 = arith.extui %lt3A_49 : i1 to i32
      %cond3A_51 = arith.constant 0 : i32
      %cond3A_52 = arith.cmpi ne, %convert_element_type3A_50, %cond3A_51 : i32
      scf.if %cond3A_52 {
        %add3A_60 = arith.addi %add3A_7, %add3A_39 : i32
        %mul3A_61 = arith.constant 128 : i32
        %mul3A_62 = arith.muli %add3A_60, %mul3A_61 : i32
        %dma_start3A = tpu.memref_slice %arg3[%mul3A_62] : memref<800000xi32, #tpu.memory_space<hbm>> -> memref<128xi32, #tpu.memory_space<hbm>>
        %dma_start3A_63 = tpu.memref_slice %arg3[%mul3A_62] : memref<800000xi32, #tpu.memory_space<hbm>> -> memref<128xi32, #tpu.memory_space<hbm>>
        tpu.enqueue_dma source(%dma_start3A_63 : memref<128xi32, #tpu.memory_space<hbm>>) target(%arg8 : memref<128xi32, #tpu.memory_space<vmem>>) target_semaphore(%arg12 : memref<!tpu.dma_semaphore, #tpu.memory_space<semaphore_mem>>)
        %dma_start3A_64 = arith.constant 0 : i32
        %dma_start3A_65 = tpu.memref_slice %arg2[%mul3A_62, %dma_start3A_64] : memref<800000x32xf32, #tpu.memory_space<hbm>> -> memref<128x32xf32, #tpu.memory_space<hbm>>
        %dma_start3A_66 = arith.constant 0 : i32
        %dma_start3A_67 = tpu.memref_slice %arg2[%mul3A_62, %dma_start3A_66] : memref<800000x32xf32, #tpu.memory_space<hbm>> -> memref<128x32xf32, #tpu.memory_space<hbm>>
        tpu.enqueue_dma source(%dma_start3A_67 : memref<128x32xf32, #tpu.memory_space<hbm>>) target(%arg10 : memref<128x32xf32, #tpu.memory_space<vmem>>) target_semaphore(%arg12 : memref<!tpu.dma_semaphore, #tpu.memory_space<semaphore_mem>>)
      } else {
      }
      %ge3A_53 = arith.constant 0 : i32
      %ge3A_54 = arith.cmpi sge, %mul3A_35, %ge3A_53 : i32
      %lt3A_55 = arith.cmpi slt, %mul3A_35, %add3A_3 : i32
      %and3A_56 = arith.andi %ge3A_54, %lt3A_55 : i1
      %convert_element_type3A_57 = arith.extui %and3A_56 : i1 to i32
      %cond3A_58 = arith.constant 0 : i32
      %cond3A_59 = arith.cmpi ne, %convert_element_type3A_57, %cond3A_58 : i32
      scf.if %cond3A_59 {
        %dma_wait3A = arith.constant 0 : i32
        %dma_wait3A_60 = tpu.memref_slice %arg3[%dma_wait3A] : memref<800000xi32, #tpu.memory_space<hbm>> -> memref<128xi32, #tpu.memory_space<hbm>>
        %dma_wait3A_61 = arith.constant 0 : i32
        %dma_wait3A_62 = tpu.memref_slice %arg3[%dma_wait3A_61] : memref<800000xi32, #tpu.memory_space<hbm>> -> memref<128xi32, #tpu.memory_space<hbm>>
        tpu.wait_dma2 semaphore(%arg11 : memref<!tpu.dma_semaphore, #tpu.memory_space<semaphore_mem>>) src(%dma_wait3A_62 : memref<128xi32, #tpu.memory_space<hbm>>) dst(%arg7 : memref<128xi32, #tpu.memory_space<vmem>>)
        %dma_wait3A_63 = arith.constant 0 : i32
        %dma_wait3A_64 = arith.constant 0 : i32
        %dma_wait3A_65 = tpu.memref_slice %arg2[%dma_wait3A_63, %dma_wait3A_64] : memref<800000x32xf32, #tpu.memory_space<hbm>> -> memref<128x32xf32, #tpu.memory_space<hbm>>
        %dma_wait3A_66 = arith.constant 0 : i32
        %dma_wait3A_67 = arith.constant 0 : i32
        %dma_wait3A_68 = tpu.memref_slice %arg2[%dma_wait3A_66, %dma_wait3A_67] : memref<800000x32xf32, #tpu.memory_space<hbm>> -> memref<128x32xf32, #tpu.memory_space<hbm>>
        tpu.wait_dma2 semaphore(%arg11 : memref<!tpu.dma_semaphore, #tpu.memory_space<semaphore_mem>>) src(%dma_wait3A_68 : memref<128x32xf32, #tpu.memory_space<hbm>>) dst(%arg9 : memref<128x32xf32, #tpu.memory_space<vmem>>)
        "tpu.region"() ({
          %run_scoped3A = tpu.sem_alloc : memref<!tpu.dma_semaphore, #tpu.memory_space<semaphore_mem>>
          %dma_start3A = arith.constant 0 : i32
          %dma_start3A_69 = arith.constant 0 : i32
          %dma_start3A_70 = tpu.memref_slice %arg5[%dma_start3A, %dma_start3A_69] : memref<50000x32xf32, #tpu.memory_space<vmem_shared>> -> memref<50000x32xf32, #tpu.memory_space<vmem_shared>>
          tpu.enqueue_indirect_dma source(%arg9 : memref<128x32xf32, #tpu.memory_space<vmem>>) target(%dma_start3A_70 : memref<50000x32xf32, #tpu.memory_space<vmem_shared>>) offsets(%arg7 : memref<128xi32, #tpu.memory_space<vmem>>) semaphore(%run_scoped3A : memref<!tpu.dma_semaphore, #tpu.memory_space<semaphore_mem>>) {add = true}
          %dma_wait3A_71 = arith.constant 0 : i32
          %dma_wait3A_72 = arith.constant 0 : i32
          %dma_wait3A_73 = tpu.memref_slice %arg5[%dma_wait3A_71, %dma_wait3A_72] : memref<50000x32xf32, #tpu.memory_space<vmem_shared>> -> memref<50000x32xf32, #tpu.memory_space<vmem_shared>>
          tpu.wait_indirect_dma semaphore(%run_scoped3A : memref<!tpu.dma_semaphore, #tpu.memory_space<semaphore_mem>>) src(%arg9 : memref<128x32xf32, #tpu.memory_space<vmem>>) dst(%dma_wait3A_73 : memref<50000x32xf32, #tpu.memory_space<vmem_shared>>)
          tpu.yield
        }) : () -> ()
      } else {
      }
    }
    %scan3A_25 = arith.constant 99 : i32
    %barrier3A_26 = arith.constant 0 : index
    tpu.barrier barrier_id(%barrier3A_26)
    %scan3A_27 = arith.constant 0 : i32
    %scan3A_28 = arith.constant 0 : i32
    %scan3A_29 = arith.constant 5 : i32
    %scan3A_30 = arith.addi %scan3A_28, %scan3A_29 : i32
    %scan3A_31 = arith.constant 1 : i32
    scf.for %scan3A_33 = %scan3A_28 to %scan3A_30 step %scan3A_31  : i32 {
      %mul3A_34 = arith.constant 3125 : i32
      %mul3A_35 = arith.muli %arg1, %mul3A_34 : i32
      %mul3A_36 = arith.constant 625 : i32
      %mul3A_37 = arith.muli %scan3A_33, %mul3A_36 : i32
      %add3A_38 = arith.addi %mul3A_35, %mul3A_37 : i32
      "tpu.region"() ({
        %run_scoped3A = tpu.sem_alloc : memref<!tpu.dma_semaphore, #tpu.memory_space<semaphore_mem>>
        %dma_start3A = arith.constant 0 : i32
        %dma_start3A_39 = tpu.memref_slice %arg5[%add3A_38, %dma_start3A] : memref<50000x32xf32, #tpu.memory_space<vmem_shared>> -> memref<625x32xf32, #tpu.memory_space<vmem_shared>>
        %dma_start3A_40 = arith.constant 0 : i32
        %dma_start3A_41 = tpu.memref_slice %arg5[%add3A_38, %dma_start3A_40] : memref<50000x32xf32, #tpu.memory_space<vmem_shared>> -> memref<625x32xf32, #tpu.memory_space<vmem_shared>>
        tpu.enqueue_dma source(%dma_start3A_41 : memref<625x32xf32, #tpu.memory_space<vmem_shared>>) target(%arg6 : memref<625x32xf32, #tpu.memory_space<vmem>>) target_semaphore(%run_scoped3A : memref<!tpu.dma_semaphore, #tpu.memory_space<semaphore_mem>>)
        %dma_wait3A = arith.constant 0 : i32
        %dma_wait3A_42 = tpu.memref_slice %arg5[%add3A_38, %dma_wait3A] : memref<50000x32xf32, #tpu.memory_space<vmem_shared>> -> memref<625x32xf32, #tpu.memory_space<vmem_shared>>
        %dma_wait3A_43 = arith.constant 0 : i32
        %dma_wait3A_44 = tpu.memref_slice %arg5[%add3A_38, %dma_wait3A_43] : memref<50000x32xf32, #tpu.memory_space<vmem_shared>> -> memref<625x32xf32, #tpu.memory_space<vmem_shared>>
        tpu.wait_dma2 semaphore(%run_scoped3A : memref<!tpu.dma_semaphore, #tpu.memory_space<semaphore_mem>>) src(%dma_wait3A_44 : memref<625x32xf32, #tpu.memory_space<vmem_shared>>) dst(%arg6 : memref<625x32xf32, #tpu.memory_space<vmem>>)
        tpu.yield
      }) : () -> ()
      "tpu.region"() ({
        %run_scoped3A = tpu.sem_alloc : memref<!tpu.dma_semaphore, #tpu.memory_space<semaphore_mem>>
        %dma_start3A = arith.constant 0 : i32
        %dma_start3A_39 = tpu.memref_slice %arg4[%arg0, %add3A_38, %dma_start3A] : memref<2x50176x32xf32, #tpu.memory_space<hbm>> -> memref<1x625x32xf32, #tpu.memory_space<hbm>>
        %dma_start3A_40 = tpu.memref_squeeze %dma_start3A_39 : memref<1x625x32xf32, #tpu.memory_space<hbm>> -> memref<625x32xf32, #tpu.memory_space<hbm>>
        %dma_start3A_41 = arith.constant 0 : i32
        %dma_start3A_42 = tpu.memref_slice %arg4[%arg0, %add3A_38, %dma_start3A_41] : memref<2x50176x32xf32, #tpu.memory_space<hbm>> -> memref<1x625x32xf32, #tpu.memory_space<hbm>>
        %dma_start3A_43 = tpu.memref_squeeze %dma_start3A_42 : memref<1x625x32xf32, #tpu.memory_space<hbm>> -> memref<625x32xf32, #tpu.memory_space<hbm>>
        tpu.enqueue_dma source(%arg6 : memref<625x32xf32, #tpu.memory_space<vmem>>) target(%dma_start3A_43 : memref<625x32xf32, #tpu.memory_space<hbm>>) target_semaphore(%run_scoped3A : memref<!tpu.dma_semaphore, #tpu.memory_space<semaphore_mem>>)
        %dma_wait3A = arith.constant 0 : i32
        %dma_wait3A_44 = tpu.memref_slice %arg4[%arg0, %add3A_38, %dma_wait3A] : memref<2x50176x32xf32, #tpu.memory_space<hbm>> -> memref<1x625x32xf32, #tpu.memory_space<hbm>>
        %dma_wait3A_45 = tpu.memref_squeeze %dma_wait3A_44 : memref<1x625x32xf32, #tpu.memory_space<hbm>> -> memref<625x32xf32, #tpu.memory_space<hbm>>
        %dma_wait3A_46 = arith.constant 0 : i32
        %dma_wait3A_47 = tpu.memref_slice %arg4[%arg0, %add3A_38, %dma_wait3A_46] : memref<2x50176x32xf32, #tpu.memory_space<hbm>> -> memref<1x625x32xf32, #tpu.memory_space<hbm>>
        %dma_wait3A_48 = tpu.memref_squeeze %dma_wait3A_47 : memref<1x625x32xf32, #tpu.memory_space<hbm>> -> memref<625x32xf32, #tpu.memory_space<hbm>>
        tpu.wait_dma2 semaphore(%run_scoped3A : memref<!tpu.dma_semaphore, #tpu.memory_space<semaphore_mem>>) src(%arg6 : memref<625x32xf32, #tpu.memory_space<vmem>>) dst(%dma_wait3A_48 : memref<625x32xf32, #tpu.memory_space<hbm>>)
        tpu.yield
      }) : () -> ()
    }
    %scan3A_32 = arith.constant 5 : i32
    return
  }
}

#map = affine_map<(d0, d1) -> (0, 0)>
module attributes {stable_mosaic.version = 14 : i64} {
  func.func @k(%arg0: i32, %arg1: i32, %arg2: memref<50176x32xf32, #tpu.memory_space<hbm>>, %arg3: memref<50176x32xf32, #tpu.memory_space<hbm>>, %arg4: memref<6272x128xi32, #tpu.memory_space<hbm>>, %arg5: memref<800000x32xf32, #tpu.memory_space<hbm>>, %arg6: memref<800000x32xf32, #tpu.memory_space<hbm>>, %arg7: memref<196x128xi32, #tpu.memory_space<vmem>>, %arg8: memref<128x32xf32, #tpu.memory_space<vmem>>, %arg9: memref<128x32xf32, #tpu.memory_space<vmem>>, %arg10: memref<128x32xf32, #tpu.memory_space<vmem>>, %arg11: memref<128x32xf32, #tpu.memory_space<vmem>>, %arg12: memref<!tpu.dma_semaphore, #tpu.memory_space<semaphore_mem>>, %arg13: memref<!tpu.dma_semaphore, #tpu.memory_space<semaphore_mem>>, %arg14: memref<!tpu.dma_semaphore, #tpu.memory_space<semaphore_mem>>, %arg15: memref<!tpu.dma_semaphore, #tpu.memory_space<semaphore_mem>>) attributes {dimension_semantics = [#tpu.dimension_semantics<core_parallel>, #tpu.dimension_semantics<subcore_parallel>], iteration_bounds = array<i64: 2, 16>, scalar_prefetch = 0 : i64, scratch_operands = 9 : i64, tpu.core_type = #tpu.core_type<sc_vector_subcore>, window_params = [{transform_indices = #map}, {transform_indices = #map}, {transform_indices = #map}, {transform_indices = #map}, {transform_indices = #map}]} {
    %mul3A = arith.constant 2 : i32
    %mul3A_0 = arith.muli %arg1, %mul3A : i32
    %add3A = arith.addi %mul3A_0, %arg0 : i32
    %lt3A = arith.constant 10 : i32
    %lt3A_1 = arith.cmpi slt, %add3A, %lt3A : i32
    %convert_element_type3A = arith.extui %lt3A_1 : i1 to i32
    %add3A_2 = arith.constant 195 : i32
    %add3A_3 = arith.addi %add3A_2, %convert_element_type3A : i32
    %mul3A_4 = arith.constant 195 : i32
    %mul3A_5 = arith.muli %add3A, %mul3A_4 : i32
    %min3A = arith.constant 10 : i32
    %min3A_6 = arith.minsi %add3A, %min3A : i32
    %add3A_7 = arith.addi %mul3A_5, %min3A_6 : i32
    "tpu.region"() ({
      %run_scoped3A = tpu.sem_alloc : memref<!tpu.dma_semaphore, #tpu.memory_space<semaphore_mem>>
      %dma_start3A = arith.constant 0 : i32
      %dma_start3A_13 = tpu.memref_slice %arg4[%add3A_7, %dma_start3A] : memref<6272x128xi32, #tpu.memory_space<hbm>> -> memref<196x128xi32, #tpu.memory_space<hbm>>
      %dma_start3A_14 = arith.constant 0 : i32
      %dma_start3A_15 = tpu.memref_slice %arg4[%add3A_7, %dma_start3A_14] : memref<6272x128xi32, #tpu.memory_space<hbm>> -> memref<196x128xi32, #tpu.memory_space<hbm>>
      tpu.enqueue_dma source(%dma_start3A_15 : memref<196x128xi32, #tpu.memory_space<hbm>>) target(%arg7 : memref<196x128xi32, #tpu.memory_space<vmem>>) target_semaphore(%run_scoped3A : memref<!tpu.dma_semaphore, #tpu.memory_space<semaphore_mem>>)
      %dma_wait3A = arith.constant 0 : i32
      %dma_wait3A_16 = tpu.memref_slice %arg4[%add3A_7, %dma_wait3A] : memref<6272x128xi32, #tpu.memory_space<hbm>> -> memref<196x128xi32, #tpu.memory_space<hbm>>
      %dma_wait3A_17 = arith.constant 0 : i32
      %dma_wait3A_18 = tpu.memref_slice %arg4[%add3A_7, %dma_wait3A_17] : memref<6272x128xi32, #tpu.memory_space<hbm>> -> memref<196x128xi32, #tpu.memory_space<hbm>>
      tpu.wait_dma2 semaphore(%run_scoped3A : memref<!tpu.dma_semaphore, #tpu.memory_space<semaphore_mem>>) src(%dma_wait3A_18 : memref<196x128xi32, #tpu.memory_space<hbm>>) dst(%arg7 : memref<196x128xi32, #tpu.memory_space<vmem>>)
      tpu.yield
    }) : () -> ()
    %scan3A = arith.constant 0 : i32
    %scan3A_8 = arith.constant 0 : i32
    %scan3A_9 = arith.constant 99 : i32
    %scan3A_10 = arith.addi %scan3A_8, %scan3A_9 : i32
    %scan3A_11 = arith.constant 1 : i32
    scf.for %scan3A_13 = %scan3A_8 to %scan3A_10 step %scan3A_11  : i32 {
      %mul3A_14 = arith.constant 2 : i32
      %mul3A_15 = arith.muli %mul3A_14, %scan3A_13 : i32
      %mul3A_16 = arith.constant 2 : i32
      %mul3A_17 = arith.muli %mul3A_16, %scan3A_13 : i32
      %add3A_18 = arith.constant 1 : i32
      %add3A_19 = arith.addi %mul3A_17, %add3A_18 : i32
      %sub3A = arith.constant 2 : i32
      %sub3A_20 = arith.subi %mul3A_15, %sub3A : i32
      %ge3A = arith.constant 0 : i32
      %ge3A_21 = arith.cmpi sge, %sub3A_20, %ge3A : i32
      %lt3A_22 = arith.cmpi slt, %sub3A_20, %add3A_3 : i32
      %and3A = arith.andi %ge3A_21, %lt3A_22 : i1
      %convert_element_type3A_23 = arith.extui %and3A : i1 to i32
      %cond3A = arith.constant 0 : i32
      %cond3A_24 = arith.cmpi ne, %convert_element_type3A_23, %cond3A : i32
      scf.if %cond3A_24 {
        %dma_wait3A = arith.constant 0 : i32
        %dma_wait3A_58 = arith.constant 0 : i32
        %dma_wait3A_59 = tpu.memref_slice %arg5[%dma_wait3A, %dma_wait3A_58] : memref<800000x32xf32, #tpu.memory_space<hbm>> -> memref<128x32xf32, #tpu.memory_space<hbm>>
        %dma_wait3A_60 = arith.constant 0 : i32
        %dma_wait3A_61 = arith.constant 0 : i32
        %dma_wait3A_62 = tpu.memref_slice %arg5[%dma_wait3A_60, %dma_wait3A_61] : memref<800000x32xf32, #tpu.memory_space<hbm>> -> memref<128x32xf32, #tpu.memory_space<hbm>>
        tpu.wait_dma2 semaphore(%arg14 : memref<!tpu.dma_semaphore, #tpu.memory_space<semaphore_mem>>) src(%arg8 : memref<128x32xf32, #tpu.memory_space<vmem>>) dst(%dma_wait3A_62 : memref<128x32xf32, #tpu.memory_space<hbm>>)
        %dma_wait3A_63 = arith.constant 0 : i32
        %dma_wait3A_64 = arith.constant 0 : i32
        %dma_wait3A_65 = tpu.memref_slice %arg6[%dma_wait3A_63, %dma_wait3A_64] : memref<800000x32xf32, #tpu.memory_space<hbm>> -> memref<128x32xf32, #tpu.memory_space<hbm>>
        %dma_wait3A_66 = arith.constant 0 : i32
        %dma_wait3A_67 = arith.constant 0 : i32
        %dma_wait3A_68 = tpu.memref_slice %arg6[%dma_wait3A_66, %dma_wait3A_67] : memref<800000x32xf32, #tpu.memory_space<hbm>> -> memref<128x32xf32, #tpu.memory_space<hbm>>
        tpu.wait_dma2 semaphore(%arg14 : memref<!tpu.dma_semaphore, #tpu.memory_space<semaphore_mem>>) src(%arg10 : memref<128x32xf32, #tpu.memory_space<vmem>>) dst(%dma_wait3A_68 : memref<128x32xf32, #tpu.memory_space<hbm>>)
      } else {
      }
      %lt3A_25 = arith.cmpi slt, %mul3A_15, %add3A_3 : i32
      %convert_element_type3A_26 = arith.extui %lt3A_25 : i1 to i32
      %cond3A_27 = arith.constant 0 : i32
      %cond3A_28 = arith.cmpi ne, %convert_element_type3A_26, %cond3A_27 : i32
      scf.if %cond3A_28 {
        %dma_start3A = arith.constant 0 : i32
        %dma_start3A_58 = tpu.memref_slice %arg7[%mul3A_15, %dma_start3A] : memref<196x128xi32, #tpu.memory_space<vmem>> -> memref<1x128xi32, #tpu.memory_space<vmem>>
        %dma_start3A_59 = tpu.memref_squeeze %dma_start3A_58 : memref<1x128xi32, #tpu.memory_space<vmem>> -> memref<128xi32, #tpu.memory_space<vmem>>
        %dma_start3A_60 = arith.constant 0 : i32
        %dma_start3A_61 = arith.constant 0 : i32
        %dma_start3A_62 = tpu.memref_slice %arg2[%dma_start3A_60, %dma_start3A_61] : memref<50176x32xf32, #tpu.memory_space<hbm>> -> memref<50176x32xf32, #tpu.memory_space<hbm>>
        tpu.enqueue_indirect_dma source(%dma_start3A_62 : memref<50176x32xf32, #tpu.memory_space<hbm>>) target(%arg8 : memref<128x32xf32, #tpu.memory_space<vmem>>) offsets(%dma_start3A_59 : memref<128xi32, #tpu.memory_space<vmem>>) semaphore(%arg12 : memref<!tpu.dma_semaphore, #tpu.memory_space<semaphore_mem>>)
        %dma_start3A_63 = arith.constant 0 : i32
        %dma_start3A_64 = tpu.memref_slice %arg7[%mul3A_15, %dma_start3A_63] : memref<196x128xi32, #tpu.memory_space<vmem>> -> memref<1x128xi32, #tpu.memory_space<vmem>>
        %dma_start3A_65 = tpu.memref_squeeze %dma_start3A_64 : memref<1x128xi32, #tpu.memory_space<vmem>> -> memref<128xi32, #tpu.memory_space<vmem>>
        %dma_start3A_66 = arith.constant 0 : i32
        %dma_start3A_67 = arith.constant 0 : i32
        %dma_start3A_68 = tpu.memref_slice %arg3[%dma_start3A_66, %dma_start3A_67] : memref<50176x32xf32, #tpu.memory_space<hbm>> -> memref<50176x32xf32, #tpu.memory_space<hbm>>
        tpu.enqueue_indirect_dma source(%dma_start3A_68 : memref<50176x32xf32, #tpu.memory_space<hbm>>) target(%arg10 : memref<128x32xf32, #tpu.memory_space<vmem>>) offsets(%dma_start3A_65 : memref<128xi32, #tpu.memory_space<vmem>>) semaphore(%arg12 : memref<!tpu.dma_semaphore, #tpu.memory_space<semaphore_mem>>)
      } else {
      }
      %sub3A_29 = arith.constant 1 : i32
      %sub3A_30 = arith.subi %mul3A_15, %sub3A_29 : i32
      %ge3A_31 = arith.constant 0 : i32
      %ge3A_32 = arith.cmpi sge, %sub3A_30, %ge3A_31 : i32
      %lt3A_33 = arith.cmpi slt, %sub3A_30, %add3A_3 : i32
      %and3A_34 = arith.andi %ge3A_32, %lt3A_33 : i1
      %convert_element_type3A_35 = arith.extui %and3A_34 : i1 to i32
      %cond3A_36 = arith.constant 0 : i32
      %cond3A_37 = arith.cmpi ne, %convert_element_type3A_35, %cond3A_36 : i32
      scf.if %cond3A_37 {
        %dma_wait3A = arith.constant 0 : i32
        %dma_wait3A_58 = arith.constant 0 : i32
        %dma_wait3A_59 = tpu.memref_slice %arg5[%dma_wait3A, %dma_wait3A_58] : memref<800000x32xf32, #tpu.memory_space<hbm>> -> memref<128x32xf32, #tpu.memory_space<hbm>>
        %dma_wait3A_60 = arith.constant 0 : i32
        %dma_wait3A_61 = arith.constant 0 : i32
        %dma_wait3A_62 = tpu.memref_slice %arg5[%dma_wait3A_60, %dma_wait3A_61] : memref<800000x32xf32, #tpu.memory_space<hbm>> -> memref<128x32xf32, #tpu.memory_space<hbm>>
        tpu.wait_dma2 semaphore(%arg13 : memref<!tpu.dma_semaphore, #tpu.memory_space<semaphore_mem>>) src(%dma_wait3A_62 : memref<128x32xf32, #tpu.memory_space<hbm>>) dst(%arg9 : memref<128x32xf32, #tpu.memory_space<vmem>>)
        %dma_wait3A_63 = arith.constant 0 : i32
        %dma_wait3A_64 = arith.constant 0 : i32
        %dma_wait3A_65 = tpu.memref_slice %arg5[%dma_wait3A_63, %dma_wait3A_64] : memref<800000x32xf32, #tpu.memory_space<hbm>> -> memref<128x32xf32, #tpu.memory_space<hbm>>
        %dma_wait3A_66 = arith.constant 0 : i32
        %dma_wait3A_67 = arith.constant 0 : i32
        %dma_wait3A_68 = tpu.memref_slice %arg5[%dma_wait3A_66, %dma_wait3A_67] : memref<800000x32xf32, #tpu.memory_space<hbm>> -> memref<128x32xf32, #tpu.memory_space<hbm>>
        tpu.wait_dma2 semaphore(%arg13 : memref<!tpu.dma_semaphore, #tpu.memory_space<semaphore_mem>>) src(%dma_wait3A_68 : memref<128x32xf32, #tpu.memory_space<hbm>>) dst(%arg11 : memref<128x32xf32, #tpu.memory_space<vmem>>)
        %add3A_69 = arith.addi %add3A_7, %sub3A_30 : i32
        %mul3A_70 = arith.constant 128 : i32
        %mul3A_71 = arith.muli %add3A_69, %mul3A_70 : i32
        %dma_start3A = arith.constant 0 : i32
        %dma_start3A_72 = tpu.memref_slice %arg5[%mul3A_71, %dma_start3A] : memref<800000x32xf32, #tpu.memory_space<hbm>> -> memref<128x32xf32, #tpu.memory_space<hbm>>
        %dma_start3A_73 = arith.constant 0 : i32
        %dma_start3A_74 = tpu.memref_slice %arg5[%mul3A_71, %dma_start3A_73] : memref<800000x32xf32, #tpu.memory_space<hbm>> -> memref<128x32xf32, #tpu.memory_space<hbm>>
        tpu.enqueue_dma source(%arg9 : memref<128x32xf32, #tpu.memory_space<vmem>>) target(%dma_start3A_74 : memref<128x32xf32, #tpu.memory_space<hbm>>) target_semaphore(%arg15 : memref<!tpu.dma_semaphore, #tpu.memory_space<semaphore_mem>>)
        %dma_start3A_75 = arith.constant 0 : i32
        %dma_start3A_76 = tpu.memref_slice %arg6[%mul3A_71, %dma_start3A_75] : memref<800000x32xf32, #tpu.memory_space<hbm>> -> memref<128x32xf32, #tpu.memory_space<hbm>>
        %dma_start3A_77 = arith.constant 0 : i32
        %dma_start3A_78 = tpu.memref_slice %arg6[%mul3A_71, %dma_start3A_77] : memref<800000x32xf32, #tpu.memory_space<hbm>> -> memref<128x32xf32, #tpu.memory_space<hbm>>
        tpu.enqueue_dma source(%arg11 : memref<128x32xf32, #tpu.memory_space<vmem>>) target(%dma_start3A_78 : memref<128x32xf32, #tpu.memory_space<hbm>>) target_semaphore(%arg15 : memref<!tpu.dma_semaphore, #tpu.memory_space<semaphore_mem>>)
      } else {
      }
      %sub3A_38 = arith.constant 2 : i32
      %sub3A_39 = arith.subi %add3A_19, %sub3A_38 : i32
      %ge3A_40 = arith.constant 0 : i32
      %ge3A_41 = arith.cmpi sge, %sub3A_39, %ge3A_40 : i32
      %lt3A_42 = arith.cmpi slt, %sub3A_39, %add3A_3 : i32
      %and3A_43 = arith.andi %ge3A_41, %lt3A_42 : i1
      %convert_element_type3A_44 = arith.extui %and3A_43 : i1 to i32
      %cond3A_45 = arith.constant 0 : i32
      %cond3A_46 = arith.cmpi ne, %convert_element_type3A_44, %cond3A_45 : i32
      scf.if %cond3A_46 {
        %dma_wait3A = arith.constant 0 : i32
        %dma_wait3A_58 = arith.constant 0 : i32
        %dma_wait3A_59 = tpu.memref_slice %arg5[%dma_wait3A, %dma_wait3A_58] : memref<800000x32xf32, #tpu.memory_space<hbm>> -> memref<128x32xf32, #tpu.memory_space<hbm>>
        %dma_wait3A_60 = arith.constant 0 : i32
        %dma_wait3A_61 = arith.constant 0 : i32
        %dma_wait3A_62 = tpu.memref_slice %arg5[%dma_wait3A_60, %dma_wait3A_61] : memref<800000x32xf32, #tpu.memory_space<hbm>> -> memref<128x32xf32, #tpu.memory_space<hbm>>
        tpu.wait_dma2 semaphore(%arg15 : memref<!tpu.dma_semaphore, #tpu.memory_space<semaphore_mem>>) src(%arg9 : memref<128x32xf32, #tpu.memory_space<vmem>>) dst(%dma_wait3A_62 : memref<128x32xf32, #tpu.memory_space<hbm>>)
        %dma_wait3A_63 = arith.constant 0 : i32
        %dma_wait3A_64 = arith.constant 0 : i32
        %dma_wait3A_65 = tpu.memref_slice %arg6[%dma_wait3A_63, %dma_wait3A_64] : memref<800000x32xf32, #tpu.memory_space<hbm>> -> memref<128x32xf32, #tpu.memory_space<hbm>>
        %dma_wait3A_66 = arith.constant 0 : i32
        %dma_wait3A_67 = arith.constant 0 : i32
        %dma_wait3A_68 = tpu.memref_slice %arg6[%dma_wait3A_66, %dma_wait3A_67] : memref<800000x32xf32, #tpu.memory_space<hbm>> -> memref<128x32xf32, #tpu.memory_space<hbm>>
        tpu.wait_dma2 semaphore(%arg15 : memref<!tpu.dma_semaphore, #tpu.memory_space<semaphore_mem>>) src(%arg11 : memref<128x32xf32, #tpu.memory_space<vmem>>) dst(%dma_wait3A_68 : memref<128x32xf32, #tpu.memory_space<hbm>>)
      } else {
      }
      %lt3A_47 = arith.cmpi slt, %add3A_19, %add3A_3 : i32
      %convert_element_type3A_48 = arith.extui %lt3A_47 : i1 to i32
      %cond3A_49 = arith.constant 0 : i32
      %cond3A_50 = arith.cmpi ne, %convert_element_type3A_48, %cond3A_49 : i32
      scf.if %cond3A_50 {
        %dma_start3A = arith.constant 0 : i32
        %dma_start3A_58 = tpu.memref_slice %arg7[%add3A_19, %dma_start3A] : memref<196x128xi32, #tpu.memory_space<vmem>> -> memref<1x128xi32, #tpu.memory_space<vmem>>
        %dma_start3A_59 = tpu.memref_squeeze %dma_start3A_58 : memref<1x128xi32, #tpu.memory_space<vmem>> -> memref<128xi32, #tpu.memory_space<vmem>>
        %dma_start3A_60 = arith.constant 0 : i32
        %dma_start3A_61 = arith.constant 0 : i32
        %dma_start3A_62 = tpu.memref_slice %arg2[%dma_start3A_60, %dma_start3A_61] : memref<50176x32xf32, #tpu.memory_space<hbm>> -> memref<50176x32xf32, #tpu.memory_space<hbm>>
        tpu.enqueue_indirect_dma source(%dma_start3A_62 : memref<50176x32xf32, #tpu.memory_space<hbm>>) target(%arg9 : memref<128x32xf32, #tpu.memory_space<vmem>>) offsets(%dma_start3A_59 : memref<128xi32, #tpu.memory_space<vmem>>) semaphore(%arg13 : memref<!tpu.dma_semaphore, #tpu.memory_space<semaphore_mem>>)
        %dma_start3A_63 = arith.constant 0 : i32
        %dma_start3A_64 = tpu.memref_slice %arg7[%add3A_19, %dma_start3A_63] : memref<196x128xi32, #tpu.memory_space<vmem>> -> memref<1x128xi32, #tpu.memory_space<vmem>>
        %dma_start3A_65 = tpu.memref_squeeze %dma_start3A_64 : memref<1x128xi32, #tpu.memory_space<vmem>> -> memref<128xi32, #tpu.memory_space<vmem>>
        %dma_start3A_66 = arith.constant 0 : i32
        %dma_start3A_67 = arith.constant 0 : i32
        %dma_start3A_68 = tpu.memref_slice %arg3[%dma_start3A_66, %dma_start3A_67] : memref<50176x32xf32, #tpu.memory_space<hbm>> -> memref<50176x32xf32, #tpu.memory_space<hbm>>
        tpu.enqueue_indirect_dma source(%dma_start3A_68 : memref<50176x32xf32, #tpu.memory_space<hbm>>) target(%arg11 : memref<128x32xf32, #tpu.memory_space<vmem>>) offsets(%dma_start3A_65 : memref<128xi32, #tpu.memory_space<vmem>>) semaphore(%arg13 : memref<!tpu.dma_semaphore, #tpu.memory_space<semaphore_mem>>)
      } else {
      }
      %ge3A_51 = arith.constant 0 : i32
      %ge3A_52 = arith.cmpi sge, %mul3A_15, %ge3A_51 : i32
      %lt3A_53 = arith.cmpi slt, %mul3A_15, %add3A_3 : i32
      %and3A_54 = arith.andi %ge3A_52, %lt3A_53 : i1
      %convert_element_type3A_55 = arith.extui %and3A_54 : i1 to i32
      %cond3A_56 = arith.constant 0 : i32
      %cond3A_57 = arith.cmpi ne, %convert_element_type3A_55, %cond3A_56 : i32
      scf.if %cond3A_57 {
        %dma_wait3A = arith.constant 0 : i32
        %dma_wait3A_58 = arith.constant 0 : i32
        %dma_wait3A_59 = tpu.memref_slice %arg5[%dma_wait3A, %dma_wait3A_58] : memref<800000x32xf32, #tpu.memory_space<hbm>> -> memref<128x32xf32, #tpu.memory_space<hbm>>
        %dma_wait3A_60 = arith.constant 0 : i32
        %dma_wait3A_61 = arith.constant 0 : i32
        %dma_wait3A_62 = tpu.memref_slice %arg5[%dma_wait3A_60, %dma_wait3A_61] : memref<800000x32xf32, #tpu.memory_space<hbm>> -> memref<128x32xf32, #tpu.memory_space<hbm>>
        tpu.wait_dma2 semaphore(%arg12 : memref<!tpu.dma_semaphore, #tpu.memory_space<semaphore_mem>>) src(%dma_wait3A_62 : memref<128x32xf32, #tpu.memory_space<hbm>>) dst(%arg8 : memref<128x32xf32, #tpu.memory_space<vmem>>)
        %dma_wait3A_63 = arith.constant 0 : i32
        %dma_wait3A_64 = arith.constant 0 : i32
        %dma_wait3A_65 = tpu.memref_slice %arg5[%dma_wait3A_63, %dma_wait3A_64] : memref<800000x32xf32, #tpu.memory_space<hbm>> -> memref<128x32xf32, #tpu.memory_space<hbm>>
        %dma_wait3A_66 = arith.constant 0 : i32
        %dma_wait3A_67 = arith.constant 0 : i32
        %dma_wait3A_68 = tpu.memref_slice %arg5[%dma_wait3A_66, %dma_wait3A_67] : memref<800000x32xf32, #tpu.memory_space<hbm>> -> memref<128x32xf32, #tpu.memory_space<hbm>>
        tpu.wait_dma2 semaphore(%arg12 : memref<!tpu.dma_semaphore, #tpu.memory_space<semaphore_mem>>) src(%dma_wait3A_68 : memref<128x32xf32, #tpu.memory_space<hbm>>) dst(%arg10 : memref<128x32xf32, #tpu.memory_space<vmem>>)
        %add3A_69 = arith.addi %add3A_7, %mul3A_15 : i32
        %mul3A_70 = arith.constant 128 : i32
        %mul3A_71 = arith.muli %add3A_69, %mul3A_70 : i32
        %dma_start3A = arith.constant 0 : i32
        %dma_start3A_72 = tpu.memref_slice %arg5[%mul3A_71, %dma_start3A] : memref<800000x32xf32, #tpu.memory_space<hbm>> -> memref<128x32xf32, #tpu.memory_space<hbm>>
        %dma_start3A_73 = arith.constant 0 : i32
        %dma_start3A_74 = tpu.memref_slice %arg5[%mul3A_71, %dma_start3A_73] : memref<800000x32xf32, #tpu.memory_space<hbm>> -> memref<128x32xf32, #tpu.memory_space<hbm>>
        tpu.enqueue_dma source(%arg8 : memref<128x32xf32, #tpu.memory_space<vmem>>) target(%dma_start3A_74 : memref<128x32xf32, #tpu.memory_space<hbm>>) target_semaphore(%arg14 : memref<!tpu.dma_semaphore, #tpu.memory_space<semaphore_mem>>)
        %dma_start3A_75 = arith.constant 0 : i32
        %dma_start3A_76 = tpu.memref_slice %arg6[%mul3A_71, %dma_start3A_75] : memref<800000x32xf32, #tpu.memory_space<hbm>> -> memref<128x32xf32, #tpu.memory_space<hbm>>
        %dma_start3A_77 = arith.constant 0 : i32
        %dma_start3A_78 = tpu.memref_slice %arg6[%mul3A_71, %dma_start3A_77] : memref<800000x32xf32, #tpu.memory_space<hbm>> -> memref<128x32xf32, #tpu.memory_space<hbm>>
        tpu.enqueue_dma source(%arg10 : memref<128x32xf32, #tpu.memory_space<vmem>>) target(%dma_start3A_78 : memref<128x32xf32, #tpu.memory_space<hbm>>) target_semaphore(%arg14 : memref<!tpu.dma_semaphore, #tpu.memory_space<semaphore_mem>>)
      } else {
      }
    }
    %scan3A_12 = arith.constant 99 : i32
    return
  }
}

#map = affine_map<(d0, d1) -> (0, 0)>
#map1 = affine_map<(d0, d1) -> (0)>
#map2 = affine_map<(d0, d1) -> (0, 0, 0)>
module attributes {stable_mosaic.version = 14 : i64} {
  func.func @k(%arg0: i32, %arg1: i32, %arg2: memref<800000x32xf32, #tpu.memory_space<hbm>>, %arg3: memref<800000xi32, #tpu.memory_space<hbm>>, %arg4: memref<2x50176x32xf32, #tpu.memory_space<hbm>>, %arg5: memref<50000x32xf32, #tpu.memory_space<vmem_shared>>, %arg6: memref<625x32xf32, #tpu.memory_space<vmem>>, %arg7: memref<128xi32, #tpu.memory_space<vmem>>, %arg8: memref<128xi32, #tpu.memory_space<vmem>>, %arg9: memref<128x32xf32, #tpu.memory_space<vmem>>, %arg10: memref<128x32xf32, #tpu.memory_space<vmem>>, %arg11: memref<!tpu.dma_semaphore, #tpu.memory_space<semaphore_mem>>, %arg12: memref<!tpu.dma_semaphore, #tpu.memory_space<semaphore_mem>>) attributes {dimension_semantics = [#tpu.dimension_semantics<core_parallel>, #tpu.dimension_semantics<subcore_parallel>], iteration_bounds = array<i64: 2, 16>, scalar_prefetch = 0 : i64, scratch_operands = 8 : i64, tpu.core_type = #tpu.core_type<sc_vector_subcore>, window_params = [{transform_indices = #map}, {transform_indices = #map1}, {transform_indices = #map2}]} {
    %mul3A = arith.constant 2 : i32
    %mul3A_0 = arith.muli %arg1, %mul3A : i32
    %add3A = arith.addi %mul3A_0, %arg0 : i32
    %lt3A = arith.constant 10 : i32
    %lt3A_1 = arith.cmpi slt, %add3A, %lt3A : i32
    %convert_element_type3A = arith.extui %lt3A_1 : i1 to i32
    %add3A_2 = arith.constant 195 : i32
    %add3A_3 = arith.addi %add3A_2, %convert_element_type3A : i32
    %mul3A_4 = arith.constant 195 : i32
    %mul3A_5 = arith.muli %add3A, %mul3A_4 : i32
    %min3A = arith.constant 10 : i32
    %min3A_6 = arith.minsi %add3A, %min3A : i32
    %add3A_7 = arith.addi %mul3A_5, %min3A_6 : i32
    %broadcast_in_dim3A = arith.constant 0.000000e+00 : f32
    %broadcast_in_dim3A_8 = vector.broadcast %broadcast_in_dim3A : f32 to vector<16xf32>
    %scan3A = arith.constant 0 : i32
    %scan3A_9 = arith.constant 0 : i32
    %scan3A_10 = arith.constant 625 : i32
    %scan3A_11 = arith.addi %scan3A_9, %scan3A_10 : i32
    %scan3A_12 = arith.constant 1 : i32
    scf.for %scan3A_33 = %scan3A_9 to %scan3A_11 step %scan3A_12  : i32 {
      %swap3A = arith.index_cast %scan3A_33 : i32 to index
      %swap3A_34 = arith.constant 0 : index
      %swap3A_35 = tpu.vector_load %arg6[%swap3A, %swap3A_34] {strides = array<i32>} : memref<625x32xf32, #tpu.memory_space<vmem>>, vector<1x16xf32>,
      %swap3A_36 = vector.shape_cast %swap3A_35 : vector<1x16xf32> to vector<16xf32>
      %swap3A_37 = vector.shape_cast %broadcast_in_dim3A_8 : vector<16xf32> to vector<1x16xf32>
      tpu.vector_store %arg6[%swap3A, %swap3A_34], %swap3A_37 {strides = array<i32>} : memref<625x32xf32, #tpu.memory_space<vmem>>, vector<1x16xf32>,
      %swap3A_38 = arith.index_cast %scan3A_33 : i32 to index
      %swap3A_39 = arith.constant 16 : index
      %swap3A_40 = tpu.vector_load %arg6[%swap3A_38, %swap3A_39] {strides = array<i32>} : memref<625x32xf32, #tpu.memory_space<vmem>>, vector<1x16xf32>,
      %swap3A_41 = vector.shape_cast %swap3A_40 : vector<1x16xf32> to vector<16xf32>
      %swap3A_42 = vector.shape_cast %broadcast_in_dim3A_8 : vector<16xf32> to vector<1x16xf32>
      tpu.vector_store %arg6[%swap3A_38, %swap3A_39], %swap3A_42 {strides = array<i32>} : memref<625x32xf32, #tpu.memory_space<vmem>>, vector<1x16xf32>,
    }
    %scan3A_13 = arith.constant 625 : i32
    %scan3A_14 = arith.constant 0 : i32
    %scan3A_15 = arith.constant 0 : i32
    %scan3A_16 = arith.constant 5 : i32
    %scan3A_17 = arith.addi %scan3A_15, %scan3A_16 : i32
    %scan3A_18 = arith.constant 1 : i32
    scf.for %scan3A_33 = %scan3A_15 to %scan3A_17 step %scan3A_18  : i32 {
      %mul3A_34 = arith.constant 3125 : i32
      %mul3A_35 = arith.muli %arg1, %mul3A_34 : i32
      %mul3A_36 = arith.constant 625 : i32
      %mul3A_37 = arith.muli %scan3A_33, %mul3A_36 : i32
      %add3A_38 = arith.addi %mul3A_35, %mul3A_37 : i32
      "tpu.region"() ({
        %run_scoped3A = tpu.sem_alloc : memref<!tpu.dma_semaphore, #tpu.memory_space<semaphore_mem>>
        %dma_start3A = arith.constant 0 : i32
        %dma_start3A_39 = tpu.memref_slice %arg5[%add3A_38, %dma_start3A] : memref<50000x32xf32, #tpu.memory_space<vmem_shared>> -> memref<625x32xf32, #tpu.memory_space<vmem_shared>>
        %dma_start3A_40 = arith.constant 0 : i32
        %dma_start3A_41 = tpu.memref_slice %arg5[%add3A_38, %dma_start3A_40] : memref<50000x32xf32, #tpu.memory_space<vmem_shared>> -> memref<625x32xf32, #tpu.memory_space<vmem_shared>>
        tpu.enqueue_dma source(%arg6 : memref<625x32xf32, #tpu.memory_space<vmem>>) target(%dma_start3A_41 : memref<625x32xf32, #tpu.memory_space<vmem_shared>>) target_semaphore(%run_scoped3A : memref<!tpu.dma_semaphore, #tpu.memory_space<semaphore_mem>>)
        %dma_wait3A = arith.constant 0 : i32
        %dma_wait3A_42 = tpu.memref_slice %arg5[%add3A_38, %dma_wait3A] : memref<50000x32xf32, #tpu.memory_space<vmem_shared>> -> memref<625x32xf32, #tpu.memory_space<vmem_shared>>
        %dma_wait3A_43 = arith.constant 0 : i32
        %dma_wait3A_44 = tpu.memref_slice %arg5[%add3A_38, %dma_wait3A_43] : memref<50000x32xf32, #tpu.memory_space<vmem_shared>> -> memref<625x32xf32, #tpu.memory_space<vmem_shared>>
        tpu.wait_dma2 semaphore(%run_scoped3A : memref<!tpu.dma_semaphore, #tpu.memory_space<semaphore_mem>>) src(%arg6 : memref<625x32xf32, #tpu.memory_space<vmem>>) dst(%dma_wait3A_44 : memref<625x32xf32, #tpu.memory_space<vmem_shared>>)
        tpu.yield
      }) : () -> ()
    }
    %scan3A_19 = arith.constant 5 : i32
    %barrier3A = arith.constant 0 : index
    tpu.barrier barrier_id(%barrier3A)
    %scan3A_20 = arith.constant 0 : i32
    %scan3A_21 = arith.constant 0 : i32
    %scan3A_22 = arith.constant 99 : i32
    %scan3A_23 = arith.addi %scan3A_21, %scan3A_22 : i32
    %scan3A_24 = arith.constant 1 : i32
    scf.for %scan3A_33 = %scan3A_21 to %scan3A_23 step %scan3A_24  : i32 {
      %mul3A_34 = arith.constant 2 : i32
      %mul3A_35 = arith.muli %mul3A_34, %scan3A_33 : i32
      %mul3A_36 = arith.constant 2 : i32
      %mul3A_37 = arith.muli %mul3A_36, %scan3A_33 : i32
      %add3A_38 = arith.constant 1 : i32
      %add3A_39 = arith.addi %mul3A_37, %add3A_38 : i32
      %lt3A_40 = arith.cmpi slt, %mul3A_35, %add3A_3 : i32
      %convert_element_type3A_41 = arith.extui %lt3A_40 : i1 to i32
      %cond3A = arith.constant 0 : i32
      %cond3A_42 = arith.cmpi ne, %convert_element_type3A_41, %cond3A : i32
      scf.if %cond3A_42 {
        %add3A_60 = arith.addi %add3A_7, %mul3A_35 : i32
        %mul3A_61 = arith.constant 128 : i32
        %mul3A_62 = arith.muli %add3A_60, %mul3A_61 : i32
        %dma_start3A = tpu.memref_slice %arg3[%mul3A_62] : memref<800000xi32, #tpu.memory_space<hbm>> -> memref<128xi32, #tpu.memory_space<hbm>>
        %dma_start3A_63 = tpu.memref_slice %arg3[%mul3A_62] : memref<800000xi32, #tpu.memory_space<hbm>> -> memref<128xi32, #tpu.memory_space<hbm>>
        tpu.enqueue_dma source(%dma_start3A_63 : memref<128xi32, #tpu.memory_space<hbm>>) target(%arg7 : memref<128xi32, #tpu.memory_space<vmem>>) target_semaphore(%arg11 : memref<!tpu.dma_semaphore, #tpu.memory_space<semaphore_mem>>)
        %dma_start3A_64 = arith.constant 0 : i32
        %dma_start3A_65 = tpu.memref_slice %arg2[%mul3A_62, %dma_start3A_64] : memref<800000x32xf32, #tpu.memory_space<hbm>> -> memref<128x32xf32, #tpu.memory_space<hbm>>
        %dma_start3A_66 = arith.constant 0 : i32
        %dma_start3A_67 = tpu.memref_slice %arg2[%mul3A_62, %dma_start3A_66] : memref<800000x32xf32, #tpu.memory_space<hbm>> -> memref<128x32xf32, #tpu.memory_space<hbm>>
        tpu.enqueue_dma source(%dma_start3A_67 : memref<128x32xf32, #tpu.memory_space<hbm>>) target(%arg9 : memref<128x32xf32, #tpu.memory_space<vmem>>) target_semaphore(%arg11 : memref<!tpu.dma_semaphore, #tpu.memory_space<semaphore_mem>>)
      } else {
      }
      %sub3A = arith.constant 1 : i32
      %sub3A_43 = arith.subi %mul3A_35, %sub3A : i32
      %ge3A = arith.constant 0 : i32
      %ge3A_44 = arith.cmpi sge, %sub3A_43, %ge3A : i32
      %lt3A_45 = arith.cmpi slt, %sub3A_43, %add3A_3 : i32
      %and3A = arith.andi %ge3A_44, %lt3A_45 : i1
      %convert_element_type3A_46 = arith.extui %and3A : i1 to i32
      %cond3A_47 = arith.constant 0 : i32
      %cond3A_48 = arith.cmpi ne, %convert_element_type3A_46, %cond3A_47 : i32
      scf.if %cond3A_48 {
        %dma_wait3A = arith.constant 0 : i32
        %dma_wait3A_60 = tpu.memref_slice %arg3[%dma_wait3A] : memref<800000xi32, #tpu.memory_space<hbm>> -> memref<128xi32, #tpu.memory_space<hbm>>
        %dma_wait3A_61 = arith.constant 0 : i32
        %dma_wait3A_62 = tpu.memref_slice %arg3[%dma_wait3A_61] : memref<800000xi32, #tpu.memory_space<hbm>> -> memref<128xi32, #tpu.memory_space<hbm>>
        tpu.wait_dma2 semaphore(%arg12 : memref<!tpu.dma_semaphore, #tpu.memory_space<semaphore_mem>>) src(%dma_wait3A_62 : memref<128xi32, #tpu.memory_space<hbm>>) dst(%arg8 : memref<128xi32, #tpu.memory_space<vmem>>)
        %dma_wait3A_63 = arith.constant 0 : i32
        %dma_wait3A_64 = arith.constant 0 : i32
        %dma_wait3A_65 = tpu.memref_slice %arg2[%dma_wait3A_63, %dma_wait3A_64] : memref<800000x32xf32, #tpu.memory_space<hbm>> -> memref<128x32xf32, #tpu.memory_space<hbm>>
        %dma_wait3A_66 = arith.constant 0 : i32
        %dma_wait3A_67 = arith.constant 0 : i32
        %dma_wait3A_68 = tpu.memref_slice %arg2[%dma_wait3A_66, %dma_wait3A_67] : memref<800000x32xf32, #tpu.memory_space<hbm>> -> memref<128x32xf32, #tpu.memory_space<hbm>>
        tpu.wait_dma2 semaphore(%arg12 : memref<!tpu.dma_semaphore, #tpu.memory_space<semaphore_mem>>) src(%dma_wait3A_68 : memref<128x32xf32, #tpu.memory_space<hbm>>) dst(%arg10 : memref<128x32xf32, #tpu.memory_space<vmem>>)
        "tpu.region"() ({
          %run_scoped3A = tpu.sem_alloc : memref<!tpu.dma_semaphore, #tpu.memory_space<semaphore_mem>>
          %dma_start3A = arith.constant 0 : i32
          %dma_start3A_69 = arith.constant 0 : i32
          %dma_start3A_70 = tpu.memref_slice %arg5[%dma_start3A, %dma_start3A_69] : memref<50000x32xf32, #tpu.memory_space<vmem_shared>> -> memref<50000x32xf32, #tpu.memory_space<vmem_shared>>
          tpu.enqueue_indirect_dma source(%arg10 : memref<128x32xf32, #tpu.memory_space<vmem>>) target(%dma_start3A_70 : memref<50000x32xf32, #tpu.memory_space<vmem_shared>>) offsets(%arg8 : memref<128xi32, #tpu.memory_space<vmem>>) semaphore(%run_scoped3A : memref<!tpu.dma_semaphore, #tpu.memory_space<semaphore_mem>>) {add = true}
          %dma_wait3A_71 = arith.constant 0 : i32
          %dma_wait3A_72 = arith.constant 0 : i32
          %dma_wait3A_73 = tpu.memref_slice %arg5[%dma_wait3A_71, %dma_wait3A_72] : memref<50000x32xf32, #tpu.memory_space<vmem_shared>> -> memref<50000x32xf32, #tpu.memory_space<vmem_shared>>
          tpu.wait_indirect_dma semaphore(%run_scoped3A : memref<!tpu.dma_semaphore, #tpu.memory_space<semaphore_mem>>) src(%arg10 : memref<128x32xf32, #tpu.memory_space<vmem>>) dst(%dma_wait3A_73 : memref<50000x32xf32, #tpu.memory_space<vmem_shared>>)
          tpu.yield
        }) : () -> ()
      } else {
      }
      %lt3A_49 = arith.cmpi slt, %add3A_39, %add3A_3 : i32
      %convert_element_type3A_50 = arith.extui %lt3A_49 : i1 to i32
      %cond3A_51 = arith.constant 0 : i32
      %cond3A_52 = arith.cmpi ne, %convert_element_type3A_50, %cond3A_51 : i32
      scf.if %cond3A_52 {
        %add3A_60 = arith.addi %add3A_7, %add3A_39 : i32
        %mul3A_61 = arith.constant 128 : i32
        %mul3A_62 = arith.muli %add3A_60, %mul3A_61 : i32
        %dma_start3A = tpu.memref_slice %arg3[%mul3A_62] : memref<800000xi32, #tpu.memory_space<hbm>> -> memref<128xi32, #tpu.memory_space<hbm>>
        %dma_start3A_63 = tpu.memref_slice %arg3[%mul3A_62] : memref<800000xi32, #tpu.memory_space<hbm>> -> memref<128xi32, #tpu.memory_space<hbm>>
        tpu.enqueue_dma source(%dma_start3A_63 : memref<128xi32, #tpu.memory_space<hbm>>) target(%arg8 : memref<128xi32, #tpu.memory_space<vmem>>) target_semaphore(%arg12 : memref<!tpu.dma_semaphore, #tpu.memory_space<semaphore_mem>>)
        %dma_start3A_64 = arith.constant 0 : i32
        %dma_start3A_65 = tpu.memref_slice %arg2[%mul3A_62, %dma_start3A_64] : memref<800000x32xf32, #tpu.memory_space<hbm>> -> memref<128x32xf32, #tpu.memory_space<hbm>>
        %dma_start3A_66 = arith.constant 0 : i32
        %dma_start3A_67 = tpu.memref_slice %arg2[%mul3A_62, %dma_start3A_66] : memref<800000x32xf32, #tpu.memory_space<hbm>> -> memref<128x32xf32, #tpu.memory_space<hbm>>
        tpu.enqueue_dma source(%dma_start3A_67 : memref<128x32xf32, #tpu.memory_space<hbm>>) target(%arg10 : memref<128x32xf32, #tpu.memory_space<vmem>>) target_semaphore(%arg12 : memref<!tpu.dma_semaphore, #tpu.memory_space<semaphore_mem>>)
      } else {
      }
      %ge3A_53 = arith.constant 0 : i32
      %ge3A_54 = arith.cmpi sge, %mul3A_35, %ge3A_53 : i32
      %lt3A_55 = arith.cmpi slt, %mul3A_35, %add3A_3 : i32
      %and3A_56 = arith.andi %ge3A_54, %lt3A_55 : i1
      %convert_element_type3A_57 = arith.extui %and3A_56 : i1 to i32
      %cond3A_58 = arith.constant 0 : i32
      %cond3A_59 = arith.cmpi ne, %convert_element_type3A_57, %cond3A_58 : i32
      scf.if %cond3A_59 {
        %dma_wait3A = arith.constant 0 : i32
        %dma_wait3A_60 = tpu.memref_slice %arg3[%dma_wait3A] : memref<800000xi32, #tpu.memory_space<hbm>> -> memref<128xi32, #tpu.memory_space<hbm>>
        %dma_wait3A_61 = arith.constant 0 : i32
        %dma_wait3A_62 = tpu.memref_slice %arg3[%dma_wait3A_61] : memref<800000xi32, #tpu.memory_space<hbm>> -> memref<128xi32, #tpu.memory_space<hbm>>
        tpu.wait_dma2 semaphore(%arg11 : memref<!tpu.dma_semaphore, #tpu.memory_space<semaphore_mem>>) src(%dma_wait3A_62 : memref<128xi32, #tpu.memory_space<hbm>>) dst(%arg7 : memref<128xi32, #tpu.memory_space<vmem>>)
        %dma_wait3A_63 = arith.constant 0 : i32
        %dma_wait3A_64 = arith.constant 0 : i32
        %dma_wait3A_65 = tpu.memref_slice %arg2[%dma_wait3A_63, %dma_wait3A_64] : memref<800000x32xf32, #tpu.memory_space<hbm>> -> memref<128x32xf32, #tpu.memory_space<hbm>>
        %dma_wait3A_66 = arith.constant 0 : i32
        %dma_wait3A_67 = arith.constant 0 : i32
        %dma_wait3A_68 = tpu.memref_slice %arg2[%dma_wait3A_66, %dma_wait3A_67] : memref<800000x32xf32, #tpu.memory_space<hbm>> -> memref<128x32xf32, #tpu.memory_space<hbm>>
        tpu.wait_dma2 semaphore(%arg11 : memref<!tpu.dma_semaphore, #tpu.memory_space<semaphore_mem>>) src(%dma_wait3A_68 : memref<128x32xf32, #tpu.memory_space<hbm>>) dst(%arg9 : memref<128x32xf32, #tpu.memory_space<vmem>>)
        "tpu.region"() ({
          %run_scoped3A = tpu.sem_alloc : memref<!tpu.dma_semaphore, #tpu.memory_space<semaphore_mem>>
          %dma_start3A = arith.constant 0 : i32
          %dma_start3A_69 = arith.constant 0 : i32
          %dma_start3A_70 = tpu.memref_slice %arg5[%dma_start3A, %dma_start3A_69] : memref<50000x32xf32, #tpu.memory_space<vmem_shared>> -> memref<50000x32xf32, #tpu.memory_space<vmem_shared>>
          tpu.enqueue_indirect_dma source(%arg9 : memref<128x32xf32, #tpu.memory_space<vmem>>) target(%dma_start3A_70 : memref<50000x32xf32, #tpu.memory_space<vmem_shared>>) offsets(%arg7 : memref<128xi32, #tpu.memory_space<vmem>>) semaphore(%run_scoped3A : memref<!tpu.dma_semaphore, #tpu.memory_space<semaphore_mem>>) {add = true}
          %dma_wait3A_71 = arith.constant 0 : i32
          %dma_wait3A_72 = arith.constant 0 : i32
          %dma_wait3A_73 = tpu.memref_slice %arg5[%dma_wait3A_71, %dma_wait3A_72] : memref<50000x32xf32, #tpu.memory_space<vmem_shared>> -> memref<50000x32xf32, #tpu.memory_space<vmem_shared>>
          tpu.wait_indirect_dma semaphore(%run_scoped3A : memref<!tpu.dma_semaphore, #tpu.memory_space<semaphore_mem>>) src(%arg9 : memref<128x32xf32, #tpu.memory_space<vmem>>) dst(%dma_wait3A_73 : memref<50000x32xf32, #tpu.memory_space<vmem_shared>>)
          tpu.yield
        }) : () -> ()
      } else {
      }
    }
    %scan3A_25 = arith.constant 99 : i32
    %barrier3A_26 = arith.constant 0 : index
    tpu.barrier barrier_id(%barrier3A_26)
    %scan3A_27 = arith.constant 0 : i32
    %scan3A_28 = arith.constant 0 : i32
    %scan3A_29 = arith.constant 5 : i32
    %scan3A_30 = arith.addi %scan3A_28, %scan3A_29 : i32
    %scan3A_31 = arith.constant 1 : i32
    scf.for %scan3A_33 = %scan3A_28 to %scan3A_30 step %scan3A_31  : i32 {
      %mul3A_34 = arith.constant 3125 : i32
      %mul3A_35 = arith.muli %arg1, %mul3A_34 : i32
      %mul3A_36 = arith.constant 625 : i32
      %mul3A_37 = arith.muli %scan3A_33, %mul3A_36 : i32
      %add3A_38 = arith.addi %mul3A_35, %mul3A_37 : i32
      "tpu.region"() ({
        %run_scoped3A = tpu.sem_alloc : memref<!tpu.dma_semaphore, #tpu.memory_space<semaphore_mem>>
        %dma_start3A = arith.constant 0 : i32
        %dma_start3A_39 = tpu.memref_slice %arg5[%add3A_38, %dma_start3A] : memref<50000x32xf32, #tpu.memory_space<vmem_shared>> -> memref<625x32xf32, #tpu.memory_space<vmem_shared>>
        %dma_start3A_40 = arith.constant 0 : i32
        %dma_start3A_41 = tpu.memref_slice %arg5[%add3A_38, %dma_start3A_40] : memref<50000x32xf32, #tpu.memory_space<vmem_shared>> -> memref<625x32xf32, #tpu.memory_space<vmem_shared>>
        tpu.enqueue_dma source(%dma_start3A_41 : memref<625x32xf32, #tpu.memory_space<vmem_shared>>) target(%arg6 : memref<625x32xf32, #tpu.memory_space<vmem>>) target_semaphore(%run_scoped3A : memref<!tpu.dma_semaphore, #tpu.memory_space<semaphore_mem>>)
        %dma_wait3A = arith.constant 0 : i32
        %dma_wait3A_42 = tpu.memref_slice %arg5[%add3A_38, %dma_wait3A] : memref<50000x32xf32, #tpu.memory_space<vmem_shared>> -> memref<625x32xf32, #tpu.memory_space<vmem_shared>>
        %dma_wait3A_43 = arith.constant 0 : i32
        %dma_wait3A_44 = tpu.memref_slice %arg5[%add3A_38, %dma_wait3A_43] : memref<50000x32xf32, #tpu.memory_space<vmem_shared>> -> memref<625x32xf32, #tpu.memory_space<vmem_shared>>
        tpu.wait_dma2 semaphore(%run_scoped3A : memref<!tpu.dma_semaphore, #tpu.memory_space<semaphore_mem>>) src(%dma_wait3A_44 : memref<625x32xf32, #tpu.memory_space<vmem_shared>>) dst(%arg6 : memref<625x32xf32, #tpu.memory_space<vmem>>)
        tpu.yield
      }) : () -> ()
      "tpu.region"() ({
        %run_scoped3A = tpu.sem_alloc : memref<!tpu.dma_semaphore, #tpu.memory_space<semaphore_mem>>
        %dma_start3A = arith.constant 0 : i32
        %dma_start3A_39 = tpu.memref_slice %arg4[%arg0, %add3A_38, %dma_start3A] : memref<2x50176x32xf32, #tpu.memory_space<hbm>> -> memref<1x625x32xf32, #tpu.memory_space<hbm>>
        %dma_start3A_40 = tpu.memref_squeeze %dma_start3A_39 : memref<1x625x32xf32, #tpu.memory_space<hbm>> -> memref<625x32xf32, #tpu.memory_space<hbm>>
        %dma_start3A_41 = arith.constant 0 : i32
        %dma_start3A_42 = tpu.memref_slice %arg4[%arg0, %add3A_38, %dma_start3A_41] : memref<2x50176x32xf32, #tpu.memory_space<hbm>> -> memref<1x625x32xf32, #tpu.memory_space<hbm>>
        %dma_start3A_43 = tpu.memref_squeeze %dma_start3A_42 : memref<1x625x32xf32, #tpu.memory_space<hbm>> -> memref<625x32xf32, #tpu.memory_space<hbm>>
        tpu.enqueue_dma source(%arg6 : memref<625x32xf32, #tpu.memory_space<vmem>>) target(%dma_start3A_43 : memref<625x32xf32, #tpu.memory_space<hbm>>) target_semaphore(%run_scoped3A : memref<!tpu.dma_semaphore, #tpu.memory_space<semaphore_mem>>)
        %dma_wait3A = arith.constant 0 : i32
        %dma_wait3A_44 = tpu.memref_slice %arg4[%arg0, %add3A_38, %dma_wait3A] : memref<2x50176x32xf32, #tpu.memory_space<hbm>> -> memref<1x625x32xf32, #tpu.memory_space<hbm>>
        %dma_wait3A_45 = tpu.memref_squeeze %dma_wait3A_44 : memref<1x625x32xf32, #tpu.memory_space<hbm>> -> memref<625x32xf32, #tpu.memory_space<hbm>>
        %dma_wait3A_46 = arith.constant 0 : i32
        %dma_wait3A_47 = tpu.memref_slice %arg4[%arg0, %add3A_38, %dma_wait3A_46] : memref<2x50176x32xf32, #tpu.memory_space<hbm>> -> memref<1x625x32xf32, #tpu.memory_space<hbm>>
        %dma_wait3A_48 = tpu.memref_squeeze %dma_wait3A_47 : memref<1x625x32xf32, #tpu.memory_space<hbm>> -> memref<625x32xf32, #tpu.memory_space<hbm>>
        tpu.wait_dma2 semaphore(%run_scoped3A : memref<!tpu.dma_semaphore, #tpu.memory_space<semaphore_mem>>) src(%arg6 : memref<625x32xf32, #tpu.memory_space<vmem>>) dst(%dma_wait3A_48 : memref<625x32xf32, #tpu.memory_space<hbm>>)
        tpu.yield
      }) : () -> ()
    }
    %scan3A_32 = arith.constant 5 : i32
    return
  }
}

module attributes {stable_mosaic.version = 14 : i64} {
  func.func @body(%arg0: i32, %arg1: memref<2000x128xf32, #tpu.memory_space<vmem>>, %arg2: memref<2000x128xf32, #tpu.memory_space<vmem>>, %arg3: memref<2000x128xf32, #tpu.memory_space<vmem>>, %arg4: memref<128x128xf32, #tpu.memory_space<vmem>>, %arg5: memref<8x128xf32, #tpu.memory_space<vmem>>, %arg6: memref<8x128xf32, #tpu.memory_space<vmem>>, %arg7: memref<1x128xf32, #tpu.memory_space<vmem>>, %arg8: memref<8x128xf32, #tpu.memory_space<vmem>>, %arg9: memref<1x128xf32, #tpu.memory_space<vmem>>, %arg10: memref<2000x128xf32, #tpu.memory_space<vmem>>, %arg11: memref<2000x128xf32, #tpu.memory_space<vmem>>, %arg12: memref<2000x128xf32, #tpu.memory_space<vmem>>) attributes {dimension_semantics = [#tpu.dimension_semantics<arbitrary>], iteration_bounds = array<i64: 100>, scalar_prefetch = 0 : i64, scratch_operands = 0 : i64, tpu.core_type = #tpu.core_type<tc>, window_params = [{transform_indices = @transform_0, window_bounds = array<i64: 2000, 128>}, {transform_indices = @transform_1, window_bounds = array<i64: 2000, 128>}, {transform_indices = @transform_2, window_bounds = array<i64: 2000, 128>}, {pipeline_mode = #tpu.pipeline_mode<synchronous>, transform_indices = @transform_3, window_bounds = array<i64: 128, 128>}, {pipeline_mode = #tpu.pipeline_mode<synchronous>, transform_indices = @transform_4, window_bounds = array<i64: 8, 128>}, {pipeline_mode = #tpu.pipeline_mode<synchronous>, transform_indices = @transform_5, window_bounds = array<i64: 8, 128>}, {pipeline_mode = #tpu.pipeline_mode<synchronous>, transform_indices = @transform_6, window_bounds = array<i64: 1, 128>}, {pipeline_mode = #tpu.pipeline_mode<synchronous>, transform_indices = @transform_7, window_bounds = array<i64: 8, 128>}, {pipeline_mode = #tpu.pipeline_mode<synchronous>, transform_indices = @transform_8, window_bounds = array<i64: 1, 128>}, {transform_indices = @transform_9, window_bounds = array<i64: 2000, 128>}, {transform_indices = @transform_10, window_bounds = array<i64: 2000, 128>}, {transform_indices = @transform_11, window_bounds = array<i64: 2000, 128>}]} {
    %get3A = arith.constant 0 : index
    %get3A_0 = arith.constant 0 : index
    %get3A_1 = vector.load %arg2[%get3A, %get3A_0] : memref<2000x128xf32, #tpu.memory_space<vmem>>, vector<2000x128xf32>
    %get3A_2 = arith.constant 0 : index
    %get3A_3 = arith.constant 0 : index
    %get3A_4 = vector.load %arg3[%get3A_2, %get3A_3] : memref<2000x128xf32, #tpu.memory_space<vmem>>, vector<2000x128xf32>
    %sub3A = arith.subf %get3A_1, %get3A_4 : vector<2000x128xf32>
    %mul3A = arith.mulf %sub3A, %sub3A : vector<2000x128xf32>
    %get3A_5 = arith.constant 0 : index
    %get3A_6 = arith.constant 0 : index
    %get3A_7 = vector.load %arg4[%get3A_5, %get3A_6] : memref<128x128xf32, #tpu.memory_space<vmem>>, vector<128x128xf32>
    %dot_general3A = arith.constant dense<0.000000e+00> : vector<2000x128xf32>
    %dot_general3A_8 = tpu.matmul %mul3A, %get3A_7, %dot_general3A {dimension_numbers = #tpu.dot_dimension_numbers<[1], [0], [0], [1], [0, 0, 1, 1], [], []>, precision = #tpu.contract_precision<fp32>, transpose_lhs_hint = false} : vector<2000x128xf32>, vector<128x128xf32>, vector<2000x128xf32> -> vector<2000x128xf32>
    %max3A = arith.constant 1.000000e-24 : f32
    %max3A_9 = vector.broadcast %max3A : f32 to vector<2000x128xf32>
    %max3A_10 = arith.maximumf %dot_general3A_8, %max3A_9 : vector<2000x128xf32>
    %rsqrt3A = math.rsqrt %max3A_10 : vector<2000x128xf32>
    %mul3A_11 = arith.constant 5.000000e-01 : f32
    %mul3A_12 = vector.broadcast %mul3A_11 : f32 to vector<2000x128xf32>
    %mul3A_13 = arith.mulf %mul3A_12, %max3A_10 : vector<2000x128xf32>
    %mul3A_14 = arith.mulf %mul3A_13, %rsqrt3A : vector<2000x128xf32>
    %mul3A_15 = arith.mulf %mul3A_14, %rsqrt3A : vector<2000x128xf32>
    %sub3A_16 = arith.constant 1.500000e+00 : f32
    %sub3A_17 = vector.broadcast %sub3A_16 : f32 to vector<2000x128xf32>
    %sub3A_18 = arith.subf %sub3A_17, %mul3A_15 : vector<2000x128xf32>
    %mul3A_19 = arith.mulf %rsqrt3A, %sub3A_18 : vector<2000x128xf32>
    %mul3A_20 = arith.mulf %max3A_10, %mul3A_19 : vector<2000x128xf32>
    %add3A = arith.constant 9.99999997E-7 : f32
    %add3A_21 = vector.broadcast %add3A : f32 to vector<2000x128xf32>
    %add3A_22 = arith.addf %mul3A_20, %add3A_21 : vector<2000x128xf32>
    %mul3A_23 = arith.constant 2.000000e-01 : f32
    %mul3A_24 = vector.broadcast %mul3A_23 : f32 to vector<2000x128xf32>
    %mul3A_25 = arith.mulf %add3A_22, %mul3A_24 : vector<2000x128xf32>
    %mul3A_26 = arith.mulf %mul3A_25, %mul3A_25 : vector<2000x128xf32>
    %mul3A_27 = arith.mulf %mul3A_26, %mul3A_26 : vector<2000x128xf32>
    %div3A = arith.constant 1.000000e+00 : f32
    %div3A_28 = vector.broadcast %div3A : f32 to vector<2000x128xf32>
    %div3A_29 = arith.divf %div3A_28, %mul3A_25 : vector<2000x128xf32>
    %mul3A_30 = arith.mulf %mul3A_25, %div3A_29 : vector<2000x128xf32>
    %sub3A_31 = arith.constant 2.000000e+00 : f32
    %sub3A_32 = vector.broadcast %sub3A_31 : f32 to vector<2000x128xf32>
    %sub3A_33 = arith.subf %sub3A_32, %mul3A_30 : vector<2000x128xf32>
    %mul3A_34 = arith.mulf %div3A_29, %sub3A_33 : vector<2000x128xf32>
    %mul3A_35 = arith.constant -2.100000e+01 : f32
    %mul3A_36 = vector.broadcast %mul3A_35 : f32 to vector<2000x128xf32>
    %mul3A_37 = arith.mulf %mul3A_36, %mul3A_27 : vector<2000x128xf32>
    %add3A_38 = arith.addf %mul3A_34, %mul3A_37 : vector<2000x128xf32>
    %mul3A_39 = arith.constant 3.500000e+01 : f32
    %mul3A_40 = vector.broadcast %mul3A_39 : f32 to vector<2000x128xf32>
    %mul3A_41 = arith.mulf %mul3A_40, %mul3A_27 : vector<2000x128xf32>
    %mul3A_42 = arith.mulf %mul3A_41, %mul3A_25 : vector<2000x128xf32>
    %add3A_43 = arith.addf %add3A_38, %mul3A_42 : vector<2000x128xf32>
    %mul3A_44 = arith.constant -1.500000e+01 : f32
    %mul3A_45 = vector.broadcast %mul3A_44 : f32 to vector<2000x128xf32>
    %mul3A_46 = arith.mulf %mul3A_45, %mul3A_27 : vector<2000x128xf32>
    %mul3A_47 = arith.mulf %mul3A_46, %mul3A_26 : vector<2000x128xf32>
    %add3A_48 = arith.addf %add3A_43, %mul3A_47 : vector<2000x128xf32>
    %lt3A = arith.constant 1.000000e+00 : f32
    %lt3A_49 = vector.broadcast %lt3A : f32 to vector<2000x128xf32>
    %lt3A_50 = arith.cmpf olt, %mul3A_25, %lt3A_49 : vector<2000x128xf32>
    %jit3A = arith.constant 0.000000e+00 : f32
    %broadcast_in_dim3A = vector.broadcast %jit3A : f32 to vector<2000x128xf32>
    %select_n3A = arith.select %lt3A_50, %add3A_48, %broadcast_in_dim3A : vector<2000x128xi1>, vector<2000x128xf32>
    %min3A = arith.constant 1.000000e+00 : f32
    %min3A_51 = vector.broadcast %min3A : f32 to vector<2000x128xf32>
    %min3A_52 = arith.minimumf %mul3A_25, %min3A_51 : vector<2000x128xf32>
    %mul3A_53 = arith.mulf %min3A_52, %min3A_52 : vector<2000x128xf32>
    %broadcast_in_dim3A_54 = arith.constant 3.97727155E-4 : f32
    %broadcast_in_dim3A_55 = vector.broadcast %broadcast_in_dim3A_54 : f32 to vector<2000x128xf32>
    %mul3A_56 = arith.mulf %broadcast_in_dim3A_55, %mul3A_53 : vector<2000x128xf32>
    %add3A_57 = arith.constant -7.282180e-03 : f32
    %add3A_58 = vector.broadcast %add3A_57 : f32 to vector<2000x128xf32>
    %add3A_59 = arith.addf %mul3A_56, %add3A_58 : vector<2000x128xf32>
    %mul3A_60 = arith.mulf %add3A_59, %mul3A_53 : vector<2000x128xf32>
    %add3A_61 = arith.constant 0.082089059 : f32
    %add3A_62 = vector.broadcast %add3A_61 : f32 to vector<2000x128xf32>
    %add3A_63 = arith.addf %mul3A_60, %add3A_62 : vector<2000x128xf32>
    %mul3A_64 = arith.mulf %add3A_63, %mul3A_53 : vector<2000x128xf32>
    %add3A_65 = arith.constant -0.599245727 : f32
    %add3A_66 = vector.broadcast %add3A_65 : f32 to vector<2000x128xf32>
    %add3A_67 = arith.addf %mul3A_64, %add3A_66 : vector<2000x128xf32>
    %mul3A_68 = arith.mulf %add3A_67, %mul3A_53 : vector<2000x128xf32>
    %add3A_69 = arith.constant 2.55016112 : f32
    %add3A_70 = vector.broadcast %add3A_69 : f32 to vector<2000x128xf32>
    %add3A_71 = arith.addf %mul3A_68, %add3A_70 : vector<2000x128xf32>
    %mul3A_72 = arith.mulf %add3A_71, %mul3A_53 : vector<2000x128xf32>
    %add3A_73 = arith.constant -5.16771269 : f32
    %add3A_74 = vector.broadcast %add3A_73 : f32 to vector<2000x128xf32>
    %add3A_75 = arith.addf %mul3A_72, %add3A_74 : vector<2000x128xf32>
    %mul3A_76 = arith.mulf %add3A_75, %mul3A_53 : vector<2000x128xf32>
    %add3A_77 = arith.constant 3.14159274 : f32
    %add3A_78 = vector.broadcast %add3A_77 : f32 to vector<2000x128xf32>
    %add3A_79 = arith.addf %mul3A_76, %add3A_78 : vector<2000x128xf32>
    %mul3A_80 = arith.mulf %min3A_52, %add3A_79 : vector<2000x128xf32>
    %broadcast_in_dim3A_81 = arith.constant -8.91691306E-5 : f32
    %broadcast_in_dim3A_82 = vector.broadcast %broadcast_in_dim3A_81 : f32 to vector<2000x128xf32>
    %mul3A_83 = arith.mulf %broadcast_in_dim3A_82, %mul3A_53 : vector<2000x128xf32>
    %add3A_84 = arith.constant 0.00190591009 : f32
    %add3A_85 = vector.broadcast %add3A_84 : f32 to vector<2000x128xf32>
    %add3A_86 = arith.addf %mul3A_83, %add3A_85 : vector<2000x128xf32>
    %mul3A_87 = arith.mulf %add3A_86, %mul3A_53 : vector<2000x128xf32>
    %add3A_88 = arith.constant -0.0257878527 : f32
    %add3A_89 = vector.broadcast %add3A_88 : f32 to vector<2000x128xf32>
    %add3A_90 = arith.addf %mul3A_87, %add3A_89 : vector<2000x128xf32>
    %mul3A_91 = arith.mulf %add3A_90, %mul3A_53 : vector<2000x128xf32>
    %add3A_92 = arith.constant 0.235322133 : f32
    %add3A_93 = vector.broadcast %add3A_92 : f32 to vector<2000x128xf32>
    %add3A_94 = arith.addf %mul3A_91, %add3A_93 : vector<2000x128xf32>
    %mul3A_95 = arith.mulf %add3A_94, %mul3A_53 : vector<2000x128xf32>
    %add3A_96 = arith.constant -1.33526075 : f32
    %add3A_97 = vector.broadcast %add3A_96 : f32 to vector<2000x128xf32>
    %add3A_98 = arith.addf %mul3A_95, %add3A_97 : vector<2000x128xf32>
    %mul3A_99 = arith.mulf %add3A_98, %mul3A_53 : vector<2000x128xf32>
    %add3A_100 = arith.constant 4.05871201 : f32
    %add3A_101 = vector.broadcast %add3A_100 : f32 to vector<2000x128xf32>
    %add3A_102 = arith.addf %mul3A_99, %add3A_101 : vector<2000x128xf32>
    %mul3A_103 = arith.mulf %add3A_102, %mul3A_53 : vector<2000x128xf32>
    %add3A_104 = arith.constant -4.93480206 : f32
    %add3A_105 = vector.broadcast %add3A_104 : f32 to vector<2000x128xf32>
    %add3A_106 = arith.addf %mul3A_103, %add3A_105 : vector<2000x128xf32>
    %mul3A_107 = arith.mulf %add3A_106, %mul3A_53 : vector<2000x128xf32>
    %add3A_108 = arith.constant 1.000000e+00 : f32
    %add3A_109 = vector.broadcast %add3A_108 : f32 to vector<2000x128xf32>
    %add3A_110 = arith.addf %mul3A_107, %add3A_109 : vector<2000x128xf32>
    %get3A_111 = arith.constant 0 : index
    %get3A_112 = arith.constant 0 : index
    %get3A_113 = vector.load %arg8[%get3A_111, %get3A_112] : memref<8x128xf32, #tpu.memory_space<vmem>>, vector<8x128xf32>
    %slice3A = vector.extract_strided_slice %get3A_113 {offsets = [5, 0], sizes = [1, 128], strides = [1, 1]} : vector<8x128xf32> to vector<1x128xf32>
    %broadcast_in_dim3A_114 = vector.shape_cast %slice3A : vector<1x128xf32> to vector<1x128xf32>
    %broadcast_in_dim3A_115 = vector.broadcast %broadcast_in_dim3A_114 : vector<1x128xf32> to vector<2000x128xf32>
    %mul3A_116 = arith.mulf %broadcast_in_dim3A_115, %add3A_110 : vector<2000x128xf32>
    %slice3A_117 = vector.extract_strided_slice %get3A_113 {offsets = [4, 0], sizes = [1, 128], strides = [1, 1]} : vector<8x128xf32> to vector<1x128xf32>
    %add3A_118 = vector.broadcast %slice3A_117 : vector<1x128xf32> to vector<2000x128xf32>
    %add3A_119 = arith.addf %mul3A_116, %add3A_118 : vector<2000x128xf32>
    %mul3A_120 = arith.mulf %add3A_119, %add3A_110 : vector<2000x128xf32>
    %slice3A_121 = vector.extract_strided_slice %get3A_113 {offsets = [3, 0], sizes = [1, 128], strides = [1, 1]} : vector<8x128xf32> to vector<1x128xf32>
    %add3A_122 = vector.broadcast %slice3A_121 : vector<1x128xf32> to vector<2000x128xf32>
    %add3A_123 = arith.addf %mul3A_120, %add3A_122 : vector<2000x128xf32>
    %mul3A_124 = arith.mulf %add3A_123, %add3A_110 : vector<2000x128xf32>
    %slice3A_125 = vector.extract_strided_slice %get3A_113 {offsets = [2, 0], sizes = [1, 128], strides = [1, 1]} : vector<8x128xf32> to vector<1x128xf32>
    %add3A_126 = vector.broadcast %slice3A_125 : vector<1x128xf32> to vector<2000x128xf32>
    %add3A_127 = arith.addf %mul3A_124, %add3A_126 : vector<2000x128xf32>
    %mul3A_128 = arith.mulf %add3A_127, %add3A_110 : vector<2000x128xf32>
    %slice3A_129 = vector.extract_strided_slice %get3A_113 {offsets = [1, 0], sizes = [1, 128], strides = [1, 1]} : vector<8x128xf32> to vector<1x128xf32>
    %add3A_130 = vector.broadcast %slice3A_129 : vector<1x128xf32> to vector<2000x128xf32>
    %add3A_131 = arith.addf %mul3A_128, %add3A_130 : vector<2000x128xf32>
    %mul3A_132 = arith.mulf %add3A_131, %add3A_110 : vector<2000x128xf32>
    %slice3A_133 = vector.extract_strided_slice %get3A_113 {offsets = [0, 0], sizes = [1, 128], strides = [1, 1]} : vector<8x128xf32> to vector<1x128xf32>
    %add3A_134 = vector.broadcast %slice3A_133 : vector<1x128xf32> to vector<2000x128xf32>
    %add3A_135 = arith.addf %mul3A_132, %add3A_134 : vector<2000x128xf32>
    %mul3A_136 = arith.mulf %select_n3A, %mul3A_80 : vector<2000x128xf32>
    %get3A_137 = arith.constant 0 : index
    %get3A_138 = arith.constant 0 : index
    %get3A_139 = vector.load %arg9[%get3A_137, %get3A_138] : memref<1x128xf32, #tpu.memory_space<vmem>>, vector<1x128xf32>
    %mul3A_140 = arith.mulf %mul3A_136, %add3A_135 : vector<2000x128xf32>
    %mul3A_141 = vector.broadcast %get3A_139 : vector<1x128xf32> to vector<2000x128xf32>
    %mul3A_142 = arith.mulf %mul3A_141, %mul3A_140 : vector<2000x128xf32>
    %get3A_143 = arith.constant 0 : index
    %get3A_144 = arith.constant 0 : index
    %get3A_145 = vector.load %arg5[%get3A_143, %get3A_144] : memref<8x128xf32, #tpu.memory_space<vmem>>, vector<8x128xf32>
    %slice3A_146 = vector.extract_strided_slice %get3A_145 {offsets = [5, 0], sizes = [1, 128], strides = [1, 1]} : vector<8x128xf32> to vector<1x128xf32>
    %broadcast_in_dim3A_147 = vector.shape_cast %slice3A_146 : vector<1x128xf32> to vector<1x128xf32>
    %broadcast_in_dim3A_148 = vector.broadcast %broadcast_in_dim3A_147 : vector<1x128xf32> to vector<2000x128xf32>
    %mul3A_149 = arith.mulf %broadcast_in_dim3A_148, %add3A_110 : vector<2000x128xf32>
    %slice3A_150 = vector.extract_strided_slice %get3A_145 {offsets = [4, 0], sizes = [1, 128], strides = [1, 1]} : vector<8x128xf32> to vector<1x128xf32>
    %add3A_151 = vector.broadcast %slice3A_150 : vector<1x128xf32> to vector<2000x128xf32>
    %add3A_152 = arith.addf %mul3A_149, %add3A_151 : vector<2000x128xf32>
    %mul3A_153 = arith.mulf %add3A_152, %add3A_110 : vector<2000x128xf32>
    %slice3A_154 = vector.extract_strided_slice %get3A_145 {offsets = [3, 0], sizes = [1, 128], strides = [1, 1]} : vector<8x128xf32> to vector<1x128xf32>
    %add3A_155 = vector.broadcast %slice3A_154 : vector<1x128xf32> to vector<2000x128xf32>
    %add3A_156 = arith.addf %mul3A_153, %add3A_155 : vector<2000x128xf32>
    %mul3A_157 = arith.mulf %add3A_156, %add3A_110 : vector<2000x128xf32>
    %slice3A_158 = vector.extract_strided_slice %get3A_145 {offsets = [2, 0], sizes = [1, 128], strides = [1, 1]} : vector<8x128xf32> to vector<1x128xf32>
    %add3A_159 = vector.broadcast %slice3A_158 : vector<1x128xf32> to vector<2000x128xf32>
    %add3A_160 = arith.addf %mul3A_157, %add3A_159 : vector<2000x128xf32>
    %mul3A_161 = arith.mulf %add3A_160, %add3A_110 : vector<2000x128xf32>
    %slice3A_162 = vector.extract_strided_slice %get3A_145 {offsets = [1, 0], sizes = [1, 128], strides = [1, 1]} : vector<8x128xf32> to vector<1x128xf32>
    %add3A_163 = vector.broadcast %slice3A_162 : vector<1x128xf32> to vector<2000x128xf32>
    %add3A_164 = arith.addf %mul3A_161, %add3A_163 : vector<2000x128xf32>
    %mul3A_165 = arith.mulf %add3A_164, %add3A_110 : vector<2000x128xf32>
    %slice3A_166 = vector.extract_strided_slice %get3A_145 {offsets = [0, 0], sizes = [1, 128], strides = [1, 1]} : vector<8x128xf32> to vector<1x128xf32>
    %add3A_167 = vector.broadcast %slice3A_166 : vector<1x128xf32> to vector<2000x128xf32>
    %add3A_168 = arith.addf %mul3A_165, %add3A_167 : vector<2000x128xf32>
    %get3A_169 = arith.constant 0 : index
    %get3A_170 = arith.constant 0 : index
    %get3A_171 = vector.load %arg1[%get3A_169, %get3A_170] : memref<2000x128xf32, #tpu.memory_space<vmem>>, vector<2000x128xf32>
    %mul3A_172 = arith.mulf %mul3A_136, %add3A_168 : vector<2000x128xf32>
    %add3A_173 = arith.addf %get3A_171, %mul3A_172 : vector<2000x128xf32>
    %get3A_174 = arith.constant 0 : index
    %get3A_175 = arith.constant 0 : index
    %get3A_176 = vector.load %arg7[%get3A_174, %get3A_175] : memref<1x128xf32, #tpu.memory_space<vmem>>, vector<1x128xf32>
    %add3A_177 = vector.broadcast %get3A_176 : vector<1x128xf32> to vector<2000x128xf32>
    %add3A_178 = arith.addf %add3A_173, %add3A_177 : vector<2000x128xf32>
    %logistic3A = arith.negf %add3A_178 : vector<2000x128xf32>
    %logistic3A_179 = math.exp %logistic3A : vector<2000x128xf32>
    %logistic3A_180 = arith.constant 1.000000e+00 : f32
    %logistic3A_181 = vector.broadcast %logistic3A_180 : f32 to vector<2000x128xf32>
    %logistic3A_182 = arith.addf %logistic3A_181, %logistic3A_179 : vector<2000x128xf32>
    %logistic3A_183 = arith.divf %logistic3A_181, %logistic3A_182 : vector<2000x128xf32>
    %mul3A_184 = arith.mulf %add3A_178, %logistic3A_183 : vector<2000x128xf32>
    %get3A_185 = arith.constant 0 : index
    %get3A_186 = arith.constant 0 : index
    %get3A_187 = vector.load %arg6[%get3A_185, %get3A_186] : memref<8x128xf32, #tpu.memory_space<vmem>>, vector<8x128xf32>
    %slice3A_188 = vector.extract_strided_slice %get3A_187 {offsets = [5, 0], sizes = [1, 128], strides = [1, 1]} : vector<8x128xf32> to vector<1x128xf32>
    %broadcast_in_dim3A_189 = vector.shape_cast %slice3A_188 : vector<1x128xf32> to vector<1x128xf32>
    %broadcast_in_dim3A_190 = vector.broadcast %broadcast_in_dim3A_189 : vector<1x128xf32> to vector<2000x128xf32>
    %mul3A_191 = arith.mulf %broadcast_in_dim3A_190, %add3A_110 : vector<2000x128xf32>
    %slice3A_192 = vector.extract_strided_slice %get3A_187 {offsets = [4, 0], sizes = [1, 128], strides = [1, 1]} : vector<8x128xf32> to vector<1x128xf32>
    %add3A_193 = vector.broadcast %slice3A_192 : vector<1x128xf32> to vector<2000x128xf32>
    %add3A_194 = arith.addf %mul3A_191, %add3A_193 : vector<2000x128xf32>
    %mul3A_195 = arith.mulf %add3A_194, %add3A_110 : vector<2000x128xf32>
    %slice3A_196 = vector.extract_strided_slice %get3A_187 {offsets = [3, 0], sizes = [1, 128], strides = [1, 1]} : vector<8x128xf32> to vector<1x128xf32>
    %add3A_197 = vector.broadcast %slice3A_196 : vector<1x128xf32> to vector<2000x128xf32>
    %add3A_198 = arith.addf %mul3A_195, %add3A_197 : vector<2000x128xf32>
    %mul3A_199 = arith.mulf %add3A_198, %add3A_110 : vector<2000x128xf32>
    %slice3A_200 = vector.extract_strided_slice %get3A_187 {offsets = [2, 0], sizes = [1, 128], strides = [1, 1]} : vector<8x128xf32> to vector<1x128xf32>
    %add3A_201 = vector.broadcast %slice3A_200 : vector<1x128xf32> to vector<2000x128xf32>
    %add3A_202 = arith.addf %mul3A_199, %add3A_201 : vector<2000x128xf32>
    %mul3A_203 = arith.mulf %add3A_202, %add3A_110 : vector<2000x128xf32>
    %slice3A_204 = vector.extract_strided_slice %get3A_187 {offsets = [1, 0], sizes = [1, 128], strides = [1, 1]} : vector<8x128xf32> to vector<1x128xf32>
    %add3A_205 = vector.broadcast %slice3A_204 : vector<1x128xf32> to vector<2000x128xf32>
    %add3A_206 = arith.addf %mul3A_203, %add3A_205 : vector<2000x128xf32>
    %mul3A_207 = arith.mulf %add3A_206, %add3A_110 : vector<2000x128xf32>
    %slice3A_208 = vector.extract_strided_slice %get3A_187 {offsets = [0, 0], sizes = [1, 128], strides = [1, 1]} : vector<8x128xf32> to vector<1x128xf32>
    %add3A_209 = vector.broadcast %slice3A_208 : vector<1x128xf32> to vector<2000x128xf32>
    %add3A_210 = arith.addf %mul3A_207, %add3A_209 : vector<2000x128xf32>
    %mul3A_211 = arith.mulf %mul3A_136, %add3A_210 : vector<2000x128xf32>
    %mul3A_212 = arith.mulf %mul3A_211, %mul3A_184 : vector<2000x128xf32>
    %swap3A = arith.constant 0 : index
    %swap3A_213 = arith.constant 0 : index
    %swap3A_214 = vector.load %arg10[%swap3A, %swap3A_213] : memref<2000x128xf32, #tpu.memory_space<vmem>>, vector<2000x128xf32>
    tpu.vector_store %arg10[%swap3A, %swap3A_213], %mul3A_184 {strides = array<i32>} : memref<2000x128xf32, #tpu.memory_space<vmem>>, vector<2000x128xf32>,
    %swap3A_215 = arith.constant 0 : index
    %swap3A_216 = arith.constant 0 : index
    %swap3A_217 = vector.load %arg11[%swap3A_215, %swap3A_216] : memref<2000x128xf32, #tpu.memory_space<vmem>>, vector<2000x128xf32>
    tpu.vector_store %arg11[%swap3A_215, %swap3A_216], %mul3A_212 {strides = array<i32>} : memref<2000x128xf32, #tpu.memory_space<vmem>>, vector<2000x128xf32>,
    %swap3A_218 = arith.constant 0 : index
    %swap3A_219 = arith.constant 0 : index
    %swap3A_220 = vector.load %arg12[%swap3A_218, %swap3A_219] : memref<2000x128xf32, #tpu.memory_space<vmem>>, vector<2000x128xf32>
    tpu.vector_store %arg12[%swap3A_218, %swap3A_219], %mul3A_142 {strides = array<i32>} : memref<2000x128xf32, #tpu.memory_space<vmem>>, vector<2000x128xf32>,
    return
  }
  func.func @transform_0(%arg0: i32) -> (i32, i32) {
    %c0_i32 = arith.constant 0 : i32
    %c0_i32_0 = arith.constant 0 : i32
    return %arg0, %c0_i32 : i32, i32
  }
  func.func @transform_1(%arg0: i32) -> (i32, i32) {
    %c0_i32 = arith.constant 0 : i32
    %c0_i32_0 = arith.constant 0 : i32
    return %arg0, %c0_i32 : i32, i32
  }
  func.func @transform_2(%arg0: i32) -> (i32, i32) {
    %c0_i32 = arith.constant 0 : i32
    %c0_i32_0 = arith.constant 0 : i32
    return %arg0, %c0_i32 : i32, i32
  }
  func.func @transform_3(%arg0: i32) -> (i32, i32) {
    %c0_i32 = arith.constant 0 : i32
    %c0_i32_0 = arith.constant 0 : i32
    %c0_i32_1 = arith.constant 0 : i32
    return %c0_i32, %c0_i32_0 : i32, i32
  }
  func.func @transform_4(%arg0: i32) -> (i32, i32) {
    %c0_i32 = arith.constant 0 : i32
    %c0_i32_0 = arith.constant 0 : i32
    %c0_i32_1 = arith.constant 0 : i32
    return %c0_i32, %c0_i32_0 : i32, i32
  }
  func.func @transform_5(%arg0: i32) -> (i32, i32) {
    %c0_i32 = arith.constant 0 : i32
    %c0_i32_0 = arith.constant 0 : i32
    %c0_i32_1 = arith.constant 0 : i32
    return %c0_i32, %c0_i32_0 : i32, i32
  }
  func.func @transform_6(%arg0: i32) -> (i32, i32) {
    %c0_i32 = arith.constant 0 : i32
    %c0_i32_0 = arith.constant 0 : i32
    %c0_i32_1 = arith.constant 0 : i32
    return %c0_i32, %c0_i32_0 : i32, i32
  }
  func.func @transform_7(%arg0: i32) -> (i32, i32) {
    %c0_i32 = arith.constant 0 : i32
    %c0_i32_0 = arith.constant 0 : i32
    %c0_i32_1 = arith.constant 0 : i32
    return %c0_i32, %c0_i32_0 : i32, i32
  }
  func.func @transform_8(%arg0: i32) -> (i32, i32) {
    %c0_i32 = arith.constant 0 : i32
    %c0_i32_0 = arith.constant 0 : i32
    %c0_i32_1 = arith.constant 0 : i32
    return %c0_i32, %c0_i32_0 : i32, i32
  }
  func.func @transform_9(%arg0: i32) -> (i32, i32) {
    %c0_i32 = arith.constant 0 : i32
    %c0_i32_0 = arith.constant 0 : i32
    return %arg0, %c0_i32 : i32, i32
  }
  func.func @transform_10(%arg0: i32) -> (i32, i32) {
    %c0_i32 = arith.constant 0 : i32
    %c0_i32_0 = arith.constant 0 : i32
    return %arg0, %c0_i32 : i32, i32
  }
  func.func @transform_11(%arg0: i32) -> (i32, i32) {
    %c0_i32 = arith.constant 0 : i32
    %c0_i32_0 = arith.constant 0 : i32
    return %arg0, %c0_i32 : i32, i32
  }
}

module attributes {stable_mosaic.version = 14 : i64} {
  func.func @body(%arg0: i32, %arg1: memref<2x1568x128xf32, #tpu.memory_space<vmem>>, %arg2: memref<2x1568x128xf32, #tpu.memory_space<vmem>>, %arg3: memref<128x128xf32, #tpu.memory_space<vmem>>, %arg4: memref<1x128xf32, #tpu.memory_space<vmem>>, %arg5: memref<128x128xf32, #tpu.memory_space<vmem>>, %arg6: memref<128x128xf32, #tpu.memory_space<vmem>>, %arg7: memref<128x128xf32, #tpu.memory_space<vmem>>, %arg8: memref<1x128xf32, #tpu.memory_space<vmem>>, %arg9: memref<128x128xf32, #tpu.memory_space<vmem>>, %arg10: memref<1x128xf32, #tpu.memory_space<vmem>>, %arg11: memref<128x128xf32, #tpu.memory_space<vmem>>, %arg12: memref<1x128xf32, #tpu.memory_space<vmem>>, %arg13: memref<128x128xf32, #tpu.memory_space<vmem>>, %arg14: memref<1568x128xf32, #tpu.memory_space<vmem>>, %arg15: memref<1568x128xf32, #tpu.memory_space<vmem>>, %arg16: memref<1568x128xf32, #tpu.memory_space<vmem>>) attributes {dimension_semantics = [#tpu.dimension_semantics<arbitrary>], iteration_bounds = array<i64: 8>, scalar_prefetch = 0 : i64, scratch_operands = 0 : i64, tpu.core_type = #tpu.core_type<tc>, window_params = [{transform_indices = @transform_0, window_bounds = array<i64: 2, 1568, 128>}, {transform_indices = @transform_1, window_bounds = array<i64: 2, 1568, 128>}, {pipeline_mode = #tpu.pipeline_mode<synchronous>, transform_indices = @transform_2, window_bounds = array<i64: 128, 128>}, {pipeline_mode = #tpu.pipeline_mode<synchronous>, transform_indices = @transform_3, window_bounds = array<i64: 1, 128>}, {pipeline_mode = #tpu.pipeline_mode<synchronous>, transform_indices = @transform_4, window_bounds = array<i64: 128, 128>}, {pipeline_mode = #tpu.pipeline_mode<synchronous>, transform_indices = @transform_5, window_bounds = array<i64: 128, 128>}, {pipeline_mode = #tpu.pipeline_mode<synchronous>, transform_indices = @transform_6, window_bounds = array<i64: 128, 128>}, {pipeline_mode = #tpu.pipeline_mode<synchronous>, transform_indices = @transform_7, window_bounds = array<i64: 1, 128>}, {pipeline_mode = #tpu.pipeline_mode<synchronous>, transform_indices = @transform_8, window_bounds = array<i64: 128, 128>}, {pipeline_mode = #tpu.pipeline_mode<synchronous>, transform_indices = @transform_9, window_bounds = array<i64: 1, 128>}, {pipeline_mode = #tpu.pipeline_mode<synchronous>, transform_indices = @transform_10, window_bounds = array<i64: 128, 128>}, {pipeline_mode = #tpu.pipeline_mode<synchronous>, transform_indices = @transform_11, window_bounds = array<i64: 1, 128>}, {pipeline_mode = #tpu.pipeline_mode<synchronous>, transform_indices = @transform_12, window_bounds = array<i64: 128, 128>}, {transform_indices = @transform_13, window_bounds = array<i64: 1568, 128>}, {transform_indices = @transform_14, window_bounds = array<i64: 1568, 128>}, {transform_indices = @transform_15, window_bounds = array<i64: 1568, 128>}]} {
    %get3A = arith.constant 0 : index
    %get3A_0 = arith.constant 0 : index
    %get3A_1 = arith.constant 0 : index
    %get3A_2 = vector.load %arg1[%get3A, %get3A_0, %get3A_1] : memref<2x1568x128xf32, #tpu.memory_space<vmem>>, vector<1x1568x128xf32>
    %get3A_3 = vector.shape_cast %get3A_2 : vector<1x1568x128xf32> to vector<1568x128xf32>
    %get3A_4 = arith.constant 1 : index
    %get3A_5 = arith.constant 0 : index
    %get3A_6 = arith.constant 0 : index
    %get3A_7 = vector.load %arg1[%get3A_4, %get3A_5, %get3A_6] : memref<2x1568x128xf32, #tpu.memory_space<vmem>>, vector<1x1568x128xf32>
    %get3A_8 = vector.shape_cast %get3A_7 : vector<1x1568x128xf32> to vector<1568x128xf32>
    %add3A = arith.addf %get3A_3, %get3A_8 : vector<1568x128xf32>
    %get3A_9 = arith.constant 0 : index
    %get3A_10 = arith.constant 0 : index
    %get3A_11 = vector.load %arg3[%get3A_9, %get3A_10] : memref<128x128xf32, #tpu.memory_space<vmem>>, vector<128x128xf32>
    %dot_general3A = arith.constant dense<0.000000e+00> : vector<1568x128xf32>
    %dot_general3A_12 = tpu.matmul %add3A, %get3A_11, %dot_general3A {dimension_numbers = #tpu.dot_dimension_numbers<[1], [0], [0], [1], [0, 0, 1, 1], [], []>, precision = #tpu.contract_precision<fp32>, transpose_lhs_hint = false} : vector<1568x128xf32>, vector<128x128xf32>, vector<1568x128xf32> -> vector<1568x128xf32>
    %get3A_13 = arith.constant 0 : index
    %get3A_14 = arith.constant 0 : index
    %get3A_15 = vector.load %arg4[%get3A_13, %get3A_14] : memref<1x128xf32, #tpu.memory_space<vmem>>, vector<1x128xf32>
    %add3A_16 = vector.broadcast %get3A_15 : vector<1x128xf32> to vector<1568x128xf32>
    %add3A_17 = arith.addf %dot_general3A_12, %add3A_16 : vector<1568x128xf32>
    %logistic3A = arith.negf %add3A_17 : vector<1568x128xf32>
    %logistic3A_18 = math.exp %logistic3A : vector<1568x128xf32>
    %logistic3A_19 = arith.constant 1.000000e+00 : f32
    %logistic3A_20 = vector.broadcast %logistic3A_19 : f32 to vector<1568x128xf32>
    %logistic3A_21 = arith.addf %logistic3A_20, %logistic3A_18 : vector<1568x128xf32>
    %logistic3A_22 = arith.divf %logistic3A_20, %logistic3A_21 : vector<1568x128xf32>
    %mul3A = arith.mulf %add3A_17, %logistic3A_22 : vector<1568x128xf32>
    %get3A_23 = arith.constant 0 : index
    %get3A_24 = arith.constant 0 : index
    %get3A_25 = vector.load %arg5[%get3A_23, %get3A_24] : memref<128x128xf32, #tpu.memory_space<vmem>>, vector<128x128xf32>
    %dot_general3A_26 = arith.constant dense<0.000000e+00> : vector<1568x128xf32>
    %dot_general3A_27 = tpu.matmul %mul3A, %get3A_25, %dot_general3A_26 {dimension_numbers = #tpu.dot_dimension_numbers<[1], [0], [0], [1], [0, 0, 1, 1], [], []>, precision = #tpu.contract_precision<fp32>, transpose_lhs_hint = false} : vector<1568x128xf32>, vector<128x128xf32>, vector<1568x128xf32> -> vector<1568x128xf32>
    %swap3A = arith.constant 0 : index
    %swap3A_28 = arith.constant 0 : index
    %swap3A_29 = vector.load %arg14[%swap3A, %swap3A_28] : memref<1568x128xf32, #tpu.memory_space<vmem>>, vector<1568x128xf32>
    tpu.vector_store %arg14[%swap3A, %swap3A_28], %dot_general3A_27 {strides = array<i32>} : memref<1568x128xf32, #tpu.memory_space<vmem>>, vector<1568x128xf32>,
    %get3A_30 = arith.constant 0 : index
    %get3A_31 = arith.constant 0 : index
    %get3A_32 = vector.load %arg6[%get3A_30, %get3A_31] : memref<128x128xf32, #tpu.memory_space<vmem>>, vector<128x128xf32>
    %dot_general3A_33 = arith.constant dense<0.000000e+00> : vector<1568x128xf32>
    %dot_general3A_34 = tpu.matmul %mul3A, %get3A_32, %dot_general3A_33 {dimension_numbers = #tpu.dot_dimension_numbers<[1], [0], [0], [1], [0, 0, 1, 1], [], []>, precision = #tpu.contract_precision<fp32>, transpose_lhs_hint = false} : vector<1568x128xf32>, vector<128x128xf32>, vector<1568x128xf32> -> vector<1568x128xf32>
    %swap3A_35 = arith.constant 0 : index
    %swap3A_36 = arith.constant 0 : index
    %swap3A_37 = vector.load %arg15[%swap3A_35, %swap3A_36] : memref<1568x128xf32, #tpu.memory_space<vmem>>, vector<1568x128xf32>
    tpu.vector_store %arg15[%swap3A_35, %swap3A_36], %dot_general3A_34 {strides = array<i32>} : memref<1568x128xf32, #tpu.memory_space<vmem>>, vector<1568x128xf32>,
    %get3A_38 = arith.constant 0 : index
    %get3A_39 = arith.constant 0 : index
    %get3A_40 = arith.constant 0 : index
    %get3A_41 = vector.load %arg2[%get3A_38, %get3A_39, %get3A_40] : memref<2x1568x128xf32, #tpu.memory_space<vmem>>, vector<1x1568x128xf32>
    %get3A_42 = vector.shape_cast %get3A_41 : vector<1x1568x128xf32> to vector<1568x128xf32>
    %get3A_43 = arith.constant 1 : index
    %get3A_44 = arith.constant 0 : index
    %get3A_45 = arith.constant 0 : index
    %get3A_46 = vector.load %arg2[%get3A_43, %get3A_44, %get3A_45] : memref<2x1568x128xf32, #tpu.memory_space<vmem>>, vector<1x1568x128xf32>
    %get3A_47 = vector.shape_cast %get3A_46 : vector<1x1568x128xf32> to vector<1568x128xf32>
    %add3A_48 = arith.addf %get3A_42, %get3A_47 : vector<1568x128xf32>
    %get3A_49 = arith.constant 0 : index
    %get3A_50 = arith.constant 0 : index
    %get3A_51 = vector.load %arg7[%get3A_49, %get3A_50] : memref<128x128xf32, #tpu.memory_space<vmem>>, vector<128x128xf32>
    %dot_general3A_52 = arith.constant dense<0.000000e+00> : vector<1568x128xf32>
    %dot_general3A_53 = tpu.matmul %add3A_48, %get3A_51, %dot_general3A_52 {dimension_numbers = #tpu.dot_dimension_numbers<[1], [0], [0], [1], [0, 0, 1, 1], [], []>, precision = #tpu.contract_precision<fp32>, transpose_lhs_hint = false} : vector<1568x128xf32>, vector<128x128xf32>, vector<1568x128xf32> -> vector<1568x128xf32>
    %get3A_54 = arith.constant 0 : index
    %get3A_55 = arith.constant 0 : index
    %get3A_56 = vector.load %arg8[%get3A_54, %get3A_55] : memref<1x128xf32, #tpu.memory_space<vmem>>, vector<1x128xf32>
    %add3A_57 = vector.broadcast %get3A_56 : vector<1x128xf32> to vector<1568x128xf32>
    %add3A_58 = arith.addf %dot_general3A_53, %add3A_57 : vector<1568x128xf32>
    %logistic3A_59 = arith.negf %add3A_58 : vector<1568x128xf32>
    %logistic3A_60 = math.exp %logistic3A_59 : vector<1568x128xf32>
    %logistic3A_61 = arith.constant 1.000000e+00 : f32
    %logistic3A_62 = vector.broadcast %logistic3A_61 : f32 to vector<1568x128xf32>
    %logistic3A_63 = arith.addf %logistic3A_62, %logistic3A_60 : vector<1568x128xf32>
    %logistic3A_64 = arith.divf %logistic3A_62, %logistic3A_63 : vector<1568x128xf32>
    %mul3A_65 = arith.mulf %add3A_58, %logistic3A_64 : vector<1568x128xf32>
    %get3A_66 = arith.constant 0 : index
    %get3A_67 = arith.constant 0 : index
    %get3A_68 = vector.load %arg9[%get3A_66, %get3A_67] : memref<128x128xf32, #tpu.memory_space<vmem>>, vector<128x128xf32>
    %dot_general3A_69 = arith.constant dense<0.000000e+00> : vector<1568x128xf32>
    %dot_general3A_70 = tpu.matmul %mul3A_65, %get3A_68, %dot_general3A_69 {dimension_numbers = #tpu.dot_dimension_numbers<[1], [0], [0], [1], [0, 0, 1, 1], [], []>, precision = #tpu.contract_precision<fp32>, transpose_lhs_hint = false} : vector<1568x128xf32>, vector<128x128xf32>, vector<1568x128xf32> -> vector<1568x128xf32>
    %get3A_71 = arith.constant 0 : index
    %get3A_72 = arith.constant 0 : index
    %get3A_73 = vector.load %arg10[%get3A_71, %get3A_72] : memref<1x128xf32, #tpu.memory_space<vmem>>, vector<1x128xf32>
    %add3A_74 = vector.broadcast %get3A_73 : vector<1x128xf32> to vector<1568x128xf32>
    %add3A_75 = arith.addf %dot_general3A_70, %add3A_74 : vector<1568x128xf32>
    %logistic3A_76 = arith.negf %add3A_75 : vector<1568x128xf32>
    %logistic3A_77 = math.exp %logistic3A_76 : vector<1568x128xf32>
    %logistic3A_78 = arith.constant 1.000000e+00 : f32
    %logistic3A_79 = vector.broadcast %logistic3A_78 : f32 to vector<1568x128xf32>
    %logistic3A_80 = arith.addf %logistic3A_79, %logistic3A_77 : vector<1568x128xf32>
    %logistic3A_81 = arith.divf %logistic3A_79, %logistic3A_80 : vector<1568x128xf32>
    %mul3A_82 = arith.mulf %add3A_75, %logistic3A_81 : vector<1568x128xf32>
    %get3A_83 = arith.constant 0 : index
    %get3A_84 = arith.constant 0 : index
    %get3A_85 = vector.load %arg11[%get3A_83, %get3A_84] : memref<128x128xf32, #tpu.memory_space<vmem>>, vector<128x128xf32>
    %dot_general3A_86 = arith.constant dense<0.000000e+00> : vector<1568x128xf32>
    %dot_general3A_87 = tpu.matmul %mul3A_82, %get3A_85, %dot_general3A_86 {dimension_numbers = #tpu.dot_dimension_numbers<[1], [0], [0], [1], [0, 0, 1, 1], [], []>, precision = #tpu.contract_precision<fp32>, transpose_lhs_hint = false} : vector<1568x128xf32>, vector<128x128xf32>, vector<1568x128xf32> -> vector<1568x128xf32>
    %get3A_88 = arith.constant 0 : index
    %get3A_89 = arith.constant 0 : index
    %get3A_90 = vector.load %arg12[%get3A_88, %get3A_89] : memref<1x128xf32, #tpu.memory_space<vmem>>, vector<1x128xf32>
    %add3A_91 = vector.broadcast %get3A_90 : vector<1x128xf32> to vector<1568x128xf32>
    %add3A_92 = arith.addf %dot_general3A_87, %add3A_91 : vector<1568x128xf32>
    %logistic3A_93 = arith.negf %add3A_92 : vector<1568x128xf32>
    %logistic3A_94 = math.exp %logistic3A_93 : vector<1568x128xf32>
    %logistic3A_95 = arith.constant 1.000000e+00 : f32
    %logistic3A_96 = vector.broadcast %logistic3A_95 : f32 to vector<1568x128xf32>
    %logistic3A_97 = arith.addf %logistic3A_96, %logistic3A_94 : vector<1568x128xf32>
    %logistic3A_98 = arith.divf %logistic3A_96, %logistic3A_97 : vector<1568x128xf32>
    %mul3A_99 = arith.mulf %add3A_92, %logistic3A_98 : vector<1568x128xf32>
    %get3A_100 = arith.constant 0 : index
    %get3A_101 = arith.constant 0 : index
    %get3A_102 = vector.load %arg13[%get3A_100, %get3A_101] : memref<128x128xf32, #tpu.memory_space<vmem>>, vector<128x128xf32>
    %dot_general3A_103 = arith.constant dense<0.000000e+00> : vector<1568x128xf32>
    %dot_general3A_104 = tpu.matmul %mul3A_99, %get3A_102, %dot_general3A_103 {dimension_numbers = #tpu.dot_dimension_numbers<[1], [0], [0], [1], [0, 0, 1, 1], [], []>, precision = #tpu.contract_precision<fp32>, transpose_lhs_hint = false} : vector<1568x128xf32>, vector<128x128xf32>, vector<1568x128xf32> -> vector<1568x128xf32>
    %swap3A_105 = arith.constant 0 : index
    %swap3A_106 = arith.constant 0 : index
    %swap3A_107 = vector.load %arg16[%swap3A_105, %swap3A_106] : memref<1568x128xf32, #tpu.memory_space<vmem>>, vector<1568x128xf32>
    tpu.vector_store %arg16[%swap3A_105, %swap3A_106], %dot_general3A_104 {strides = array<i32>} : memref<1568x128xf32, #tpu.memory_space<vmem>>, vector<1568x128xf32>,
    return
  }
  func.func @transform_0(%arg0: i32) -> (i32, i32, i32) {
    %c0_i32 = arith.constant 0 : i32
    %c0_i32_0 = arith.constant 0 : i32
    %c0_i32_1 = arith.constant 0 : i32
    return %c0_i32, %arg0, %c0_i32_0 : i32, i32, i32
  }
  func.func @transform_1(%arg0: i32) -> (i32, i32, i32) {
    %c0_i32 = arith.constant 0 : i32
    %c0_i32_0 = arith.constant 0 : i32
    %c0_i32_1 = arith.constant 0 : i32
    return %c0_i32, %arg0, %c0_i32_0 : i32, i32, i32
  }
  func.func @transform_2(%arg0: i32) -> (i32, i32) {
    %c0_i32 = arith.constant 0 : i32
    %c0_i32_0 = arith.constant 0 : i32
    %c0_i32_1 = arith.constant 0 : i32
    return %c0_i32, %c0_i32_0 : i32, i32
  }
  func.func @transform_3(%arg0: i32) -> (i32, i32) {
    %c0_i32 = arith.constant 0 : i32
    %c0_i32_0 = arith.constant 0 : i32
    %c0_i32_1 = arith.constant 0 : i32
    return %c0_i32, %c0_i32_0 : i32, i32
  }
  func.func @transform_4(%arg0: i32) -> (i32, i32) {
    %c0_i32 = arith.constant 0 : i32
    %c0_i32_0 = arith.constant 0 : i32
    %c0_i32_1 = arith.constant 0 : i32
    return %c0_i32, %c0_i32_0 : i32, i32
  }
  func.func @transform_5(%arg0: i32) -> (i32, i32) {
    %c0_i32 = arith.constant 0 : i32
    %c0_i32_0 = arith.constant 0 : i32
    %c0_i32_1 = arith.constant 0 : i32
    return %c0_i32, %c0_i32_0 : i32, i32
  }
  func.func @transform_6(%arg0: i32) -> (i32, i32) {
    %c0_i32 = arith.constant 0 : i32
    %c0_i32_0 = arith.constant 0 : i32
    %c0_i32_1 = arith.constant 0 : i32
    return %c0_i32, %c0_i32_0 : i32, i32
  }
  func.func @transform_7(%arg0: i32) -> (i32, i32) {
    %c0_i32 = arith.constant 0 : i32
    %c0_i32_0 = arith.constant 0 : i32
    %c0_i32_1 = arith.constant 0 : i32
    return %c0_i32, %c0_i32_0 : i32, i32
  }
  func.func @transform_8(%arg0: i32) -> (i32, i32) {
    %c0_i32 = arith.constant 0 : i32
    %c0_i32_0 = arith.constant 0 : i32
    %c0_i32_1 = arith.constant 0 : i32
    return %c0_i32, %c0_i32_0 : i32, i32
  }
  func.func @transform_9(%arg0: i32) -> (i32, i32) {
    %c0_i32 = arith.constant 0 : i32
    %c0_i32_0 = arith.constant 0 : i32
    %c0_i32_1 = arith.constant 0 : i32
    return %c0_i32, %c0_i32_0 : i32, i32
  }
  func.func @transform_10(%arg0: i32) -> (i32, i32) {
    %c0_i32 = arith.constant 0 : i32
    %c0_i32_0 = arith.constant 0 : i32
    %c0_i32_1 = arith.constant 0 : i32
    return %c0_i32, %c0_i32_0 : i32, i32
  }
  func.func @transform_11(%arg0: i32) -> (i32, i32) {
    %c0_i32 = arith.constant 0 : i32
    %c0_i32_0 = arith.constant 0 : i32
    %c0_i32_1 = arith.constant 0 : i32
    return %c0_i32, %c0_i32_0 : i32, i32
  }
  func.func @transform_12(%arg0: i32) -> (i32, i32) {
    %c0_i32 = arith.constant 0 : i32
    %c0_i32_0 = arith.constant 0 : i32
    %c0_i32_1 = arith.constant 0 : i32
    return %c0_i32, %c0_i32_0 : i32, i32
  }
  func.func @transform_13(%arg0: i32) -> (i32, i32) {
    %c0_i32 = arith.constant 0 : i32
    %c0_i32_0 = arith.constant 0 : i32
    return %arg0, %c0_i32 : i32, i32
  }
  func.func @transform_14(%arg0: i32) -> (i32, i32) {
    %c0_i32 = arith.constant 0 : i32
    %c0_i32_0 = arith.constant 0 : i32
    return %arg0, %c0_i32 : i32, i32
  }
  func.func @transform_15(%arg0: i32) -> (i32, i32) {
    %c0_i32 = arith.constant 0 : i32
    %c0_i32_0 = arith.constant 0 : i32
    return %arg0, %c0_i32 : i32, i32
  }
}

module attributes {stable_mosaic.version = 14 : i64} {
  func.func @body(%arg0: i32, %arg1: memref<2000x128xf32, #tpu.memory_space<vmem>>, %arg2: memref<2000x128xf32, #tpu.memory_space<vmem>>, %arg3: memref<2000x128xf32, #tpu.memory_space<vmem>>, %arg4: memref<2000x128xf32, #tpu.memory_space<vmem>>, %arg5: memref<128x128xf32, #tpu.memory_space<vmem>>, %arg6: memref<1x128xf32, #tpu.memory_space<vmem>>, %arg7: memref<128x128xf32, #tpu.memory_space<vmem>>, %arg8: memref<128x128xf32, #tpu.memory_space<vmem>>, %arg9: memref<128x128xf32, #tpu.memory_space<vmem>>, %arg10: memref<128x128xf32, #tpu.memory_space<vmem>>, %arg11: memref<128x128xf32, #tpu.memory_space<vmem>>, %arg12: memref<1x128xf32, #tpu.memory_space<vmem>>, %arg13: memref<128x128xf32, #tpu.memory_space<vmem>>, %arg14: memref<2000x128xf32, #tpu.memory_space<vmem>>) attributes {dimension_semantics = [#tpu.dimension_semantics<arbitrary>], iteration_bounds = array<i64: 100>, scalar_prefetch = 0 : i64, scratch_operands = 0 : i64, tpu.core_type = #tpu.core_type<tc>, window_params = [{transform_indices = @transform_0, window_bounds = array<i64: 2000, 128>}, {transform_indices = @transform_1, window_bounds = array<i64: 2000, 128>}, {transform_indices = @transform_2, window_bounds = array<i64: 2000, 128>}, {transform_indices = @transform_3, window_bounds = array<i64: 2000, 128>}, {pipeline_mode = #tpu.pipeline_mode<synchronous>, transform_indices = @transform_4, window_bounds = array<i64: 128, 128>}, {pipeline_mode = #tpu.pipeline_mode<synchronous>, transform_indices = @transform_5, window_bounds = array<i64: 1, 128>}, {pipeline_mode = #tpu.pipeline_mode<synchronous>, transform_indices = @transform_6, window_bounds = array<i64: 128, 128>}, {pipeline_mode = #tpu.pipeline_mode<synchronous>, transform_indices = @transform_7, window_bounds = array<i64: 128, 128>}, {pipeline_mode = #tpu.pipeline_mode<synchronous>, transform_indices = @transform_8, window_bounds = array<i64: 128, 128>}, {pipeline_mode = #tpu.pipeline_mode<synchronous>, transform_indices = @transform_9, window_bounds = array<i64: 128, 128>}, {pipeline_mode = #tpu.pipeline_mode<synchronous>, transform_indices = @transform_10, window_bounds = array<i64: 128, 128>}, {pipeline_mode = #tpu.pipeline_mode<synchronous>, transform_indices = @transform_11, window_bounds = array<i64: 1, 128>}, {pipeline_mode = #tpu.pipeline_mode<synchronous>, transform_indices = @transform_12, window_bounds = array<i64: 128, 128>}, {transform_indices = @transform_13, window_bounds = array<i64: 2000, 128>}]} {
    %get3A = arith.constant 0 : index
    %get3A_0 = arith.constant 0 : index
    %get3A_1 = vector.load %arg1[%get3A, %get3A_0] : memref<2000x128xf32, #tpu.memory_space<vmem>>, vector<2000x128xf32>
    %get3A_2 = arith.constant 0 : index
    %get3A_3 = arith.constant 0 : index
    %get3A_4 = vector.load %arg2[%get3A_2, %get3A_3] : memref<2000x128xf32, #tpu.memory_space<vmem>>, vector<2000x128xf32>
    %get3A_5 = arith.constant 0 : index
    %get3A_6 = arith.constant 0 : index
    %get3A_7 = vector.load %arg5[%get3A_5, %get3A_6] : memref<128x128xf32, #tpu.memory_space<vmem>>, vector<128x128xf32>
    %dot_general3A = arith.constant dense<0.000000e+00> : vector<2000x128xf32>
    %dot_general3A_8 = tpu.matmul %get3A_1, %get3A_7, %dot_general3A {dimension_numbers = #tpu.dot_dimension_numbers<[1], [0], [0], [1], [0, 0, 1, 1], [], []>, precision = #tpu.contract_precision<fp32>, transpose_lhs_hint = false} : vector<2000x128xf32>, vector<128x128xf32>, vector<2000x128xf32> -> vector<2000x128xf32>
    %get3A_9 = arith.constant 0 : index
    %get3A_10 = arith.constant 0 : index
    %get3A_11 = vector.load %arg6[%get3A_9, %get3A_10] : memref<1x128xf32, #tpu.memory_space<vmem>>, vector<1x128xf32>
    %add3A = vector.broadcast %get3A_11 : vector<1x128xf32> to vector<2000x128xf32>
    %add3A_12 = arith.addf %dot_general3A_8, %add3A : vector<2000x128xf32>
    %logistic3A = arith.negf %add3A_12 : vector<2000x128xf32>
    %logistic3A_13 = math.exp %logistic3A : vector<2000x128xf32>
    %logistic3A_14 = arith.constant 1.000000e+00 : f32
    %logistic3A_15 = vector.broadcast %logistic3A_14 : f32 to vector<2000x128xf32>
    %logistic3A_16 = arith.addf %logistic3A_15, %logistic3A_13 : vector<2000x128xf32>
    %logistic3A_17 = arith.divf %logistic3A_15, %logistic3A_16 : vector<2000x128xf32>
    %mul3A = arith.mulf %add3A_12, %logistic3A_17 : vector<2000x128xf32>
    %get3A_18 = arith.constant 0 : index
    %get3A_19 = arith.constant 0 : index
    %get3A_20 = vector.load %arg7[%get3A_18, %get3A_19] : memref<128x128xf32, #tpu.memory_space<vmem>>, vector<128x128xf32>
    %dot_general3A_21 = arith.constant dense<0.000000e+00> : vector<2000x128xf32>
    %dot_general3A_22 = tpu.matmul %get3A_4, %get3A_20, %dot_general3A_21 {dimension_numbers = #tpu.dot_dimension_numbers<[1], [0], [0], [1], [0, 0, 1, 1], [], []>, precision = #tpu.contract_precision<fp32>, transpose_lhs_hint = false} : vector<2000x128xf32>, vector<128x128xf32>, vector<2000x128xf32> -> vector<2000x128xf32>
    %get3A_23 = arith.constant 0 : index
    %get3A_24 = arith.constant 0 : index
    %get3A_25 = vector.load %arg3[%get3A_23, %get3A_24] : memref<2000x128xf32, #tpu.memory_space<vmem>>, vector<2000x128xf32>
    %mul3A_26 = arith.mulf %dot_general3A_22, %get3A_25 : vector<2000x128xf32>
    %get3A_27 = arith.constant 0 : index
    %get3A_28 = arith.constant 0 : index
    %get3A_29 = vector.load %arg9[%get3A_27, %get3A_28] : memref<128x128xf32, #tpu.memory_space<vmem>>, vector<128x128xf32>
    %dot_general3A_30 = arith.constant dense<0.000000e+00> : vector<2000x128xf32>
    %dot_general3A_31 = tpu.matmul %mul3A_26, %get3A_29, %dot_general3A_30 {dimension_numbers = #tpu.dot_dimension_numbers<[1], [0], [0], [1], [0, 0, 1, 1], [], []>, precision = #tpu.contract_precision<fp32>, transpose_lhs_hint = false} : vector<2000x128xf32>, vector<128x128xf32>, vector<2000x128xf32> -> vector<2000x128xf32>
    %get3A_32 = arith.constant 0 : index
    %get3A_33 = arith.constant 0 : index
    %get3A_34 = vector.load %arg8[%get3A_32, %get3A_33] : memref<128x128xf32, #tpu.memory_space<vmem>>, vector<128x128xf32>
    %dot_general3A_35 = arith.constant dense<0.000000e+00> : vector<2000x128xf32>
    %dot_general3A_36 = tpu.matmul %get3A_4, %get3A_34, %dot_general3A_35 {dimension_numbers = #tpu.dot_dimension_numbers<[1], [0], [0], [1], [0, 0, 1, 1], [], []>, precision = #tpu.contract_precision<fp32>, transpose_lhs_hint = false} : vector<2000x128xf32>, vector<128x128xf32>, vector<2000x128xf32> -> vector<2000x128xf32>
    %get3A_37 = arith.constant 0 : index
    %get3A_38 = arith.constant 0 : index
    %get3A_39 = vector.load %arg4[%get3A_37, %get3A_38] : memref<2000x128xf32, #tpu.memory_space<vmem>>, vector<2000x128xf32>
    %mul3A_40 = arith.mulf %dot_general3A_36, %get3A_39 : vector<2000x128xf32>
    %get3A_41 = arith.constant 0 : index
    %get3A_42 = arith.constant 0 : index
    %get3A_43 = vector.load %arg10[%get3A_41, %get3A_42] : memref<128x128xf32, #tpu.memory_space<vmem>>, vector<128x128xf32>
    %dot_general3A_44 = arith.constant dense<0.000000e+00> : vector<2000x128xf32>
    %dot_general3A_45 = tpu.matmul %mul3A_40, %get3A_43, %dot_general3A_44 {dimension_numbers = #tpu.dot_dimension_numbers<[1], [0], [0], [1], [0, 0, 1, 1], [], []>, precision = #tpu.contract_precision<fp32>, transpose_lhs_hint = false} : vector<2000x128xf32>, vector<128x128xf32>, vector<2000x128xf32> -> vector<2000x128xf32>
    %add3A_46 = arith.addf %dot_general3A_31, %dot_general3A_45 : vector<2000x128xf32>
    %add3A_47 = arith.addf %mul3A, %add3A_46 : vector<2000x128xf32>
    %get3A_48 = arith.constant 0 : index
    %get3A_49 = arith.constant 0 : index
    %get3A_50 = vector.load %arg11[%get3A_48, %get3A_49] : memref<128x128xf32, #tpu.memory_space<vmem>>, vector<128x128xf32>
    %dot_general3A_51 = arith.constant dense<0.000000e+00> : vector<2000x128xf32>
    %dot_general3A_52 = tpu.matmul %add3A_47, %get3A_50, %dot_general3A_51 {dimension_numbers = #tpu.dot_dimension_numbers<[1], [0], [0], [1], [0, 0, 1, 1], [], []>, precision = #tpu.contract_precision<fp32>, transpose_lhs_hint = false} : vector<2000x128xf32>, vector<128x128xf32>, vector<2000x128xf32> -> vector<2000x128xf32>
    %get3A_53 = arith.constant 0 : index
    %get3A_54 = arith.constant 0 : index
    %get3A_55 = vector.load %arg12[%get3A_53, %get3A_54] : memref<1x128xf32, #tpu.memory_space<vmem>>, vector<1x128xf32>
    %add3A_56 = vector.broadcast %get3A_55 : vector<1x128xf32> to vector<2000x128xf32>
    %add3A_57 = arith.addf %dot_general3A_52, %add3A_56 : vector<2000x128xf32>
    %logistic3A_58 = arith.negf %add3A_57 : vector<2000x128xf32>
    %logistic3A_59 = math.exp %logistic3A_58 : vector<2000x128xf32>
    %logistic3A_60 = arith.constant 1.000000e+00 : f32
    %logistic3A_61 = vector.broadcast %logistic3A_60 : f32 to vector<2000x128xf32>
    %logistic3A_62 = arith.addf %logistic3A_61, %logistic3A_59 : vector<2000x128xf32>
    %logistic3A_63 = arith.divf %logistic3A_61, %logistic3A_62 : vector<2000x128xf32>
    %mul3A_64 = arith.mulf %add3A_57, %logistic3A_63 : vector<2000x128xf32>
    %add3A_65 = arith.addf %mul3A_64, %get3A_1 : vector<2000x128xf32>
    %get3A_66 = arith.constant 0 : index
    %get3A_67 = arith.constant 0 : index
    %get3A_68 = vector.load %arg13[%get3A_66, %get3A_67] : memref<128x128xf32, #tpu.memory_space<vmem>>, vector<128x128xf32>
    %dot_general3A_69 = arith.constant dense<0.000000e+00> : vector<2000x128xf32>
    %dot_general3A_70 = tpu.matmul %get3A_4, %get3A_68, %dot_general3A_69 {dimension_numbers = #tpu.dot_dimension_numbers<[1], [0], [0], [1], [0, 0, 1, 1], [], []>, precision = #tpu.contract_precision<fp32>, transpose_lhs_hint = false} : vector<2000x128xf32>, vector<128x128xf32>, vector<2000x128xf32> -> vector<2000x128xf32>
    %mul3A_71 = arith.mulf %dot_general3A_70, %add3A_65 : vector<2000x128xf32>
    %swap3A = arith.constant 0 : index
    %swap3A_72 = arith.constant 0 : index
    %swap3A_73 = vector.load %arg14[%swap3A, %swap3A_72] : memref<2000x128xf32, #tpu.memory_space<vmem>>, vector<2000x128xf32>
    tpu.vector_store %arg14[%swap3A, %swap3A_72], %mul3A_71 {strides = array<i32>} : memref<2000x128xf32, #tpu.memory_space<vmem>>, vector<2000x128xf32>,
    return
  }
  func.func @transform_0(%arg0: i32) -> (i32, i32) {
    %c0_i32 = arith.constant 0 : i32
    %c0_i32_0 = arith.constant 0 : i32
    return %arg0, %c0_i32 : i32, i32
  }
  func.func @transform_1(%arg0: i32) -> (i32, i32) {
    %c0_i32 = arith.constant 0 : i32
    %c0_i32_0 = arith.constant 0 : i32
    return %arg0, %c0_i32 : i32, i32
  }
  func.func @transform_2(%arg0: i32) -> (i32, i32) {
    %c0_i32 = arith.constant 0 : i32
    %c0_i32_0 = arith.constant 0 : i32
    return %arg0, %c0_i32 : i32, i32
  }
  func.func @transform_3(%arg0: i32) -> (i32, i32) {
    %c0_i32 = arith.constant 0 : i32
    %c0_i32_0 = arith.constant 0 : i32
    return %arg0, %c0_i32 : i32, i32
  }
  func.func @transform_4(%arg0: i32) -> (i32, i32) {
    %c0_i32 = arith.constant 0 : i32
    %c0_i32_0 = arith.constant 0 : i32
    %c0_i32_1 = arith.constant 0 : i32
    return %c0_i32, %c0_i32_0 : i32, i32
  }
  func.func @transform_5(%arg0: i32) -> (i32, i32) {
    %c0_i32 = arith.constant 0 : i32
    %c0_i32_0 = arith.constant 0 : i32
    %c0_i32_1 = arith.constant 0 : i32
    return %c0_i32, %c0_i32_0 : i32, i32
  }
  func.func @transform_6(%arg0: i32) -> (i32, i32) {
    %c0_i32 = arith.constant 0 : i32
    %c0_i32_0 = arith.constant 0 : i32
    %c0_i32_1 = arith.constant 0 : i32
    return %c0_i32, %c0_i32_0 : i32, i32
  }
  func.func @transform_7(%arg0: i32) -> (i32, i32) {
    %c0_i32 = arith.constant 0 : i32
    %c0_i32_0 = arith.constant 0 : i32
    %c0_i32_1 = arith.constant 0 : i32
    return %c0_i32, %c0_i32_0 : i32, i32
  }
  func.func @transform_8(%arg0: i32) -> (i32, i32) {
    %c0_i32 = arith.constant 0 : i32
    %c0_i32_0 = arith.constant 0 : i32
    %c0_i32_1 = arith.constant 0 : i32
    return %c0_i32, %c0_i32_0 : i32, i32
  }
  func.func @transform_9(%arg0: i32) -> (i32, i32) {
    %c0_i32 = arith.constant 0 : i32
    %c0_i32_0 = arith.constant 0 : i32
    %c0_i32_1 = arith.constant 0 : i32
    return %c0_i32, %c0_i32_0 : i32, i32
  }
  func.func @transform_10(%arg0: i32) -> (i32, i32) {
    %c0_i32 = arith.constant 0 : i32
    %c0_i32_0 = arith.constant 0 : i32
    %c0_i32_1 = arith.constant 0 : i32
    return %c0_i32, %c0_i32_0 : i32, i32
  }
  func.func @transform_11(%arg0: i32) -> (i32, i32) {
    %c0_i32 = arith.constant 0 : i32
    %c0_i32_0 = arith.constant 0 : i32
    %c0_i32_1 = arith.constant 0 : i32
    return %c0_i32, %c0_i32_0 : i32, i32
  }
  func.func @transform_12(%arg0: i32) -> (i32, i32) {
    %c0_i32 = arith.constant 0 : i32
    %c0_i32_0 = arith.constant 0 : i32
    %c0_i32_1 = arith.constant 0 : i32
    return %c0_i32, %c0_i32_0 : i32, i32
  }
  func.func @transform_13(%arg0: i32) -> (i32, i32) {
    %c0_i32 = arith.constant 0 : i32
    %c0_i32_0 = arith.constant 0 : i32
    return %arg0, %c0_i32 : i32, i32
  }
}

module attributes {stable_mosaic.version = 14 : i64} {
  func.func @body(%arg0: i32, %arg1: memref<2x1568x128xf32, #tpu.memory_space<vmem>>, %arg2: memref<1568x128xf32, #tpu.memory_space<vmem>>, %arg3: memref<128x128xf32, #tpu.memory_space<vmem>>, %arg4: memref<1x128xf32, #tpu.memory_space<vmem>>, %arg5: memref<128x128xf32, #tpu.memory_space<vmem>>, %arg6: memref<1x128xf32, #tpu.memory_space<vmem>>, %arg7: memref<128x128xf32, #tpu.memory_space<vmem>>, %arg8: memref<1x128xf32, #tpu.memory_space<vmem>>, %arg9: memref<128x128xf32, #tpu.memory_space<vmem>>, %arg10: memref<1568x128xf32, #tpu.memory_space<vmem>>) attributes {dimension_semantics = [#tpu.dimension_semantics<arbitrary>], iteration_bounds = array<i64: 8>, scalar_prefetch = 0 : i64, scratch_operands = 0 : i64, tpu.core_type = #tpu.core_type<tc>, window_params = [{transform_indices = @transform_0, window_bounds = array<i64: 2, 1568, 128>}, {transform_indices = @transform_1, window_bounds = array<i64: 1568, 128>}, {pipeline_mode = #tpu.pipeline_mode<synchronous>, transform_indices = @transform_2, window_bounds = array<i64: 128, 128>}, {pipeline_mode = #tpu.pipeline_mode<synchronous>, transform_indices = @transform_3, window_bounds = array<i64: 1, 128>}, {pipeline_mode = #tpu.pipeline_mode<synchronous>, transform_indices = @transform_4, window_bounds = array<i64: 128, 128>}, {pipeline_mode = #tpu.pipeline_mode<synchronous>, transform_indices = @transform_5, window_bounds = array<i64: 1, 128>}, {pipeline_mode = #tpu.pipeline_mode<synchronous>, transform_indices = @transform_6, window_bounds = array<i64: 128, 128>}, {pipeline_mode = #tpu.pipeline_mode<synchronous>, transform_indices = @transform_7, window_bounds = array<i64: 1, 128>}, {pipeline_mode = #tpu.pipeline_mode<synchronous>, transform_indices = @transform_8, window_bounds = array<i64: 128, 128>}, {transform_indices = @transform_9, window_bounds = array<i64: 1568, 128>}]} {
    %get3A = arith.constant 0 : index
    %get3A_0 = arith.constant 0 : index
    %get3A_1 = arith.constant 0 : index
    %get3A_2 = vector.load %arg1[%get3A, %get3A_0, %get3A_1] : memref<2x1568x128xf32, #tpu.memory_space<vmem>>, vector<1x1568x128xf32>
    %get3A_3 = vector.shape_cast %get3A_2 : vector<1x1568x128xf32> to vector<1568x128xf32>
    %get3A_4 = arith.constant 1 : index
    %get3A_5 = arith.constant 0 : index
    %get3A_6 = arith.constant 0 : index
    %get3A_7 = vector.load %arg1[%get3A_4, %get3A_5, %get3A_6] : memref<2x1568x128xf32, #tpu.memory_space<vmem>>, vector<1x1568x128xf32>
    %get3A_8 = vector.shape_cast %get3A_7 : vector<1x1568x128xf32> to vector<1568x128xf32>
    %add3A = arith.addf %get3A_3, %get3A_8 : vector<1568x128xf32>
    %get3A_9 = arith.constant 0 : index
    %get3A_10 = arith.constant 0 : index
    %get3A_11 = vector.load %arg3[%get3A_9, %get3A_10] : memref<128x128xf32, #tpu.memory_space<vmem>>, vector<128x128xf32>
    %dot_general3A = arith.constant dense<0.000000e+00> : vector<1568x128xf32>
    %dot_general3A_12 = tpu.matmul %add3A, %get3A_11, %dot_general3A {dimension_numbers = #tpu.dot_dimension_numbers<[1], [0], [0], [1], [0, 0, 1, 1], [], []>, precision = #tpu.contract_precision<fp32>, transpose_lhs_hint = false} : vector<1568x128xf32>, vector<128x128xf32>, vector<1568x128xf32> -> vector<1568x128xf32>
    %get3A_13 = arith.constant 0 : index
    %get3A_14 = arith.constant 0 : index
    %get3A_15 = vector.load %arg4[%get3A_13, %get3A_14] : memref<1x128xf32, #tpu.memory_space<vmem>>, vector<1x128xf32>
    %add3A_16 = vector.broadcast %get3A_15 : vector<1x128xf32> to vector<1568x128xf32>
    %add3A_17 = arith.addf %dot_general3A_12, %add3A_16 : vector<1568x128xf32>
    %logistic3A = arith.negf %add3A_17 : vector<1568x128xf32>
    %logistic3A_18 = math.exp %logistic3A : vector<1568x128xf32>
    %logistic3A_19 = arith.constant 1.000000e+00 : f32
    %logistic3A_20 = vector.broadcast %logistic3A_19 : f32 to vector<1568x128xf32>
    %logistic3A_21 = arith.addf %logistic3A_20, %logistic3A_18 : vector<1568x128xf32>
    %logistic3A_22 = arith.divf %logistic3A_20, %logistic3A_21 : vector<1568x128xf32>
    %mul3A = arith.mulf %add3A_17, %logistic3A_22 : vector<1568x128xf32>
    %get3A_23 = arith.constant 0 : index
    %get3A_24 = arith.constant 0 : index
    %get3A_25 = vector.load %arg5[%get3A_23, %get3A_24] : memref<128x128xf32, #tpu.memory_space<vmem>>, vector<128x128xf32>
    %dot_general3A_26 = arith.constant dense<0.000000e+00> : vector<1568x128xf32>
    %dot_general3A_27 = tpu.matmul %mul3A, %get3A_25, %dot_general3A_26 {dimension_numbers = #tpu.dot_dimension_numbers<[1], [0], [0], [1], [0, 0, 1, 1], [], []>, precision = #tpu.contract_precision<fp32>, transpose_lhs_hint = false} : vector<1568x128xf32>, vector<128x128xf32>, vector<1568x128xf32> -> vector<1568x128xf32>
    %get3A_28 = arith.constant 0 : index
    %get3A_29 = arith.constant 0 : index
    %get3A_30 = vector.load %arg6[%get3A_28, %get3A_29] : memref<1x128xf32, #tpu.memory_space<vmem>>, vector<1x128xf32>
    %add3A_31 = vector.broadcast %get3A_30 : vector<1x128xf32> to vector<1568x128xf32>
    %add3A_32 = arith.addf %dot_general3A_27, %add3A_31 : vector<1568x128xf32>
    %logistic3A_33 = arith.negf %add3A_32 : vector<1568x128xf32>
    %logistic3A_34 = math.exp %logistic3A_33 : vector<1568x128xf32>
    %logistic3A_35 = arith.constant 1.000000e+00 : f32
    %logistic3A_36 = vector.broadcast %logistic3A_35 : f32 to vector<1568x128xf32>
    %logistic3A_37 = arith.addf %logistic3A_36, %logistic3A_34 : vector<1568x128xf32>
    %logistic3A_38 = arith.divf %logistic3A_36, %logistic3A_37 : vector<1568x128xf32>
    %mul3A_39 = arith.mulf %add3A_32, %logistic3A_38 : vector<1568x128xf32>
    %get3A_40 = arith.constant 0 : index
    %get3A_41 = arith.constant 0 : index
    %get3A_42 = vector.load %arg7[%get3A_40, %get3A_41] : memref<128x128xf32, #tpu.memory_space<vmem>>, vector<128x128xf32>
    %dot_general3A_43 = arith.constant dense<0.000000e+00> : vector<1568x128xf32>
    %dot_general3A_44 = tpu.matmul %mul3A_39, %get3A_42, %dot_general3A_43 {dimension_numbers = #tpu.dot_dimension_numbers<[1], [0], [0], [1], [0, 0, 1, 1], [], []>, precision = #tpu.contract_precision<fp32>, transpose_lhs_hint = false} : vector<1568x128xf32>, vector<128x128xf32>, vector<1568x128xf32> -> vector<1568x128xf32>
    %get3A_45 = arith.constant 0 : index
    %get3A_46 = arith.constant 0 : index
    %get3A_47 = vector.load %arg8[%get3A_45, %get3A_46] : memref<1x128xf32, #tpu.memory_space<vmem>>, vector<1x128xf32>
    %add3A_48 = vector.broadcast %get3A_47 : vector<1x128xf32> to vector<1568x128xf32>
    %add3A_49 = arith.addf %dot_general3A_44, %add3A_48 : vector<1568x128xf32>
    %logistic3A_50 = arith.negf %add3A_49 : vector<1568x128xf32>
    %logistic3A_51 = math.exp %logistic3A_50 : vector<1568x128xf32>
    %logistic3A_52 = arith.constant 1.000000e+00 : f32
    %logistic3A_53 = vector.broadcast %logistic3A_52 : f32 to vector<1568x128xf32>
    %logistic3A_54 = arith.addf %logistic3A_53, %logistic3A_51 : vector<1568x128xf32>
    %logistic3A_55 = arith.divf %logistic3A_53, %logistic3A_54 : vector<1568x128xf32>
    %mul3A_56 = arith.mulf %add3A_49, %logistic3A_55 : vector<1568x128xf32>
    %get3A_57 = arith.constant 0 : index
    %get3A_58 = arith.constant 0 : index
    %get3A_59 = vector.load %arg2[%get3A_57, %get3A_58] : memref<1568x128xf32, #tpu.memory_space<vmem>>, vector<1568x128xf32>
    %get3A_60 = arith.constant 0 : index
    %get3A_61 = arith.constant 0 : index
    %get3A_62 = vector.load %arg9[%get3A_60, %get3A_61] : memref<128x128xf32, #tpu.memory_space<vmem>>, vector<128x128xf32>
    %dot_general3A_63 = arith.constant dense<0.000000e+00> : vector<1568x128xf32>
    %dot_general3A_64 = tpu.matmul %mul3A_56, %get3A_62, %dot_general3A_63 {dimension_numbers = #tpu.dot_dimension_numbers<[1], [0], [0], [1], [0, 0, 1, 1], [], []>, precision = #tpu.contract_precision<fp32>, transpose_lhs_hint = false} : vector<1568x128xf32>, vector<128x128xf32>, vector<1568x128xf32> -> vector<1568x128xf32>
    %add3A_65 = arith.addf %get3A_59, %dot_general3A_64 : vector<1568x128xf32>
    %swap3A = arith.constant 0 : index
    %swap3A_66 = arith.constant 0 : index
    %swap3A_67 = vector.load %arg10[%swap3A, %swap3A_66] : memref<1568x128xf32, #tpu.memory_space<vmem>>, vector<1568x128xf32>
    tpu.vector_store %arg10[%swap3A, %swap3A_66], %add3A_65 {strides = array<i32>} : memref<1568x128xf32, #tpu.memory_space<vmem>>, vector<1568x128xf32>,
    return
  }
  func.func @transform_0(%arg0: i32) -> (i32, i32, i32) {
    %c0_i32 = arith.constant 0 : i32
    %c0_i32_0 = arith.constant 0 : i32
    %c0_i32_1 = arith.constant 0 : i32
    return %c0_i32, %arg0, %c0_i32_0 : i32, i32, i32
  }
  func.func @transform_1(%arg0: i32) -> (i32, i32) {
    %c0_i32 = arith.constant 0 : i32
    %c0_i32_0 = arith.constant 0 : i32
    return %arg0, %c0_i32 : i32, i32
  }
  func.func @transform_2(%arg0: i32) -> (i32, i32) {
    %c0_i32 = arith.constant 0 : i32
    %c0_i32_0 = arith.constant 0 : i32
    %c0_i32_1 = arith.constant 0 : i32
    return %c0_i32, %c0_i32_0 : i32, i32
  }
  func.func @transform_3(%arg0: i32) -> (i32, i32) {
    %c0_i32 = arith.constant 0 : i32
    %c0_i32_0 = arith.constant 0 : i32
    %c0_i32_1 = arith.constant 0 : i32
    return %c0_i32, %c0_i32_0 : i32, i32
  }
  func.func @transform_4(%arg0: i32) -> (i32, i32) {
    %c0_i32 = arith.constant 0 : i32
    %c0_i32_0 = arith.constant 0 : i32
    %c0_i32_1 = arith.constant 0 : i32
    return %c0_i32, %c0_i32_0 : i32, i32
  }
  func.func @transform_5(%arg0: i32) -> (i32, i32) {
    %c0_i32 = arith.constant 0 : i32
    %c0_i32_0 = arith.constant 0 : i32
    %c0_i32_1 = arith.constant 0 : i32
    return %c0_i32, %c0_i32_0 : i32, i32
  }
  func.func @transform_6(%arg0: i32) -> (i32, i32) {
    %c0_i32 = arith.constant 0 : i32
    %c0_i32_0 = arith.constant 0 : i32
    %c0_i32_1 = arith.constant 0 : i32
    return %c0_i32, %c0_i32_0 : i32, i32
  }
  func.func @transform_7(%arg0: i32) -> (i32, i32) {
    %c0_i32 = arith.constant 0 : i32
    %c0_i32_0 = arith.constant 0 : i32
    %c0_i32_1 = arith.constant 0 : i32
    return %c0_i32, %c0_i32_0 : i32, i32
  }
  func.func @transform_8(%arg0: i32) -> (i32, i32) {
    %c0_i32 = arith.constant 0 : i32
    %c0_i32_0 = arith.constant 0 : i32
    %c0_i32_1 = arith.constant 0 : i32
    return %c0_i32, %c0_i32_0 : i32, i32
  }
  func.func @transform_9(%arg0: i32) -> (i32, i32) {
    %c0_i32 = arith.constant 0 : i32
    %c0_i32_0 = arith.constant 0 : i32
    return %arg0, %c0_i32 : i32, i32
  }
}

</mosaic_0001>

<sc_bundles>
// kernel: kernel.12.cloned.1.call-start
scs
__scs_entry_jumppad:
0x0: {  	(pc) =	sbr.rel $0x88, $3  }
0x1: {  	(tag) =	ssettag $0x0;
	lr =	simm.s32 $0x1  }
0x2: {  	[smem:$0x3F82] =	sst lr;
	_ =	strace $0xD0000000  }
0x3: {  	_ = 	snop  }
0x4: {  	_ = 	snop  }
0x5: {  	_ = 	snop  }
0x6: {  	_ = 	snop  }
0x7: {  	_ = 	snop  }
__scs_overlays_trampoline_lowered:
0x8: {  	[smem:$0x3F91] =	sst s0  }
0x9: {  	[smem:$0x3F92] =	sst s1  }
0xa: {  	[smem:$0x3F93] =	sst s2  }
0xb: {  	[smem:$0x3F94] =	sst s3  }
0xc: {  	[smem:$0x3F95] =	sst s4  }
0xd: {  	[smem:$0x3F96] =	sst s5  }
0xe: {  	[smem:$0x3F97] =	sst s6  }
0xf: {  	[smem:$0x3F98] =	sst s7  }
0x10: {  	[smem:$0x3F99] =	sst s8  }
0x11: {  	[smem:$0x3F9A] =	sst s9;
	s0 =	simm.s32 @!p0 $0x0  }
0x12: {  	s1 =	sld [smem:$0x3F80];
	s0 =	simm.s32 @p0 $0x1  }
0x13: {  	[smem:$0x3F9B] =	sst s0;
	s0 =	simm.s32 @!p1 $0x0  }
0x14: {  	s2 =	sld [smem:$0x3F7F];
	s0 =	simm.s32 @p1 $0x1  }
0x15: {  	[smem:$0x3F9C] =	sst s0;
	s0 =	simm.s32 @!p2 $0x0  }
0x16: {  	s3 =	sld [smem:$0x3FDB];
	s0 =	simm.s32 @p2 $0x1  }
0x17: {  	s4 =	simm.s32 $0x1BF5;
	[smem:$0x3F9E] =	sst s0  }
0x18: {  	s0 =	sld [smem:$0x3F81];
	_ =	swait.ge [sflag:s4], $0x0  }
0x19: {  	s7 =	sld [smem:$0x3F82]  }
0x1a: {  	s8 =	sadd.s32 $0xFFFFE003, lr  }
0x1b: {  	s9 =	sadd.s32 $0xFFFFFEF7, lr;
	s5 =	simm.s32 $0xFFFFFFFF;
	p2 =	slt.u32 s8, $0xFFFFF086  }
0x1c: {  	p1 =	slt.u32 s9, $0xF7A;
	s5 =	simm.s32 @!p2 $0x0  }
0x1d: {  	s5 =	simm.s32 @p1 $0x1;
	p0 =	seq.s32 s7, s2  }
0x1e: {  	s7 =	smul.u32 @!p0 $0xF7A, s2;
	p2 =	seq.s32 @!p0 s5, $0x0  }
0x1f: {  	s9 =	smul.u32 $0xF7A, s1;
	s8 =	simm.s32 @!p0 $0x1BF5;
	p2 =	por !p2, p0  }
0x20: {  	[sflag:s8] =	ssyncset.s32 @!p0 $0xFFFFF086;
	s6 =	sadd.s32 @!p0 s3, s7;
	s7 =	simm.s32 @!p0 $0x108  }
0x21: {  	s3 =	sadd.s32 s3, s9;
	s6 =	sadd.s32 @!p0 $0x88, s6;
	s7 =	simm.s32 @p2 $0x1082  }
0x22: {  	[simem:s7], [sflag:s8] =	dma.local @!p0 [hbm:s6], $0xF7A  }
0x23: {  	s9 =	sor.u32 $0xD0000000, s2;
	s6 =	simm.s32 $0x108;
	_ =	swait.ge @!p0 [sflag:s8], $0x0  }
0x24: {  	s3 =	sadd.s32 $0x88, s3;
	s6 =	simm.s32 @!p1 $0x1082;
	[sflag:s4] =	ssyncset.s32 $0xFFFFF086  }
0x25: {  	[simem:s6], [sflag:s4] =	dma.local [hbm:s3], $0xF7A  }
0x26: {  	[smem:$0x3F82] =	sst s1;
	(tag) =	ssettag s2;
	_ =	strace s9  }
0x27: {  	s1 =	sld [smem:$0x3F92]  }
0x28: {  	s2 =	sld [smem:$0x3F93]  }
0x29: {  	s4 =	sld [smem:$0x3F95]  }
0x2a: {  	p0 =	seq.s32 s5, $0x0;
	s5 =	sld [smem:$0x3F96]  }
0x2b: {  	s6 =	sld [smem:$0x3F97]  }
0x2c: {  	s7 =	sld [smem:$0x3F98]  }
0x2d: {  	s3 =	simm.s32 $0x108;
	s8 =	sld [smem:$0x3F99]  }
0x2e: {  	s3 =	simm.s32 @!p0 $0x1082;
	s9 =	sld [smem:$0x3F9A]  }
0x2f: {  	lr =	sadd.s32 s0, s3;
	s0 =	sld [smem:$0x3F91]  }
0x30: {  	s3 =	sld [smem:$0x3F94]  }
0x31: {  	[smem:$0x3F9D] =	sst s10  }
0x32: {  	s10 =	sld [smem:$0x3F9B];
	_ =	sdelay $0x3  }
0x33: {  	p0 =	seq.s32 s10, $0x1;
	s10 =	sld [smem:$0x3F9D];
	_ =	sdelay $0x3  }
0x34: {  	[smem:$0x3F9D] =	sst s10  }
0x35: {  	s10 =	sld [smem:$0x3F9C];
	_ =	sdelay $0x3  }
0x36: {  	p1 =	seq.s32 s10, $0x1;
	s10 =	sld [smem:$0x3F9D];
	_ =	sdelay $0x3  }
0x37: {  	[smem:$0x3F9D] =	sst s10  }
0x38: {  	s10 =	sld [smem:$0x3F9E]  }
0x39: {  	_ = 	snop;
	(pc) =	sbr.ind lr, $3  }
0x3a: {  	_ = 	snop  }
0x3b: {  	_ = 	snop  }
0x3c: {  	p2 =	seq.s32 s10, $0x1;
	s10 =	sld [smem:$0x3F9D]  }
0x3d: {  	_ =	shalt  }
0x3e: {  	_ =	shalt  }
0x3f: {  	_ =	shalt  }
0x40: {  	_ =	shalt  }
0x41: {  	_ =	shalt  }
0x42: {  	_ =	shalt  }
0x43: {  	_ =	shalt  }
0x44: {  	_ =	shalt  }
0x45: {  	_ =	shalt  }
0x46: {  	_ =	shalt  }
0x47: {  	_ =	shalt  }
0x48: {  	_ =	shalt  }
0x49: {  	_ =	shalt  }
0x4a: {  	_ =	shalt  }
0x4b: {  	_ =	shalt  }
0x4c: {  	_ =	shalt  }
0x4d: {  	_ =	shalt  }
0x4e: {  	_ =	shalt  }
0x4f: {  	_ =	shalt  }
0x50: {  	_ =	shalt  }
0x51: {  	_ =	shalt  }
0x52: {  	_ =	shalt  }
0x53: {  	_ =	shalt  }
0x54: {  	_ =	shalt  }
0x55: {  	_ =	shalt  }
0x56: {  	_ =	shalt  }
0x57: {  	_ =	shalt  }
0x58: {  	_ =	shalt  }
0x59: {  	_ =	shalt  }
0x5a: {  	_ =	shalt  }
0x5b: {  	_ =	shalt  }
0x5c: {  	_ =	shalt  }
0x5d: {  	_ =	shalt  }
0x5e: {  	_ =	shalt  }
0x5f: {  	_ =	shalt  }
0x60: {  	_ =	shalt  }
0x61: {  	_ =	shalt  }
0x62: {  	_ =	shalt  }
0x63: {  	_ =	shalt  }
0x64: {  	_ =	shalt  }
0x65: {  	_ =	shalt  }
0x66: {  	_ =	shalt  }
0x67: {  	_ =	shalt  }
0x68: {  	_ =	shalt  }
0x69: {  	_ =	shalt  }
0x6a: {  	_ =	shalt  }
0x6b: {  	_ =	shalt  }
0x6c: {  	_ =	shalt  }
0x6d: {  	_ =	shalt  }
0x6e: {  	_ =	shalt  }
0x6f: {  	_ =	shalt  }
0x70: {  	_ =	shalt  }
0x71: {  	_ =	shalt  }
0x72: {  	_ =	shalt  }
0x73: {  	_ =	shalt  }
0x74: {  	_ =	shalt  }
0x75: {  	_ =	shalt  }
0x76: {  	_ =	shalt  }
0x77: {  	_ =	shalt  }
0x78: {  	_ =	shalt  }
0x79: {  	_ =	shalt  }
0x7a: {  	_ =	shalt  }
0x7b: {  	_ =	shalt  }
0x7c: {  	_ =	shalt  }
0x7d: {  	_ =	shalt  }
0x7e: {  	_ =	shalt  }
0x7f: {  	_ =	shalt  }
0x80: {  	_ =	shalt  }
0x81: {  	_ =	shalt  }
0x82: {  	_ =	shalt  }
0x83: {  	_ =	shalt  }
0x84: {  	_ =	shalt  }
0x85: {  	_ =	shalt  }
0x86: {  	_ =	shalt  }
0x87: {  	_ =	shalt  }
.Lfunc_end0:
.L_simem_size_0:
called_computation_lowered:
.L_overlay_start_0:
0x88: {  	s2 =	sld [smem:$0x3FD9]  }
0x89: {  	s3 =	sld [smem:$0x3FFE];
	_ =	sdelay $0x1  }
0x8a: {  	s1 =	srdreg.scid  }
0x8b: {  	s0 =	sand.u32 $0x1, s1  }
0x8c: {  	s16 =	sshll.u32 s0, $0xA;
	s2 =	sadd.s32 s3, s2  }
0x8d: {  	s2 =	sadd.s32 s2, s16  }
0x8e: {  	[smem:$0x3FA9] =	sst s2  }
0x8f: {  	_ = 	snop  }
0x90: {  	(tm) =	ssettm $0x1  }
0x91: {  	s17 =	sld [smem:$0x3FFB];
	_ =	sdelay $0x3  }
0x92: {  	_ =	strace s17  }
0x93: {  	s2 =	sld [smem:$0x3FFC];
	_ =	sdelay $0x3  }
0x94: {  	_ =	strace s2  }
0x95: {  	s2 =	sld [smem:$0x3FFD];
	_ =	sdelay $0x3  }
0x96: {  	_ =	strace s2  }
0x97: {  	_ =	strace $0x8FFFFFFF  }
0x98: {  	s18 =	sld [smem:$0x3FDB];
	_ =	sdelay $0x1  }
0x99: {  	s19 =	simm.s32 $_scs_section_size  }
0x9a: {  	s4 =	simm.s32 $_size__tile_overlayer_lowered;
	s5 =	simm.s32 $_tile_overlayer_lowered  }
0x9b: {  	s22 =	simm.s32 $0x1BFF;
	s21 =	sshll.u32 s5, $0x1;
	s2 =	sadd.s32 s19, s18  }
0x9c: {  	s6 =	simm.s32 $0x0;
	s20 =	sshll.u32 s4, $0x1;
	s4 =	sadd.s32 s21, s2  }
0x9d: {  	[timem:s6], [sflag:s22] =	dma.local [hbm:s4], s20  }
0x9e: {  	_ =	swait.ge [sflag:s22], s20  }
0x9f: {  	s3 =	ssub.s32 $0x0, s20;
	[sflag:s22] =	ssyncset.done $0x0  }
0xa0: {  	[sflag:s22] =	ssyncadd.s32 s3;
	_ =	sdelay $0x1  }
0xa1: {  	s23 =	simm.s32 $0x1B8B  }
0xa2: {  	_ =	swait.ge [sflag:s23], $0x1  }
0xa3: {  	[sflag:s23] =	ssyncset.done $0x0  }
0xa4: {  	s25 =	simm.s32 $0x1B8E;
	s24 =	sld [smem:$0x3FFE];
	[sflag:s23] =	ssyncadd.s32 $0xFFFFFFFF  }
0xa5: {  	s26 =	simm.s32 $execute0_lowered;
	[smem:$0x3FD2] =	sst s25  }
0xa6: {  	s4 =	sshll.u32 s26, $0x1;
	_ =	strace $0x80000046;
	[dreg:$0x1] =	wrdreg $0xFFFFFFFF  }
0xa7: {  	s28 =	simm.s32 $_size_execute0_lowered;
	s2 =	sadd.s32 s2, s4;
	[dreg:$0x0] =	wrdreg $0x0  }
0xa8: {  	s4 =	sshll.u32 s28, $0x1;
	[dreg:$0x2] =	wrdreg s2  }
0xa9: {  	[dreg:$0x3] =	wrdreg s4  }
0xaa: {  	[dreg:$0x4] =	wrdreg $0xC0  }
0xab: {  	_ =	task [dreg:s6], $0x5FFFF  }
0xac: {  	[dreg:$0x1] =	wrdreg $0xFFFFFFFF  }
0xad: {  	[dreg:$0x0] =	wrdreg $0x60  }
0xae: {  	[dreg:$0x2] =	wrdreg s24  }
0xaf: {  	[dreg:$0x3] =	wrdreg $0x9  }
0xb0: {  	_ =	task.clear_ibuf [dreg:s6], $0x4FFFF;
	_ =	strace $0x90000046  }
0xb1: {  	s29 =	simm.s32 $0x9;
	_ =	strace $0x80000048  }
0xb2: {  	_ =	swait.ge [sflag:s29], $0x1  }
0xb3: {  	[sflag:s29] =	ssyncadd.s32 $0xFFFFFFFF  }
0xb4: {  	_ =	strace $0x90000048  }
0xb5: {  	_ =	sfence  }
0xb6: {  	s30 =	sld [smem:$0x0];
	_ =	sdelay $0x2  }
0xb7: {  	s31 =	sshll.u32 s1, $0xD;
	s1 =	sshrl.u32 s1, $0x2  }
0xb8: {  	s3 =	sand.u32 $0x4000, s31;
	s1 =	sadd.s32 s1, s30  }
0xb9: {  	s0 =	sor.u32 s3, s0;
	s1 =	sshll.u32 s1, $0x11  }
0xba: {  	s0 =	sor.u32 s1, s0  }
0xbb: {  	s0 =	sadd.s32 $0x8F2B, s0  }
0xbc: {  	[sflag:s0] =	ssyncadd.remote.s32 $0x1  }
0xbd: {  	_ =	sfence.sel $0xFFFF  }
0xbe: {  	[dreg:$0x0] =	wrdreg $0xFFFFFFFF;
	(pc) =	sbr.abs _section_cstart, $3  }
0xbf: {  	[dreg:$0x1] =	wrdreg $0xFFFFFFFF  }
0xc0: {  	_ =	task.clear_ibuf [dreg:s6], $0x2FFFF;
	_ =	strace $0x9FFFFFFF  }
0xc1: {  	(tm) =	ssettm $0x7FFFFFFF  }
tec
execute0_lowered:
.L_overlay_start_1:
0x0: {  	(tag) =	ssettag $0x1  }
0x1: {  	s5 =	rddreg [dreg:$0x0]  }
0x2: {  	s0 =	rddreg [dreg:$0x1];
	s2 =	simm.s32 $0x0;
	s1 =	stileid.u32  }
0x3: {  	s3 =	srdreg.scid;
	[smem:$0x7FF] =	sst s2  }
0x4: {  	s4 =	sshll.u32 s1, $0x5;
	s9 =	sand.u32 $0x1, s3;
	s3 =	sadd.s32 $0x7600, s5  }
0x5: {  	s8 =	sshll.u32 s1, $0xA;
	s30 =	sshll.u32 s1, $0x1;
	_ =	strace $0x80000047  }
0x6: {  	s6 =	sadd.s32 s4, s5;
	s7 =	ssub.s32 $0x2, s9;
	s4 =	sadd.s32 $0x7400, s5  }
0x7: {  	s8 =	sadd.s32 s8, s5;
	s29 =	sshll.u32 s9, $0x4;
	s31 =	sshll.u32 s9, $0x9  }
0x8: {  	s9 =	sor.u32 s9, s30;
	s10 =	sshrl.u32 s7, $0x1;
	s6 =	sadd.s32 s29, s6  }
0x9: {  	s8 =	sadd.s32 s31, s8;
	s28 =	ssub.s32 s7, s10;
	s6 =	sadd.s32 $0x7800, s6  }
0xa: {  	s7 =	sadd.s32 $0x3A000, s8;
	s8 =	sadd.s32 $0x9200, s8;
	s5 =	smax.u32 s28, $0x1  }
.LBB2_1:
0xb: {  	p0 =	sgt.u32 s9, $0x186  }
0xc: {  	s11 =	simm.s32 @!p0 $0x0;
	s12 =	simm.s32 @!p0 $0x3  }
0xd: {  	[tilespmem:s11], [sflag:$0x3] =	stream.linear.gather @!p0 [hbm4b:s6+s11], $0x80, $0x38;
	[tilespmem:$0x2080] =	vst v63  }
0xe: {  	_ =	swait.ge @!p0 [sflag:s12], $0x80  }
0xf: {  	[sflag:s12] =	ssyncset.done @!p0 $0x0;
	p0 =	por p0, p0  }
0x10: {  	[sflag:s12] =	ssyncadd.s32 @!p0 $0xFFFFFF80;
	s10 =	simm.s32 @!p0 $0x80;
	s13 =	simm.s32 @!p0 $0x1  }
0x11: {  	[tilespmem:s10], [sflag:$0x1] =	stream.indirect.gather @!p0 [hbm4b:s3+s10], $0x20, s11, s10, $0xb8;
	[tilespmem:$0x2080] =	vst v63  }
0x12: {  	_ =	swait.ge @!p0 [sflag:s13], $0x1000  }
0x13: {  	[sflag:s13] =	ssyncset.done @!p0 $0x0  }
0x14: {  	s15 =	simm.s32 @!p0 $0x1080;
	[sflag:s13] =	ssyncadd.s32 @!p0 $0xFFFFF000  }
0x15: {  	[tilespmem:s15], [sflag:$0x1] =	stream.indirect.gather @!p0 [hbm4b:s4+s10], $0x20, s11, s10, $0xb8;
	[tilespmem:$0x2080] =	vst v63  }
0x16: {  	_ =	swait.ge @!p0 [sflag:s13], $0x1000  }
0x17: {  	[sflag:s13] =	ssyncset.done @!p0 $0x0  }
0x18: {  	[sflag:s13] =	ssyncadd.s32 @!p0 $0xFFFFF000;
	s13 =	sadd.s32 @!p0 $0x0, s8  }
0x19: {  	[hbm4b:s13+s11] =	stream.linear.scatter @!p0 [tilespmem:s10], [sflag:$0x3], $0x1000, $0x38;
	[tilespmem:$0x2080] =	vst v63  }
0x1a: {  	_ =	swait.ge @!p0 [sflag:s12], $0x1000  }
0x1b: {  	s14 =	simm.s32 @!p0 $0x2;
	[sflag:s12] =	ssyncset.done @!p0 $0x0  }
0x1c: {  	s13 =	sadd.s32 $0x20, s9;
	[sflag:s12] =	ssyncadd.s32 @!p0 $0xFFFFF000;
	s12 =	sadd.s32 @!p0 $0x0, s7  }
0x1d: {  	[hbm4b:s12+s11] =	stream.linear.scatter @!p0 [tilespmem:s15], [sflag:$0x2], $0x1000, $0x38;
	[tilespmem:$0x2080] =	vst v63  }
0x1e: {  	s10 =	simm.s32 $0x4000;
	p2 =	sgt.u32 s13, $0x186;
	_ =	swait.ge @!p0 [sflag:s14], $0x1000  }
0x1f: {  	s11 =	simm.s32 $0x8000;
	s12 =	sadd.s32 $0x200, s6;
	[sflag:s14] =	ssyncset.done @!p0 $0x0  }
.LBB2_2:
0x20: {  	s15 =	simm.s32 @!p2 $0x0;
	s16 =	simm.s32 @!p2 $0x3;
	[sflag:s14] =	ssyncadd.s32 @!p0 $0xFFFFF000  }
0x21: {  	[tilespmem:s15], [sflag:$0x3] =	stream.linear.gather @!p2 [hbm4b:s12+s15], $0x80, $0x38;
	[tilespmem:$0x2080] =	vst v63  }
0x22: {  	s17 =	smov.u32 s11;
	s11 =	sadd.s32 $0x4000, s11;
	_ =	swait.ge @!p2 [sflag:s16], $0x80  }
0x23: {  	p0 =	por p2, p2;
	p1 =	sne.s32 s11, $0x34000;
	[sflag:s16] =	ssyncset.done @!p2 $0x0  }
0x24: {  	s14 =	simm.s32 @!p0 $0x80;
	s18 =	simm.s32 @!p0 $0x1;
	[sflag:s16] =	ssyncadd.s32 @!p0 $0xFFFFFF80  }
0x25: {  	[tilespmem:s14], [sflag:$0x1] =	stream.indirect.gather @!p0 [hbm4b:s3+s14], $0x20, s15, s14, $0xb8;
	[tilespmem:$0x2080] =	vst v63  }
0x26: {  	_ =	swait.ge @!p0 [sflag:s18], $0x1000  }
0x27: {  	[sflag:s18] =	ssyncset.done @!p0 $0x0  }
0x28: {  	s19 =	simm.s32 @!p0 $0x1080;
	[sflag:s18] =	ssyncadd.s32 @!p0 $0xFFFFF000  }
0x29: {  	[tilespmem:s19], [sflag:$0x1] =	stream.indirect.gather @!p0 [hbm4b:s4+s14], $0x20, s15, s14, $0xb8;
	[tilespmem:$0x2080] =	vst v63  }
0x2a: {  	_ =	swait.ge @!p0 [sflag:s18], $0x1000  }
0x2b: {  	[sflag:s18] =	ssyncset.done @!p0 $0x0  }
0x2c: {  	[sflag:s18] =	ssyncadd.s32 @!p0 $0xFFFFF000;
	s18 =	sadd.s32 @!p0 s10, s8  }
0x2d: {  	[hbm4b:s18+s15] =	stream.linear.scatter @!p0 [tilespmem:s14], [sflag:$0x3], $0x1000, $0x38;
	[tilespmem:$0x2080] =	vst v63  }
0x2e: {  	_ =	swait.ge @!p0 [sflag:s16], $0x1000  }
.Ltmp0:
0x2f: {  	[sflag:s16] =	ssyncset.done @!p0 $0x0;
	(pc) =	sbr.rel @p1 .LBB2_2-.Ltmp0, $4  }
0x30: {  	s10 =	sadd.s32 @!p0 s10, s7;
	s14 =	simm.s32 @!p0 $0x2;
	[sflag:s16] =	ssyncadd.s32 @!p0 $0xFFFFF000  }
0x31: {  	[hbm4b:s10+s15] =	stream.linear.scatter @!p0 [tilespmem:s19], [sflag:$0x2], $0x1000, $0x38;
	[tilespmem:$0x2080] =	vst v63  }
0x32: {  	s13 =	sadd.s32 $0x20, s13;
	s10 =	smov.u32 s17;
	_ =	swait.ge @!p0 [sflag:s14], $0x1000  }
0x33: {  	s12 =	sadd.s32 $0x200, s12;
	p2 =	sgt.u32 s13, $0x186;
	[sflag:s14] =	ssyncset.done @!p0 $0x0  }
0x34: {  	s11 =	simm.s32 @!p2 $0x0;
	s13 =	simm.s32 @!p2 $0x3;
	[sflag:s14] =	ssyncadd.s32 @!p0 $0xFFFFF000  }
0x35: {  	[tilespmem:s11], [sflag:$0x3] =	stream.linear.gather @!p2 [hbm4b:s12+s11], $0x80, $0x38;
	[tilespmem:$0x2080] =	vst v63  }
0x36: {  	_ =	swait.ge @!p2 [sflag:s13], $0x80  }
0x37: {  	p0 =	por p2, p2;
	[sflag:s13] =	ssyncset.done @!p2 $0x0  }
0x38: {  	s12 =	simm.s32 @!p0 $0x80;
	s14 =	simm.s32 @!p0 $0x1;
	[sflag:s13] =	ssyncadd.s32 @!p0 $0xFFFFFF80  }
0x39: {  	[tilespmem:s12], [sflag:$0x1] =	stream.indirect.gather @!p0 [hbm4b:s3+s12], $0x20, s11, s12, $0xb8;
	[tilespmem:$0x2080] =	vst v63  }
0x3a: {  	_ =	swait.ge @!p0 [sflag:s14], $0x1000  }
0x3b: {  	[sflag:s14] =	ssyncset.done @!p0 $0x0  }
0x3c: {  	s15 =	simm.s32 @!p0 $0x1080;
	[sflag:s14] =	ssyncadd.s32 @!p0 $0xFFFFF000  }
0x3d: {  	[tilespmem:s15], [sflag:$0x1] =	stream.indirect.gather @!p0 [hbm4b:s4+s12], $0x20, s11, s12, $0xb8;
	[tilespmem:$0x2080] =	vst v63  }
0x3e: {  	_ =	swait.ge @!p0 [sflag:s14], $0x1000  }
0x3f: {  	[sflag:s14] =	ssyncset.done @!p0 $0x0  }
0x40: {  	[sflag:s14] =	ssyncadd.s32 @!p0 $0xFFFFF000;
	s14 =	sadd.s32 @!p0 s10, s8  }
0x41: {  	[hbm4b:s14+s11] =	stream.linear.scatter @!p0 [tilespmem:s12], [sflag:$0x3], $0x1000, $0x38;
	[tilespmem:$0x2080] =	vst v63  }
0x42: {  	s2 =	sadd.s32 $0x1, s2;
	_ =	swait.ge @!p0 [sflag:s13], $0x1000  }
0x43: {  	p1 =	sne.s32 s2, s5;
	s10 =	sadd.s32 @!p0 s10, s7;
	[sflag:s13] =	ssyncset.done @!p0 $0x0  }
.Ltmp1:
0x44: {  	s12 =	simm.s32 @!p0 $0x2;
	[sflag:s13] =	ssyncadd.s32 @!p0 $0xFFFFF000;
	(pc) =	sbr.rel @p1 .LBB2_1-.Ltmp1, $4  }
0x45: {  	[hbm4b:s10+s11] =	stream.linear.scatter @!p0 [tilespmem:s15], [sflag:$0x2], $0x1000, $0x38;
	[tilespmem:$0x2080] =	vst v63  }
0x46: {  	_ =	swait.ge @!p0 [sflag:s12], $0x1000  }
0x47: {  	[sflag:s12] =	ssyncset.done @!p0 $0x0  }
0x48: {  	[sflag:s12] =	ssyncadd.s32 @!p0 $0xFFFFF000  }
0x49: {  	_ =	sfence.sel $0x180000  }
0x4a: {  	[bflag:$0x0] =	sbarrier.arrive $0xFFFF  }
0x4b: {  	p0 =	sne.s32 s1, $0x0;
	_ =	strace $0x90000047  }
0x4c: {  	s0 =	sadd.s32 @!p0 $0x100000, s0;
	[bflag:$0x2] =	sbarrier.arrive $0xFFFF  }
0x4d: {  	[sflag:s0] =	ssyncadd.tile.s32 @!p0 $0x1;
	_ =	shalt  }
.Lfunc_end2:
_tile_overlayer_lowered:
.L_overlay_start_2:
0x4e: {  	(tag) =	ssettag $0x2  }
0x4f: {  	s0 =	rddreg [dreg:$0x0];
	s2 =	stileid.u32  }
0x50: {  	s1 =	rddreg [dreg:$0x1];
	p0 =	sne.s32 s2, $0x0  }
0x51: {  	s3 =	rddreg [dreg:$0x2];
	[bflag:$0x3] =	sbarrier.arrive $0xFFFF;
	s2 =	simm.s32 @!p0 $0x1C02  }
0x52: {  	[timem:s3], [sflag:s2] =	dma.local @!p0 [hbm:s0], s1  }
0x53: {  	s0 =	simm.s32 @!p0 $0x2  }
0x54: {  	_ =	swait.ge @!p0 [sflag:s0], s1  }
0x55: {  	s1 =	ssub.s32 @!p0 $0x0, s1;
	[sflag:s0] =	ssyncset.done @!p0 $0x0  }
0x56: {  	[sflag:s0] =	ssyncadd.s32 @!p0 s1  }
0x57: {  	[bflag:$0x3] =	sbarrier.arrive $0xFFFF  }
0x58: {  	_ =	shalt  }

// kernel: kernel.15.cloned.1.call-start
scs
__scs_entry_jumppad:
0x0: {  	(pc) =	sbr.rel $0x88, $3  }
0x1: {  	(tag) =	ssettag $0x0;
	lr =	simm.s32 $0x1  }
0x2: {  	[smem:$0x3F82] =	sst lr;
	_ =	strace $0xD0000000  }
0x3: {  	_ = 	snop  }
0x4: {  	_ = 	snop  }
0x5: {  	_ = 	snop  }
0x6: {  	_ = 	snop  }
0x7: {  	_ = 	snop  }
__scs_overlays_trampoline_lowered:
0x8: {  	[smem:$0x3F91] =	sst s0  }
0x9: {  	[smem:$0x3F92] =	sst s1  }
0xa: {  	[smem:$0x3F93] =	sst s2  }
0xb: {  	[smem:$0x3F94] =	sst s3  }
0xc: {  	[smem:$0x3F95] =	sst s4  }
0xd: {  	[smem:$0x3F96] =	sst s5  }
0xe: {  	[smem:$0x3F97] =	sst s6  }
0xf: {  	[smem:$0x3F98] =	sst s7  }
0x10: {  	[smem:$0x3F99] =	sst s8  }
0x11: {  	[smem:$0x3F9A] =	sst s9;
	s0 =	simm.s32 @!p0 $0x0  }
0x12: {  	s1 =	sld [smem:$0x3F80];
	s0 =	simm.s32 @p0 $0x1  }
0x13: {  	[smem:$0x3F9B] =	sst s0;
	s0 =	simm.s32 @!p1 $0x0  }
0x14: {  	s2 =	sld [smem:$0x3F7F];
	s0 =	simm.s32 @p1 $0x1  }
0x15: {  	[smem:$0x3F9C] =	sst s0;
	s0 =	simm.s32 @!p2 $0x0  }
0x16: {  	s3 =	sld [smem:$0x3FDB];
	s0 =	simm.s32 @p2 $0x1  }
0x17: {  	s4 =	simm.s32 $0x1BF5;
	[smem:$0x3F9E] =	sst s0  }
0x18: {  	s0 =	sld [smem:$0x3F81];
	_ =	swait.ge [sflag:s4], $0x0  }
0x19: {  	s7 =	sld [smem:$0x3F82]  }
0x1a: {  	s8 =	sadd.s32 $0xFFFFE003, lr  }
0x1b: {  	s9 =	sadd.s32 $0xFFFFFEF7, lr;
	s5 =	simm.s32 $0xFFFFFFFF;
	p2 =	slt.u32 s8, $0xFFFFF086  }
0x1c: {  	p1 =	slt.u32 s9, $0xF7A;
	s5 =	simm.s32 @!p2 $0x0  }
0x1d: {  	s5 =	simm.s32 @p1 $0x1;
	p0 =	seq.s32 s7, s2  }
0x1e: {  	s7 =	smul.u32 @!p0 $0xF7A, s2;
	p2 =	seq.s32 @!p0 s5, $0x0  }
0x1f: {  	s9 =	smul.u32 $0xF7A, s1;
	s8 =	simm.s32 @!p0 $0x1BF5;
	p2 =	por !p2, p0  }
0x20: {  	[sflag:s8] =	ssyncset.s32 @!p0 $0xFFFFF086;
	s6 =	sadd.s32 @!p0 s3, s7;
	s7 =	simm.s32 @!p0 $0x108  }
0x21: {  	s3 =	sadd.s32 s3, s9;
	s6 =	sadd.s32 @!p0 $0x88, s6;
	s7 =	simm.s32 @p2 $0x1082  }
0x22: {  	[simem:s7], [sflag:s8] =	dma.local @!p0 [hbm:s6], $0xF7A  }
0x23: {  	s9 =	sor.u32 $0xD0000000, s2;
	s6 =	simm.s32 $0x108;
	_ =	swait.ge @!p0 [sflag:s8], $0x0  }
0x24: {  	s3 =	sadd.s32 $0x88, s3;
	s6 =	simm.s32 @!p1 $0x1082;
	[sflag:s4] =	ssyncset.s32 $0xFFFFF086  }
0x25: {  	[simem:s6], [sflag:s4] =	dma.local [hbm:s3], $0xF7A  }
0x26: {  	[smem:$0x3F82] =	sst s1;
	(tag) =	ssettag s2;
	_ =	strace s9  }
0x27: {  	s1 =	sld [smem:$0x3F92]  }
0x28: {  	s2 =	sld [smem:$0x3F93]  }
0x29: {  	s4 =	sld [smem:$0x3F95]  }
0x2a: {  	p0 =	seq.s32 s5, $0x0;
	s5 =	sld [smem:$0x3F96]  }
0x2b: {  	s6 =	sld [smem:$0x3F97]  }
0x2c: {  	s7 =	sld [smem:$0x3F98]  }
0x2d: {  	s3 =	simm.s32 $0x108;
	s8 =	sld [smem:$0x3F99]  }
0x2e: {  	s3 =	simm.s32 @!p0 $0x1082;
	s9 =	sld [smem:$0x3F9A]  }
0x2f: {  	lr =	sadd.s32 s0, s3;
	s0 =	sld [smem:$0x3F91]  }
0x30: {  	s3 =	sld [smem:$0x3F94]  }
0x31: {  	[smem:$0x3F9D] =	sst s10  }
0x32: {  	s10 =	sld [smem:$0x3F9B];
	_ =	sdelay $0x3  }
0x33: {  	p0 =	seq.s32 s10, $0x1;
	s10 =	sld [smem:$0x3F9D];
	_ =	sdelay $0x3  }
0x34: {  	[smem:$0x3F9D] =	sst s10  }
0x35: {  	s10 =	sld [smem:$0x3F9C];
	_ =	sdelay $0x3  }
0x36: {  	p1 =	seq.s32 s10, $0x1;
	s10 =	sld [smem:$0x3F9D];
	_ =	sdelay $0x3  }
0x37: {  	[smem:$0x3F9D] =	sst s10  }
0x38: {  	s10 =	sld [smem:$0x3F9E]  }
0x39: {  	_ = 	snop;
	(pc) =	sbr.ind lr, $3  }
0x3a: {  	_ = 	snop  }
0x3b: {  	_ = 	snop  }
0x3c: {  	p2 =	seq.s32 s10, $0x1;
	s10 =	sld [smem:$0x3F9D]  }
0x3d: {  	_ =	shalt  }
0x3e: {  	_ =	shalt  }
0x3f: {  	_ =	shalt  }
0x40: {  	_ =	shalt  }
0x41: {  	_ =	shalt  }
0x42: {  	_ =	shalt  }
0x43: {  	_ =	shalt  }
0x44: {  	_ =	shalt  }
0x45: {  	_ =	shalt  }
0x46: {  	_ =	shalt  }
0x47: {  	_ =	shalt  }
0x48: {  	_ =	shalt  }
0x49: {  	_ =	shalt  }
0x4a: {  	_ =	shalt  }
0x4b: {  	_ =	shalt  }
0x4c: {  	_ =	shalt  }
0x4d: {  	_ =	shalt  }
0x4e: {  	_ =	shalt  }
0x4f: {  	_ =	shalt  }
0x50: {  	_ =	shalt  }
0x51: {  	_ =	shalt  }
0x52: {  	_ =	shalt  }
0x53: {  	_ =	shalt  }
0x54: {  	_ =	shalt  }
0x55: {  	_ =	shalt  }
0x56: {  	_ =	shalt  }
0x57: {  	_ =	shalt  }
0x58: {  	_ =	shalt  }
0x59: {  	_ =	shalt  }
0x5a: {  	_ =	shalt  }
0x5b: {  	_ =	shalt  }
0x5c: {  	_ =	shalt  }
0x5d: {  	_ =	shalt  }
0x5e: {  	_ =	shalt  }
0x5f: {  	_ =	shalt  }
0x60: {  	_ =	shalt  }
0x61: {  	_ =	shalt  }
0x62: {  	_ =	shalt  }
0x63: {  	_ =	shalt  }
0x64: {  	_ =	shalt  }
0x65: {  	_ =	shalt  }
0x66: {  	_ =	shalt  }
0x67: {  	_ =	shalt  }
0x68: {  	_ =	shalt  }
0x69: {  	_ =	shalt  }
0x6a: {  	_ =	shalt  }
0x6b: {  	_ =	shalt  }
0x6c: {  	_ =	shalt  }
0x6d: {  	_ =	shalt  }
0x6e: {  	_ =	shalt  }
0x6f: {  	_ =	shalt  }
0x70: {  	_ =	shalt  }
0x71: {  	_ =	shalt  }
0x72: {  	_ =	shalt  }
0x73: {  	_ =	shalt  }
0x74: {  	_ =	shalt  }
0x75: {  	_ =	shalt  }
0x76: {  	_ =	shalt  }
0x77: {  	_ =	shalt  }
0x78: {  	_ =	shalt  }
0x79: {  	_ =	shalt  }
0x7a: {  	_ =	shalt  }
0x7b: {  	_ =	shalt  }
0x7c: {  	_ =	shalt  }
0x7d: {  	_ =	shalt  }
0x7e: {  	_ =	shalt  }
0x7f: {  	_ =	shalt  }
0x80: {  	_ =	shalt  }
0x81: {  	_ =	shalt  }
0x82: {  	_ =	shalt  }
0x83: {  	_ =	shalt  }
0x84: {  	_ =	shalt  }
0x85: {  	_ =	shalt  }
0x86: {  	_ =	shalt  }
0x87: {  	_ =	shalt  }
.Lfunc_end0:
.L_simem_size_0:
called_computation.1_lowered:
.L_overlay_start_0:
0x88: {  	s2 =	sld [smem:$0x3FD9]  }
0x89: {  	s3 =	sld [smem:$0x3FFE];
	_ =	sdelay $0x1  }
0x8a: {  	s1 =	srdreg.scid  }
0x8b: {  	s0 =	sand.u32 $0x1, s1  }
0x8c: {  	s16 =	sshll.u32 s0, $0xA;
	s2 =	sadd.s32 s3, s2  }
0x8d: {  	s2 =	sadd.s32 s2, s16  }
0x8e: {  	[smem:$0x3FA9] =	sst s2  }
0x8f: {  	_ = 	snop  }
0x90: {  	(tm) =	ssettm $0x1  }
0x91: {  	s17 =	sld [smem:$0x3FFB];
	_ =	sdelay $0x3  }
0x92: {  	_ =	strace s17  }
0x93: {  	s2 =	sld [smem:$0x3FFC];
	_ =	sdelay $0x3  }
0x94: {  	_ =	strace s2  }
0x95: {  	s2 =	sld [smem:$0x3FFD];
	_ =	sdelay $0x3  }
0x96: {  	_ =	strace s2  }
0x97: {  	_ =	strace $0x8FFFFFFF  }
0x98: {  	s18 =	sld [smem:$0x3FDB];
	_ =	sdelay $0x1  }
0x99: {  	s19 =	simm.s32 $_scs_section_size  }
0x9a: {  	s4 =	simm.s32 $_size__tile_overlayer_lowered;
	s5 =	simm.s32 $_tile_overlayer_lowered  }
0x9b: {  	s22 =	simm.s32 $0x1BFF;
	s21 =	sshll.u32 s5, $0x1;
	s2 =	sadd.s32 s19, s18  }
0x9c: {  	s6 =	simm.s32 $0x0;
	s20 =	sshll.u32 s4, $0x1;
	s4 =	sadd.s32 s21, s2  }
0x9d: {  	[timem:s6], [sflag:s22] =	dma.local [hbm:s4], s20  }
0x9e: {  	_ =	swait.ge [sflag:s22], s20  }
0x9f: {  	s3 =	ssub.s32 $0x0, s20;
	[sflag:s22] =	ssyncset.done $0x0  }
0xa0: {  	[sflag:s22] =	ssyncadd.s32 s3;
	_ =	sdelay $0x1  }
0xa1: {  	s23 =	simm.s32 $0x1B8B  }
0xa2: {  	_ =	swait.ge [sflag:s23], $0x1  }
0xa3: {  	[sflag:s23] =	ssyncset.done $0x0  }
0xa4: {  	s25 =	simm.s32 $0x1B8E;
	s24 =	sld [smem:$0x3FFE];
	[sflag:s23] =	ssyncadd.s32 $0xFFFFFFFF  }
0xa5: {  	s26 =	simm.s32 $execute0_lowered;
	[smem:$0x3FD2] =	sst s25  }
0xa6: {  	s4 =	sshll.u32 s26, $0x1;
	_ =	strace $0x80000049;
	[dreg:$0x1] =	wrdreg $0xFFFFFFFF  }
0xa7: {  	s28 =	simm.s32 $_size_execute0_lowered;
	s2 =	sadd.s32 s2, s4;
	[dreg:$0x0] =	wrdreg $0x0  }
0xa8: {  	s4 =	sshll.u32 s28, $0x1;
	[dreg:$0x2] =	wrdreg s2  }
0xa9: {  	[dreg:$0x3] =	wrdreg s4  }
0xaa: {  	[dreg:$0x4] =	wrdreg $0xC0  }
0xab: {  	_ =	task [dreg:s6], $0x5FFFF  }
0xac: {  	[dreg:$0x1] =	wrdreg $0xFFFFFFFF  }
0xad: {  	[dreg:$0x0] =	wrdreg $0x60  }
0xae: {  	[dreg:$0x2] =	wrdreg s24  }
0xaf: {  	[dreg:$0x3] =	wrdreg $0x9  }
0xb0: {  	_ =	task.clear_ibuf [dreg:s6], $0x4FFFF;
	_ =	strace $0x90000049  }
0xb1: {  	s29 =	simm.s32 $0x9;
	_ =	strace $0x8000004B  }
0xb2: {  	_ =	swait.ge [sflag:s29], $0x1  }
0xb3: {  	[sflag:s29] =	ssyncadd.s32 $0xFFFFFFFF  }
0xb4: {  	_ =	strace $0x9000004B  }
0xb5: {  	_ =	sfence  }
0xb6: {  	s30 =	sld [smem:$0x0];
	_ =	sdelay $0x2  }
0xb7: {  	s31 =	sshll.u32 s1, $0xD;
	s1 =	sshrl.u32 s1, $0x2  }
0xb8: {  	s3 =	sand.u32 $0x4000, s31;
	s1 =	sadd.s32 s1, s30  }
0xb9: {  	s0 =	sor.u32 s3, s0;
	s1 =	sshll.u32 s1, $0x11  }
0xba: {  	s0 =	sor.u32 s1, s0  }
0xbb: {  	s0 =	sadd.s32 $0x8F2B, s0  }
0xbc: {  	[sflag:s0] =	ssyncadd.remote.s32 $0x1  }
0xbd: {  	_ =	sfence.sel $0xFFFF  }
0xbe: {  	[dreg:$0x0] =	wrdreg $0xFFFFFFFF;
	(pc) =	sbr.abs _section_cstart, $3  }
0xbf: {  	[dreg:$0x1] =	wrdreg $0xFFFFFFFF  }
0xc0: {  	_ =	task.clear_ibuf [dreg:s6], $0x2FFFF;
	_ =	strace $0x9FFFFFFF  }
0xc1: {  	(tm) =	ssettm $0x7FFFFFFF  }
tec
execute0_lowered:
.L_overlay_start_1:
0x0: {  	(tag) =	ssettag $0x1  }
0x1: {  	s1 =	srdreg.scid  }
0x2: {  	s0 =	stileid.u32;
	s10 =	rddreg [dreg:$0x0]  }
0x3: {  	s2 =	simm.s32 $0x0;
	s14 =	simm.s32 $0x5;
	s15 =	simm.s32 $0x6200  }
0x4: {  	s16 =	simm.s32 $0x2;
	s17 =	simm.s32 $0xD400;
	s18 =	simm.s32 $0x11400  }
0x5: {  	s19 =	simm.s32 $0x13400;
	s20 =	simm.s32 $0x4;
	s21 =	simm.s32 $0x1  }
0x6: {  	s22 =	simm.s32 $0xC400;
	s23 =	simm.s32 $0x10400;
	s24 =	simm.s32 $0x12400  }
0x7: {  	s25 =	simm.s32 $0x0;
	s9 =	sand.u32 $0x1, s1;
	s31 =	sshll.u32 s0, $0x1  }
0x8: {  	[smem:$0x7FF] =	sst s2;
	s5 =	sadd.s32 $0x3A000, s10;
	s6 =	sadd.s32 $0x9BE00, s10  }
0x9: {  	s8 =	sadd.s32 $0x3DA000, s10;
	p0 =	slt.u32 s0, $0x5;
	s3 =	sor.u32 s9, s31  }
0xa: {  	_ =	strace $0x8000004A;
	s11 =	ssub.s32 $0x2, s9;
	s4 =	smul.u32 $0xC3, s3  }
.Ltmp0:
0xb: {  	s9 =	simm.s32 $0xC4;
	s3 =	smin.u32 s3, $0xA;
	(pc) =	sbr.rel .LBB2_1-.Ltmp0, $4  }
0xc: {  	s13 =	sshrl.u32 s11, $0x1;
	s9 =	simm.s32 @!p0 $0xC3;
	s3 =	sadd.s32 s3, s4  }
0xd: {  	s13 =	ssub.s32 s11, s13;
	s4 =	sadd.s32 $0x9200, s10;
	s7 =	sshll.u32 s3, $0x4  }
0xe: {  	s13 =	smax.u32 s13, $0x1;
	s12 =	sadd.s32 s7, s10;
	s7 =	sadd.s32 $0xCCC00, s10  }
0xf: {  	s10 =	sadd.s32 $0x6E7400, s10;
	s11 =	sadd.s32 $0x83600, s12;
	s12 =	sadd.s32 $0x6AE00, s12  }
.LBB2_11:
0x10: {  	s25 =	sadd.s32 $0x1, s25  }
0x11: {  	p0 =	sne.s32 s25, s13  }
.Ltmp1:
0x12: {  	_ = 	snop;
	(pc) =	sbr.rel @!p0 .LBB2_12-.Ltmp1, $1  }
0x13: {  	_ =	sdelay $0x3  }
.LBB2_1:
0x14: {  	[tilespmem:s2], [sflag:$0x5] =	stream.linear.gather [hbm4b:s11+s2], $0x6200, $0x38;
	[tilespmem:$0x14400] =	vst v63  }
0x15: {  	_ =	swait.ge [sflag:s14], $0x6200  }
0x16: {  	[sflag:s14] =	ssyncset.done $0x0  }
.Ltmp2:
0x17: {  	[sflag:s14] =	ssyncadd.s32 $0xFFFF9E00;
	(pc) =	sbr.rel .LBB2_2-.Ltmp2, $4  }
0x18: {  	[tilespmem:s15], [sflag:$0x5] =	stream.linear.gather [hbm4b:s12+s2], $0x6200, $0x38;
	[tilespmem:$0x14400] =	vst v63  }
0x19: {  	_ =	swait.ge [sflag:s14], $0x6200  }
0x1a: {  	[sflag:s14] =	ssyncset.done $0x0  }
0x1b: {  	s26 =	simm.s32 $0x0;
	[sflag:s14] =	ssyncadd.s32 $0xFFFF9E00  }
.LBB2_10:
0x1c: {  	s26 =	sadd.s32 $0x1, s26  }
0x1d: {  	p0 =	sne.s32 s26, $0x63  }
.Ltmp3:
0x1e: {  	_ = 	snop;
	(pc) =	sbr.rel @!p0 .LBB2_11-.Ltmp3, $1  }
0x1f: {  	_ =	sdelay $0x3  }
.LBB2_2:
0x20: {  	s28 =	sshll.u32 s26, $0x1  }
0x21: {  	s29 =	sadd.s32 $0xFFFFFFFE, s28  }
0x22: {  	p0 =	sge.u32 s29, s9  }
0x23: {  	s29 =	simm.s32 @!p0 $0x3  }
0x24: {  	_ =	swait.ge @!p0 [sflag:s29], $0x1000  }
0x25: {  	[sflag:s29] =	ssyncset.done @!p0 $0x0  }
0x26: {  	[sflag:s29] =	ssyncadd.s32 @!p0 $0xFFFFF000  }
0x27: {  	_ =	swait.ge @!p0 [sflag:s29], $0x1000  }
0x28: {  	[sflag:s29] =	ssyncset.done @!p0 $0x0  }
0x29: {  	[sflag:s29] =	ssyncadd.s32 @!p0 $0xFFFFF000  }
0x2a: {  	_ =	swait.ge @!p0 [sflag:s29], $0x1000  }
0x2b: {  	[sflag:s29] =	ssyncset.done @!p0 $0x0  }
0x2c: {  	[sflag:s29] =	ssyncadd.s32 @!p0 $0xFFFFF000;
	p0 =	sge.u32 s28, s9  }
0x2d: {  	s29 =	sshll.u32 @!p0 s26, $0x8;
	s30 =	simm.s32 @!p0 $0x80;
	s31 =	simm.s32 @!p0 $0xC400  }
0x2e: {  	[tilespmem:s31], [sflag:$0x1] =	stream.indirect.gather @!p0 [hbm4b:s4+s30], $0x20, s29, s30, $0xb8;
	[tilespmem:$0x14400] =	vst v63  }
0x2f: {  	s1 =	simm.s32 @!p0 $0xE400;
	s31 =	sadd.s32 @!p0 $0x6200, s29  }
0x30: {  	[tilespmem:s1], [sflag:$0x1] =	stream.indirect.gather @!p0 [hbm4b:s5+s30], $0x20, s31, s30, $0xb8;
	[tilespmem:$0x14400] =	vst v63  }
0x31: {  	s1 =	simm.s32 @!p0 $0x10400  }
0x32: {  	[tilespmem:s1], [sflag:$0x1] =	stream.indirect.gather @!p0 [hbm4b:s6+s30], $0x20, s29, s30, $0xb8;
	[tilespmem:$0x14400] =	vst v63  }
0x33: {  	s29 =	sadd.s32 $0xFFFFFFFF, s28  }
0x34: {  	p1 =	sge.u32 s29, s9  }
.Ltmp4:
0x35: {  	_ = 	snop;
	(pc) =	sbr.rel @p1 .LBB2_6-.Ltmp4, $3  }
0x36: {  	_ =	sdelay $0x1  }
0x37: {  	s1 =	simm.s32 @!p0 $0x12400  }
0x38: {  	[tilespmem:s1], [sflag:$0x1] =	stream.indirect.gather @!p0 [hbm4b:s6+s30], $0x20, s31, s30, $0xb8;
	[tilespmem:$0x14400] =	vst v63  }
0x39: {  	_ =	swait.ge [sflag:s16], $0x1000  }
0x3a: {  	[sflag:s16] =	ssyncset.done $0x0  }
0x3b: {  	[sflag:s16] =	ssyncadd.s32 $0xFFFFF000  }
0x3c: {  	_ =	swait.ge [sflag:s16], $0x1000  }
0x3d: {  	[sflag:s16] =	ssyncset.done $0x0  }
0x3e: {  	[sflag:s16] =	ssyncadd.s32 $0xFFFFF000  }
0x3f: {  	_ =	swait.ge [sflag:s16], $0x1000  }
0x40: {  	[sflag:s16] =	ssyncset.done $0x0  }
0x41: {  	[sflag:s16] =	ssyncadd.s32 $0xFFFFF000  }
0x42: {  	_ =	swait.ge [sflag:s16], $0x1000  }
0x43: {  	[sflag:s16] =	ssyncset.done $0x0  }
0x44: {  	s30 =	simm.s32 $0x0;
	[sflag:s16] =	ssyncadd.s32 $0xFFFFF000  }
0x45: {  	v7 =	vld [tilespmem:s30+$0xF400]  }
0x46: {  	v11 =	vld [tilespmem:s30+$0xF410]  }
0x47: {  	v5 =	vld [tilespmem:s30+$0xF420]  }
0x48: {  	v4 =	vld [tilespmem:s30+$0xF430]  }
0x49: {  	v3 =	vld [tilespmem:s30+$0xF440]  }
0x4a: {  	v2 =	vld [tilespmem:s30+$0xF450]  }
0x4b: {  	v1 =	vld [tilespmem:s30+$0xF460]  }
0x4c: {  	v0 =	vld [tilespmem:s30+$0xF470]  }
0x4d: {  	v12 =	vld [tilespmem:s30+$0xD400]  }
0x4e: {  	v13 =	vld [tilespmem:s30+$0xD410]  }
0x4f: {  	v10 =	vld [tilespmem:s30+$0xD420]  }
0x50: {  	v9 =	vld [tilespmem:s30+$0xD430]  }
0x51: {  	v8 =	vld [tilespmem:s30+$0xD440]  }
0x52: {  	v6 =	vld [tilespmem:s30+$0xD450];
	v12 =	vadd.f32 v7, v12  }
0x53: {  	s31 =	simm.s32 $0x200;
	v11 =	vadd.f32 v11, v13;
	v7 =	vld [tilespmem:s30+$0xD460]  }
.LBB2_4:
0x54: {  	s1 =	sshra.s32 s31, $0x2;
	p1 =	sne.s32 s31, $0x3E00;
	[tilespmem:s30+$0xD400] =	vst v12;
	v5 =	vadd.f32 v5, v10;
	v10 =	vld [tilespmem:s30+$0xD470]  }
0x55: {  	v12 =	vld [tilespmem:s1+$0xF400];
	[tilespmem:s30+$0xD410] =	vst v11;
	v4 =	vadd.f32 v4, v9  }
0x56: {  	v11 =	vld [tilespmem:s1+$0xF410];
	[tilespmem:s30+$0xD420] =	vst v5;
	v3 =	vadd.f32 v3, v8  }
0x57: {  	v5 =	vld [tilespmem:s1+$0xF420];
	[tilespmem:s30+$0xD430] =	vst v4;
	v2 =	vadd.f32 v2, v6  }
0x58: {  	v4 =	vld [tilespmem:s1+$0xF430];
	[tilespmem:s30+$0xD440] =	vst v3;
	v1 =	vadd.f32 v1, v7  }
0x59: {  	v3 =	vld [tilespmem:s1+$0xF440];
	[tilespmem:s30+$0xD450] =	vst v2;
	v0 =	vadd.f32 v0, v10  }
0x5a: {  	v2 =	vld [tilespmem:s1+$0xF450];
	[tilespmem:s30+$0xD460] =	vst v1  }
0x5b: {  	v1 =	vld [tilespmem:s1+$0xF460];
	[tilespmem:s30+$0xD470] =	vst v0;
	s30 =	smov.u32 s1  }
0x5c: {  	v0 =	vld [tilespmem:s30+$0xF470]  }
0x5d: {  	v6 =	vld [tilespmem:s30+$0xD400]  }
0x5e: {  	v7 =	vld [tilespmem:s30+$0xD410]  }
.Ltmp5:
0x5f: {  	v10 =	vld [tilespmem:s30+$0xD420];
	(pc) =	sbr.rel @p1 .LBB2_4-.Ltmp5, $4  }
0x60: {  	v9 =	vld [tilespmem:s30+$0xD430]  }
0x61: {  	v8 =	vld [tilespmem:s30+$0xD440]  }
0x62: {  	v12 =	vadd.f32 v12, v6;
	v6 =	vld [tilespmem:s30+$0xD450]  }
0x63: {  	s31 =	sadd.s32 $0x200, s31;
	v11 =	vadd.f32 v11, v7;
	v7 =	vld [tilespmem:s30+$0xD460]  }
0x64: {  	[tilespmem:s30+$0xD400] =	vst v12;
	v5 =	vadd.f32 v5, v10;
	v63 =	vld [tilespmem:s30+$0xD470]  }
0x65: {  	[tilespmem:s30+$0xD410] =	vst v11;
	v4 =	vadd.f32 v4, v9  }
0x66: {  	[tilespmem:s30+$0xD420] =	vst v5;
	v3 =	vadd.f32 v3, v8  }
0x67: {  	[tilespmem:s30+$0xD430] =	vst v4;
	v2 =	vadd.f32 v2, v6  }
0x68: {  	s1 =	sadd.s32 s3, s29;
	[tilespmem:s30+$0xD440] =	vst v3;
	v1 =	vadd.f32 v1, v7  }
0x69: {  	s1 =	sshll.u32 s1, $0x9;
	[tilespmem:s30+$0xD450] =	vst v2;
	v0 =	vadd.f32 v0, v63  }
0x6a: {  	s1 =	sand.u32 $0x1FFFFE00, s1;
	[tilespmem:s30+$0xD460] =	vst v1  }
0x6b: {  	[tilespmem:s30+$0xD470] =	vst v0;
	s30 =	sadd.s32 s7, s1  }
0x6c: {  	[hbm4b:s30+s2] =	stream.linear.scatter [tilespmem:s17], [sflag:$0x4], $0x1000, $0x38;
	[tilespmem:$0x14400] =	vst v63  }
0x6d: {  	s31 =	sadd.s32 s8, s1  }
0x6e: {  	[hbm4b:s31+s2] =	stream.linear.scatter [tilespmem:s18], [sflag:$0x4], $0x1000, $0x38;
	[tilespmem:$0x14400] =	vst v63  }
0x6f: {  	s1 =	sadd.s32 s10, s1  }
0x70: {  	[hbm4b:s1+s2] =	stream.linear.scatter [tilespmem:s19], [sflag:$0x4], $0x1000, $0x38;
	[tilespmem:$0x14400] =	vst v63  }
0x71: {  	_ =	swait.ge [sflag:s20], $0x1000  }
0x72: {  	[sflag:s20] =	ssyncset.done $0x0  }
0x73: {  	[sflag:s20] =	ssyncadd.s32 $0xFFFFF000  }
0x74: {  	_ =	swait.ge [sflag:s20], $0x1000  }
0x75: {  	[sflag:s20] =	ssyncset.done $0x0  }
0x76: {  	[sflag:s20] =	ssyncadd.s32 $0xFFFFF000  }
0x77: {  	_ =	swait.ge [sflag:s20], $0x1000  }
0x78: {  	[sflag:s20] =	ssyncset.done $0x0  }
0x79: {  	[sflag:s20] =	ssyncadd.s32 $0xFFFFF000  }
.LBB2_6:
0x7a: {  	s1 =	sshllo.u32 s26, $0x1  }
0x7b: {  	p1 =	sge.u32 s1, s9  }
0x7c: {  	s1 =	sshll.u32 @!p1 s1, $0x7;
	s29 =	simm.s32 @!p1 $0x80;
	s30 =	simm.s32 @!p1 $0xD400  }
0x7d: {  	[tilespmem:s30], [sflag:$0x2] =	stream.indirect.gather @!p1 [hbm4b:s4+s29], $0x20, s1, s29, $0xb8;
	[tilespmem:$0x14400] =	vst v63  }
0x7e: {  	s31 =	simm.s32 @!p1 $0xF400;
	s30 =	sadd.s32 @!p1 $0x6200, s1  }
0x7f: {  	[tilespmem:s31], [sflag:$0x2] =	stream.indirect.gather @!p1 [hbm4b:s5+s29], $0x20, s30, s29, $0xb8;
	[tilespmem:$0x14400] =	vst v63  }
.Ltmp6:
0x80: {  	_ = 	snop;
	(pc) =	sbr.rel @p0 .LBB2_10-.Ltmp6, $4  }
0x81: {  	s31 =	simm.s32 @!p1 $0x11400  }
0x82: {  	[tilespmem:s31], [sflag:$0x2] =	stream.indirect.gather @!p1 [hbm4b:s6+s29], $0x20, s1, s29, $0xb8;
	[tilespmem:$0x14400] =	vst v63  }
0x83: {  	s1 =	simm.s32 @!p1 $0x13400  }
0x84: {  	[tilespmem:s1], [sflag:$0x2] =	stream.indirect.gather @!p1 [hbm4b:s6+s29], $0x20, s30, s29, $0xb8;
	[tilespmem:$0x14400] =	vst v63  }
0x85: {  	_ =	swait.ge [sflag:s21], $0x1000  }
0x86: {  	[sflag:s21] =	ssyncset.done $0x0  }
0x87: {  	[sflag:s21] =	ssyncadd.s32 $0xFFFFF000  }
0x88: {  	_ =	swait.ge [sflag:s21], $0x1000  }
0x89: {  	[sflag:s21] =	ssyncset.done $0x0  }
0x8a: {  	[sflag:s21] =	ssyncadd.s32 $0xFFFFF000  }
0x8b: {  	_ =	swait.ge [sflag:s21], $0x1000  }
0x8c: {  	[sflag:s21] =	ssyncset.done $0x0  }
0x8d: {  	[sflag:s21] =	ssyncadd.s32 $0xFFFFF000  }
0x8e: {  	_ =	swait.ge [sflag:s21], $0x1000  }
0x8f: {  	[sflag:s21] =	ssyncset.done $0x0  }
0x90: {  	s29 =	simm.s32 $0x0;
	[sflag:s21] =	ssyncadd.s32 $0xFFFFF000  }
0x91: {  	v7 =	vld [tilespmem:s29+$0xE400]  }
0x92: {  	v11 =	vld [tilespmem:s29+$0xE410]  }
0x93: {  	v5 =	vld [tilespmem:s29+$0xE420]  }
0x94: {  	v4 =	vld [tilespmem:s29+$0xE430]  }
0x95: {  	v3 =	vld [tilespmem:s29+$0xE440]  }
0x96: {  	v2 =	vld [tilespmem:s29+$0xE450]  }
0x97: {  	v1 =	vld [tilespmem:s29+$0xE460]  }
0x98: {  	v0 =	vld [tilespmem:s29+$0xE470]  }
0x99: {  	v12 =	vld [tilespmem:s29+$0xC400]  }
0x9a: {  	v13 =	vld [tilespmem:s29+$0xC410]  }
0x9b: {  	v10 =	vld [tilespmem:s29+$0xC420]  }
0x9c: {  	v9 =	vld [tilespmem:s29+$0xC430]  }
0x9d: {  	v8 =	vld [tilespmem:s29+$0xC440]  }
0x9e: {  	v6 =	vld [tilespmem:s29+$0xC450];
	v12 =	vadd.f32 v7, v12  }
0x9f: {  	s30 =	simm.s32 $0x200;
	v11 =	vadd.f32 v11, v13;
	v7 =	vld [tilespmem:s29+$0xC460]  }
.LBB2_8:
0xa0: {  	s1 =	sshra.s32 s30, $0x2;
	p0 =	sne.s32 s30, $0x3E00;
	[tilespmem:s29+$0xC400] =	vst v12;
	v5 =	vadd.f32 v5, v10;
	v10 =	vld [tilespmem:s29+$0xC470]  }
0xa1: {  	v12 =	vld [tilespmem:s1+$0xE400];
	[tilespmem:s29+$0xC410] =	vst v11;
	v4 =	vadd.f32 v4, v9  }
0xa2: {  	v11 =	vld [tilespmem:s1+$0xE410];
	[tilespmem:s29+$0xC420] =	vst v5;
	v3 =	vadd.f32 v3, v8  }
0xa3: {  	v5 =	vld [tilespmem:s1+$0xE420];
	[tilespmem:s29+$0xC430] =	vst v4;
	v2 =	vadd.f32 v2, v6  }
0xa4: {  	v4 =	vld [tilespmem:s1+$0xE430];
	[tilespmem:s29+$0xC440] =	vst v3;
	v1 =	vadd.f32 v1, v7  }
0xa5: {  	v3 =	vld [tilespmem:s1+$0xE440];
	[tilespmem:s29+$0xC450] =	vst v2;
	v0 =	vadd.f32 v0, v10  }
0xa6: {  	v2 =	vld [tilespmem:s1+$0xE450];
	[tilespmem:s29+$0xC460] =	vst v1  }
0xa7: {  	v1 =	vld [tilespmem:s1+$0xE460];
	[tilespmem:s29+$0xC470] =	vst v0;
	s29 =	smov.u32 s1  }
0xa8: {  	v0 =	vld [tilespmem:s29+$0xE470]  }
0xa9: {  	v6 =	vld [tilespmem:s29+$0xC400]  }
0xaa: {  	v7 =	vld [tilespmem:s29+$0xC410]  }
.Ltmp7:
0xab: {  	v10 =	vld [tilespmem:s29+$0xC420];
	(pc) =	sbr.rel @p0 .LBB2_8-.Ltmp7, $4  }
0xac: {  	v9 =	vld [tilespmem:s29+$0xC430]  }
0xad: {  	v8 =	vld [tilespmem:s29+$0xC440]  }
0xae: {  	v12 =	vadd.f32 v12, v6;
	v6 =	vld [tilespmem:s29+$0xC450]  }
0xaf: {  	s30 =	sadd.s32 $0x200, s30;
	v11 =	vadd.f32 v11, v7;
	v7 =	vld [tilespmem:s29+$0xC460]  }
0xb0: {  	[tilespmem:s29+$0xC400] =	vst v12;
	v5 =	vadd.f32 v5, v10;
	v63 =	vld [tilespmem:s29+$0xC470]  }
0xb1: {  	[tilespmem:s29+$0xC410] =	vst v11;
	v4 =	vadd.f32 v4, v9  }
0xb2: {  	[tilespmem:s29+$0xC420] =	vst v5;
	v3 =	vadd.f32 v3, v8  }
0xb3: {  	[tilespmem:s29+$0xC430] =	vst v4;
	v2 =	vadd.f32 v2, v6  }
0xb4: {  	s1 =	sadd.s32 s3, s28;
	[tilespmem:s29+$0xC440] =	vst v3;
	v1 =	vadd.f32 v1, v7  }
0xb5: {  	s1 =	sshll.u32 s1, $0x9;
	[tilespmem:s29+$0xC450] =	vst v2;
	v0 =	vadd.f32 v0, v63  }
0xb6: {  	s1 =	sand.u32 $0x1FFFFE00, s1;
	[tilespmem:s29+$0xC460] =	vst v1  }
0xb7: {  	s30 =	sadd.s32 s7, s1;
	[tilespmem:s29+$0xC470] =	vst v0  }
0xb8: {  	[hbm4b:s30+s2] =	stream.linear.scatter [tilespmem:s22], [sflag:$0x3], $0x1000, $0x38;
	[tilespmem:$0x14400] =	vst v63  }
.Ltmp8:
0xb9: {  	_ = 	snop;
	(pc) =	sbr.rel .LBB2_10-.Ltmp8, $4  }
0xba: {  	s31 =	sadd.s32 s8, s1  }
0xbb: {  	[hbm4b:s31+s2] =	stream.linear.scatter [tilespmem:s23], [sflag:$0x3], $0x1000, $0x38;
	[tilespmem:$0x14400] =	vst v63  }
0xbc: {  	s1 =	sadd.s32 s10, s1  }
0xbd: {  	[hbm4b:s1+s2] =	stream.linear.scatter [tilespmem:s24], [sflag:$0x3], $0x1000, $0x38;
	[tilespmem:$0x14400] =	vst v63  }
.LBB2_12:
0xbe: {  	_ =	sfence.sel $0x180000  }
0xbf: {  	[bflag:$0x0] =	sbarrier.arrive $0xFFFF  }
0xc0: {  	_ =	strace $0x9000004A  }
0xc1: {  	[bflag:$0x2] =	sbarrier.arrive $0xFFFF  }
0xc2: {  	p0 =	sne.s32 s0, $0x0;
	s0 =	rddreg [dreg:$0x1]  }
0xc3: {  	s0 =	sadd.s32 @!p0 $0x100000, s0  }
0xc4: {  	[sflag:s0] =	ssyncadd.tile.s32 @!p0 $0x1;
	_ =	shalt  }
.Lfunc_end2:
_tile_overlayer_lowered:
.L_overlay_start_2:
0xc5: {  	(tag) =	ssettag $0x2  }
0xc6: {  	s0 =	rddreg [dreg:$0x0];
	s2 =	stileid.u32  }
0xc7: {  	s1 =	rddreg [dreg:$0x1];
	p0 =	sne.s32 s2, $0x0  }
0xc8: {  	s3 =	rddreg [dreg:$0x2];
	[bflag:$0x3] =	sbarrier.arrive $0xFFFF;
	s2 =	simm.s32 @!p0 $0x1C05  }
0xc9: {  	[timem:s3], [sflag:s2] =	dma.local @!p0 [hbm:s0], s1  }
0xca: {  	s0 =	simm.s32 @!p0 $0x5  }
0xcb: {  	_ =	swait.ge @!p0 [sflag:s0], s1  }
0xcc: {  	s1 =	ssub.s32 @!p0 $0x0, s1;
	[sflag:s0] =	ssyncset.done @!p0 $0x0  }
0xcd: {  	[sflag:s0] =	ssyncadd.s32 @!p0 s1  }
0xce: {  	[bflag:$0x3] =	sbarrier.arrive $0xFFFF  }
0xcf: {  	_ =	shalt  }

// kernel: kernel.18.cloned.1.call-start
scs
__scs_entry_jumppad:
0x0: {  	(pc) =	sbr.rel $0x88, $3  }
0x1: {  	(tag) =	ssettag $0x0;
	lr =	simm.s32 $0x1  }
0x2: {  	[smem:$0x3F82] =	sst lr;
	_ =	strace $0xD0000000  }
0x3: {  	_ = 	snop  }
0x4: {  	_ = 	snop  }
0x5: {  	_ = 	snop  }
0x6: {  	_ = 	snop  }
0x7: {  	_ = 	snop  }
__scs_overlays_trampoline_lowered:
0x8: {  	[smem:$0x3F91] =	sst s0  }
0x9: {  	[smem:$0x3F92] =	sst s1  }
0xa: {  	[smem:$0x3F93] =	sst s2  }
0xb: {  	[smem:$0x3F94] =	sst s3  }
0xc: {  	[smem:$0x3F95] =	sst s4  }
0xd: {  	[smem:$0x3F96] =	sst s5  }
0xe: {  	[smem:$0x3F97] =	sst s6  }
0xf: {  	[smem:$0x3F98] =	sst s7  }
0x10: {  	[smem:$0x3F99] =	sst s8  }
0x11: {  	[smem:$0x3F9A] =	sst s9;
	s0 =	simm.s32 @!p0 $0x0  }
0x12: {  	s1 =	sld [smem:$0x3F80];
	s0 =	simm.s32 @p0 $0x1  }
0x13: {  	[smem:$0x3F9B] =	sst s0;
	s0 =	simm.s32 @!p1 $0x0  }
0x14: {  	s2 =	sld [smem:$0x3F7F];
	s0 =	simm.s32 @p1 $0x1  }
0x15: {  	[smem:$0x3F9C] =	sst s0;
	s0 =	simm.s32 @!p2 $0x0  }
0x16: {  	s3 =	sld [smem:$0x3FDB];
	s0 =	simm.s32 @p2 $0x1  }
0x17: {  	s4 =	simm.s32 $0x1BF5;
	[smem:$0x3F9E] =	sst s0  }
0x18: {  	s0 =	sld [smem:$0x3F81];
	_ =	swait.ge [sflag:s4], $0x0  }
0x19: {  	s7 =	sld [smem:$0x3F82]  }
0x1a: {  	s8 =	sadd.s32 $0xFFFFE003, lr  }
0x1b: {  	s9 =	sadd.s32 $0xFFFFFEF7, lr;
	s5 =	simm.s32 $0xFFFFFFFF;
	p2 =	slt.u32 s8, $0xFFFFF086  }
0x1c: {  	p1 =	slt.u32 s9, $0xF7A;
	s5 =	simm.s32 @!p2 $0x0  }
0x1d: {  	s5 =	simm.s32 @p1 $0x1;
	p0 =	seq.s32 s7, s2  }
0x1e: {  	s7 =	smul.u32 @!p0 $0xF7A, s2;
	p2 =	seq.s32 @!p0 s5, $0x0  }
0x1f: {  	s9 =	smul.u32 $0xF7A, s1;
	s8 =	simm.s32 @!p0 $0x1BF5;
	p2 =	por !p2, p0  }
0x20: {  	[sflag:s8] =	ssyncset.s32 @!p0 $0xFFFFF086;
	s6 =	sadd.s32 @!p0 s3, s7;
	s7 =	simm.s32 @!p0 $0x108  }
0x21: {  	s3 =	sadd.s32 s3, s9;
	s6 =	sadd.s32 @!p0 $0x88, s6;
	s7 =	simm.s32 @p2 $0x1082  }
0x22: {  	[simem:s7], [sflag:s8] =	dma.local @!p0 [hbm:s6], $0xF7A  }
0x23: {  	s9 =	sor.u32 $0xD0000000, s2;
	s6 =	simm.s32 $0x108;
	_ =	swait.ge @!p0 [sflag:s8], $0x0  }
0x24: {  	s3 =	sadd.s32 $0x88, s3;
	s6 =	simm.s32 @!p1 $0x1082;
	[sflag:s4] =	ssyncset.s32 $0xFFFFF086  }
0x25: {  	[simem:s6], [sflag:s4] =	dma.local [hbm:s3], $0xF7A  }
0x26: {  	[smem:$0x3F82] =	sst s1;
	(tag) =	ssettag s2;
	_ =	strace s9  }
0x27: {  	s1 =	sld [smem:$0x3F92]  }
0x28: {  	s2 =	sld [smem:$0x3F93]  }
0x29: {  	s4 =	sld [smem:$0x3F95]  }
0x2a: {  	p0 =	seq.s32 s5, $0x0;
	s5 =	sld [smem:$0x3F96]  }
0x2b: {  	s6 =	sld [smem:$0x3F97]  }
0x2c: {  	s7 =	sld [smem:$0x3F98]  }
0x2d: {  	s3 =	simm.s32 $0x108;
	s8 =	sld [smem:$0x3F99]  }
0x2e: {  	s3 =	simm.s32 @!p0 $0x1082;
	s9 =	sld [smem:$0x3F9A]  }
0x2f: {  	lr =	sadd.s32 s0, s3;
	s0 =	sld [smem:$0x3F91]  }
0x30: {  	s3 =	sld [smem:$0x3F94]  }
0x31: {  	[smem:$0x3F9D] =	sst s10  }
0x32: {  	s10 =	sld [smem:$0x3F9B];
	_ =	sdelay $0x3  }
0x33: {  	p0 =	seq.s32 s10, $0x1;
	s10 =	sld [smem:$0x3F9D];
	_ =	sdelay $0x3  }
0x34: {  	[smem:$0x3F9D] =	sst s10  }
0x35: {  	s10 =	sld [smem:$0x3F9C];
	_ =	sdelay $0x3  }
0x36: {  	p1 =	seq.s32 s10, $0x1;
	s10 =	sld [smem:$0x3F9D];
	_ =	sdelay $0x3  }
0x37: {  	[smem:$0x3F9D] =	sst s10  }
0x38: {  	s10 =	sld [smem:$0x3F9E]  }
0x39: {  	_ = 	snop;
	(pc) =	sbr.ind lr, $3  }
0x3a: {  	_ = 	snop  }
0x3b: {  	_ = 	snop  }
0x3c: {  	p2 =	seq.s32 s10, $0x1;
	s10 =	sld [smem:$0x3F9D]  }
0x3d: {  	_ =	shalt  }
0x3e: {  	_ =	shalt  }
0x3f: {  	_ =	shalt  }
0x40: {  	_ =	shalt  }
0x41: {  	_ =	shalt  }
0x42: {  	_ =	shalt  }
0x43: {  	_ =	shalt  }
0x44: {  	_ =	shalt  }
0x45: {  	_ =	shalt  }
0x46: {  	_ =	shalt  }
0x47: {  	_ =	shalt  }
0x48: {  	_ =	shalt  }
0x49: {  	_ =	shalt  }
0x4a: {  	_ =	shalt  }
0x4b: {  	_ =	shalt  }
0x4c: {  	_ =	shalt  }
0x4d: {  	_ =	shalt  }
0x4e: {  	_ =	shalt  }
0x4f: {  	_ =	shalt  }
0x50: {  	_ =	shalt  }
0x51: {  	_ =	shalt  }
0x52: {  	_ =	shalt  }
0x53: {  	_ =	shalt  }
0x54: {  	_ =	shalt  }
0x55: {  	_ =	shalt  }
0x56: {  	_ =	shalt  }
0x57: {  	_ =	shalt  }
0x58: {  	_ =	shalt  }
0x59: {  	_ =	shalt  }
0x5a: {  	_ =	shalt  }
0x5b: {  	_ =	shalt  }
0x5c: {  	_ =	shalt  }
0x5d: {  	_ =	shalt  }
0x5e: {  	_ =	shalt  }
0x5f: {  	_ =	shalt  }
0x60: {  	_ =	shalt  }
0x61: {  	_ =	shalt  }
0x62: {  	_ =	shalt  }
0x63: {  	_ =	shalt  }
0x64: {  	_ =	shalt  }
0x65: {  	_ =	shalt  }
0x66: {  	_ =	shalt  }
0x67: {  	_ =	shalt  }
0x68: {  	_ =	shalt  }
0x69: {  	_ =	shalt  }
0x6a: {  	_ =	shalt  }
0x6b: {  	_ =	shalt  }
0x6c: {  	_ =	shalt  }
0x6d: {  	_ =	shalt  }
0x6e: {  	_ =	shalt  }
0x6f: {  	_ =	shalt  }
0x70: {  	_ =	shalt  }
0x71: {  	_ =	shalt  }
0x72: {  	_ =	shalt  }
0x73: {  	_ =	shalt  }
0x74: {  	_ =	shalt  }
0x75: {  	_ =	shalt  }
0x76: {  	_ =	shalt  }
0x77: {  	_ =	shalt  }
0x78: {  	_ =	shalt  }
0x79: {  	_ =	shalt  }
0x7a: {  	_ =	shalt  }
0x7b: {  	_ =	shalt  }
0x7c: {  	_ =	shalt  }
0x7d: {  	_ =	shalt  }
0x7e: {  	_ =	shalt  }
0x7f: {  	_ =	shalt  }
0x80: {  	_ =	shalt  }
0x81: {  	_ =	shalt  }
0x82: {  	_ =	shalt  }
0x83: {  	_ =	shalt  }
0x84: {  	_ =	shalt  }
0x85: {  	_ =	shalt  }
0x86: {  	_ =	shalt  }
0x87: {  	_ =	shalt  }
.Lfunc_end0:
.L_simem_size_0:
called_computation.2_lowered:
.L_overlay_start_0:
0x88: {  	s2 =	sld [smem:$0x3FD9]  }
0x89: {  	s3 =	sld [smem:$0x3FFE];
	_ =	sdelay $0x1  }
0x8a: {  	s1 =	srdreg.scid  }
0x8b: {  	s0 =	sand.u32 $0x1, s1  }
0x8c: {  	s17 =	sshll.u32 s0, $0xA;
	s2 =	sadd.s32 s3, s2  }
0x8d: {  	s2 =	sadd.s32 s2, s17  }
0x8e: {  	[smem:$0x3FA9] =	sst s2  }
0x8f: {  	_ = 	snop  }
0x90: {  	s2 =	sld [smem:$0x3FD0];
	(tm) =	ssettm $0x1  }
0x91: {  	s18 =	sld [smem:$0x3FFB];
	_ =	sdelay $0x3  }
0x92: {  	_ =	strace s18  }
0x93: {  	s3 =	sld [smem:$0x3FFC];
	_ =	sdelay $0x3  }
0x94: {  	_ =	strace s3  }
0x95: {  	s3 =	sld [smem:$0x3FFD];
	_ =	sdelay $0x3  }
0x96: {  	_ =	strace s3  }
0x97: {  	_ =	strace $0x8FFFFFFF  }
0x98: {  	s19 =	sld [smem:$0x3FDB];
	_ =	sdelay $0x1  }
0x99: {  	s4 =	simm.s32 $_scs_section_size  }
0x9a: {  	s5 =	simm.s32 $_size__tile_overlayer_lowered;
	s6 =	simm.s32 $_tile_overlayer_lowered  }
0x9b: {  	s22 =	simm.s32 $0x1BFF;
	s21 =	sshll.u32 s6, $0x1;
	s3 =	sadd.s32 s4, s19  }
0x9c: {  	s7 =	simm.s32 $0x0;
	s20 =	sshll.u32 s5, $0x1;
	s5 =	sadd.s32 s21, s3  }
0x9d: {  	[timem:s7], [sflag:s22] =	dma.local [hbm:s5], s20  }
0x9e: {  	_ =	swait.ge [sflag:s22], s20  }
0x9f: {  	s4 =	ssub.s32 $0x0, s20;
	[sflag:s22] =	ssyncset.done $0x0  }
0xa0: {  	[sflag:s22] =	ssyncadd.s32 s4;
	_ =	sdelay $0x1  }
0xa1: {  	s23 =	simm.s32 $0x1B8B  }
0xa2: {  	_ =	swait.ge [sflag:s23], $0x1  }
0xa3: {  	[sflag:s23] =	ssyncset.done $0x0  }
0xa4: {  	s25 =	simm.s32 $0x1B8E;
	s24 =	sld [smem:$0x3FFE];
	[sflag:s23] =	ssyncadd.s32 $0xFFFFFFFF  }
0xa5: {  	s26 =	simm.s32 $execute0_lowered;
	[smem:$0x3FD2] =	sst s25  }
0xa6: {  	s5 =	sshll.u32 s26, $0x1;
	_ =	strace $0x8000004C;
	[dreg:$0x1] =	wrdreg $0xFFFFFFFF  }
0xa7: {  	s28 =	simm.s32 $_size_execute0_lowered;
	s3 =	sadd.s32 s3, s5;
	[dreg:$0x0] =	wrdreg $0x0  }
0xa8: {  	s5 =	sshll.u32 s28, $0x1;
	[dreg:$0x2] =	wrdreg s3  }
0xa9: {  	[dreg:$0x3] =	wrdreg s5  }
0xaa: {  	[dreg:$0x4] =	wrdreg $0xC0  }
0xab: {  	_ =	task [dreg:s7], $0x5FFFF  }
0xac: {  	[dreg:$0x1] =	wrdreg $0xFFFFFFFF  }
0xad: {  	[dreg:$0x0] =	wrdreg $0x60  }
0xae: {  	[dreg:$0x2] =	wrdreg s24  }
0xaf: {  	[dreg:$0x3] =	wrdreg s2  }
0xb0: {  	[dreg:$0x4] =	wrdreg $0x0  }
0xb1: {  	[dreg:$0x5] =	wrdreg $0x9  }
0xb2: {  	_ =	task.clear_ibuf [dreg:s7], $0x6FFFF;
	_ =	strace $0x9000004C  }
0xb3: {  	s29 =	simm.s32 $0x9;
	_ =	strace $0x8000004E  }
0xb4: {  	_ =	swait.ge [sflag:s29], $0x1  }
0xb5: {  	[sflag:s29] =	ssyncadd.s32 $0xFFFFFFFF  }
0xb6: {  	_ =	strace $0x9000004E  }
0xb7: {  	_ =	sfence  }
0xb8: {  	s30 =	sld [smem:$0x0];
	_ =	sdelay $0x2  }
0xb9: {  	s31 =	sshll.u32 s1, $0xD;
	s1 =	sshrl.u32 s1, $0x2  }
0xba: {  	s3 =	sand.u32 $0x4000, s31;
	s1 =	sadd.s32 s1, s30  }
0xbb: {  	s0 =	sor.u32 s3, s0;
	s1 =	sshll.u32 s1, $0x11  }
0xbc: {  	s0 =	sor.u32 s1, s0  }
0xbd: {  	s0 =	sadd.s32 $0x8F2B, s0  }
0xbe: {  	[sflag:s0] =	ssyncadd.remote.s32 $0x1  }
0xbf: {  	_ =	sfence.sel $0xFFFF  }
0xc0: {  	[dreg:$0x0] =	wrdreg $0xFFFFFFFF;
	(pc) =	sbr.abs _section_cstart, $3  }
0xc1: {  	[dreg:$0x1] =	wrdreg $0xFFFFFFFF  }
0xc2: {  	_ =	task.clear_ibuf [dreg:s7], $0x2FFFF;
	_ =	strace $0x9FFFFFFF  }
0xc3: {  	(tm) =	ssettm $0x7FFFFFFF  }
tec
execute0_lowered:
.L_overlay_start_1:
0x0: {  	(tag) =	ssettag $0x1  }
0x1: {  	s0 =	rddreg [dreg:$0x0];
	s1 =	srdreg.scid  }
0x2: {  	s7 =	stileid.u32;
	s17 =	rddreg [dreg:$0x1]  }
0x3: {  	s2 =	rddreg [dreg:$0x2];
	s21 =	simm.s32 $0x186A0;
	s4 =	smul.u32 $0x186, s7  }
0x4: {  	s22 =	simm.s32 $0x3;
	s1 =	sand.u32 $0x1, s1;
	s12 =	smul.u32 $0x186A0, s7  }
0x5: {  	s3 =	sshll.u32 s7, $0x1;
	p0 =	slt.u32 s7, $0x5;
	s7 =	smul.u32 $0x61A80, s7  }
0x6: {  	s23 =	simm.s32 $0x0;
	s5 =	smul.u32 $0xC3, s1;
	s6 =	sor.u32 s1, s3  }
0x7: {  	s3 =	simm.s32 $0x0;
	s24 =	ssub.s32 $0x2, s1;
	s1 =	smul.u32 $0x188000, s1  }
0x8: {  	s6 =	smin.u32 s6, $0xA;
	[smem:$0x7FF] =	sst s3;
	s25 =	sshrl.u32 s24, $0x1  }
0x9: {  	s26 =	sadd.s32 s12, s2;
	s7 =	sshrl.u32 s7, $0x2;
	s13 =	sadd.s32 $0x4E20, s12  }
0xa: {  	s14 =	sadd.s32 $0x9C40, s12;
	s16 =	sadd.s32 $0xEA60, s12;
	s18 =	sadd.s32 $0x13880, s12  }
0xb: {  	s4 =	sadd.s32 s5, s4;
	_ =	strace $0x8000004D;
	[dreg:$0x4] =	wrdreg s26  }
0xc: {  	s29 =	sadd.s32 s7, s2;
	s8 =	sadd.s32 s13, s2;
	s9 =	sadd.s32 s14, s2  }
0xd: {  	s10 =	sadd.s32 s16, s2;
	s11 =	sadd.s32 s18, s2;
	s12 =	sadd.s32 s1, s12  }
0xe: {  	s13 =	sadd.s32 s1, s13;
	s14 =	sadd.s32 s1, s14;
	s16 =	sadd.s32 s1, s16  }
0xf: {  	s1 =	sadd.s32 s1, s18;
	s15 =	sadd.s32 s6, s4;
	s6 =	ssub.s32 s24, s25  }
0x10: {  	[dreg:$0x6] =	wrdreg s29;
	s12 =	sshrl.u32 s12, $0x3;
	s13 =	sshrl.u32 s13, $0x3  }
0x11: {  	s14 =	sshrl.u32 s14, $0x3;
	s16 =	sshrl.u32 s16, $0x3;
	s1 =	sshrl.u32 s1, $0x3  }
0x12: {  	s4 =	sshll.u32 s15, $0x9;
	s28 =	smax.u32 s6, $0x1;
	s31 =	sshll.u32 s15, $0x4  }
0x13: {  	s19 =	sadd.s32 s4, s0;
	s4 =	simm.s32 $0xC4;
	s0 =	sadd.s32 $0x7C00, s0  }
0x14: {  	[dreg:$0x5] =	wrdreg s28;
	s17 =	sadd.s32 s31, s17;
	s4 =	simm.s32 @!p0 $0xC3  }
0x15: {  	s30 =	sadd.s32 s0, s12;
	s13 =	sadd.s32 s0, s13;
	s14 =	sadd.s32 s0, s14  }
0x16: {  	s15 =	sadd.s32 s0, s16;
	s16 =	sadd.s32 s0, s1;
	s18 =	sadd.s32 $0xD01C00, s19  }
0x17: {  	v0 =	vimm.f32 $0.0e+00;
	s19 =	sadd.s32 $0xD01E00, s19;
	s20 =	sadd.s32 $0x10, s17;
	[dreg:$0x7] =	wrdreg s30  }
.LBB2_1:
0x18: {  	s0 =	simm.s32 $0x80;
	s1 =	simm.s32 $0x0  }
.LBB2_2:
0x19: {  	p0 =	sne.s32 s0, $0x13800;
	[tilespmem:s1+$0x186A0] =	vst v0;
	s24 =	smov.u32 s0;
	s0 =	sadd.s32 $0x80, s0  }
.Ltmp0:
0x1a: {  	[tilespmem:s1+$0x186B0] =	vst v0;
	(pc) =	sbr.rel @p0 .LBB2_2-.Ltmp0, $2  }
0x1b: {  	_ =	sdelay $0x2  }
0x1c: {  	s1 =	sshra.s32 s24, $0x2  }
0x1d: {  	[tilespmem:s1+$0x186A0] =	vst v0  }
0x1e: {  	[tilespmem:s1+$0x186B0] =	vst v0;
	s0 =	rddreg [dreg:$0x6]  }
0x1f: {  	[spmem:s0] =	stream.linear.scatter [tilespmem:s21], [sflag:$0x3], $0x4E20, $0x38;
	[tilespmem:$0x1F5C0] =	vst v63  }
0x20: {  	_ =	swait.ge [sflag:s22], $0x4E20  }
0x21: {  	[sflag:s22] =	ssyncset.done $0x0  }
0x22: {  	[sflag:s22] =	ssyncadd.s32 $0xFFFFB1E0  }
0x23: {  	[spmem:s8] =	stream.linear.scatter [tilespmem:s21], [sflag:$0x3], $0x4E20, $0x38;
	[tilespmem:$0x1F5C0] =	vst v63  }
0x24: {  	_ =	swait.ge [sflag:s22], $0x4E20  }
0x25: {  	[sflag:s22] =	ssyncset.done $0x0  }
0x26: {  	[sflag:s22] =	ssyncadd.s32 $0xFFFFB1E0  }
0x27: {  	[spmem:s9] =	stream.linear.scatter [tilespmem:s21], [sflag:$0x3], $0x4E20, $0x38;
	[tilespmem:$0x1F5C0] =	vst v63  }
0x28: {  	_ =	swait.ge [sflag:s22], $0x4E20  }
0x29: {  	[sflag:s22] =	ssyncset.done $0x0  }
0x2a: {  	[sflag:s22] =	ssyncadd.s32 $0xFFFFB1E0  }
0x2b: {  	[spmem:s10] =	stream.linear.scatter [tilespmem:s21], [sflag:$0x3], $0x4E20, $0x38;
	[tilespmem:$0x1F5C0] =	vst v63  }
0x2c: {  	_ =	swait.ge [sflag:s22], $0x4E20  }
0x2d: {  	[sflag:s22] =	ssyncset.done $0x0  }
0x2e: {  	[sflag:s22] =	ssyncadd.s32 $0xFFFFB1E0  }
0x2f: {  	[spmem:s11] =	stream.linear.scatter [tilespmem:s21], [sflag:$0x3], $0x4E20, $0x38;
	[tilespmem:$0x1F5C0] =	vst v63  }
0x30: {  	_ =	swait.ge [sflag:s22], $0x4E20  }
0x31: {  	[sflag:s22] =	ssyncset.done $0x0  }
0x32: {  	p0 =	sle.u32 s4, $0x0;
	[sflag:s22] =	ssyncadd.s32 $0xFFFFB1E0  }
0x33: {  	s0 =	simm.s32 @!p0 $0x0;
	s1 =	simm.s32 @!p0 $0x1D4C0;
	[bflag:$0x0] =	sbarrier.arrive $0xFFFF  }
0x34: {  	[tilespmem:s1], [sflag:$0x1] =	stream.linear.gather @!p0 [hbm4b:s17+s0], $0x80, $0x38;
	[tilespmem:$0x1F5C0] =	vst v63  }
0x35: {  	p1 =	sle.u32 s4, $0xFFFFFFFF;
	s25 =	simm.s32 @!p0 $0x1D5C0  }
0x36: {  	[tilespmem:s25], [sflag:$0x1] =	stream.linear.gather @!p0 [hbm4b:s18+s0], $0x1000, $0x38;
	[tilespmem:$0x1F5C0] =	vst v63  }
0x37: {  	s0 =	simm.s32 @!p1 $0x2  }
0x38: {  	_ =	swait.ge @!p1 [sflag:s0], $0x80  }
0x39: {  	[sflag:s0] =	ssyncset.done @!p1 $0x0  }
0x3a: {  	[sflag:s0] =	ssyncadd.s32 @!p1 $0xFFFFFF80  }
0x3b: {  	_ =	swait.ge @!p1 [sflag:s0], $0x1000  }
0x3c: {  	s24 =	simm.s32 @!p1 $0x1E5C0;
	s26 =	simm.s32 @!p1 $0x80;
	[sflag:s0] =	ssyncset.done @!p1 $0x0  }
0x3d: {  	s28 =	simm.s32 @!p1 $0x1D540;
	[sflag:s0] =	ssyncadd.s32 @!p1 $0xFFFFF000;
	s0 =	simm.s32 @!p1 $0x4  }
0x3e: {  	[spmem:s2] =	stream.indirect.scatter.add.f32 @!p1 [tilespmem:s24], [sflag:$0x4], $0x20, s28, s26, $0xb8;
	[tilespmem:$0x1F5C0] =	vst v63  }
0x3f: {  	_ =	swait.ge @!p1 [sflag:s0], $0x1000  }
0x40: {  	p2 =	sle.u32 s4, $0x1;
	p0 =	por p0, p0;
	[sflag:s0] =	ssyncset.done @!p1 $0x0  }
0x41: {  	s24 =	simm.s32 @!p2 $0x0;
	s26 =	simm.s32 @!p2 $0x1D540;
	[sflag:s0] =	ssyncadd.s32 @!p1 $0xFFFFF000  }
0x42: {  	[tilespmem:s26], [sflag:$0x2] =	stream.linear.gather @!p2 [hbm4b:s20+s24], $0x80, $0x38;
	[tilespmem:$0x1F5C0] =	vst v63  }
0x43: {  	s0 =	simm.s32 @!p2 $0x1E5C0;
	s26 =	simm.s32 @!p0 $0x1  }
0x44: {  	[tilespmem:s0], [sflag:$0x2] =	stream.linear.gather @!p2 [hbm4b:s19+s24], $0x1000, $0x38;
	[tilespmem:$0x1F5C0] =	vst v63  }
0x45: {  	_ =	swait.ge @!p0 [sflag:s26], $0x80  }
0x46: {  	[sflag:s26] =	ssyncset.done @!p0 $0x0  }
0x47: {  	[sflag:s26] =	ssyncadd.s32 @!p0 $0xFFFFFF80  }
0x48: {  	s29 =	simm.s32 $0x3;
	_ =	swait.ge @!p0 [sflag:s26], $0x1000  }
0x49: {  	s31 =	sadd.s32 $0x400, s18;
	s30 =	simm.s32 @!p0 $0x80;
	[sflag:s26] =	ssyncset.done @!p0 $0x0  }
0x4a: {  	s28 =	simm.s32 $0x1;
	s24 =	sadd.s32 $0x20, s20;
	[sflag:s26] =	ssyncadd.s32 @!p0 $0xFFFFF000  }
0x4b: {  	[spmem:s2] =	stream.indirect.scatter.add.f32 @!p0 [tilespmem:s25], [sflag:$0x3], $0x20, s1, s30, $0xb8;
	[tilespmem:$0x1F5C0] =	vst v63  }
0x4c: {  	s0 =	simm.s32 @!p0 $0x3;
	s26 =	simm.s32 $0x3;
	s30 =	sadd.s32 $0x20, s17  }
0x4d: {  	s25 =	sadd.s32 $0x400, s19;
	s1 =	simm.s32 $0x2;
	_ =	swait.ge @!p0 [sflag:s0], $0x1000  }
.LBB2_4:
0x4e: {  	p3 =	sge.u32 s1, s4  }
0x4f: {  	[sflag:s0] =	ssyncset.done @!p0 $0x0;
	s5 =	smov.u32 s29;
	s29 =	sadd.s32 $0x2, s29  }
0x50: {  	s6 =	simm.s32 @!p3 $0x0;
	s1 =	simm.s32 @!p3 $0x1D4C0;
	[sflag:s0] =	ssyncadd.s32 @!p0 $0xFFFFF000  }
0x51: {  	[tilespmem:s1], [sflag:$0x1] =	stream.linear.gather @!p3 [hbm4b:s30+s6], $0x80, $0x38;
	[tilespmem:$0x1F5C0] =	vst v63  }
0x52: {  	p2 =	sge.u32 s28, s4;
	p1 =	sne.s32 s29, $0xC5;
	s7 =	simm.s32 @!p3 $0x1D5C0  }
0x53: {  	[tilespmem:s7], [sflag:$0x1] =	stream.linear.gather @!p3 [hbm4b:s31+s6], $0x1000, $0x38;
	[tilespmem:$0x1F5C0] =	vst v63  }
0x54: {  	s0 =	simm.s32 @!p2 $0x2;
	s28 =	smov.u32 s5;
	p0 =	por p3, p3  }
0x55: {  	_ =	swait.ge @!p2 [sflag:s0], $0x80  }
0x56: {  	[sflag:s0] =	ssyncset.done @!p2 $0x0  }
0x57: {  	[sflag:s0] =	ssyncadd.s32 @!p2 $0xFFFFFF80  }
0x58: {  	s5 =	simm.s32 @!p2 $0x1E5C0;
	_ =	swait.ge @!p2 [sflag:s0], $0x1000  }
0x59: {  	s12 =	simm.s32 @!p2 $0x1D540;
	s6 =	simm.s32 @!p2 $0x80;
	[sflag:s0] =	ssyncset.done @!p2 $0x0  }
0x5a: {  	[sflag:s0] =	ssyncadd.s32 @!p2 $0xFFFFF000;
	s0 =	simm.s32 @!p2 $0x4  }
0x5b: {  	[spmem:s2] =	stream.indirect.scatter.add.f32 @!p2 [tilespmem:s5], [sflag:$0x4], $0x20, s12, s6, $0xb8;
	[tilespmem:$0x1F5C0] =	vst v63  }
0x5c: {  	p3 =	sge.u32 s26, s4;
	s26 =	smov.u32 s29;
	_ =	swait.ge @!p2 [sflag:s0], $0x1000  }
0x5d: {  	s5 =	simm.s32 @!p3 $0x0;
	s6 =	simm.s32 @!p3 $0x1D540;
	[sflag:s0] =	ssyncset.done @!p2 $0x0  }
0x5e: {  	[sflag:s0] =	ssyncadd.s32 @!p2 $0xFFFFF000;
	s0 =	simm.s32 @!p3 $0x1E5C0  }
0x5f: {  	[tilespmem:s6], [sflag:$0x2] =	stream.linear.gather @!p3 [hbm4b:s24+s5], $0x80, $0x38;
	[tilespmem:$0x1F5C0] =	vst v63  }
0x60: {  	s6 =	simm.s32 @!p0 $0x1  }
0x61: {  	[tilespmem:s0], [sflag:$0x2] =	stream.linear.gather @!p3 [hbm4b:s25+s5], $0x1000, $0x38;
	[tilespmem:$0x1F5C0] =	vst v63  }
0x62: {  	_ =	swait.ge @!p0 [sflag:s6], $0x80  }
0x63: {  	[sflag:s6] =	ssyncset.done @!p0 $0x0  }
0x64: {  	[sflag:s6] =	ssyncadd.s32 @!p0 $0xFFFFFF80  }
.Ltmp1:
0x65: {  	s24 =	sadd.s32 $0x20, s24;
	_ =	swait.ge @!p0 [sflag:s6], $0x1000;
	(pc) =	sbr.rel @p1 .LBB2_4-.Ltmp1, $4  }
0x66: {  	s5 =	simm.s32 @!p0 $0x80;
	s0 =	simm.s32 @!p0 $0x3;
	[sflag:s6] =	ssyncset.done @!p0 $0x0  }
0x67: {  	s30 =	sadd.s32 $0x20, s30;
	s25 =	sadd.s32 $0x400, s25;
	[sflag:s6] =	ssyncadd.s32 @!p0 $0xFFFFF000  }
0x68: {  	[spmem:s2] =	stream.indirect.scatter.add.f32 @!p0 [tilespmem:s7], [sflag:$0x3], $0x20, s1, s5, $0xb8;
	[tilespmem:$0x1F5C0] =	vst v63  }
0x69: {  	s31 =	sadd.s32 $0x400, s31;
	s1 =	sadd.s32 $0x1, s28;
	_ =	swait.ge @!p0 [sflag:s0], $0x1000  }
0x6a: {  	p1 =	sge.u32 s1, s4;
	[sflag:s0] =	ssyncset.done @!p0 $0x0  }
0x6b: {  	s1 =	simm.s32 @!p1 $0x0;
	s5 =	simm.s32 @!p1 $0x1D4C0;
	[sflag:s0] =	ssyncadd.s32 @!p0 $0xFFFFF000  }
0x6c: {  	[tilespmem:s5], [sflag:$0x1] =	stream.linear.gather @!p1 [hbm4b:s30+s1], $0x80, $0x38;
	[tilespmem:$0x1F5C0] =	vst v63  }
0x6d: {  	p2 =	sge.u32 s28, s4;
	s0 =	simm.s32 @!p1 $0x1D5C0  }
0x6e: {  	[tilespmem:s0], [sflag:$0x1] =	stream.linear.gather @!p1 [hbm4b:s31+s1], $0x1000, $0x38;
	[tilespmem:$0x1F5C0] =	vst v63  }
0x6f: {  	s1 =	simm.s32 @!p2 $0x2  }
0x70: {  	_ =	swait.ge @!p2 [sflag:s1], $0x80  }
0x71: {  	[sflag:s1] =	ssyncset.done @!p2 $0x0  }
0x72: {  	[sflag:s1] =	ssyncadd.s32 @!p2 $0xFFFFFF80  }
0x73: {  	_ =	swait.ge @!p2 [sflag:s1], $0x1000  }
0x74: {  	s6 =	simm.s32 @!p2 $0x1E5C0;
	s7 =	simm.s32 @!p2 $0x80;
	[sflag:s1] =	ssyncset.done @!p2 $0x0  }
0x75: {  	s12 =	simm.s32 @!p2 $0x1D540;
	[sflag:s1] =	ssyncadd.s32 @!p2 $0xFFFFF000;
	s1 =	simm.s32 @!p2 $0x4  }
0x76: {  	[spmem:s2] =	stream.indirect.scatter.add.f32 @!p2 [tilespmem:s6], [sflag:$0x4], $0x20, s12, s7, $0xb8;
	[tilespmem:$0x1F5C0] =	vst v63  }
0x77: {  	_ =	swait.ge @!p2 [sflag:s1], $0x1000  }
0x78: {  	p0 =	por p1, p1;
	p1 =	sge.u32 s26, s4;
	[sflag:s1] =	ssyncset.done @!p2 $0x0  }
0x79: {  	s6 =	simm.s32 @!p1 $0x0;
	s7 =	simm.s32 @!p1 $0x1D540;
	[sflag:s1] =	ssyncadd.s32 @!p2 $0xFFFFF000  }
0x7a: {  	[tilespmem:s7], [sflag:$0x2] =	stream.linear.gather @!p1 [hbm4b:s24+s6], $0x80, $0x38;
	[tilespmem:$0x1F5C0] =	vst v63  }
0x7b: {  	s1 =	simm.s32 @!p1 $0x1E5C0;
	s7 =	simm.s32 @!p0 $0x1  }
0x7c: {  	[tilespmem:s1], [sflag:$0x2] =	stream.linear.gather @!p1 [hbm4b:s25+s6], $0x1000, $0x38;
	[tilespmem:$0x1F5C0] =	vst v63  }
0x7d: {  	_ =	swait.ge @!p0 [sflag:s7], $0x80  }
0x7e: {  	[sflag:s7] =	ssyncset.done @!p0 $0x0  }
0x7f: {  	[sflag:s7] =	ssyncadd.s32 @!p0 $0xFFFFFF80  }
0x80: {  	_ =	swait.ge @!p0 [sflag:s7], $0x1000  }
0x81: {  	[sflag:s7] =	ssyncset.done @!p0 $0x0  }
0x82: {  	s1 =	simm.s32 @!p0 $0x80;
	s6 =	simm.s32 @!p0 $0x3;
	[sflag:s7] =	ssyncadd.s32 @!p0 $0xFFFFF000  }
0x83: {  	[spmem:s2] =	stream.indirect.scatter.add.f32 @!p0 [tilespmem:s0], [sflag:$0x3], $0x20, s5, s1, $0xb8;
	[tilespmem:$0x1F5C0] =	vst v63  }
0x84: {  	_ =	swait.ge @!p0 [sflag:s6], $0x1000  }
0x85: {  	[sflag:s6] =	ssyncset.done @!p0 $0x0  }
0x86: {  	[sflag:s6] =	ssyncadd.s32 @!p0 $0xFFFFF000  }
0x87: {  	[bflag:$0x0] =	sbarrier.arrive $0xFFFF  }
0x88: {  	s29 =	rddreg [dreg:$0x4]  }
0x89: {  	[tilespmem:s21], [sflag:$0x3] =	stream.linear.gather [spmem:s29], $0x4E20, $0x38;
	[tilespmem:$0x1F5C0] =	vst v63  }
0x8a: {  	_ =	swait.ge [sflag:s22], $0x4E20  }
0x8b: {  	[sflag:s22] =	ssyncset.done $0x0  }
0x8c: {  	s30 =	rddreg [dreg:$0x7];
	[sflag:s22] =	ssyncadd.s32 $0xFFFFB1E0  }
0x8d: {  	[hbm4b:s30+s3] =	stream.linear.scatter [tilespmem:s21], [sflag:$0x3], $0x4E20, $0x38;
	[tilespmem:$0x1F5C0] =	vst v63  }
0x8e: {  	_ =	swait.ge [sflag:s22], $0x4E20  }
0x8f: {  	[sflag:s22] =	ssyncset.done $0x0  }
0x90: {  	[sflag:s22] =	ssyncadd.s32 $0xFFFFB1E0  }
0x91: {  	[tilespmem:s21], [sflag:$0x3] =	stream.linear.gather [spmem:s8], $0x4E20, $0x38;
	[tilespmem:$0x1F5C0] =	vst v63  }
0x92: {  	_ =	swait.ge [sflag:s22], $0x4E20  }
0x93: {  	[sflag:s22] =	ssyncset.done $0x0  }
0x94: {  	[sflag:s22] =	ssyncadd.s32 $0xFFFFB1E0  }
0x95: {  	[hbm4b:s13+s3] =	stream.linear.scatter [tilespmem:s21], [sflag:$0x3], $0x4E20, $0x38;
	[tilespmem:$0x1F5C0] =	vst v63  }
0x96: {  	_ =	swait.ge [sflag:s22], $0x4E20  }
0x97: {  	[sflag:s22] =	ssyncset.done $0x0  }
0x98: {  	[sflag:s22] =	ssyncadd.s32 $0xFFFFB1E0  }
0x99: {  	[tilespmem:s21], [sflag:$0x3] =	stream.linear.gather [spmem:s9], $0x4E20, $0x38;
	[tilespmem:$0x1F5C0] =	vst v63  }
0x9a: {  	_ =	swait.ge [sflag:s22], $0x4E20  }
0x9b: {  	[sflag:s22] =	ssyncset.done $0x0  }
0x9c: {  	[sflag:s22] =	ssyncadd.s32 $0xFFFFB1E0  }
0x9d: {  	[hbm4b:s14+s3] =	stream.linear.scatter [tilespmem:s21], [sflag:$0x3], $0x4E20, $0x38;
	[tilespmem:$0x1F5C0] =	vst v63  }
0x9e: {  	_ =	swait.ge [sflag:s22], $0x4E20  }
0x9f: {  	[sflag:s22] =	ssyncset.done $0x0  }
0xa0: {  	[sflag:s22] =	ssyncadd.s32 $0xFFFFB1E0  }
0xa1: {  	[tilespmem:s21], [sflag:$0x3] =	stream.linear.gather [spmem:s10], $0x4E20, $0x38;
	[tilespmem:$0x1F5C0] =	vst v63  }
0xa2: {  	_ =	swait.ge [sflag:s22], $0x4E20  }
0xa3: {  	[sflag:s22] =	ssyncset.done $0x0  }
0xa4: {  	[sflag:s22] =	ssyncadd.s32 $0xFFFFB1E0  }
0xa5: {  	[hbm4b:s15+s3] =	stream.linear.scatter [tilespmem:s21], [sflag:$0x3], $0x4E20, $0x38;
	[tilespmem:$0x1F5C0] =	vst v63  }
0xa6: {  	_ =	swait.ge [sflag:s22], $0x4E20  }
0xa7: {  	[sflag:s22] =	ssyncset.done $0x0  }
0xa8: {  	[sflag:s22] =	ssyncadd.s32 $0xFFFFB1E0  }
0xa9: {  	[tilespmem:s21], [sflag:$0x3] =	stream.linear.gather [spmem:s11], $0x4E20, $0x38;
	[tilespmem:$0x1F5C0] =	vst v63  }
0xaa: {  	_ =	swait.ge [sflag:s22], $0x4E20  }
0xab: {  	[sflag:s22] =	ssyncset.done $0x0  }
0xac: {  	[sflag:s22] =	ssyncadd.s32 $0xFFFFB1E0  }
0xad: {  	[hbm4b:s16+s3] =	stream.linear.scatter [tilespmem:s21], [sflag:$0x3], $0x4E20, $0x38;
	[tilespmem:$0x1F5C0] =	vst v63  }
0xae: {  	_ =	swait.ge [sflag:s22], $0x4E20  }
0xaf: {  	s23 =	sadd.s32 $0x1, s23;
	s31 =	rddreg [dreg:$0x5]  }
0xb0: {  	p0 =	sne.s32 s23, s31  }
.Ltmp2:
0xb1: {  	_ = 	snop;
	(pc) =	sbr.rel @p0 .LBB2_1-.Ltmp2, $3  }
0xb2: {  	_ =	sdelay $0x1  }
0xb3: {  	[sflag:s22] =	ssyncset.done $0x0  }
0xb4: {  	[sflag:s22] =	ssyncadd.s32 $0xFFFFB1E0  }
0xb5: {  	_ =	sfence.sel $0x180000  }
0xb6: {  	[bflag:$0x0] =	sbarrier.arrive $0xFFFF  }
0xb7: {  	_ =	strace $0x9000004D  }
0xb8: {  	s0 =	stileid.u32;
	[bflag:$0x2] =	sbarrier.arrive $0xFFFF  }
0xb9: {  	p0 =	sne.s32 s0, $0x0;
	s0 =	rddreg [dreg:$0x3]  }
0xba: {  	s0 =	sadd.s32 @!p0 $0x100000, s0  }
0xbb: {  	[sflag:s0] =	ssyncadd.tile.s32 @!p0 $0x1;
	_ =	shalt  }
.Lfunc_end2:
_tile_overlayer_lowered:
.L_overlay_start_2:
0xbc: {  	(tag) =	ssettag $0x2  }
0xbd: {  	s0 =	rddreg [dreg:$0x0];
	s2 =	stileid.u32  }
0xbe: {  	s1 =	rddreg [dreg:$0x1];
	p0 =	sne.s32 s2, $0x0  }
0xbf: {  	s3 =	rddreg [dreg:$0x2];
	[bflag:$0x3] =	sbarrier.arrive $0xFFFF;
	s2 =	simm.s32 @!p0 $0x1C03  }
0xc0: {  	[timem:s3], [sflag:s2] =	dma.local @!p0 [hbm:s0], s1  }
0xc1: {  	s0 =	simm.s32 @!p0 $0x3  }
0xc2: {  	_ =	swait.ge @!p0 [sflag:s0], s1  }
0xc3: {  	s1 =	ssub.s32 @!p0 $0x0, s1;
	[sflag:s0] =	ssyncset.done @!p0 $0x0  }
0xc4: {  	[sflag:s0] =	ssyncadd.s32 @!p0 s1  }
0xc5: {  	[bflag:$0x3] =	sbarrier.arrive $0xFFFF  }
0xc6: {  	_ =	shalt  }

// kernel: kernel.21.cloned.1.call-start
scs
__scs_entry_jumppad:
0x0: {  	(pc) =	sbr.rel $0x88, $3  }
0x1: {  	(tag) =	ssettag $0x0;
	lr =	simm.s32 $0x1  }
0x2: {  	[smem:$0x3F82] =	sst lr;
	_ =	strace $0xD0000000  }
0x3: {  	_ = 	snop  }
0x4: {  	_ = 	snop  }
0x5: {  	_ = 	snop  }
0x6: {  	_ = 	snop  }
0x7: {  	_ = 	snop  }
__scs_overlays_trampoline_lowered:
0x8: {  	[smem:$0x3F91] =	sst s0  }
0x9: {  	[smem:$0x3F92] =	sst s1  }
0xa: {  	[smem:$0x3F93] =	sst s2  }
0xb: {  	[smem:$0x3F94] =	sst s3  }
0xc: {  	[smem:$0x3F95] =	sst s4  }
0xd: {  	[smem:$0x3F96] =	sst s5  }
0xe: {  	[smem:$0x3F97] =	sst s6  }
0xf: {  	[smem:$0x3F98] =	sst s7  }
0x10: {  	[smem:$0x3F99] =	sst s8  }
0x11: {  	[smem:$0x3F9A] =	sst s9;
	s0 =	simm.s32 @!p0 $0x0  }
0x12: {  	s1 =	sld [smem:$0x3F80];
	s0 =	simm.s32 @p0 $0x1  }
0x13: {  	[smem:$0x3F9B] =	sst s0;
	s0 =	simm.s32 @!p1 $0x0  }
0x14: {  	s2 =	sld [smem:$0x3F7F];
	s0 =	simm.s32 @p1 $0x1  }
0x15: {  	[smem:$0x3F9C] =	sst s0;
	s0 =	simm.s32 @!p2 $0x0  }
0x16: {  	s3 =	sld [smem:$0x3FDB];
	s0 =	simm.s32 @p2 $0x1  }
0x17: {  	s4 =	simm.s32 $0x1BF5;
	[smem:$0x3F9E] =	sst s0  }
0x18: {  	s0 =	sld [smem:$0x3F81];
	_ =	swait.ge [sflag:s4], $0x0  }
0x19: {  	s7 =	sld [smem:$0x3F82]  }
0x1a: {  	s8 =	sadd.s32 $0xFFFFE003, lr  }
0x1b: {  	s9 =	sadd.s32 $0xFFFFFEF7, lr;
	s5 =	simm.s32 $0xFFFFFFFF;
	p2 =	slt.u32 s8, $0xFFFFF086  }
0x1c: {  	p1 =	slt.u32 s9, $0xF7A;
	s5 =	simm.s32 @!p2 $0x0  }
0x1d: {  	s5 =	simm.s32 @p1 $0x1;
	p0 =	seq.s32 s7, s2  }
0x1e: {  	s7 =	smul.u32 @!p0 $0xF7A, s2;
	p2 =	seq.s32 @!p0 s5, $0x0  }
0x1f: {  	s9 =	smul.u32 $0xF7A, s1;
	s8 =	simm.s32 @!p0 $0x1BF5;
	p2 =	por !p2, p0  }
0x20: {  	[sflag:s8] =	ssyncset.s32 @!p0 $0xFFFFF086;
	s6 =	sadd.s32 @!p0 s3, s7;
	s7 =	simm.s32 @!p0 $0x108  }
0x21: {  	s3 =	sadd.s32 s3, s9;
	s6 =	sadd.s32 @!p0 $0x88, s6;
	s7 =	simm.s32 @p2 $0x1082  }
0x22: {  	[simem:s7], [sflag:s8] =	dma.local @!p0 [hbm:s6], $0xF7A  }
0x23: {  	s9 =	sor.u32 $0xD0000000, s2;
	s6 =	simm.s32 $0x108;
	_ =	swait.ge @!p0 [sflag:s8], $0x0  }
0x24: {  	s3 =	sadd.s32 $0x88, s3;
	s6 =	simm.s32 @!p1 $0x1082;
	[sflag:s4] =	ssyncset.s32 $0xFFFFF086  }
0x25: {  	[simem:s6], [sflag:s4] =	dma.local [hbm:s3], $0xF7A  }
0x26: {  	[smem:$0x3F82] =	sst s1;
	(tag) =	ssettag s2;
	_ =	strace s9  }
0x27: {  	s1 =	sld [smem:$0x3F92]  }
0x28: {  	s2 =	sld [smem:$0x3F93]  }
0x29: {  	s4 =	sld [smem:$0x3F95]  }
0x2a: {  	p0 =	seq.s32 s5, $0x0;
	s5 =	sld [smem:$0x3F96]  }
0x2b: {  	s6 =	sld [smem:$0x3F97]  }
0x2c: {  	s7 =	sld [smem:$0x3F98]  }
0x2d: {  	s3 =	simm.s32 $0x108;
	s8 =	sld [smem:$0x3F99]  }
0x2e: {  	s3 =	simm.s32 @!p0 $0x1082;
	s9 =	sld [smem:$0x3F9A]  }
0x2f: {  	lr =	sadd.s32 s0, s3;
	s0 =	sld [smem:$0x3F91]  }
0x30: {  	s3 =	sld [smem:$0x3F94]  }
0x31: {  	[smem:$0x3F9D] =	sst s10  }
0x32: {  	s10 =	sld [smem:$0x3F9B];
	_ =	sdelay $0x3  }
0x33: {  	p0 =	seq.s32 s10, $0x1;
	s10 =	sld [smem:$0x3F9D];
	_ =	sdelay $0x3  }
0x34: {  	[smem:$0x3F9D] =	sst s10  }
0x35: {  	s10 =	sld [smem:$0x3F9C];
	_ =	sdelay $0x3  }
0x36: {  	p1 =	seq.s32 s10, $0x1;
	s10 =	sld [smem:$0x3F9D];
	_ =	sdelay $0x3  }
0x37: {  	[smem:$0x3F9D] =	sst s10  }
0x38: {  	s10 =	sld [smem:$0x3F9E]  }
0x39: {  	_ = 	snop;
	(pc) =	sbr.ind lr, $3  }
0x3a: {  	_ = 	snop  }
0x3b: {  	_ = 	snop  }
0x3c: {  	p2 =	seq.s32 s10, $0x1;
	s10 =	sld [smem:$0x3F9D]  }
0x3d: {  	_ =	shalt  }
0x3e: {  	_ =	shalt  }
0x3f: {  	_ =	shalt  }
0x40: {  	_ =	shalt  }
0x41: {  	_ =	shalt  }
0x42: {  	_ =	shalt  }
0x43: {  	_ =	shalt  }
0x44: {  	_ =	shalt  }
0x45: {  	_ =	shalt  }
0x46: {  	_ =	shalt  }
0x47: {  	_ =	shalt  }
0x48: {  	_ =	shalt  }
0x49: {  	_ =	shalt  }
0x4a: {  	_ =	shalt  }
0x4b: {  	_ =	shalt  }
0x4c: {  	_ =	shalt  }
0x4d: {  	_ =	shalt  }
0x4e: {  	_ =	shalt  }
0x4f: {  	_ =	shalt  }
0x50: {  	_ =	shalt  }
0x51: {  	_ =	shalt  }
0x52: {  	_ =	shalt  }
0x53: {  	_ =	shalt  }
0x54: {  	_ =	shalt  }
0x55: {  	_ =	shalt  }
0x56: {  	_ =	shalt  }
0x57: {  	_ =	shalt  }
0x58: {  	_ =	shalt  }
0x59: {  	_ =	shalt  }
0x5a: {  	_ =	shalt  }
0x5b: {  	_ =	shalt  }
0x5c: {  	_ =	shalt  }
0x5d: {  	_ =	shalt  }
0x5e: {  	_ =	shalt  }
0x5f: {  	_ =	shalt  }
0x60: {  	_ =	shalt  }
0x61: {  	_ =	shalt  }
0x62: {  	_ =	shalt  }
0x63: {  	_ =	shalt  }
0x64: {  	_ =	shalt  }
0x65: {  	_ =	shalt  }
0x66: {  	_ =	shalt  }
0x67: {  	_ =	shalt  }
0x68: {  	_ =	shalt  }
0x69: {  	_ =	shalt  }
0x6a: {  	_ =	shalt  }
0x6b: {  	_ =	shalt  }
0x6c: {  	_ =	shalt  }
0x6d: {  	_ =	shalt  }
0x6e: {  	_ =	shalt  }
0x6f: {  	_ =	shalt  }
0x70: {  	_ =	shalt  }
0x71: {  	_ =	shalt  }
0x72: {  	_ =	shalt  }
0x73: {  	_ =	shalt  }
0x74: {  	_ =	shalt  }
0x75: {  	_ =	shalt  }
0x76: {  	_ =	shalt  }
0x77: {  	_ =	shalt  }
0x78: {  	_ =	shalt  }
0x79: {  	_ =	shalt  }
0x7a: {  	_ =	shalt  }
0x7b: {  	_ =	shalt  }
0x7c: {  	_ =	shalt  }
0x7d: {  	_ =	shalt  }
0x7e: {  	_ =	shalt  }
0x7f: {  	_ =	shalt  }
0x80: {  	_ =	shalt  }
0x81: {  	_ =	shalt  }
0x82: {  	_ =	shalt  }
0x83: {  	_ =	shalt  }
0x84: {  	_ =	shalt  }
0x85: {  	_ =	shalt  }
0x86: {  	_ =	shalt  }
0x87: {  	_ =	shalt  }
.Lfunc_end0:
.L_simem_size_0:
called_computation.3_lowered:
.L_overlay_start_0:
0x88: {  	s2 =	sld [smem:$0x3FD9]  }
0x89: {  	s3 =	sld [smem:$0x3FFE];
	_ =	sdelay $0x1  }
0x8a: {  	s1 =	srdreg.scid  }
0x8b: {  	s0 =	sand.u32 $0x1, s1  }
0x8c: {  	s17 =	sshll.u32 s0, $0xA;
	s2 =	sadd.s32 s3, s2  }
0x8d: {  	s2 =	sadd.s32 s2, s17  }
0x8e: {  	[smem:$0x3FA9] =	sst s2  }
0x8f: {  	_ = 	snop  }
0x90: {  	s18 =	sld [smem:$0x3FD0];
	(tm) =	ssettm $0x1  }
0x91: {  	s19 =	sld [smem:$0x3FFB];
	_ =	sdelay $0x3  }
0x92: {  	_ =	strace s19  }
0x93: {  	s2 =	sld [smem:$0x3FFC];
	_ =	sdelay $0x3  }
0x94: {  	_ =	strace s2  }
0x95: {  	s2 =	sld [smem:$0x3FFD];
	_ =	sdelay $0x3  }
0x96: {  	_ =	strace s2  }
0x97: {  	_ =	strace $0x8FFFFFFF  }
0x98: {  	s20 =	sld [smem:$0x3FDB];
	_ =	sdelay $0x1  }
0x99: {  	s4 =	simm.s32 $_scs_section_size  }
0x9a: {  	s5 =	simm.s32 $_size__tile_overlayer_lowered;
	s6 =	simm.s32 $_tile_overlayer_lowered  }
0x9b: {  	s7 =	simm.s32 $0x1BFF;
	s21 =	sshll.u32 s6, $0x1;
	s4 =	sadd.s32 s4, s20  }
0x9c: {  	s22 =	simm.s32 $0x0;
	s5 =	sshll.u32 s5, $0x1;
	s6 =	sadd.s32 s21, s4  }
0x9d: {  	[timem:s22], [sflag:s7] =	dma.local [hbm:s6], s5  }
0x9e: {  	_ =	swait.ge [sflag:s7], s5  }
0x9f: {  	s5 =	ssub.s32 $0x0, s5;
	[sflag:s7] =	ssyncset.done $0x0  }
0xa0: {  	[sflag:s7] =	ssyncadd.s32 s5;
	_ =	sdelay $0x1  }
0xa1: {  	s23 =	simm.s32 $0x1B8B  }
0xa2: {  	_ =	swait.ge [sflag:s23], $0x1  }
0xa3: {  	[sflag:s23] =	ssyncset.done $0x0  }
0xa4: {  	[sflag:s23] =	ssyncadd.s32 $0xFFFFFFFF  }
0xa5: {  	s5 =	sld [smem:$0x0]  }
0xa6: {  	s6 =	sand.u32 $0xFFFFFFFE, s1  }
0xa7: {  	p0 =	sne.s32 s1, s6  }
0xa8: {  	s6 =	sshll.u32 @p0 s6, $0xE  }
0xa9: {  	s6 =	sadd.s32 @p0 $0x11B8D, s6;
	s7 =	sshll.u32 @p0 s5, $0x11  }
0xaa: {  	s6 =	sor.u32 @p0 s7, s6  }
0xab: {  	[sflag:s6] =	ssyncadd.remote.s32 @p0 $0x1;
	_ =	sdelay $0x1  }
0xac: {  	s6 =	simm.s32 @p0 $0x1B8D  }
0xad: {  	_ =	swait.eq @p0 [sflag:s6], $0x1  }
0xae: {  	[sflag:s6] =	ssyncadd.s32 @p0 $0xFFFFFFFF  }
0xaf: {  	s7 =	sshll.u32 @!p0 s1, $0xE  }
0xb0: {  	s7 =	sor.u32 @!p0 $0x4000, s7;
	s6 =	simm.s32 @!p0 $0x1B8D  }
0xb1: {  	s5 =	sshll.u32 @!p0 s5, $0x11;
	s7 =	sadd.s32 @!p0 $0x11B8D, s7;
	_ =	swait.eq @!p0 [sflag:s6], $0x1  }
0xb2: {  	s5 =	sor.u32 @!p0 s5, s7;
	[sflag:s6] =	ssyncadd.s32 @!p0 $0xFFFFFFFF  }
0xb3: {  	s25 =	simm.s32 $0x1B8E;
	s24 =	sld [smem:$0x3FFE];
	[sflag:s5] =	ssyncadd.remote.s32 @!p0 $0x1  }
0xb4: {  	s26 =	simm.s32 $execute0_lowered;
	[smem:$0x3FD2] =	sst s25  }
0xb5: {  	s6 =	sshll.u32 s26, $0x1;
	_ =	strace $0x8000004F;
	[dreg:$0x1] =	wrdreg $0xFFFFFFFF  }
0xb6: {  	s28 =	simm.s32 $_size_execute0_lowered;
	s4 =	sadd.s32 s4, s6;
	[dreg:$0x0] =	wrdreg $0x0  }
0xb7: {  	s6 =	sshll.u32 s28, $0x1;
	[dreg:$0x2] =	wrdreg s4  }
0xb8: {  	[dreg:$0x3] =	wrdreg s6  }
0xb9: {  	[dreg:$0x4] =	wrdreg $0xC0  }
0xba: {  	_ =	task [dreg:s22], $0x5FFFF  }
0xbb: {  	[dreg:$0x1] =	wrdreg $0xFFFFFFFF  }
0xbc: {  	[dreg:$0x0] =	wrdreg $0x60  }
0xbd: {  	[dreg:$0x2] =	wrdreg s24  }
0xbe: {  	[dreg:$0x3] =	wrdreg s18  }
0xbf: {  	[dreg:$0x4] =	wrdreg $0x0  }
0xc0: {  	[dreg:$0x5] =	wrdreg $0xA  }
0xc1: {  	_ =	task.clear_ibuf [dreg:s22], $0x6FFFF;
	_ =	strace $0x9000004F  }
0xc2: {  	s29 =	simm.s32 $0xA;
	_ =	strace $0x80000051  }
0xc3: {  	_ =	swait.ge [sflag:s29], $0x1  }
0xc4: {  	[sflag:s29] =	ssyncadd.s32 $0xFFFFFFFF  }
0xc5: {  	_ =	strace $0x90000051  }
0xc6: {  	_ =	sfence  }
0xc7: {  	s30 =	sld [smem:$0x0];
	_ =	sdelay $0x2  }
0xc8: {  	s31 =	sshll.u32 s1, $0xD;
	s1 =	sshrl.u32 s1, $0x2  }
0xc9: {  	s4 =	sand.u32 $0x4000, s31;
	s1 =	sadd.s32 s1, s30  }
0xca: {  	s0 =	sor.u32 s4, s0;
	s1 =	sshll.u32 s1, $0x11  }
0xcb: {  	s0 =	sor.u32 s1, s0  }
0xcc: {  	s0 =	sadd.s32 $0x8F2B, s0  }
0xcd: {  	[sflag:s0] =	ssyncadd.remote.s32 $0x1  }
0xce: {  	_ =	sfence.sel $0xFFFF  }
0xcf: {  	[dreg:$0x0] =	wrdreg $0xFFFFFFFF;
	(pc) =	sbr.abs _section_cstart, $3  }
0xd0: {  	[dreg:$0x1] =	wrdreg $0xFFFFFFFF  }
0xd1: {  	_ =	task.clear_ibuf [dreg:s22], $0x2FFFF;
	_ =	strace $0x9FFFFFFF  }
0xd2: {  	(tm) =	ssettm $0x7FFFFFFF  }
0xd3: {  	_ =	shalt  }
tec
execute0_lowered:
.L_overlay_start_1:
0x0: {  	(tag) =	ssettag $0x1  }
0x1: {  	s0 =	rddreg [dreg:$0x0];
	s1 =	srdreg.scid  }
0x2: {  	s7 =	stileid.u32;
	s17 =	rddreg [dreg:$0x1]  }
0x3: {  	s2 =	rddreg [dreg:$0x2];
	s21 =	simm.s32 $0x186A0;
	s4 =	smul.u32 $0x186, s7  }
0x4: {  	s22 =	simm.s32 $0x3;
	s1 =	sand.u32 $0x1, s1;
	s12 =	smul.u32 $0x186A0, s7  }
0x5: {  	s3 =	sshll.u32 s7, $0x1;
	p0 =	slt.u32 s7, $0x5;
	s7 =	smul.u32 $0x61A80, s7  }
0x6: {  	s23 =	simm.s32 $0x0;
	s5 =	smul.u32 $0xC3, s1;
	s6 =	sor.u32 s1, s3  }
0x7: {  	s3 =	simm.s32 $0x0;
	s24 =	ssub.s32 $0x2, s1;
	s1 =	smul.u32 $0x188000, s1  }
0x8: {  	s6 =	smin.u32 s6, $0xA;
	[smem:$0x7FF] =	sst s3;
	s25 =	sshrl.u32 s24, $0x1  }
0x9: {  	s26 =	sadd.s32 s12, s2;
	s7 =	sshrl.u32 s7, $0x2;
	s13 =	sadd.s32 $0x4E20, s12  }
0xa: {  	s14 =	sadd.s32 $0x9C40, s12;
	s16 =	sadd.s32 $0xEA60, s12;
	s18 =	sadd.s32 $0x13880, s12  }
0xb: {  	s4 =	sadd.s32 s5, s4;
	_ =	strace $0x80000050;
	[dreg:$0x4] =	wrdreg s26  }
0xc: {  	s29 =	sadd.s32 s7, s2;
	s8 =	sadd.s32 s13, s2;
	s9 =	sadd.s32 s14, s2  }
0xd: {  	s10 =	sadd.s32 s16, s2;
	s11 =	sadd.s32 s18, s2;
	s12 =	sadd.s32 s1, s12  }
0xe: {  	s13 =	sadd.s32 s1, s13;
	s14 =	sadd.s32 s1, s14;
	s16 =	sadd.s32 s1, s16  }
0xf: {  	s1 =	sadd.s32 s1, s18;
	s15 =	sadd.s32 s6, s4;
	s6 =	ssub.s32 s24, s25  }
0x10: {  	[dreg:$0x6] =	wrdreg s29;
	s12 =	sshrl.u32 s12, $0x3;
	s13 =	sshrl.u32 s13, $0x3  }
0x11: {  	s14 =	sshrl.u32 s14, $0x3;
	s16 =	sshrl.u32 s16, $0x3;
	s1 =	sshrl.u32 s1, $0x3  }
0x12: {  	s4 =	sshll.u32 s15, $0x9;
	s28 =	smax.u32 s6, $0x1;
	s31 =	sshll.u32 s15, $0x4  }
0x13: {  	s19 =	sadd.s32 s4, s0;
	s4 =	simm.s32 $0xC4;
	s0 =	sadd.s32 $0x9BE00, s0  }
0x14: {  	[dreg:$0x5] =	wrdreg s28;
	s17 =	sadd.s32 s31, s17;
	s4 =	simm.s32 @!p0 $0xC3  }
0x15: {  	s30 =	sadd.s32 s0, s12;
	s13 =	sadd.s32 s0, s13;
	s14 =	sadd.s32 s0, s14  }
0x16: {  	s15 =	sadd.s32 s0, s16;
	s16 =	sadd.s32 s0, s1;
	s18 =	sadd.s32 $0x9F4800, s19  }
0x17: {  	v0 =	vimm.f32 $0.0e+00;
	s19 =	sadd.s32 $0x9F4A00, s19;
	s20 =	sadd.s32 $0x10, s17;
	[dreg:$0x7] =	wrdreg s30  }
.LBB2_1:
0x18: {  	s0 =	simm.s32 $0x80;
	s1 =	simm.s32 $0x0  }
.LBB2_2:
0x19: {  	p0 =	sne.s32 s0, $0x13800;
	[tilespmem:s1+$0x186A0] =	vst v0;
	s24 =	smov.u32 s0;
	s0 =	sadd.s32 $0x80, s0  }
.Ltmp0:
0x1a: {  	[tilespmem:s1+$0x186B0] =	vst v0;
	(pc) =	sbr.rel @p0 .LBB2_2-.Ltmp0, $2  }
0x1b: {  	_ =	sdelay $0x2  }
0x1c: {  	s1 =	sshra.s32 s24, $0x2  }
0x1d: {  	[tilespmem:s1+$0x186A0] =	vst v0  }
0x1e: {  	[tilespmem:s1+$0x186B0] =	vst v0;
	s0 =	rddreg [dreg:$0x6]  }
0x1f: {  	[spmem:s0] =	stream.linear.scatter [tilespmem:s21], [sflag:$0x3], $0x4E20, $0x38;
	[tilespmem:$0x1F5C0] =	vst v63  }
0x20: {  	_ =	swait.ge [sflag:s22], $0x4E20  }
0x21: {  	[sflag:s22] =	ssyncset.done $0x0  }
0x22: {  	[sflag:s22] =	ssyncadd.s32 $0xFFFFB1E0  }
0x23: {  	[spmem:s8] =	stream.linear.scatter [tilespmem:s21], [sflag:$0x3], $0x4E20, $0x38;
	[tilespmem:$0x1F5C0] =	vst v63  }
0x24: {  	_ =	swait.ge [sflag:s22], $0x4E20  }
0x25: {  	[sflag:s22] =	ssyncset.done $0x0  }
0x26: {  	[sflag:s22] =	ssyncadd.s32 $0xFFFFB1E0  }
0x27: {  	[spmem:s9] =	stream.linear.scatter [tilespmem:s21], [sflag:$0x3], $0x4E20, $0x38;
	[tilespmem:$0x1F5C0] =	vst v63  }
0x28: {  	_ =	swait.ge [sflag:s22], $0x4E20  }
0x29: {  	[sflag:s22] =	ssyncset.done $0x0  }
0x2a: {  	[sflag:s22] =	ssyncadd.s32 $0xFFFFB1E0  }
0x2b: {  	[spmem:s10] =	stream.linear.scatter [tilespmem:s21], [sflag:$0x3], $0x4E20, $0x38;
	[tilespmem:$0x1F5C0] =	vst v63  }
0x2c: {  	_ =	swait.ge [sflag:s22], $0x4E20  }
0x2d: {  	[sflag:s22] =	ssyncset.done $0x0  }
0x2e: {  	[sflag:s22] =	ssyncadd.s32 $0xFFFFB1E0  }
0x2f: {  	[spmem:s11] =	stream.linear.scatter [tilespmem:s21], [sflag:$0x3], $0x4E20, $0x38;
	[tilespmem:$0x1F5C0] =	vst v63  }
0x30: {  	_ =	swait.ge [sflag:s22], $0x4E20  }
0x31: {  	[sflag:s22] =	ssyncset.done $0x0  }
0x32: {  	p0 =	sle.u32 s4, $0x0;
	[sflag:s22] =	ssyncadd.s32 $0xFFFFB1E0  }
0x33: {  	s0 =	simm.s32 @!p0 $0x0;
	s1 =	simm.s32 @!p0 $0x1D4C0;
	[bflag:$0x0] =	sbarrier.arrive $0xFFFF  }
0x34: {  	[tilespmem:s1], [sflag:$0x1] =	stream.linear.gather @!p0 [hbm4b:s17+s0], $0x80, $0x38;
	[tilespmem:$0x1F5C0] =	vst v63  }
0x35: {  	p1 =	sle.u32 s4, $0xFFFFFFFF;
	s25 =	simm.s32 @!p0 $0x1D5C0  }
0x36: {  	[tilespmem:s25], [sflag:$0x1] =	stream.linear.gather @!p0 [hbm4b:s18+s0], $0x1000, $0x38;
	[tilespmem:$0x1F5C0] =	vst v63  }
0x37: {  	s0 =	simm.s32 @!p1 $0x2  }
0x38: {  	_ =	swait.ge @!p1 [sflag:s0], $0x80  }
0x39: {  	[sflag:s0] =	ssyncset.done @!p1 $0x0  }
0x3a: {  	[sflag:s0] =	ssyncadd.s32 @!p1 $0xFFFFFF80  }
0x3b: {  	_ =	swait.ge @!p1 [sflag:s0], $0x1000  }
0x3c: {  	s24 =	simm.s32 @!p1 $0x1E5C0;
	s26 =	simm.s32 @!p1 $0x80;
	[sflag:s0] =	ssyncset.done @!p1 $0x0  }
0x3d: {  	s28 =	simm.s32 @!p1 $0x1D540;
	[sflag:s0] =	ssyncadd.s32 @!p1 $0xFFFFF000;
	s0 =	simm.s32 @!p1 $0x4  }
0x3e: {  	[spmem:s2] =	stream.indirect.scatter.add.f32 @!p1 [tilespmem:s24], [sflag:$0x4], $0x20, s28, s26, $0xb8;
	[tilespmem:$0x1F5C0] =	vst v63  }
0x3f: {  	_ =	swait.ge @!p1 [sflag:s0], $0x1000  }
0x40: {  	p2 =	sle.u32 s4, $0x1;
	p0 =	por p0, p0;
	[sflag:s0] =	ssyncset.done @!p1 $0x0  }
0x41: {  	s24 =	simm.s32 @!p2 $0x0;
	s26 =	simm.s32 @!p2 $0x1D540;
	[sflag:s0] =	ssyncadd.s32 @!p1 $0xFFFFF000  }
0x42: {  	[tilespmem:s26], [sflag:$0x2] =	stream.linear.gather @!p2 [hbm4b:s20+s24], $0x80, $0x38;
	[tilespmem:$0x1F5C0] =	vst v63  }
0x43: {  	s0 =	simm.s32 @!p2 $0x1E5C0;
	s26 =	simm.s32 @!p0 $0x1  }
0x44: {  	[tilespmem:s0], [sflag:$0x2] =	stream.linear.gather @!p2 [hbm4b:s19+s24], $0x1000, $0x38;
	[tilespmem:$0x1F5C0] =	vst v63  }
0x45: {  	_ =	swait.ge @!p0 [sflag:s26], $0x80  }
0x46: {  	[sflag:s26] =	ssyncset.done @!p0 $0x0  }
0x47: {  	[sflag:s26] =	ssyncadd.s32 @!p0 $0xFFFFFF80  }
0x48: {  	s29 =	simm.s32 $0x3;
	_ =	swait.ge @!p0 [sflag:s26], $0x1000  }
0x49: {  	s31 =	sadd.s32 $0x400, s18;
	s30 =	simm.s32 @!p0 $0x80;
	[sflag:s26] =	ssyncset.done @!p0 $0x0  }
0x4a: {  	s28 =	simm.s32 $0x1;
	s24 =	sadd.s32 $0x20, s20;
	[sflag:s26] =	ssyncadd.s32 @!p0 $0xFFFFF000  }
0x4b: {  	[spmem:s2] =	stream.indirect.scatter.add.f32 @!p0 [tilespmem:s25], [sflag:$0x3], $0x20, s1, s30, $0xb8;
	[tilespmem:$0x1F5C0] =	vst v63  }
0x4c: {  	s0 =	simm.s32 @!p0 $0x3;
	s26 =	simm.s32 $0x3;
	s30 =	sadd.s32 $0x20, s17  }
0x4d: {  	s25 =	sadd.s32 $0x400, s19;
	s1 =	simm.s32 $0x2;
	_ =	swait.ge @!p0 [sflag:s0], $0x1000  }
.LBB2_4:
0x4e: {  	p3 =	sge.u32 s1, s4  }
0x4f: {  	[sflag:s0] =	ssyncset.done @!p0 $0x0;
	s5 =	smov.u32 s29;
	s29 =	sadd.s32 $0x2, s29  }
0x50: {  	s6 =	simm.s32 @!p3 $0x0;
	s1 =	simm.s32 @!p3 $0x1D4C0;
	[sflag:s0] =	ssyncadd.s32 @!p0 $0xFFFFF000  }
0x51: {  	[tilespmem:s1], [sflag:$0x1] =	stream.linear.gather @!p3 [hbm4b:s30+s6], $0x80, $0x38;
	[tilespmem:$0x1F5C0] =	vst v63  }
0x52: {  	p2 =	sge.u32 s28, s4;
	p1 =	sne.s32 s29, $0xC5;
	s7 =	simm.s32 @!p3 $0x1D5C0  }
0x53: {  	[tilespmem:s7], [sflag:$0x1] =	stream.linear.gather @!p3 [hbm4b:s31+s6], $0x1000, $0x38;
	[tilespmem:$0x1F5C0] =	vst v63  }
0x54: {  	s0 =	simm.s32 @!p2 $0x2;
	s28 =	smov.u32 s5;
	p0 =	por p3, p3  }
0x55: {  	_ =	swait.ge @!p2 [sflag:s0], $0x80  }
0x56: {  	[sflag:s0] =	ssyncset.done @!p2 $0x0  }
0x57: {  	[sflag:s0] =	ssyncadd.s32 @!p2 $0xFFFFFF80  }
0x58: {  	s5 =	simm.s32 @!p2 $0x1E5C0;
	_ =	swait.ge @!p2 [sflag:s0], $0x1000  }
0x59: {  	s12 =	simm.s32 @!p2 $0x1D540;
	s6 =	simm.s32 @!p2 $0x80;
	[sflag:s0] =	ssyncset.done @!p2 $0x0  }
0x5a: {  	[sflag:s0] =	ssyncadd.s32 @!p2 $0xFFFFF000;
	s0 =	simm.s32 @!p2 $0x4  }
0x5b: {  	[spmem:s2] =	stream.indirect.scatter.add.f32 @!p2 [tilespmem:s5], [sflag:$0x4], $0x20, s12, s6, $0xb8;
	[tilespmem:$0x1F5C0] =	vst v63  }
0x5c: {  	p3 =	sge.u32 s26, s4;
	s26 =	smov.u32 s29;
	_ =	swait.ge @!p2 [sflag:s0], $0x1000  }
0x5d: {  	s5 =	simm.s32 @!p3 $0x0;
	s6 =	simm.s32 @!p3 $0x1D540;
	[sflag:s0] =	ssyncset.done @!p2 $0x0  }
0x5e: {  	[sflag:s0] =	ssyncadd.s32 @!p2 $0xFFFFF000;
	s0 =	simm.s32 @!p3 $0x1E5C0  }
0x5f: {  	[tilespmem:s6], [sflag:$0x2] =	stream.linear.gather @!p3 [hbm4b:s24+s5], $0x80, $0x38;
	[tilespmem:$0x1F5C0] =	vst v63  }
0x60: {  	s6 =	simm.s32 @!p0 $0x1  }
0x61: {  	[tilespmem:s0], [sflag:$0x2] =	stream.linear.gather @!p3 [hbm4b:s25+s5], $0x1000, $0x38;
	[tilespmem:$0x1F5C0] =	vst v63  }
0x62: {  	_ =	swait.ge @!p0 [sflag:s6], $0x80  }
0x63: {  	[sflag:s6] =	ssyncset.done @!p0 $0x0  }
0x64: {  	[sflag:s6] =	ssyncadd.s32 @!p0 $0xFFFFFF80  }
.Ltmp1:
0x65: {  	s24 =	sadd.s32 $0x20, s24;
	_ =	swait.ge @!p0 [sflag:s6], $0x1000;
	(pc) =	sbr.rel @p1 .LBB2_4-.Ltmp1, $4  }
0x66: {  	s5 =	simm.s32 @!p0 $0x80;
	s0 =	simm.s32 @!p0 $0x3;
	[sflag:s6] =	ssyncset.done @!p0 $0x0  }
0x67: {  	s30 =	sadd.s32 $0x20, s30;
	s25 =	sadd.s32 $0x400, s25;
	[sflag:s6] =	ssyncadd.s32 @!p0 $0xFFFFF000  }
0x68: {  	[spmem:s2] =	stream.indirect.scatter.add.f32 @!p0 [tilespmem:s7], [sflag:$0x3], $0x20, s1, s5, $0xb8;
	[tilespmem:$0x1F5C0] =	vst v63  }
0x69: {  	s31 =	sadd.s32 $0x400, s31;
	s1 =	sadd.s32 $0x1, s28;
	_ =	swait.ge @!p0 [sflag:s0], $0x1000  }
0x6a: {  	p1 =	sge.u32 s1, s4;
	[sflag:s0] =	ssyncset.done @!p0 $0x0  }
0x6b: {  	s1 =	simm.s32 @!p1 $0x0;
	s5 =	simm.s32 @!p1 $0x1D4C0;
	[sflag:s0] =	ssyncadd.s32 @!p0 $0xFFFFF000  }
0x6c: {  	[tilespmem:s5], [sflag:$0x1] =	stream.linear.gather @!p1 [hbm4b:s30+s1], $0x80, $0x38;
	[tilespmem:$0x1F5C0] =	vst v63  }
0x6d: {  	p2 =	sge.u32 s28, s4;
	s0 =	simm.s32 @!p1 $0x1D5C0  }
0x6e: {  	[tilespmem:s0], [sflag:$0x1] =	stream.linear.gather @!p1 [hbm4b:s31+s1], $0x1000, $0x38;
	[tilespmem:$0x1F5C0] =	vst v63  }
0x6f: {  	s1 =	simm.s32 @!p2 $0x2  }
0x70: {  	_ =	swait.ge @!p2 [sflag:s1], $0x80  }
0x71: {  	[sflag:s1] =	ssyncset.done @!p2 $0x0  }
0x72: {  	[sflag:s1] =	ssyncadd.s32 @!p2 $0xFFFFFF80  }
0x73: {  	_ =	swait.ge @!p2 [sflag:s1], $0x1000  }
0x74: {  	s6 =	simm.s32 @!p2 $0x1E5C0;
	s7 =	simm.s32 @!p2 $0x80;
	[sflag:s1] =	ssyncset.done @!p2 $0x0  }
0x75: {  	s12 =	simm.s32 @!p2 $0x1D540;
	[sflag:s1] =	ssyncadd.s32 @!p2 $0xFFFFF000;
	s1 =	simm.s32 @!p2 $0x4  }
0x76: {  	[spmem:s2] =	stream.indirect.scatter.add.f32 @!p2 [tilespmem:s6], [sflag:$0x4], $0x20, s12, s7, $0xb8;
	[tilespmem:$0x1F5C0] =	vst v63  }
0x77: {  	_ =	swait.ge @!p2 [sflag:s1], $0x1000  }
0x78: {  	p0 =	por p1, p1;
	p1 =	sge.u32 s26, s4;
	[sflag:s1] =	ssyncset.done @!p2 $0x0  }
0x79: {  	s6 =	simm.s32 @!p1 $0x0;
	s7 =	simm.s32 @!p1 $0x1D540;
	[sflag:s1] =	ssyncadd.s32 @!p2 $0xFFFFF000  }
0x7a: {  	[tilespmem:s7], [sflag:$0x2] =	stream.linear.gather @!p1 [hbm4b:s24+s6], $0x80, $0x38;
	[tilespmem:$0x1F5C0] =	vst v63  }
0x7b: {  	s1 =	simm.s32 @!p1 $0x1E5C0;
	s7 =	simm.s32 @!p0 $0x1  }
0x7c: {  	[tilespmem:s1], [sflag:$0x2] =	stream.linear.gather @!p1 [hbm4b:s25+s6], $0x1000, $0x38;
	[tilespmem:$0x1F5C0] =	vst v63  }
0x7d: {  	_ =	swait.ge @!p0 [sflag:s7], $0x80  }
0x7e: {  	[sflag:s7] =	ssyncset.done @!p0 $0x0  }
0x7f: {  	[sflag:s7] =	ssyncadd.s32 @!p0 $0xFFFFFF80  }
0x80: {  	_ =	swait.ge @!p0 [sflag:s7], $0x1000  }
0x81: {  	[sflag:s7] =	ssyncset.done @!p0 $0x0  }
0x82: {  	s1 =	simm.s32 @!p0 $0x80;
	s6 =	simm.s32 @!p0 $0x3;
	[sflag:s7] =	ssyncadd.s32 @!p0 $0xFFFFF000  }
0x83: {  	[spmem:s2] =	stream.indirect.scatter.add.f32 @!p0 [tilespmem:s0], [sflag:$0x3], $0x20, s5, s1, $0xb8;
	[tilespmem:$0x1F5C0] =	vst v63  }
0x84: {  	_ =	swait.ge @!p0 [sflag:s6], $0x1000  }
0x85: {  	[sflag:s6] =	ssyncset.done @!p0 $0x0  }
0x86: {  	[sflag:s6] =	ssyncadd.s32 @!p0 $0xFFFFF000  }
0x87: {  	[bflag:$0x0] =	sbarrier.arrive $0xFFFF  }
0x88: {  	s29 =	rddreg [dreg:$0x4]  }
0x89: {  	[tilespmem:s21], [sflag:$0x3] =	stream.linear.gather [spmem:s29], $0x4E20, $0x38;
	[tilespmem:$0x1F5C0] =	vst v63  }
0x8a: {  	_ =	swait.ge [sflag:s22], $0x4E20  }
0x8b: {  	[sflag:s22] =	ssyncset.done $0x0  }
0x8c: {  	s30 =	rddreg [dreg:$0x7];
	[sflag:s22] =	ssyncadd.s32 $0xFFFFB1E0  }
0x8d: {  	[hbm4b:s30+s3] =	stream.linear.scatter [tilespmem:s21], [sflag:$0x3], $0x4E20, $0x38;
	[tilespmem:$0x1F5C0] =	vst v63  }
0x8e: {  	_ =	swait.ge [sflag:s22], $0x4E20  }
0x8f: {  	[sflag:s22] =	ssyncset.done $0x0  }
0x90: {  	[sflag:s22] =	ssyncadd.s32 $0xFFFFB1E0  }
0x91: {  	[tilespmem:s21], [sflag:$0x3] =	stream.linear.gather [spmem:s8], $0x4E20, $0x38;
	[tilespmem:$0x1F5C0] =	vst v63  }
0x92: {  	_ =	swait.ge [sflag:s22], $0x4E20  }
0x93: {  	[sflag:s22] =	ssyncset.done $0x0  }
0x94: {  	[sflag:s22] =	ssyncadd.s32 $0xFFFFB1E0  }
0x95: {  	[hbm4b:s13+s3] =	stream.linear.scatter [tilespmem:s21], [sflag:$0x3], $0x4E20, $0x38;
	[tilespmem:$0x1F5C0] =	vst v63  }
0x96: {  	_ =	swait.ge [sflag:s22], $0x4E20  }
0x97: {  	[sflag:s22] =	ssyncset.done $0x0  }
0x98: {  	[sflag:s22] =	ssyncadd.s32 $0xFFFFB1E0  }
0x99: {  	[tilespmem:s21], [sflag:$0x3] =	stream.linear.gather [spmem:s9], $0x4E20, $0x38;
	[tilespmem:$0x1F5C0] =	vst v63  }
0x9a: {  	_ =	swait.ge [sflag:s22], $0x4E20  }
0x9b: {  	[sflag:s22] =	ssyncset.done $0x0  }
0x9c: {  	[sflag:s22] =	ssyncadd.s32 $0xFFFFB1E0  }
0x9d: {  	[hbm4b:s14+s3] =	stream.linear.scatter [tilespmem:s21], [sflag:$0x3], $0x4E20, $0x38;
	[tilespmem:$0x1F5C0] =	vst v63  }
0x9e: {  	_ =	swait.ge [sflag:s22], $0x4E20  }
0x9f: {  	[sflag:s22] =	ssyncset.done $0x0  }
0xa0: {  	[sflag:s22] =	ssyncadd.s32 $0xFFFFB1E0  }
0xa1: {  	[tilespmem:s21], [sflag:$0x3] =	stream.linear.gather [spmem:s10], $0x4E20, $0x38;
	[tilespmem:$0x1F5C0] =	vst v63  }
0xa2: {  	_ =	swait.ge [sflag:s22], $0x4E20  }
0xa3: {  	[sflag:s22] =	ssyncset.done $0x0  }
0xa4: {  	[sflag:s22] =	ssyncadd.s32 $0xFFFFB1E0  }
0xa5: {  	[hbm4b:s15+s3] =	stream.linear.scatter [tilespmem:s21], [sflag:$0x3], $0x4E20, $0x38;
	[tilespmem:$0x1F5C0] =	vst v63  }
0xa6: {  	_ =	swait.ge [sflag:s22], $0x4E20  }
0xa7: {  	[sflag:s22] =	ssyncset.done $0x0  }
0xa8: {  	[sflag:s22] =	ssyncadd.s32 $0xFFFFB1E0  }
0xa9: {  	[tilespmem:s21], [sflag:$0x3] =	stream.linear.gather [spmem:s11], $0x4E20, $0x38;
	[tilespmem:$0x1F5C0] =	vst v63  }
0xaa: {  	_ =	swait.ge [sflag:s22], $0x4E20  }
0xab: {  	[sflag:s22] =	ssyncset.done $0x0  }
0xac: {  	[sflag:s22] =	ssyncadd.s32 $0xFFFFB1E0  }
0xad: {  	[hbm4b:s16+s3] =	stream.linear.scatter [tilespmem:s21], [sflag:$0x3], $0x4E20, $0x38;
	[tilespmem:$0x1F5C0] =	vst v63  }
0xae: {  	_ =	swait.ge [sflag:s22], $0x4E20  }
0xaf: {  	s23 =	sadd.s32 $0x1, s23;
	s31 =	rddreg [dreg:$0x5]  }
0xb0: {  	p0 =	sne.s32 s23, s31  }
.Ltmp2:
0xb1: {  	_ = 	snop;
	(pc) =	sbr.rel @p0 .LBB2_1-.Ltmp2, $3  }
0xb2: {  	_ =	sdelay $0x1  }
0xb3: {  	[sflag:s22] =	ssyncset.done $0x0  }
0xb4: {  	[sflag:s22] =	ssyncadd.s32 $0xFFFFB1E0  }
0xb5: {  	_ =	sfence.sel $0x180000  }
0xb6: {  	[bflag:$0x0] =	sbarrier.arrive $0xFFFF  }
0xb7: {  	_ =	strace $0x90000050  }
0xb8: {  	s0 =	stileid.u32;
	[bflag:$0x2] =	sbarrier.arrive $0xFFFF  }
0xb9: {  	p0 =	sne.s32 s0, $0x0;
	s0 =	rddreg [dreg:$0x3]  }
0xba: {  	s0 =	sadd.s32 @!p0 $0x100000, s0  }
0xbb: {  	[sflag:s0] =	ssyncadd.tile.s32 @!p0 $0x1;
	_ =	shalt  }
.Lfunc_end2:
_tile_overlayer_lowered:
.L_overlay_start_2:
0xbc: {  	(tag) =	ssettag $0x2  }
0xbd: {  	s0 =	rddreg [dreg:$0x0];
	s2 =	stileid.u32  }
0xbe: {  	s1 =	rddreg [dreg:$0x1];
	p0 =	sne.s32 s2, $0x0  }
0xbf: {  	s3 =	rddreg [dreg:$0x2];
	[bflag:$0x3] =	sbarrier.arrive $0xFFFF;
	s2 =	simm.s32 @!p0 $0x1C03  }
0xc0: {  	[timem:s3], [sflag:s2] =	dma.local @!p0 [hbm:s0], s1  }
0xc1: {  	s0 =	simm.s32 @!p0 $0x3  }
0xc2: {  	_ =	swait.ge @!p0 [sflag:s0], s1  }
0xc3: {  	s1 =	ssub.s32 @!p0 $0x0, s1;
	[sflag:s0] =	ssyncset.done @!p0 $0x0  }
0xc4: {  	[sflag:s0] =	ssyncadd.s32 @!p0 s1  }
0xc5: {  	[bflag:$0x3] =	sbarrier.arrive $0xFFFF  }
0xc6: {  	_ =	shalt  }

// kernel: kernel.24.cloned.1.call-start
scs
__scs_entry_jumppad:
0x0: {  	(pc) =	sbr.rel $0x88, $3  }
0x1: {  	(tag) =	ssettag $0x0;
	lr =	simm.s32 $0x1  }
0x2: {  	[smem:$0x3F82] =	sst lr;
	_ =	strace $0xD0000000  }
0x3: {  	_ = 	snop  }
0x4: {  	_ = 	snop  }
0x5: {  	_ = 	snop  }
0x6: {  	_ = 	snop  }
0x7: {  	_ = 	snop  }
__scs_overlays_trampoline_lowered:
0x8: {  	[smem:$0x3F91] =	sst s0  }
0x9: {  	[smem:$0x3F92] =	sst s1  }
0xa: {  	[smem:$0x3F93] =	sst s2  }
0xb: {  	[smem:$0x3F94] =	sst s3  }
0xc: {  	[smem:$0x3F95] =	sst s4  }
0xd: {  	[smem:$0x3F96] =	sst s5  }
0xe: {  	[smem:$0x3F97] =	sst s6  }
0xf: {  	[smem:$0x3F98] =	sst s7  }
0x10: {  	[smem:$0x3F99] =	sst s8  }
0x11: {  	[smem:$0x3F9A] =	sst s9;
	s0 =	simm.s32 @!p0 $0x0  }
0x12: {  	s1 =	sld [smem:$0x3F80];
	s0 =	simm.s32 @p0 $0x1  }
0x13: {  	[smem:$0x3F9B] =	sst s0;
	s0 =	simm.s32 @!p1 $0x0  }
0x14: {  	s2 =	sld [smem:$0x3F7F];
	s0 =	simm.s32 @p1 $0x1  }
0x15: {  	[smem:$0x3F9C] =	sst s0;
	s0 =	simm.s32 @!p2 $0x0  }
0x16: {  	s3 =	sld [smem:$0x3FDB];
	s0 =	simm.s32 @p2 $0x1  }
0x17: {  	s4 =	simm.s32 $0x1BF5;
	[smem:$0x3F9E] =	sst s0  }
0x18: {  	s0 =	sld [smem:$0x3F81];
	_ =	swait.ge [sflag:s4], $0x0  }
0x19: {  	s7 =	sld [smem:$0x3F82]  }
0x1a: {  	s8 =	sadd.s32 $0xFFFFE003, lr  }
0x1b: {  	s9 =	sadd.s32 $0xFFFFFEF7, lr;
	s5 =	simm.s32 $0xFFFFFFFF;
	p2 =	slt.u32 s8, $0xFFFFF086  }
0x1c: {  	p1 =	slt.u32 s9, $0xF7A;
	s5 =	simm.s32 @!p2 $0x0  }
0x1d: {  	s5 =	simm.s32 @p1 $0x1;
	p0 =	seq.s32 s7, s2  }
0x1e: {  	s7 =	smul.u32 @!p0 $0xF7A, s2;
	p2 =	seq.s32 @!p0 s5, $0x0  }
0x1f: {  	s9 =	smul.u32 $0xF7A, s1;
	s8 =	simm.s32 @!p0 $0x1BF5;
	p2 =	por !p2, p0  }
0x20: {  	[sflag:s8] =	ssyncset.s32 @!p0 $0xFFFFF086;
	s6 =	sadd.s32 @!p0 s3, s7;
	s7 =	simm.s32 @!p0 $0x108  }
0x21: {  	s3 =	sadd.s32 s3, s9;
	s6 =	sadd.s32 @!p0 $0x88, s6;
	s7 =	simm.s32 @p2 $0x1082  }
0x22: {  	[simem:s7], [sflag:s8] =	dma.local @!p0 [hbm:s6], $0xF7A  }
0x23: {  	s9 =	sor.u32 $0xD0000000, s2;
	s6 =	simm.s32 $0x108;
	_ =	swait.ge @!p0 [sflag:s8], $0x0  }
0x24: {  	s3 =	sadd.s32 $0x88, s3;
	s6 =	simm.s32 @!p1 $0x1082;
	[sflag:s4] =	ssyncset.s32 $0xFFFFF086  }
0x25: {  	[simem:s6], [sflag:s4] =	dma.local [hbm:s3], $0xF7A  }
0x26: {  	[smem:$0x3F82] =	sst s1;
	(tag) =	ssettag s2;
	_ =	strace s9  }
0x27: {  	s1 =	sld [smem:$0x3F92]  }
0x28: {  	s2 =	sld [smem:$0x3F93]  }
0x29: {  	s4 =	sld [smem:$0x3F95]  }
0x2a: {  	p0 =	seq.s32 s5, $0x0;
	s5 =	sld [smem:$0x3F96]  }
0x2b: {  	s6 =	sld [smem:$0x3F97]  }
0x2c: {  	s7 =	sld [smem:$0x3F98]  }
0x2d: {  	s3 =	simm.s32 $0x108;
	s8 =	sld [smem:$0x3F99]  }
0x2e: {  	s3 =	simm.s32 @!p0 $0x1082;
	s9 =	sld [smem:$0x3F9A]  }
0x2f: {  	lr =	sadd.s32 s0, s3;
	s0 =	sld [smem:$0x3F91]  }
0x30: {  	s3 =	sld [smem:$0x3F94]  }
0x31: {  	[smem:$0x3F9D] =	sst s10  }
0x32: {  	s10 =	sld [smem:$0x3F9B];
	_ =	sdelay $0x3  }
0x33: {  	p0 =	seq.s32 s10, $0x1;
	s10 =	sld [smem:$0x3F9D];
	_ =	sdelay $0x3  }
0x34: {  	[smem:$0x3F9D] =	sst s10  }
0x35: {  	s10 =	sld [smem:$0x3F9C];
	_ =	sdelay $0x3  }
0x36: {  	p1 =	seq.s32 s10, $0x1;
	s10 =	sld [smem:$0x3F9D];
	_ =	sdelay $0x3  }
0x37: {  	[smem:$0x3F9D] =	sst s10  }
0x38: {  	s10 =	sld [smem:$0x3F9E]  }
0x39: {  	_ = 	snop;
	(pc) =	sbr.ind lr, $3  }
0x3a: {  	_ = 	snop  }
0x3b: {  	_ = 	snop  }
0x3c: {  	p2 =	seq.s32 s10, $0x1;
	s10 =	sld [smem:$0x3F9D]  }
0x3d: {  	_ =	shalt  }
0x3e: {  	_ =	shalt  }
0x3f: {  	_ =	shalt  }
0x40: {  	_ =	shalt  }
0x41: {  	_ =	shalt  }
0x42: {  	_ =	shalt  }
0x43: {  	_ =	shalt  }
0x44: {  	_ =	shalt  }
0x45: {  	_ =	shalt  }
0x46: {  	_ =	shalt  }
0x47: {  	_ =	shalt  }
0x48: {  	_ =	shalt  }
0x49: {  	_ =	shalt  }
0x4a: {  	_ =	shalt  }
0x4b: {  	_ =	shalt  }
0x4c: {  	_ =	shalt  }
0x4d: {  	_ =	shalt  }
0x4e: {  	_ =	shalt  }
0x4f: {  	_ =	shalt  }
0x50: {  	_ =	shalt  }
0x51: {  	_ =	shalt  }
0x52: {  	_ =	shalt  }
0x53: {  	_ =	shalt  }
0x54: {  	_ =	shalt  }
0x55: {  	_ =	shalt  }
0x56: {  	_ =	shalt  }
0x57: {  	_ =	shalt  }
0x58: {  	_ =	shalt  }
0x59: {  	_ =	shalt  }
0x5a: {  	_ =	shalt  }
0x5b: {  	_ =	shalt  }
0x5c: {  	_ =	shalt  }
0x5d: {  	_ =	shalt  }
0x5e: {  	_ =	shalt  }
0x5f: {  	_ =	shalt  }
0x60: {  	_ =	shalt  }
0x61: {  	_ =	shalt  }
0x62: {  	_ =	shalt  }
0x63: {  	_ =	shalt  }
0x64: {  	_ =	shalt  }
0x65: {  	_ =	shalt  }
0x66: {  	_ =	shalt  }
0x67: {  	_ =	shalt  }
0x68: {  	_ =	shalt  }
0x69: {  	_ =	shalt  }
0x6a: {  	_ =	shalt  }
0x6b: {  	_ =	shalt  }
0x6c: {  	_ =	shalt  }
0x6d: {  	_ =	shalt  }
0x6e: {  	_ =	shalt  }
0x6f: {  	_ =	shalt  }
0x70: {  	_ =	shalt  }
0x71: {  	_ =	shalt  }
0x72: {  	_ =	shalt  }
0x73: {  	_ =	shalt  }
0x74: {  	_ =	shalt  }
0x75: {  	_ =	shalt  }
0x76: {  	_ =	shalt  }
0x77: {  	_ =	shalt  }
0x78: {  	_ =	shalt  }
0x79: {  	_ =	shalt  }
0x7a: {  	_ =	shalt  }
0x7b: {  	_ =	shalt  }
0x7c: {  	_ =	shalt  }
0x7d: {  	_ =	shalt  }
0x7e: {  	_ =	shalt  }
0x7f: {  	_ =	shalt  }
0x80: {  	_ =	shalt  }
0x81: {  	_ =	shalt  }
0x82: {  	_ =	shalt  }
0x83: {  	_ =	shalt  }
0x84: {  	_ =	shalt  }
0x85: {  	_ =	shalt  }
0x86: {  	_ =	shalt  }
0x87: {  	_ =	shalt  }
.Lfunc_end0:
.L_simem_size_0:
called_computation.4_lowered:
.L_overlay_start_0:
0x88: {  	s2 =	sld [smem:$0x3FD9]  }
0x89: {  	s3 =	sld [smem:$0x3FFE];
	_ =	sdelay $0x1  }
0x8a: {  	s1 =	srdreg.scid  }
0x8b: {  	s0 =	sand.u32 $0x1, s1  }
0x8c: {  	s16 =	sshll.u32 s0, $0xA;
	s2 =	sadd.s32 s3, s2  }
0x8d: {  	s2 =	sadd.s32 s2, s16  }
0x8e: {  	[smem:$0x3FA9] =	sst s2  }
0x8f: {  	_ = 	snop  }
0x90: {  	(tm) =	ssettm $0x1  }
0x91: {  	s17 =	sld [smem:$0x3FFB];
	_ =	sdelay $0x3  }
0x92: {  	_ =	strace s17  }
0x93: {  	s2 =	sld [smem:$0x3FFC];
	_ =	sdelay $0x3  }
0x94: {  	_ =	strace s2  }
0x95: {  	s2 =	sld [smem:$0x3FFD];
	_ =	sdelay $0x3  }
0x96: {  	_ =	strace s2  }
0x97: {  	_ =	strace $0x8FFFFFFF  }
0x98: {  	s18 =	sld [smem:$0x3FDB];
	_ =	sdelay $0x1  }
0x99: {  	s19 =	simm.s32 $_scs_section_size  }
0x9a: {  	s4 =	simm.s32 $_size__tile_overlayer_lowered;
	s5 =	simm.s32 $_tile_overlayer_lowered  }
0x9b: {  	s22 =	simm.s32 $0x1BFF;
	s21 =	sshll.u32 s5, $0x1;
	s2 =	sadd.s32 s19, s18  }
0x9c: {  	s6 =	simm.s32 $0x0;
	s20 =	sshll.u32 s4, $0x1;
	s4 =	sadd.s32 s21, s2  }
0x9d: {  	[timem:s6], [sflag:s22] =	dma.local [hbm:s4], s20  }
0x9e: {  	_ =	swait.ge [sflag:s22], s20  }
0x9f: {  	s3 =	ssub.s32 $0x0, s20;
	[sflag:s22] =	ssyncset.done $0x0  }
0xa0: {  	[sflag:s22] =	ssyncadd.s32 s3;
	_ =	sdelay $0x1  }
0xa1: {  	s23 =	simm.s32 $0x1B8B  }
0xa2: {  	_ =	swait.ge [sflag:s23], $0x1  }
0xa3: {  	[sflag:s23] =	ssyncset.done $0x0  }
0xa4: {  	s25 =	simm.s32 $0x1B8E;
	s24 =	sld [smem:$0x3FFE];
	[sflag:s23] =	ssyncadd.s32 $0xFFFFFFFF  }
0xa5: {  	s26 =	simm.s32 $execute0_lowered;
	[smem:$0x3FD2] =	sst s25  }
0xa6: {  	s4 =	sshll.u32 s26, $0x1;
	_ =	strace $0x80000052;
	[dreg:$0x1] =	wrdreg $0xFFFFFFFF  }
0xa7: {  	s28 =	simm.s32 $_size_execute0_lowered;
	s2 =	sadd.s32 s2, s4;
	[dreg:$0x0] =	wrdreg $0x0  }
0xa8: {  	s4 =	sshll.u32 s28, $0x1;
	[dreg:$0x2] =	wrdreg s2  }
0xa9: {  	[dreg:$0x3] =	wrdreg s4  }
0xaa: {  	[dreg:$0x4] =	wrdreg $0xC0  }
0xab: {  	_ =	task [dreg:s6], $0x5FFFF  }
0xac: {  	[dreg:$0x1] =	wrdreg $0xFFFFFFFF  }
0xad: {  	[dreg:$0x0] =	wrdreg $0x60  }
0xae: {  	[dreg:$0x2] =	wrdreg s24  }
0xaf: {  	[dreg:$0x3] =	wrdreg $0x9  }
0xb0: {  	_ =	task.clear_ibuf [dreg:s6], $0x4FFFF;
	_ =	strace $0x90000052  }
0xb1: {  	s29 =	simm.s32 $0x9;
	_ =	strace $0x80000054  }
0xb2: {  	_ =	swait.ge [sflag:s29], $0x1  }
0xb3: {  	[sflag:s29] =	ssyncadd.s32 $0xFFFFFFFF  }
0xb4: {  	_ =	strace $0x90000054  }
0xb5: {  	_ =	sfence  }
0xb6: {  	s30 =	sld [smem:$0x0];
	_ =	sdelay $0x2  }
0xb7: {  	s31 =	sshll.u32 s1, $0xD;
	s1 =	sshrl.u32 s1, $0x2  }
0xb8: {  	s3 =	sand.u32 $0x4000, s31;
	s1 =	sadd.s32 s1, s30  }
0xb9: {  	s0 =	sor.u32 s3, s0;
	s1 =	sshll.u32 s1, $0x11  }
0xba: {  	s0 =	sor.u32 s1, s0  }
0xbb: {  	s0 =	sadd.s32 $0x8F2B, s0  }
0xbc: {  	[sflag:s0] =	ssyncadd.remote.s32 $0x1  }
0xbd: {  	_ =	sfence.sel $0xFFFF  }
0xbe: {  	[dreg:$0x0] =	wrdreg $0xFFFFFFFF;
	(pc) =	sbr.abs _section_cstart, $3  }
0xbf: {  	[dreg:$0x1] =	wrdreg $0xFFFFFFFF  }
0xc0: {  	_ =	task.clear_ibuf [dreg:s6], $0x2FFFF;
	_ =	strace $0x9FFFFFFF  }
0xc1: {  	(tm) =	ssettm $0x7FFFFFFF  }
tec
execute0_lowered:
.L_overlay_start_1:
0x0: {  	(tag) =	ssettag $0x1  }
0x1: {  	s1 =	srdreg.scid;
	s0 =	stileid.u32  }
0x2: {  	s6 =	rddreg [dreg:$0x0];
	s2 =	simm.s32 $0x0;
	s8 =	sand.u32 $0x1, s1  }
0x3: {  	s25 =	sshll.u32 s0, $0x1;
	s1 =	rddreg [dreg:$0x1];
	s11 =	smul.u32 $0x186, s0  }
0x4: {  	[smem:$0x7FF] =	sst s2;
	p0 =	slt.u32 s0, $0x5;
	s14 =	smul.u32 $0x30C00, s0  }
0x5: {  	s3 =	sor.u32 s8, s25;
	s7 =	ssub.s32 $0x2, s8;
	s13 =	smul.u32 $0xC3, s8  }
0x6: {  	_ =	strace $0x80000053;
	s26 =	smul.u32 $0x18600, s8;
	s12 =	sshrl.u32 s7, $0x1  }
0x7: {  	s4 =	smul.u32 $0xC3, s3;
	s9 =	smin.u32 s3, $0xA;
	s12 =	ssub.s32 s7, s12  }
0x8: {  	s11 =	sadd.s32 s13, s11;
	s7 =	simm.s32 $0xC4;
	s29 =	sadd.s32 s26, s14  }
0x9: {  	s30 =	sshll.u32 s9, $0x9;
	s3 =	sadd.s32 s9, s4;
	s4 =	sadd.s32 $0x38C00, s6  }
0xa: {  	s7 =	simm.s32 @!p0 $0xC3;
	s28 =	sadd.s32 s9, s11;
	s9 =	smax.u32 s12, $0x1  }
0xb: {  	s11 =	sadd.s32 s30, s29;
	s12 =	simm.s32 $0x0;
	s5 =	sshll.u32 s3, $0x4  }
0xc: {  	s3 =	sadd.s32 $0x7C00, s6;
	s11 =	sadd.s32 $0xFFFFFE00, s11;
	s10 =	sadd.s32 s5, s6  }
0xd: {  	s5 =	sadd.s32 $0xCCE00, s6;
	s8 =	sadd.s32 $0x83600, s10;
	s10 =	sshll.u32 s28, $0x9  }
0xe: {  	s6 =	sadd.s32 $0x3DA200, s6;
	[dreg:$0x2] =	wrdreg s11;
	s31 =	sadd.s32 s10, s5  }
0xf: {  	s11 =	simm.s32 $0x5;
	s10 =	sadd.s32 s10, s6;
	[dreg:$0x3] =	wrdreg s31  }
.LBB2_1:
0x10: {  	[tilespmem:s2], [sflag:$0x5] =	stream.linear.gather [hbm4b:s8+s2], $0x6200, $0x38;
	[tilespmem:$0xA200] =	vst v63  }
0x11: {  	_ =	swait.ge [sflag:s11], $0x6200  }
0x12: {  	p1 =	sle.u32 s7, $0xFFFFFFFE;
	[sflag:s11] =	ssyncset.done $0x0  }
0x13: {  	s13 =	simm.s32 @!p1 $0x3;
	[sflag:s11] =	ssyncadd.s32 $0xFFFF9E00  }
0x14: {  	_ =	swait.ge @!p1 [sflag:s13], $0x1000  }
0x15: {  	[sflag:s13] =	ssyncset.done @!p1 $0x0  }
0x16: {  	[sflag:s13] =	ssyncadd.s32 @!p1 $0xFFFFF000  }
0x17: {  	p0 =	sle.u32 s7, $0x0;
	_ =	swait.ge @!p1 [sflag:s13], $0x1000  }
0x18: {  	s14 =	simm.s32 @!p0 $0x0;
	s17 =	simm.s32 @!p0 $0x80;
	[sflag:s13] =	ssyncset.done @!p1 $0x0  }
0x19: {  	s15 =	simm.s32 @!p0 $0x6200;
	[sflag:s13] =	ssyncadd.s32 @!p1 $0xFFFFF000;
	p1 =	sle.u32 s7, $0xFFFFFFFF  }
0x1a: {  	[tilespmem:s15], [sflag:$0x1] =	stream.indirect.gather @!p0 [hbm4b:s3+s17], $0x20, s14, s17, $0xb8;
	[tilespmem:$0xA200] =	vst v63  }
0x1b: {  	s16 =	simm.s32 @!p0 $0x8200;
	s13 =	simm.s32 @!p1 $0x2  }
0x1c: {  	[tilespmem:s16], [sflag:$0x1] =	stream.indirect.gather @!p0 [hbm4b:s4+s17], $0x20, s14, s17, $0xb8;
	[tilespmem:$0xA200] =	vst v63  }
0x1d: {  	_ =	swait.ge @!p1 [sflag:s13], $0x1000  }
0x1e: {  	[sflag:s13] =	ssyncset.done @!p1 $0x0  }
0x1f: {  	[sflag:s13] =	ssyncadd.s32 @!p1 $0xFFFFF000  }
0x20: {  	_ =	swait.ge @!p1 [sflag:s13], $0x1000  }
0x21: {  	s14 =	rddreg [dreg:$0x2]  }
0x22: {  	s14 =	sadd.s32 @!p1 $0x0, s14  }
0x23: {  	s17 =	simm.s32 @!p1 $0x7200;
	[sflag:s13] =	ssyncset.done @!p1 $0x0;
	s14 =	sand.u32 @!p1 $0x1FFFFE00, s14  }
0x24: {  	[sflag:s13] =	ssyncadd.s32 @!p1 $0xFFFFF000;
	s13 =	simm.s32 @!p1 $0x0;
	s18 =	sadd.s32 @!p1 s5, s14  }
0x25: {  	[hbm4b:s18+s13] =	stream.linear.scatter @!p1 [tilespmem:s17], [sflag:$0x4], $0x1000, $0x38;
	[tilespmem:$0xA200] =	vst v63  }
0x26: {  	s14 =	sadd.s32 @!p1 s6, s14;
	s17 =	simm.s32 @!p1 $0x9200;
	s18 =	simm.s32 @!p1 $0x4  }
0x27: {  	[hbm4b:s14+s13] =	stream.linear.scatter @!p1 [tilespmem:s17], [sflag:$0x4], $0x1000, $0x38;
	[tilespmem:$0xA200] =	vst v63  }
0x28: {  	_ =	swait.ge @!p1 [sflag:s18], $0x1000  }
0x29: {  	[sflag:s18] =	ssyncset.done @!p1 $0x0  }
0x2a: {  	[sflag:s18] =	ssyncadd.s32 @!p1 $0xFFFFF000  }
0x2b: {  	p2 =	sle.u32 s7, $0x1;
	_ =	swait.ge @!p1 [sflag:s18], $0x1000  }
0x2c: {  	s13 =	simm.s32 @!p2 $0x7200;
	[sflag:s18] =	ssyncset.done @!p1 $0x0  }
0x2d: {  	s14 =	simm.s32 @!p2 $0x80;
	s17 =	simm.s32 @!p2 $0x80;
	[sflag:s18] =	ssyncadd.s32 @!p1 $0xFFFFF000  }
0x2e: {  	[tilespmem:s13], [sflag:$0x2] =	stream.indirect.gather @!p2 [hbm4b:s3+s17], $0x20, s14, s17, $0xb8;
	[tilespmem:$0xA200] =	vst v63  }
0x2f: {  	s18 =	simm.s32 @!p0 $0x1;
	s13 =	simm.s32 @!p2 $0x9200  }
0x30: {  	[tilespmem:s13], [sflag:$0x2] =	stream.indirect.gather @!p2 [hbm4b:s4+s17], $0x20, s14, s17, $0xb8;
	[tilespmem:$0xA200] =	vst v63  }
0x31: {  	_ =	swait.ge @!p0 [sflag:s18], $0x1000  }
0x32: {  	[sflag:s18] =	ssyncset.done @!p0 $0x0  }
0x33: {  	s19 =	simm.s32 @!p0 $0x0;
	[sflag:s18] =	ssyncadd.s32 @!p0 $0xFFFFF000  }
0x34: {  	s13 =	simm.s32 $0x400;
	s17 =	simm.s32 $0x800;
	_ =	swait.ge @!p0 [sflag:s18], $0x1000  }
0x35: {  	s14 =	simm.s32 $0x2;
	p2 =	sle.u32 s7, $0x0;
	[sflag:s18] =	ssyncset.done @!p0 $0x0  }
0x36: {  	s20 =	rddreg [dreg:$0x3];
	[sflag:s18] =	ssyncadd.s32 @!p0 $0xFFFFF000;
	s18 =	simm.s32 $0x0  }
.LBB2_2:
0x37: {  	s20 =	sadd.s32 @!p0 s18, s20  }
0x38: {  	[hbm4b:s20+s19] =	stream.linear.scatter @!p0 [tilespmem:s15], [sflag:$0x3], $0x1000, $0x38;
	[tilespmem:$0xA200] =	vst v63  }
0x39: {  	s21 =	sadd.s32 @!p0 s18, s10;
	s15 =	simm.s32 @!p2 $0x3  }
0x3a: {  	[hbm4b:s21+s19] =	stream.linear.scatter @!p0 [tilespmem:s16], [sflag:$0x3], $0x1000, $0x38;
	[tilespmem:$0xA200] =	vst v63  }
0x3b: {  	_ =	swait.ge @!p2 [sflag:s15], $0x1000  }
0x3c: {  	[sflag:s15] =	ssyncset.done @!p2 $0x0  }
0x3d: {  	s18 =	smov.u32 s13;
	[sflag:s15] =	ssyncadd.s32 @!p2 $0xFFFFF000  }
0x3e: {  	s29 =	sadd.s32 $0xFFFFFFFF, s14;
	p0 =	sge.u32 s14, s7;
	_ =	swait.ge @!p2 [sflag:s15], $0x1000  }
0x3f: {  	s19 =	sshra.s32 @!p0 s18, $0x2;
	s20 =	simm.s32 @!p0 $0x80;
	[sflag:s15] =	ssyncset.done @!p2 $0x0  }
0x40: {  	[sflag:s15] =	ssyncadd.s32 @!p2 $0xFFFFF000;
	s15 =	simm.s32 @!p0 $0x6200;
	p2 =	sge.u32 s29, s7  }
0x41: {  	[tilespmem:s15], [sflag:$0x1] =	stream.indirect.gather @!p0 [hbm4b:s3+s20], $0x20, s19, s20, $0xb8;
	[tilespmem:$0xA200] =	vst v63  }
0x42: {  	s16 =	simm.s32 @!p0 $0x8200;
	s21 =	simm.s32 @!p2 $0x2  }
0x43: {  	[tilespmem:s16], [sflag:$0x1] =	stream.indirect.gather @!p0 [hbm4b:s4+s20], $0x20, s19, s20, $0xb8;
	[tilespmem:$0xA200] =	vst v63  }
0x44: {  	_ =	swait.ge @!p2 [sflag:s21], $0x1000  }
0x45: {  	[sflag:s21] =	ssyncset.done @!p2 $0x0  }
0x46: {  	[sflag:s21] =	ssyncadd.s32 @!p2 $0xFFFFF000  }
0x47: {  	_ =	swait.ge @!p2 [sflag:s21], $0x1000  }
0x48: {  	s19 =	rddreg [dreg:$0x2]  }
0x49: {  	s19 =	sadd.s32 @!p2 s18, s19  }
0x4a: {  	s20 =	simm.s32 @!p2 $0x7200;
	[sflag:s21] =	ssyncset.done @!p2 $0x0;
	s19 =	sand.u32 @!p2 $0x1FFFFE00, s19  }
0x4b: {  	[sflag:s21] =	ssyncadd.s32 @!p2 $0xFFFFF000;
	s21 =	simm.s32 @!p2 $0x0;
	s22 =	sadd.s32 @!p2 s5, s19  }
0x4c: {  	[hbm4b:s22+s21] =	stream.linear.scatter @!p2 [tilespmem:s20], [sflag:$0x4], $0x1000, $0x38;
	[tilespmem:$0xA200] =	vst v63  }
0x4d: {  	s23 =	simm.s32 @!p2 $0x9200;
	s19 =	sadd.s32 @!p2 s6, s19;
	s20 =	simm.s32 @!p2 $0x4  }
0x4e: {  	[hbm4b:s19+s21] =	stream.linear.scatter @!p2 [tilespmem:s23], [sflag:$0x4], $0x1000, $0x38;
	[tilespmem:$0xA200] =	vst v63  }
0x4f: {  	_ =	swait.ge @!p2 [sflag:s20], $0x1000  }
0x50: {  	[sflag:s20] =	ssyncset.done @!p2 $0x0  }
0x51: {  	s30 =	sadd.s32 $0x1, s14;
	[sflag:s20] =	ssyncadd.s32 @!p2 $0xFFFFF000  }
0x52: {  	s13 =	smov.u32 s17;
	p3 =	sge.u32 s30, s7;
	_ =	swait.ge @!p2 [sflag:s20], $0x1000  }
0x53: {  	s22 =	simm.s32 @!p3 $0x80;
	s19 =	sshra.s32 @!p3 s18, $0x2;
	[sflag:s20] =	ssyncset.done @!p2 $0x0  }
0x54: {  	s21 =	simm.s32 @!p3 $0x7200;
	s19 =	sadd.s32 @!p3 $0x80, s19;
	[sflag:s20] =	ssyncadd.s32 @!p2 $0xFFFFF000  }
0x55: {  	[tilespmem:s21], [sflag:$0x2] =	stream.indirect.gather @!p3 [hbm4b:s3+s22], $0x20, s19, s22, $0xb8;
	[tilespmem:$0xA200] =	vst v63  }
0x56: {  	s17 =	sadd.s32 $0x400, s17;
	s20 =	simm.s32 @!p3 $0x9200;
	s21 =	simm.s32 @!p0 $0x1  }
0x57: {  	[tilespmem:s20], [sflag:$0x2] =	stream.indirect.gather @!p3 [hbm4b:s4+s22], $0x20, s19, s22, $0xb8;
	[tilespmem:$0xA200] =	vst v63  }
0x58: {  	p1 =	sne.s32 s17, $0x18C00;
	_ =	swait.ge @!p0 [sflag:s21], $0x1000  }
.Ltmp0:
0x59: {  	[sflag:s21] =	ssyncset.done @!p0 $0x0;
	(pc) =	sbr.rel @p1 .LBB2_2-.Ltmp0, $4  }
0x5a: {  	s14 =	sadd.s32 $0x2, s14;
	[sflag:s21] =	ssyncadd.s32 @!p0 $0xFFFFF000  }
0x5b: {  	s31 =	sadd.s32 $0xFFFFFFFE, s14;
	_ =	swait.ge @!p0 [sflag:s21], $0x1000  }
0x5c: {  	p2 =	sge.u32 s31, s7;
	[sflag:s21] =	ssyncset.done @!p0 $0x0  }
0x5d: {  	s19 =	simm.s32 @!p0 $0x0;
	s20 =	rddreg [dreg:$0x3];
	[sflag:s21] =	ssyncadd.s32 @!p0 $0xFFFFF000  }
0x5e: {  	s17 =	sadd.s32 @!p0 s18, s20  }
0x5f: {  	[hbm4b:s17+s19] =	stream.linear.scatter @!p0 [tilespmem:s15], [sflag:$0x3], $0x1000, $0x38;
	[tilespmem:$0xA200] =	vst v63  }
0x60: {  	s15 =	sadd.s32 @!p0 s18, s10;
	s17 =	simm.s32 @!p2 $0x3  }
0x61: {  	[hbm4b:s15+s19] =	stream.linear.scatter @!p0 [tilespmem:s16], [sflag:$0x3], $0x1000, $0x38;
	[tilespmem:$0xA200] =	vst v63  }
0x62: {  	_ =	swait.ge @!p2 [sflag:s17], $0x1000  }
0x63: {  	[sflag:s17] =	ssyncset.done @!p2 $0x0  }
0x64: {  	[sflag:s17] =	ssyncadd.s32 @!p2 $0xFFFFF000  }
0x65: {  	s30 =	sadd.s32 $0xFFFFFFFF, s14;
	p0 =	sge.u32 s14, s7;
	_ =	swait.ge @!p2 [sflag:s17], $0x1000  }
0x66: {  	p1 =	sge.u32 s30, s7;
	s16 =	sshra.s32 @!p0 s13, $0x2;
	[sflag:s17] =	ssyncset.done @!p2 $0x0  }
0x67: {  	s18 =	simm.s32 @!p0 $0x80;
	[sflag:s17] =	ssyncadd.s32 @!p2 $0xFFFFF000;
	s17 =	simm.s32 @!p0 $0x6200  }
0x68: {  	[tilespmem:s17], [sflag:$0x1] =	stream.indirect.gather @!p0 [hbm4b:s3+s18], $0x20, s16, s18, $0xb8;
	[tilespmem:$0xA200] =	vst v63  }
0x69: {  	s19 =	simm.s32 @!p1 $0x2;
	s15 =	simm.s32 @!p0 $0x8200  }
0x6a: {  	[tilespmem:s15], [sflag:$0x1] =	stream.indirect.gather @!p0 [hbm4b:s4+s18], $0x20, s16, s18, $0xb8;
	[tilespmem:$0xA200] =	vst v63  }
0x6b: {  	_ =	swait.ge @!p1 [sflag:s19], $0x1000  }
0x6c: {  	[sflag:s19] =	ssyncset.done @!p1 $0x0  }
0x6d: {  	[sflag:s19] =	ssyncadd.s32 @!p1 $0xFFFFF000  }
0x6e: {  	_ =	swait.ge @!p1 [sflag:s19], $0x1000  }
0x6f: {  	s16 =	rddreg [dreg:$0x2]  }
0x70: {  	s16 =	sadd.s32 @!p1 s13, s16  }
0x71: {  	s18 =	simm.s32 @!p1 $0x7200;
	[sflag:s19] =	ssyncset.done @!p1 $0x0;
	s16 =	sand.u32 @!p1 $0x1FFFFE00, s16  }
0x72: {  	[sflag:s19] =	ssyncadd.s32 @!p1 $0xFFFFF000;
	s19 =	simm.s32 @!p1 $0x0;
	s20 =	sadd.s32 @!p1 s5, s16  }
0x73: {  	[hbm4b:s20+s19] =	stream.linear.scatter @!p1 [tilespmem:s18], [sflag:$0x4], $0x1000, $0x38;
	[tilespmem:$0xA200] =	vst v63  }
0x74: {  	s16 =	sadd.s32 @!p1 s6, s16;
	s18 =	simm.s32 @!p1 $0x9200;
	s20 =	simm.s32 @!p1 $0x4  }
0x75: {  	[hbm4b:s16+s19] =	stream.linear.scatter @!p1 [tilespmem:s18], [sflag:$0x4], $0x1000, $0x38;
	[tilespmem:$0xA200] =	vst v63  }
0x76: {  	_ =	swait.ge @!p1 [sflag:s20], $0x1000  }
0x77: {  	s31 =	sadd.s32 $0x1, s14;
	[sflag:s20] =	ssyncset.done @!p1 $0x0  }
0x78: {  	p2 =	sge.u32 s31, s7;
	[sflag:s20] =	ssyncadd.s32 @!p1 $0xFFFFF000  }
0x79: {  	s14 =	sshra.s32 @!p2 s13, $0x2;
	_ =	swait.ge @!p1 [sflag:s20], $0x1000  }
0x7a: {  	s14 =	sadd.s32 @!p2 $0x80, s14;
	[sflag:s20] =	ssyncset.done @!p1 $0x0  }
0x7b: {  	s16 =	simm.s32 @!p2 $0x7200;
	s18 =	simm.s32 @!p2 $0x80;
	[sflag:s20] =	ssyncadd.s32 @!p1 $0xFFFFF000  }
0x7c: {  	[tilespmem:s16], [sflag:$0x2] =	stream.indirect.gather @!p2 [hbm4b:s3+s18], $0x20, s14, s18, $0xb8;
	[tilespmem:$0xA200] =	vst v63  }
0x7d: {  	s19 =	simm.s32 @!p0 $0x1;
	s16 =	simm.s32 @!p2 $0x9200  }
0x7e: {  	[tilespmem:s16], [sflag:$0x2] =	stream.indirect.gather @!p2 [hbm4b:s4+s18], $0x20, s14, s18, $0xb8;
	[tilespmem:$0xA200] =	vst v63  }
0x7f: {  	_ =	swait.ge @!p0 [sflag:s19], $0x1000  }
0x80: {  	[sflag:s19] =	ssyncset.done @!p0 $0x0  }
0x81: {  	[sflag:s19] =	ssyncadd.s32 @!p0 $0xFFFFF000  }
0x82: {  	_ =	swait.ge @!p0 [sflag:s19], $0x1000  }
0x83: {  	s14 =	rddreg [dreg:$0x3];
	[sflag:s19] =	ssyncset.done @!p0 $0x0  }
0x84: {  	s16 =	simm.s32 @!p0 $0x0;
	[sflag:s19] =	ssyncadd.s32 @!p0 $0xFFFFF000;
	s14 =	sadd.s32 @!p0 s13, s14  }
0x85: {  	[hbm4b:s14+s16] =	stream.linear.scatter @!p0 [tilespmem:s17], [sflag:$0x3], $0x1000, $0x38;
	[tilespmem:$0xA200] =	vst v63  }
0x86: {  	s12 =	sadd.s32 $0x1, s12;
	s13 =	sadd.s32 @!p0 s13, s10  }
0x87: {  	[hbm4b:s13+s16] =	stream.linear.scatter @!p0 [tilespmem:s15], [sflag:$0x3], $0x1000, $0x38;
	[tilespmem:$0xA200] =	vst v63  }
0x88: {  	p0 =	sne.s32 s12, s9  }
.Ltmp1:
0x89: {  	_ = 	snop;
	(pc) =	sbr.rel @p0 .LBB2_1-.Ltmp1, $1  }
0x8a: {  	_ =	sdelay $0x3  }
0x8b: {  	_ =	sfence.sel $0x180000  }
0x8c: {  	[bflag:$0x0] =	sbarrier.arrive $0xFFFF  }
0x8d: {  	p0 =	sne.s32 s0, $0x0;
	_ =	strace $0x90000053  }
0x8e: {  	s0 =	sadd.s32 @!p0 $0x100000, s1;
	[bflag:$0x2] =	sbarrier.arrive $0xFFFF  }
0x8f: {  	[sflag:s0] =	ssyncadd.tile.s32 @!p0 $0x1;
	_ =	shalt  }
.Lfunc_end2:
_tile_overlayer_lowered:
.L_overlay_start_2:
0x90: {  	(tag) =	ssettag $0x2  }
0x91: {  	s0 =	rddreg [dreg:$0x0];
	s2 =	stileid.u32  }
0x92: {  	s1 =	rddreg [dreg:$0x1];
	p0 =	sne.s32 s2, $0x0  }
0x93: {  	s3 =	rddreg [dreg:$0x2];
	[bflag:$0x3] =	sbarrier.arrive $0xFFFF;
	s2 =	simm.s32 @!p0 $0x1C05  }
0x94: {  	[timem:s3], [sflag:s2] =	dma.local @!p0 [hbm:s0], s1  }
0x95: {  	s0 =	simm.s32 @!p0 $0x5  }
0x96: {  	_ =	swait.ge @!p0 [sflag:s0], s1  }
0x97: {  	s1 =	ssub.s32 @!p0 $0x0, s1;
	[sflag:s0] =	ssyncset.done @!p0 $0x0  }
0x98: {  	[sflag:s0] =	ssyncadd.s32 @!p0 s1  }
0x99: {  	[bflag:$0x3] =	sbarrier.arrive $0xFFFF  }
0x9a: {  	_ =	shalt  }

// kernel: kernel.27.cloned.1.call-start
scs
__scs_entry_jumppad:
0x0: {  	(pc) =	sbr.rel $0x88, $3  }
0x1: {  	(tag) =	ssettag $0x0;
	lr =	simm.s32 $0x1  }
0x2: {  	[smem:$0x3F82] =	sst lr;
	_ =	strace $0xD0000000  }
0x3: {  	_ = 	snop  }
0x4: {  	_ = 	snop  }
0x5: {  	_ = 	snop  }
0x6: {  	_ = 	snop  }
0x7: {  	_ = 	snop  }
__scs_overlays_trampoline_lowered:
0x8: {  	[smem:$0x3F91] =	sst s0  }
0x9: {  	[smem:$0x3F92] =	sst s1  }
0xa: {  	[smem:$0x3F93] =	sst s2  }
0xb: {  	[smem:$0x3F94] =	sst s3  }
0xc: {  	[smem:$0x3F95] =	sst s4  }
0xd: {  	[smem:$0x3F96] =	sst s5  }
0xe: {  	[smem:$0x3F97] =	sst s6  }
0xf: {  	[smem:$0x3F98] =	sst s7  }
0x10: {  	[smem:$0x3F99] =	sst s8  }
0x11: {  	[smem:$0x3F9A] =	sst s9;
	s0 =	simm.s32 @!p0 $0x0  }
0x12: {  	s1 =	sld [smem:$0x3F80];
	s0 =	simm.s32 @p0 $0x1  }
0x13: {  	[smem:$0x3F9B] =	sst s0;
	s0 =	simm.s32 @!p1 $0x0  }
0x14: {  	s2 =	sld [smem:$0x3F7F];
	s0 =	simm.s32 @p1 $0x1  }
0x15: {  	[smem:$0x3F9C] =	sst s0;
	s0 =	simm.s32 @!p2 $0x0  }
0x16: {  	s3 =	sld [smem:$0x3FDB];
	s0 =	simm.s32 @p2 $0x1  }
0x17: {  	s4 =	simm.s32 $0x1BF5;
	[smem:$0x3F9E] =	sst s0  }
0x18: {  	s0 =	sld [smem:$0x3F81];
	_ =	swait.ge [sflag:s4], $0x0  }
0x19: {  	s7 =	sld [smem:$0x3F82]  }
0x1a: {  	s8 =	sadd.s32 $0xFFFFE003, lr  }
0x1b: {  	s9 =	sadd.s32 $0xFFFFFEF7, lr;
	s5 =	simm.s32 $0xFFFFFFFF;
	p2 =	slt.u32 s8, $0xFFFFF086  }
0x1c: {  	p1 =	slt.u32 s9, $0xF7A;
	s5 =	simm.s32 @!p2 $0x0  }
0x1d: {  	s5 =	simm.s32 @p1 $0x1;
	p0 =	seq.s32 s7, s2  }
0x1e: {  	s7 =	smul.u32 @!p0 $0xF7A, s2;
	p2 =	seq.s32 @!p0 s5, $0x0  }
0x1f: {  	s9 =	smul.u32 $0xF7A, s1;
	s8 =	simm.s32 @!p0 $0x1BF5;
	p2 =	por !p2, p0  }
0x20: {  	[sflag:s8] =	ssyncset.s32 @!p0 $0xFFFFF086;
	s6 =	sadd.s32 @!p0 s3, s7;
	s7 =	simm.s32 @!p0 $0x108  }
0x21: {  	s3 =	sadd.s32 s3, s9;
	s6 =	sadd.s32 @!p0 $0x88, s6;
	s7 =	simm.s32 @p2 $0x1082  }
0x22: {  	[simem:s7], [sflag:s8] =	dma.local @!p0 [hbm:s6], $0xF7A  }
0x23: {  	s9 =	sor.u32 $0xD0000000, s2;
	s6 =	simm.s32 $0x108;
	_ =	swait.ge @!p0 [sflag:s8], $0x0  }
0x24: {  	s3 =	sadd.s32 $0x88, s3;
	s6 =	simm.s32 @!p1 $0x1082;
	[sflag:s4] =	ssyncset.s32 $0xFFFFF086  }
0x25: {  	[simem:s6], [sflag:s4] =	dma.local [hbm:s3], $0xF7A  }
0x26: {  	[smem:$0x3F82] =	sst s1;
	(tag) =	ssettag s2;
	_ =	strace s9  }
0x27: {  	s1 =	sld [smem:$0x3F92]  }
0x28: {  	s2 =	sld [smem:$0x3F93]  }
0x29: {  	s4 =	sld [smem:$0x3F95]  }
0x2a: {  	p0 =	seq.s32 s5, $0x0;
	s5 =	sld [smem:$0x3F96]  }
0x2b: {  	s6 =	sld [smem:$0x3F97]  }
0x2c: {  	s7 =	sld [smem:$0x3F98]  }
0x2d: {  	s3 =	simm.s32 $0x108;
	s8 =	sld [smem:$0x3F99]  }
0x2e: {  	s3 =	simm.s32 @!p0 $0x1082;
	s9 =	sld [smem:$0x3F9A]  }
0x2f: {  	lr =	sadd.s32 s0, s3;
	s0 =	sld [smem:$0x3F91]  }
0x30: {  	s3 =	sld [smem:$0x3F94]  }
0x31: {  	[smem:$0x3F9D] =	sst s10  }
0x32: {  	s10 =	sld [smem:$0x3F9B];
	_ =	sdelay $0x3  }
0x33: {  	p0 =	seq.s32 s10, $0x1;
	s10 =	sld [smem:$0x3F9D];
	_ =	sdelay $0x3  }
0x34: {  	[smem:$0x3F9D] =	sst s10  }
0x35: {  	s10 =	sld [smem:$0x3F9C];
	_ =	sdelay $0x3  }
0x36: {  	p1 =	seq.s32 s10, $0x1;
	s10 =	sld [smem:$0x3F9D];
	_ =	sdelay $0x3  }
0x37: {  	[smem:$0x3F9D] =	sst s10  }
0x38: {  	s10 =	sld [smem:$0x3F9E]  }
0x39: {  	_ = 	snop;
	(pc) =	sbr.ind lr, $3  }
0x3a: {  	_ = 	snop  }
0x3b: {  	_ = 	snop  }
0x3c: {  	p2 =	seq.s32 s10, $0x1;
	s10 =	sld [smem:$0x3F9D]  }
0x3d: {  	_ =	shalt  }
0x3e: {  	_ =	shalt  }
0x3f: {  	_ =	shalt  }
0x40: {  	_ =	shalt  }
0x41: {  	_ =	shalt  }
0x42: {  	_ =	shalt  }
0x43: {  	_ =	shalt  }
0x44: {  	_ =	shalt  }
0x45: {  	_ =	shalt  }
0x46: {  	_ =	shalt  }
0x47: {  	_ =	shalt  }
0x48: {  	_ =	shalt  }
0x49: {  	_ =	shalt  }
0x4a: {  	_ =	shalt  }
0x4b: {  	_ =	shalt  }
0x4c: {  	_ =	shalt  }
0x4d: {  	_ =	shalt  }
0x4e: {  	_ =	shalt  }
0x4f: {  	_ =	shalt  }
0x50: {  	_ =	shalt  }
0x51: {  	_ =	shalt  }
0x52: {  	_ =	shalt  }
0x53: {  	_ =	shalt  }
0x54: {  	_ =	shalt  }
0x55: {  	_ =	shalt  }
0x56: {  	_ =	shalt  }
0x57: {  	_ =	shalt  }
0x58: {  	_ =	shalt  }
0x59: {  	_ =	shalt  }
0x5a: {  	_ =	shalt  }
0x5b: {  	_ =	shalt  }
0x5c: {  	_ =	shalt  }
0x5d: {  	_ =	shalt  }
0x5e: {  	_ =	shalt  }
0x5f: {  	_ =	shalt  }
0x60: {  	_ =	shalt  }
0x61: {  	_ =	shalt  }
0x62: {  	_ =	shalt  }
0x63: {  	_ =	shalt  }
0x64: {  	_ =	shalt  }
0x65: {  	_ =	shalt  }
0x66: {  	_ =	shalt  }
0x67: {  	_ =	shalt  }
0x68: {  	_ =	shalt  }
0x69: {  	_ =	shalt  }
0x6a: {  	_ =	shalt  }
0x6b: {  	_ =	shalt  }
0x6c: {  	_ =	shalt  }
0x6d: {  	_ =	shalt  }
0x6e: {  	_ =	shalt  }
0x6f: {  	_ =	shalt  }
0x70: {  	_ =	shalt  }
0x71: {  	_ =	shalt  }
0x72: {  	_ =	shalt  }
0x73: {  	_ =	shalt  }
0x74: {  	_ =	shalt  }
0x75: {  	_ =	shalt  }
0x76: {  	_ =	shalt  }
0x77: {  	_ =	shalt  }
0x78: {  	_ =	shalt  }
0x79: {  	_ =	shalt  }
0x7a: {  	_ =	shalt  }
0x7b: {  	_ =	shalt  }
0x7c: {  	_ =	shalt  }
0x7d: {  	_ =	shalt  }
0x7e: {  	_ =	shalt  }
0x7f: {  	_ =	shalt  }
0x80: {  	_ =	shalt  }
0x81: {  	_ =	shalt  }
0x82: {  	_ =	shalt  }
0x83: {  	_ =	shalt  }
0x84: {  	_ =	shalt  }
0x85: {  	_ =	shalt  }
0x86: {  	_ =	shalt  }
0x87: {  	_ =	shalt  }
.Lfunc_end0:
.L_simem_size_0:
called_computation.5_lowered:
.L_overlay_start_0:
0x88: {  	s2 =	sld [smem:$0x3FD9]  }
0x89: {  	s3 =	sld [smem:$0x3FFE];
	_ =	sdelay $0x1  }
0x8a: {  	s1 =	srdreg.scid  }
0x8b: {  	s0 =	sand.u32 $0x1, s1  }
0x8c: {  	s17 =	sshll.u32 s0, $0xA;
	s2 =	sadd.s32 s3, s2  }
0x8d: {  	s2 =	sadd.s32 s2, s17  }
0x8e: {  	[smem:$0x3FA9] =	sst s2  }
0x8f: {  	_ = 	snop  }
0x90: {  	s2 =	sld [smem:$0x3FD0];
	(tm) =	ssettm $0x1  }
0x91: {  	s18 =	sld [smem:$0x3FFB];
	_ =	sdelay $0x3  }
0x92: {  	_ =	strace s18  }
0x93: {  	s3 =	sld [smem:$0x3FFC];
	_ =	sdelay $0x3  }
0x94: {  	_ =	strace s3  }
0x95: {  	s3 =	sld [smem:$0x3FFD];
	_ =	sdelay $0x3  }
0x96: {  	_ =	strace s3  }
0x97: {  	_ =	strace $0x8FFFFFFF  }
0x98: {  	s19 =	sld [smem:$0x3FDB];
	_ =	sdelay $0x1  }
0x99: {  	s4 =	simm.s32 $_scs_section_size  }
0x9a: {  	s5 =	simm.s32 $_size__tile_overlayer_lowered;
	s6 =	simm.s32 $_tile_overlayer_lowered  }
0x9b: {  	s22 =	simm.s32 $0x1BFF;
	s21 =	sshll.u32 s6, $0x1;
	s3 =	sadd.s32 s4, s19  }
0x9c: {  	s7 =	simm.s32 $0x0;
	s20 =	sshll.u32 s5, $0x1;
	s5 =	sadd.s32 s21, s3  }
0x9d: {  	[timem:s7], [sflag:s22] =	dma.local [hbm:s5], s20  }
0x9e: {  	_ =	swait.ge [sflag:s22], s20  }
0x9f: {  	s4 =	ssub.s32 $0x0, s20;
	[sflag:s22] =	ssyncset.done $0x0  }
0xa0: {  	[sflag:s22] =	ssyncadd.s32 s4;
	_ =	sdelay $0x1  }
0xa1: {  	s23 =	simm.s32 $0x1B8B  }
0xa2: {  	_ =	swait.ge [sflag:s23], $0x1  }
0xa3: {  	[sflag:s23] =	ssyncset.done $0x0  }
0xa4: {  	s25 =	simm.s32 $0x1B8E;
	s24 =	sld [smem:$0x3FFE];
	[sflag:s23] =	ssyncadd.s32 $0xFFFFFFFF  }
0xa5: {  	s26 =	simm.s32 $execute0_lowered;
	[smem:$0x3FD2] =	sst s25  }
0xa6: {  	s5 =	sshll.u32 s26, $0x1;
	_ =	strace $0x80000055;
	[dreg:$0x1] =	wrdreg $0xFFFFFFFF  }
0xa7: {  	s28 =	simm.s32 $_size_execute0_lowered;
	s3 =	sadd.s32 s3, s5;
	[dreg:$0x0] =	wrdreg $0x0  }
0xa8: {  	s5 =	sshll.u32 s28, $0x1;
	[dreg:$0x2] =	wrdreg s3  }
0xa9: {  	[dreg:$0x3] =	wrdreg s5  }
0xaa: {  	[dreg:$0x4] =	wrdreg $0xC0  }
0xab: {  	_ =	task [dreg:s7], $0x5FFFF  }
0xac: {  	[dreg:$0x1] =	wrdreg $0xFFFFFFFF  }
0xad: {  	[dreg:$0x0] =	wrdreg $0x60  }
0xae: {  	[dreg:$0x2] =	wrdreg s24  }
0xaf: {  	[dreg:$0x3] =	wrdreg s2  }
0xb0: {  	[dreg:$0x4] =	wrdreg $0x0  }
0xb1: {  	[dreg:$0x5] =	wrdreg $0x9  }
0xb2: {  	_ =	task.clear_ibuf [dreg:s7], $0x6FFFF;
	_ =	strace $0x90000055  }
0xb3: {  	s29 =	simm.s32 $0x9;
	_ =	strace $0x80000057  }
0xb4: {  	_ =	swait.ge [sflag:s29], $0x1  }
0xb5: {  	[sflag:s29] =	ssyncadd.s32 $0xFFFFFFFF  }
0xb6: {  	_ =	strace $0x90000057  }
0xb7: {  	_ =	sfence  }
0xb8: {  	s30 =	sld [smem:$0x0];
	_ =	sdelay $0x2  }
0xb9: {  	s31 =	sshll.u32 s1, $0xD;
	s1 =	sshrl.u32 s1, $0x2  }
0xba: {  	s3 =	sand.u32 $0x4000, s31;
	s1 =	sadd.s32 s1, s30  }
0xbb: {  	s0 =	sor.u32 s3, s0;
	s1 =	sshll.u32 s1, $0x11  }
0xbc: {  	s0 =	sor.u32 s1, s0  }
0xbd: {  	s0 =	sadd.s32 $0x8F2B, s0  }
0xbe: {  	[sflag:s0] =	ssyncadd.remote.s32 $0x1  }
0xbf: {  	_ =	sfence.sel $0xFFFF  }
0xc0: {  	[dreg:$0x0] =	wrdreg $0xFFFFFFFF;
	(pc) =	sbr.abs _section_cstart, $3  }
0xc1: {  	[dreg:$0x1] =	wrdreg $0xFFFFFFFF  }
0xc2: {  	_ =	task.clear_ibuf [dreg:s7], $0x2FFFF;
	_ =	strace $0x9FFFFFFF  }
0xc3: {  	(tm) =	ssettm $0x7FFFFFFF  }
tec
execute0_lowered:
.L_overlay_start_1:
0x0: {  	(tag) =	ssettag $0x1  }
0x1: {  	s0 =	rddreg [dreg:$0x0];
	s1 =	srdreg.scid  }
0x2: {  	s7 =	stileid.u32;
	s17 =	rddreg [dreg:$0x1]  }
0x3: {  	s2 =	rddreg [dreg:$0x2];
	s21 =	simm.s32 $0x186A0;
	s4 =	smul.u32 $0x186, s7  }
0x4: {  	s22 =	simm.s32 $0x3;
	s1 =	sand.u32 $0x1, s1;
	s12 =	smul.u32 $0x186A0, s7  }
0x5: {  	s3 =	sshll.u32 s7, $0x1;
	p0 =	slt.u32 s7, $0x5;
	s7 =	smul.u32 $0x61A80, s7  }
0x6: {  	s23 =	simm.s32 $0x0;
	s5 =	smul.u32 $0xC3, s1;
	s6 =	sor.u32 s1, s3  }
0x7: {  	s3 =	simm.s32 $0x0;
	s24 =	ssub.s32 $0x2, s1;
	s1 =	smul.u32 $0x188000, s1  }
0x8: {  	s6 =	smin.u32 s6, $0xA;
	[smem:$0x7FF] =	sst s3;
	s25 =	sshrl.u32 s24, $0x1  }
0x9: {  	s26 =	sadd.s32 s12, s2;
	s7 =	sshrl.u32 s7, $0x2;
	s13 =	sadd.s32 $0x4E20, s12  }
0xa: {  	s14 =	sadd.s32 $0x9C40, s12;
	s16 =	sadd.s32 $0xEA60, s12;
	s18 =	sadd.s32 $0x13880, s12  }
0xb: {  	s4 =	sadd.s32 s5, s4;
	_ =	strace $0x80000056;
	[dreg:$0x4] =	wrdreg s26  }
0xc: {  	s29 =	sadd.s32 s7, s2;
	s8 =	sadd.s32 s13, s2;
	s9 =	sadd.s32 s14, s2  }
0xd: {  	s10 =	sadd.s32 s16, s2;
	s11 =	sadd.s32 s18, s2;
	s12 =	sadd.s32 s1, s12  }
0xe: {  	s13 =	sadd.s32 s1, s13;
	s14 =	sadd.s32 s1, s14;
	s16 =	sadd.s32 s1, s16  }
0xf: {  	s1 =	sadd.s32 s1, s18;
	s15 =	sadd.s32 s6, s4;
	s6 =	ssub.s32 s24, s25  }
0x10: {  	[dreg:$0x6] =	wrdreg s29;
	s12 =	sshrl.u32 s12, $0x3;
	s13 =	sshrl.u32 s13, $0x3  }
0x11: {  	s14 =	sshrl.u32 s14, $0x3;
	s16 =	sshrl.u32 s16, $0x3;
	s1 =	sshrl.u32 s1, $0x3  }
0x12: {  	s4 =	sshll.u32 s15, $0x9;
	s28 =	smax.u32 s6, $0x1;
	s31 =	sshll.u32 s15, $0x4  }
0x13: {  	s19 =	sadd.s32 s4, s0;
	s4 =	simm.s32 $0xC4;
	s0 =	sadd.s32 $0x7C00, s0  }
0x14: {  	[dreg:$0x5] =	wrdreg s28;
	s17 =	sadd.s32 s31, s17;
	s4 =	simm.s32 @!p0 $0xC3  }
0x15: {  	s30 =	sadd.s32 s0, s12;
	s13 =	sadd.s32 s0, s13;
	s14 =	sadd.s32 s0, s14  }
0x16: {  	s15 =	sadd.s32 s0, s16;
	s16 =	sadd.s32 s0, s1;
	s18 =	sadd.s32 $0x6E7600, s19  }
0x17: {  	v0 =	vimm.f32 $0.0e+00;
	s19 =	sadd.s32 $0x6E7800, s19;
	s20 =	sadd.s32 $0x10, s17;
	[dreg:$0x7] =	wrdreg s30  }
.LBB2_1:
0x18: {  	s0 =	simm.s32 $0x80;
	s1 =	simm.s32 $0x0  }
.LBB2_2:
0x19: {  	p0 =	sne.s32 s0, $0x13800;
	[tilespmem:s1+$0x186A0] =	vst v0;
	s24 =	smov.u32 s0;
	s0 =	sadd.s32 $0x80, s0  }
.Ltmp0:
0x1a: {  	[tilespmem:s1+$0x186B0] =	vst v0;
	(pc) =	sbr.rel @p0 .LBB2_2-.Ltmp0, $2  }
0x1b: {  	_ =	sdelay $0x2  }
0x1c: {  	s1 =	sshra.s32 s24, $0x2  }
0x1d: {  	[tilespmem:s1+$0x186A0] =	vst v0  }
0x1e: {  	[tilespmem:s1+$0x186B0] =	vst v0;
	s0 =	rddreg [dreg:$0x6]  }
0x1f: {  	[spmem:s0] =	stream.linear.scatter [tilespmem:s21], [sflag:$0x3], $0x4E20, $0x38;
	[tilespmem:$0x1F5C0] =	vst v63  }
0x20: {  	_ =	swait.ge [sflag:s22], $0x4E20  }
0x21: {  	[sflag:s22] =	ssyncset.done $0x0  }
0x22: {  	[sflag:s22] =	ssyncadd.s32 $0xFFFFB1E0  }
0x23: {  	[spmem:s8] =	stream.linear.scatter [tilespmem:s21], [sflag:$0x3], $0x4E20, $0x38;
	[tilespmem:$0x1F5C0] =	vst v63  }
0x24: {  	_ =	swait.ge [sflag:s22], $0x4E20  }
0x25: {  	[sflag:s22] =	ssyncset.done $0x0  }
0x26: {  	[sflag:s22] =	ssyncadd.s32 $0xFFFFB1E0  }
0x27: {  	[spmem:s9] =	stream.linear.scatter [tilespmem:s21], [sflag:$0x3], $0x4E20, $0x38;
	[tilespmem:$0x1F5C0] =	vst v63  }
0x28: {  	_ =	swait.ge [sflag:s22], $0x4E20  }
0x29: {  	[sflag:s22] =	ssyncset.done $0x0  }
0x2a: {  	[sflag:s22] =	ssyncadd.s32 $0xFFFFB1E0  }
0x2b: {  	[spmem:s10] =	stream.linear.scatter [tilespmem:s21], [sflag:$0x3], $0x4E20, $0x38;
	[tilespmem:$0x1F5C0] =	vst v63  }
0x2c: {  	_ =	swait.ge [sflag:s22], $0x4E20  }
0x2d: {  	[sflag:s22] =	ssyncset.done $0x0  }
0x2e: {  	[sflag:s22] =	ssyncadd.s32 $0xFFFFB1E0  }
0x2f: {  	[spmem:s11] =	stream.linear.scatter [tilespmem:s21], [sflag:$0x3], $0x4E20, $0x38;
	[tilespmem:$0x1F5C0] =	vst v63  }
0x30: {  	_ =	swait.ge [sflag:s22], $0x4E20  }
0x31: {  	[sflag:s22] =	ssyncset.done $0x0  }
0x32: {  	p0 =	sle.u32 s4, $0x0;
	[sflag:s22] =	ssyncadd.s32 $0xFFFFB1E0  }
0x33: {  	s0 =	simm.s32 @!p0 $0x0;
	s1 =	simm.s32 @!p0 $0x1D4C0;
	[bflag:$0x0] =	sbarrier.arrive $0xFFFF  }
0x34: {  	[tilespmem:s1], [sflag:$0x1] =	stream.linear.gather @!p0 [hbm4b:s17+s0], $0x80, $0x38;
	[tilespmem:$0x1F5C0] =	vst v63  }
0x35: {  	p1 =	sle.u32 s4, $0xFFFFFFFF;
	s25 =	simm.s32 @!p0 $0x1D5C0  }
0x36: {  	[tilespmem:s25], [sflag:$0x1] =	stream.linear.gather @!p0 [hbm4b:s18+s0], $0x1000, $0x38;
	[tilespmem:$0x1F5C0] =	vst v63  }
0x37: {  	s0 =	simm.s32 @!p1 $0x2  }
0x38: {  	_ =	swait.ge @!p1 [sflag:s0], $0x80  }
0x39: {  	[sflag:s0] =	ssyncset.done @!p1 $0x0  }
0x3a: {  	[sflag:s0] =	ssyncadd.s32 @!p1 $0xFFFFFF80  }
0x3b: {  	_ =	swait.ge @!p1 [sflag:s0], $0x1000  }
0x3c: {  	s24 =	simm.s32 @!p1 $0x1E5C0;
	s26 =	simm.s32 @!p1 $0x80;
	[sflag:s0] =	ssyncset.done @!p1 $0x0  }
0x3d: {  	s28 =	simm.s32 @!p1 $0x1D540;
	[sflag:s0] =	ssyncadd.s32 @!p1 $0xFFFFF000;
	s0 =	simm.s32 @!p1 $0x4  }
0x3e: {  	[spmem:s2] =	stream.indirect.scatter.add.f32 @!p1 [tilespmem:s24], [sflag:$0x4], $0x20, s28, s26, $0xb8;
	[tilespmem:$0x1F5C0] =	vst v63  }
0x3f: {  	_ =	swait.ge @!p1 [sflag:s0], $0x1000  }
0x40: {  	p2 =	sle.u32 s4, $0x1;
	p0 =	por p0, p0;
	[sflag:s0] =	ssyncset.done @!p1 $0x0  }
0x41: {  	s24 =	simm.s32 @!p2 $0x0;
	s26 =	simm.s32 @!p2 $0x1D540;
	[sflag:s0] =	ssyncadd.s32 @!p1 $0xFFFFF000  }
0x42: {  	[tilespmem:s26], [sflag:$0x2] =	stream.linear.gather @!p2 [hbm4b:s20+s24], $0x80, $0x38;
	[tilespmem:$0x1F5C0] =	vst v63  }
0x43: {  	s0 =	simm.s32 @!p2 $0x1E5C0;
	s26 =	simm.s32 @!p0 $0x1  }
0x44: {  	[tilespmem:s0], [sflag:$0x2] =	stream.linear.gather @!p2 [hbm4b:s19+s24], $0x1000, $0x38;
	[tilespmem:$0x1F5C0] =	vst v63  }
0x45: {  	_ =	swait.ge @!p0 [sflag:s26], $0x80  }
0x46: {  	[sflag:s26] =	ssyncset.done @!p0 $0x0  }
0x47: {  	[sflag:s26] =	ssyncadd.s32 @!p0 $0xFFFFFF80  }
0x48: {  	s29 =	simm.s32 $0x3;
	_ =	swait.ge @!p0 [sflag:s26], $0x1000  }
0x49: {  	s31 =	sadd.s32 $0x400, s18;
	s30 =	simm.s32 @!p0 $0x80;
	[sflag:s26] =	ssyncset.done @!p0 $0x0  }
0x4a: {  	s28 =	simm.s32 $0x1;
	s24 =	sadd.s32 $0x20, s20;
	[sflag:s26] =	ssyncadd.s32 @!p0 $0xFFFFF000  }
0x4b: {  	[spmem:s2] =	stream.indirect.scatter.add.f32 @!p0 [tilespmem:s25], [sflag:$0x3], $0x20, s1, s30, $0xb8;
	[tilespmem:$0x1F5C0] =	vst v63  }
0x4c: {  	s0 =	simm.s32 @!p0 $0x3;
	s26 =	simm.s32 $0x3;
	s30 =	sadd.s32 $0x20, s17  }
0x4d: {  	s25 =	sadd.s32 $0x400, s19;
	s1 =	simm.s32 $0x2;
	_ =	swait.ge @!p0 [sflag:s0], $0x1000  }
.LBB2_4:
0x4e: {  	p3 =	sge.u32 s1, s4  }
0x4f: {  	[sflag:s0] =	ssyncset.done @!p0 $0x0;
	s5 =	smov.u32 s29;
	s29 =	sadd.s32 $0x2, s29  }
0x50: {  	s6 =	simm.s32 @!p3 $0x0;
	s1 =	simm.s32 @!p3 $0x1D4C0;
	[sflag:s0] =	ssyncadd.s32 @!p0 $0xFFFFF000  }
0x51: {  	[tilespmem:s1], [sflag:$0x1] =	stream.linear.gather @!p3 [hbm4b:s30+s6], $0x80, $0x38;
	[tilespmem:$0x1F5C0] =	vst v63  }
0x52: {  	p2 =	sge.u32 s28, s4;
	p1 =	sne.s32 s29, $0xC5;
	s7 =	simm.s32 @!p3 $0x1D5C0  }
0x53: {  	[tilespmem:s7], [sflag:$0x1] =	stream.linear.gather @!p3 [hbm4b:s31+s6], $0x1000, $0x38;
	[tilespmem:$0x1F5C0] =	vst v63  }
0x54: {  	s0 =	simm.s32 @!p2 $0x2;
	s28 =	smov.u32 s5;
	p0 =	por p3, p3  }
0x55: {  	_ =	swait.ge @!p2 [sflag:s0], $0x80  }
0x56: {  	[sflag:s0] =	ssyncset.done @!p2 $0x0  }
0x57: {  	[sflag:s0] =	ssyncadd.s32 @!p2 $0xFFFFFF80  }
0x58: {  	s5 =	simm.s32 @!p2 $0x1E5C0;
	_ =	swait.ge @!p2 [sflag:s0], $0x1000  }
0x59: {  	s12 =	simm.s32 @!p2 $0x1D540;
	s6 =	simm.s32 @!p2 $0x80;
	[sflag:s0] =	ssyncset.done @!p2 $0x0  }
0x5a: {  	[sflag:s0] =	ssyncadd.s32 @!p2 $0xFFFFF000;
	s0 =	simm.s32 @!p2 $0x4  }
0x5b: {  	[spmem:s2] =	stream.indirect.scatter.add.f32 @!p2 [tilespmem:s5], [sflag:$0x4], $0x20, s12, s6, $0xb8;
	[tilespmem:$0x1F5C0] =	vst v63  }
0x5c: {  	p3 =	sge.u32 s26, s4;
	s26 =	smov.u32 s29;
	_ =	swait.ge @!p2 [sflag:s0], $0x1000  }
0x5d: {  	s5 =	simm.s32 @!p3 $0x0;
	s6 =	simm.s32 @!p3 $0x1D540;
	[sflag:s0] =	ssyncset.done @!p2 $0x0  }
0x5e: {  	[sflag:s0] =	ssyncadd.s32 @!p2 $0xFFFFF000;
	s0 =	simm.s32 @!p3 $0x1E5C0  }
0x5f: {  	[tilespmem:s6], [sflag:$0x2] =	stream.linear.gather @!p3 [hbm4b:s24+s5], $0x80, $0x38;
	[tilespmem:$0x1F5C0] =	vst v63  }
0x60: {  	s6 =	simm.s32 @!p0 $0x1  }
0x61: {  	[tilespmem:s0], [sflag:$0x2] =	stream.linear.gather @!p3 [hbm4b:s25+s5], $0x1000, $0x38;
	[tilespmem:$0x1F5C0] =	vst v63  }
0x62: {  	_ =	swait.ge @!p0 [sflag:s6], $0x80  }
0x63: {  	[sflag:s6] =	ssyncset.done @!p0 $0x0  }
0x64: {  	[sflag:s6] =	ssyncadd.s32 @!p0 $0xFFFFFF80  }
.Ltmp1:
0x65: {  	s24 =	sadd.s32 $0x20, s24;
	_ =	swait.ge @!p0 [sflag:s6], $0x1000;
	(pc) =	sbr.rel @p1 .LBB2_4-.Ltmp1, $4  }
0x66: {  	s5 =	simm.s32 @!p0 $0x80;
	s0 =	simm.s32 @!p0 $0x3;
	[sflag:s6] =	ssyncset.done @!p0 $0x0  }
0x67: {  	s30 =	sadd.s32 $0x20, s30;
	s25 =	sadd.s32 $0x400, s25;
	[sflag:s6] =	ssyncadd.s32 @!p0 $0xFFFFF000  }
0x68: {  	[spmem:s2] =	stream.indirect.scatter.add.f32 @!p0 [tilespmem:s7], [sflag:$0x3], $0x20, s1, s5, $0xb8;
	[tilespmem:$0x1F5C0] =	vst v63  }
0x69: {  	s31 =	sadd.s32 $0x400, s31;
	s1 =	sadd.s32 $0x1, s28;
	_ =	swait.ge @!p0 [sflag:s0], $0x1000  }
0x6a: {  	p1 =	sge.u32 s1, s4;
	[sflag:s0] =	ssyncset.done @!p0 $0x0  }
0x6b: {  	s1 =	simm.s32 @!p1 $0x0;
	s5 =	simm.s32 @!p1 $0x1D4C0;
	[sflag:s0] =	ssyncadd.s32 @!p0 $0xFFFFF000  }
0x6c: {  	[tilespmem:s5], [sflag:$0x1] =	stream.linear.gather @!p1 [hbm4b:s30+s1], $0x80, $0x38;
	[tilespmem:$0x1F5C0] =	vst v63  }
0x6d: {  	p2 =	sge.u32 s28, s4;
	s0 =	simm.s32 @!p1 $0x1D5C0  }
0x6e: {  	[tilespmem:s0], [sflag:$0x1] =	stream.linear.gather @!p1 [hbm4b:s31+s1], $0x1000, $0x38;
	[tilespmem:$0x1F5C0] =	vst v63  }
0x6f: {  	s1 =	simm.s32 @!p2 $0x2  }
0x70: {  	_ =	swait.ge @!p2 [sflag:s1], $0x80  }
0x71: {  	[sflag:s1] =	ssyncset.done @!p2 $0x0  }
0x72: {  	[sflag:s1] =	ssyncadd.s32 @!p2 $0xFFFFFF80  }
0x73: {  	_ =	swait.ge @!p2 [sflag:s1], $0x1000  }
0x74: {  	s6 =	simm.s32 @!p2 $0x1E5C0;
	s7 =	simm.s32 @!p2 $0x80;
	[sflag:s1] =	ssyncset.done @!p2 $0x0  }
0x75: {  	s12 =	simm.s32 @!p2 $0x1D540;
	[sflag:s1] =	ssyncadd.s32 @!p2 $0xFFFFF000;
	s1 =	simm.s32 @!p2 $0x4  }
0x76: {  	[spmem:s2] =	stream.indirect.scatter.add.f32 @!p2 [tilespmem:s6], [sflag:$0x4], $0x20, s12, s7, $0xb8;
	[tilespmem:$0x1F5C0] =	vst v63  }
0x77: {  	_ =	swait.ge @!p2 [sflag:s1], $0x1000  }
0x78: {  	p0 =	por p1, p1;
	p1 =	sge.u32 s26, s4;
	[sflag:s1] =	ssyncset.done @!p2 $0x0  }
0x79: {  	s6 =	simm.s32 @!p1 $0x0;
	s7 =	simm.s32 @!p1 $0x1D540;
	[sflag:s1] =	ssyncadd.s32 @!p2 $0xFFFFF000  }
0x7a: {  	[tilespmem:s7], [sflag:$0x2] =	stream.linear.gather @!p1 [hbm4b:s24+s6], $0x80, $0x38;
	[tilespmem:$0x1F5C0] =	vst v63  }
0x7b: {  	s1 =	simm.s32 @!p1 $0x1E5C0;
	s7 =	simm.s32 @!p0 $0x1  }
0x7c: {  	[tilespmem:s1], [sflag:$0x2] =	stream.linear.gather @!p1 [hbm4b:s25+s6], $0x1000, $0x38;
	[tilespmem:$0x1F5C0] =	vst v63  }
0x7d: {  	_ =	swait.ge @!p0 [sflag:s7], $0x80  }
0x7e: {  	[sflag:s7] =	ssyncset.done @!p0 $0x0  }
0x7f: {  	[sflag:s7] =	ssyncadd.s32 @!p0 $0xFFFFFF80  }
0x80: {  	_ =	swait.ge @!p0 [sflag:s7], $0x1000  }
0x81: {  	[sflag:s7] =	ssyncset.done @!p0 $0x0  }
0x82: {  	s1 =	simm.s32 @!p0 $0x80;
	s6 =	simm.s32 @!p0 $0x3;
	[sflag:s7] =	ssyncadd.s32 @!p0 $0xFFFFF000  }
0x83: {  	[spmem:s2] =	stream.indirect.scatter.add.f32 @!p0 [tilespmem:s0], [sflag:$0x3], $0x20, s5, s1, $0xb8;
	[tilespmem:$0x1F5C0] =	vst v63  }
0x84: {  	_ =	swait.ge @!p0 [sflag:s6], $0x1000  }
0x85: {  	[sflag:s6] =	ssyncset.done @!p0 $0x0  }
0x86: {  	[sflag:s6] =	ssyncadd.s32 @!p0 $0xFFFFF000  }
0x87: {  	[bflag:$0x0] =	sbarrier.arrive $0xFFFF  }
0x88: {  	s29 =	rddreg [dreg:$0x4]  }
0x89: {  	[tilespmem:s21], [sflag:$0x3] =	stream.linear.gather [spmem:s29], $0x4E20, $0x38;
	[tilespmem:$0x1F5C0] =	vst v63  }
0x8a: {  	_ =	swait.ge [sflag:s22], $0x4E20  }
0x8b: {  	[sflag:s22] =	ssyncset.done $0x0  }
0x8c: {  	s30 =	rddreg [dreg:$0x7];
	[sflag:s22] =	ssyncadd.s32 $0xFFFFB1E0  }
0x8d: {  	[hbm4b:s30+s3] =	stream.linear.scatter [tilespmem:s21], [sflag:$0x3], $0x4E20, $0x38;
	[tilespmem:$0x1F5C0] =	vst v63  }
0x8e: {  	_ =	swait.ge [sflag:s22], $0x4E20  }
0x8f: {  	[sflag:s22] =	ssyncset.done $0x0  }
0x90: {  	[sflag:s22] =	ssyncadd.s32 $0xFFFFB1E0  }
0x91: {  	[tilespmem:s21], [sflag:$0x3] =	stream.linear.gather [spmem:s8], $0x4E20, $0x38;
	[tilespmem:$0x1F5C0] =	vst v63  }
0x92: {  	_ =	swait.ge [sflag:s22], $0x4E20  }
0x93: {  	[sflag:s22] =	ssyncset.done $0x0  }
0x94: {  	[sflag:s22] =	ssyncadd.s32 $0xFFFFB1E0  }
0x95: {  	[hbm4b:s13+s3] =	stream.linear.scatter [tilespmem:s21], [sflag:$0x3], $0x4E20, $0x38;
	[tilespmem:$0x1F5C0] =	vst v63  }
0x96: {  	_ =	swait.ge [sflag:s22], $0x4E20  }
0x97: {  	[sflag:s22] =	ssyncset.done $0x0  }
0x98: {  	[sflag:s22] =	ssyncadd.s32 $0xFFFFB1E0  }
0x99: {  	[tilespmem:s21], [sflag:$0x3] =	stream.linear.gather [spmem:s9], $0x4E20, $0x38;
	[tilespmem:$0x1F5C0] =	vst v63  }
0x9a: {  	_ =	swait.ge [sflag:s22], $0x4E20  }
0x9b: {  	[sflag:s22] =	ssyncset.done $0x0  }
0x9c: {  	[sflag:s22] =	ssyncadd.s32 $0xFFFFB1E0  }
0x9d: {  	[hbm4b:s14+s3] =	stream.linear.scatter [tilespmem:s21], [sflag:$0x3], $0x4E20, $0x38;
	[tilespmem:$0x1F5C0] =	vst v63  }
0x9e: {  	_ =	swait.ge [sflag:s22], $0x4E20  }
0x9f: {  	[sflag:s22] =	ssyncset.done $0x0  }
0xa0: {  	[sflag:s22] =	ssyncadd.s32 $0xFFFFB1E0  }
0xa1: {  	[tilespmem:s21], [sflag:$0x3] =	stream.linear.gather [spmem:s10], $0x4E20, $0x38;
	[tilespmem:$0x1F5C0] =	vst v63  }
0xa2: {  	_ =	swait.ge [sflag:s22], $0x4E20  }
0xa3: {  	[sflag:s22] =	ssyncset.done $0x0  }
0xa4: {  	[sflag:s22] =	ssyncadd.s32 $0xFFFFB1E0  }
0xa5: {  	[hbm4b:s15+s3] =	stream.linear.scatter [tilespmem:s21], [sflag:$0x3], $0x4E20, $0x38;
	[tilespmem:$0x1F5C0] =	vst v63  }
0xa6: {  	_ =	swait.ge [sflag:s22], $0x4E20  }
0xa7: {  	[sflag:s22] =	ssyncset.done $0x0  }
0xa8: {  	[sflag:s22] =	ssyncadd.s32 $0xFFFFB1E0  }
0xa9: {  	[tilespmem:s21], [sflag:$0x3] =	stream.linear.gather [spmem:s11], $0x4E20, $0x38;
	[tilespmem:$0x1F5C0] =	vst v63  }
0xaa: {  	_ =	swait.ge [sflag:s22], $0x4E20  }
0xab: {  	[sflag:s22] =	ssyncset.done $0x0  }
0xac: {  	[sflag:s22] =	ssyncadd.s32 $0xFFFFB1E0  }
0xad: {  	[hbm4b:s16+s3] =	stream.linear.scatter [tilespmem:s21], [sflag:$0x3], $0x4E20, $0x38;
	[tilespmem:$0x1F5C0] =	vst v63  }
0xae: {  	_ =	swait.ge [sflag:s22], $0x4E20  }
0xaf: {  	s23 =	sadd.s32 $0x1, s23;
	s31 =	rddreg [dreg:$0x5]  }
0xb0: {  	p0 =	sne.s32 s23, s31  }
.Ltmp2:
0xb1: {  	_ = 	snop;
	(pc) =	sbr.rel @p0 .LBB2_1-.Ltmp2, $3  }
0xb2: {  	_ =	sdelay $0x1  }
0xb3: {  	[sflag:s22] =	ssyncset.done $0x0  }
0xb4: {  	[sflag:s22] =	ssyncadd.s32 $0xFFFFB1E0  }
0xb5: {  	_ =	sfence.sel $0x180000  }
0xb6: {  	[bflag:$0x0] =	sbarrier.arrive $0xFFFF  }
0xb7: {  	_ =	strace $0x90000056  }
0xb8: {  	s0 =	stileid.u32;
	[bflag:$0x2] =	sbarrier.arrive $0xFFFF  }
0xb9: {  	p0 =	sne.s32 s0, $0x0;
	s0 =	rddreg [dreg:$0x3]  }
0xba: {  	s0 =	sadd.s32 @!p0 $0x100000, s0  }
0xbb: {  	[sflag:s0] =	ssyncadd.tile.s32 @!p0 $0x1;
	_ =	shalt  }
.Lfunc_end2:
_tile_overlayer_lowered:
.L_overlay_start_2:
0xbc: {  	(tag) =	ssettag $0x2  }
0xbd: {  	s0 =	rddreg [dreg:$0x0];
	s2 =	stileid.u32  }
0xbe: {  	s1 =	rddreg [dreg:$0x1];
	p0 =	sne.s32 s2, $0x0  }
0xbf: {  	s3 =	rddreg [dreg:$0x2];
	[bflag:$0x3] =	sbarrier.arrive $0xFFFF;
	s2 =	simm.s32 @!p0 $0x1C03  }
0xc0: {  	[timem:s3], [sflag:s2] =	dma.local @!p0 [hbm:s0], s1  }
0xc1: {  	s0 =	simm.s32 @!p0 $0x3  }
0xc2: {  	_ =	swait.ge @!p0 [sflag:s0], s1  }
0xc3: {  	s1 =	ssub.s32 @!p0 $0x0, s1;
	[sflag:s0] =	ssyncset.done @!p0 $0x0  }
0xc4: {  	[sflag:s0] =	ssyncadd.s32 @!p0 s1  }
0xc5: {  	[bflag:$0x3] =	sbarrier.arrive $0xFFFF  }
0xc6: {  	_ =	shalt  }

</sc_bundles>
